<compile_context>
chip_gen: v7x
topology: tpu7x:2x2x1
jax: 0.10.2.dev20260603
libtpu: 0.0.44.dev20260713+nightly
codegen_flags: <defaults>
</compile_context>

<pallas_src>
import jax
import jax.numpy as jnp
from jax.experimental import pallas as pl
from jax.experimental.pallas import tpu as pltpu
from jax.experimental.pallas import tpu_sc as plsc

_R = 12800
_B = 4096
_BLK_R = 8
_BLK_B = 2048


def _sc_add(x2t, epat):
    mesh = plsc.VectorSubcoreMesh(core_axis_name="core", subcore_axis_name="subcore")

    @pl.kernel(
        mesh=mesh,
        out_type=jax.ShapeDtypeStruct((_R, _B), jnp.float32),
    )
    def k(x_hbm, e_hbm, o_hbm):
        def body(x_vmem, e_vmem, o_vmem):
            for r in range(_BLK_R):
                evs = [e_vmem.at[r, pl.ds(16 * kk, 16)][...] for kk in range(8)]

                @plsc.parallel_loop(0, _BLK_B, step=128, unroll=2)
                def _(g, evs=evs, r=r):
                    for kk in range(8):
                        sl = pl.ds(g + 16 * kk, 16)
                        o_vmem.at[r, sl][...] = x_vmem.at[r, sl][...] + evs[kk]

        pltpu.emit_pipeline(
            body,
            grid=(_R // _BLK_R, _B // _BLK_B),
            in_specs=[
                pl.BlockSpec((_BLK_R, _BLK_B), lambda i, j: (i, j)),
                pl.BlockSpec((_BLK_R, 128), lambda i, j: (i, 0)),
            ],
            out_specs=[pl.BlockSpec((_BLK_R, _BLK_B), lambda i, j: (i, j))],
            core_axis_name=("core", "subcore"),
            dimension_semantics=(pltpu.PARALLEL, pltpu.PARALLEL),
        )(x_hbm, e_hbm, o_hbm)

    return k(x2t, epat)


def kernel(x, embedding):
    b, s, d = x.shape
    x2t = jnp.transpose(x, (1, 2, 0)).reshape(s * d, b)
    epat = jnp.broadcast_to(embedding.reshape(s * d, 1), (s * d, 128))
    out2 = _sc_add(x2t, epat)
    return jnp.transpose(out2.reshape(s, d, b), (2, 0, 1))

# --- scband reference (transcript-rebuilt; emitter-appended) ---
"""Pipeline reference for scband-learned-positional-encoding-75788992906207 (READ-ONLY COPY).

The authoritative reference and input builder live on the scoring server;
editing this copy changes nothing except your own understanding.
"""

import jax, jax.numpy as jnp
import numpy as np

MAX_HISTORY = 200
D_MODEL = 64

def setup_inputs(seed: int = 0) -> dict:
    key = jax.random.key(seed)
    k_x, k_emb = jax.random.split(key)
    x = jax.random.normal(k_x, (4096, 200, 64), dtype=jnp.float32)
    embedding = jax.random.normal(k_emb, (MAX_HISTORY, D_MODEL), dtype=jnp.float32)
    return {"x": x, "embedding": embedding}

def reference(x, embedding):
    seq_len = x.shape[1]
    positions = jnp.arange(seq_len)
    pos_emb = jnp.take(embedding, positions, axis=0)
    return x + pos_emb[None, :, :]

if __name__ == "__main__":
    import jax
    _d = setup_inputs()
    print(jax.jit(kernel)(*tuple(_d.values())))

</pallas_src>

<mosaic_0001>
#map = affine_map<(d0, d1) -> (0, 0)>
module attributes {stable_mosaic.version = 14 : i64} {
  func.func @k(%arg0: i32, %arg1: i32, %arg2: memref<12800x4096xf32, #tpu.memory_space<hbm>>, %arg3: memref<12800x128xf32, #tpu.memory_space<hbm>>, %arg4: memref<12800x4096xf32, #tpu.memory_space<hbm>>) attributes {dimension_semantics = [#tpu.dimension_semantics<core_parallel>, #tpu.dimension_semantics<subcore_parallel>], iteration_bounds = array<i64: 2, 16>, scalar_prefetch = 0 : i64, scratch_operands = 0 : i64, tpu.core_type = #tpu.core_type<sc_vector_subcore>, window_params = [{transform_indices = #map}, {transform_indices = #map}, {transform_indices = #map}]} {
    %mul3A = arith.constant 1 : i32
    %mul3A_0 = arith.muli %arg1, %mul3A : i32
    %add3A = arith.constant 0 : i32
    %add3A_1 = arith.addi %add3A, %mul3A_0 : i32
    %mul3A_2 = arith.constant 16 : i32
    %mul3A_3 = arith.muli %arg0, %mul3A_2 : i32
    %add3A_4 = arith.addi %add3A_1, %mul3A_3 : i32
    %mul3A_5 = arith.constant 50 : i32
    %mul3A_6 = arith.muli %add3A_4, %mul3A_5 : i32
    "tpu.region"() ({
      %run_scoped3A = memref.alloca() : memref<2x8x2048xf32, #tpu.memory_space<vmem>>
      %run_scoped3A_7 = tpu.sem_alloc : memref<2x!tpu.dma_semaphore, #tpu.memory_space<semaphore_mem>>
      %run_scoped3A_8 = memref.alloca() : memref<2x8x128xf32, #tpu.memory_space<vmem>>
      %run_scoped3A_9 = tpu.sem_alloc : memref<2x!tpu.dma_semaphore, #tpu.memory_space<semaphore_mem>>
      %run_scoped3A_10 = memref.alloca() : memref<2x8x2048xf32, #tpu.memory_space<vmem>>
      %run_scoped3A_11 = tpu.sem_alloc : memref<2x!tpu.dma_semaphore, #tpu.memory_space<semaphore_mem>>
      %add3A_12 = arith.constant 0 : i32
      %add3A_13 = arith.addi %add3A_12, %mul3A_6 : i32
      %select_n3A = arith.constant true
      %select_n3A_14 = arith.constant 0 : i32
      %select_n3A_15 = arith.constant -1 : i32
      %select_n3A_16 = arith.select %select_n3A, %select_n3A_15, %select_n3A_14 : i32
      %eq3A = arith.constant -1 : i32
      %eq3A_17 = arith.cmpi eq, %select_n3A_16, %eq3A : i32
      %select_n3A_18 = arith.constant 1 : i32
      %select_n3A_19 = arith.select %eq3A_17, %select_n3A_18, %select_n3A_16 : i32
      %select_n3A_20 = arith.constant 0 : i32
      %select_n3A_21 = arith.constant -1 : i32
      %select_n3A_22 = arith.select %eq3A_17, %select_n3A_21, %select_n3A_20 : i32
      %eq3A_23 = arith.constant -1 : i32
      %eq3A_24 = arith.cmpi eq, %select_n3A_22, %eq3A_23 : i32
      %select_n3A_25 = arith.constant 49 : i32
      %select_n3A_26 = arith.select %eq3A_24, %select_n3A_25, %select_n3A_22 : i32
      %add3A_27 = arith.addi %select_n3A_26, %mul3A_6 : i32
      %add3A_28 = arith.constant 0 : i32
      %add3A_29 = arith.addi %select_n3A_19, %add3A_28 : i32
      %select_n3A_30 = arith.constant true
      %select_n3A_31 = arith.constant 0 : i32
      %select_n3A_32 = arith.constant 1 : i32
      %select_n3A_33 = arith.select %select_n3A_30, %select_n3A_32, %select_n3A_31 : i32
      %eq3A_34 = arith.constant 2 : i32
      %eq3A_35 = arith.cmpi eq, %select_n3A_33, %eq3A_34 : i32
      %select_n3A_36 = arith.constant 0 : i32
      %select_n3A_37 = arith.select %eq3A_35, %select_n3A_36, %select_n3A_33 : i32
      %select_n3A_38 = arith.constant 0 : i32
      %select_n3A_39 = arith.constant 1 : i32
      %select_n3A_40 = arith.select %eq3A_35, %select_n3A_39, %select_n3A_38 : i32
      %eq3A_41 = arith.constant 50 : i32
      %eq3A_42 = arith.cmpi eq, %select_n3A_40, %eq3A_41 : i32
      %select_n3A_43 = arith.constant 0 : i32
      %select_n3A_44 = arith.select %eq3A_42, %select_n3A_43, %select_n3A_40 : i32
      %add3A_45 = arith.addi %select_n3A_44, %mul3A_6 : i32
      %add3A_46 = arith.constant 0 : i32
      %add3A_47 = arith.addi %select_n3A_37, %add3A_46 : i32
      %add3A_48 = arith.constant 1 : i32
      %add3A_49 = arith.addi %select_n3A_37, %add3A_48 : i32
      %select_n3A_50 = arith.constant true
      %select_n3A_51 = arith.select %select_n3A_50, %add3A_49, %select_n3A_37 : i32
      %eq3A_52 = arith.constant 2 : i32
      %eq3A_53 = arith.cmpi eq, %select_n3A_51, %eq3A_52 : i32
      %select_n3A_54 = arith.constant 0 : i32
      %select_n3A_55 = arith.select %eq3A_53, %select_n3A_54, %select_n3A_51 : i32
      %add3A_56 = arith.constant 1 : i32
      %add3A_57 = arith.addi %select_n3A_44, %add3A_56 : i32
      %select_n3A_58 = arith.select %eq3A_53, %add3A_57, %select_n3A_44 : i32
      %eq3A_59 = arith.constant 50 : i32
      %eq3A_60 = arith.cmpi eq, %select_n3A_58, %eq3A_59 : i32
      %select_n3A_61 = arith.constant 0 : i32
      %select_n3A_62 = arith.select %eq3A_60, %select_n3A_61, %select_n3A_58 : i32
      %add3A_63 = arith.addi %select_n3A_62, %mul3A_6 : i32
      %add3A_64 = arith.constant 0 : i32
      %add3A_65 = arith.addi %select_n3A_55, %add3A_64 : i32
      "tpu.trace_start"() <{level = 10 : i32, message = "ep_initialize_0"}> : () -> ()
      %rem3A = arith.constant 0 : i32
      %rem3A_66 = arith.constant 2 : i32
      %rem3A_67 = arith.remui %rem3A, %rem3A_66 : i32
      %mul3A_68 = arith.constant 8 : i32
      %mul3A_69 = arith.muli %mul3A_68, %add3A_13 : i32
      %dma_start3A = arith.constant 0 : i32
      %dma_start3A_70 = arith.constant 0 : i32
      %dma_start3A_71 = tpu.memref_slice %run_scoped3A[%rem3A_67, %dma_start3A, %dma_start3A_70] : memref<2x8x2048xf32, #tpu.memory_space<vmem>> -> memref<1x8x2048xf32, #tpu.memory_space<vmem>>
      %dma_start3A_72 = tpu.memref_squeeze %dma_start3A_71 : memref<1x8x2048xf32, #tpu.memory_space<vmem>> -> memref<8x2048xf32, #tpu.memory_space<vmem>>
      %dma_start3A_73 = arith.constant 0 : i32
      %dma_start3A_74 = tpu.memref_slice %arg2[%mul3A_69, %dma_start3A_73] : memref<12800x4096xf32, #tpu.memory_space<hbm>> -> memref<8x2048xf32, #tpu.memory_space<hbm>>
      %dma_start3A_75 = tpu.memref_slice %run_scoped3A_7[%rem3A_67] : memref<2x!tpu.dma_semaphore, #tpu.memory_space<semaphore_mem>> -> memref<1x!tpu.dma_semaphore, #tpu.memory_space<semaphore_mem>>
      %dma_start3A_76 = tpu.memref_squeeze %dma_start3A_75 : memref<1x!tpu.dma_semaphore, #tpu.memory_space<semaphore_mem>> -> memref<!tpu.dma_semaphore, #tpu.memory_space<semaphore_mem>>
      %dma_start3A_77 = arith.constant 0 : i32
      %dma_start3A_78 = arith.constant 0 : i32
      %dma_start3A_79 = tpu.memref_slice %run_scoped3A[%rem3A_67, %dma_start3A_77, %dma_start3A_78] : memref<2x8x2048xf32, #tpu.memory_space<vmem>> -> memref<1x8x2048xf32, #tpu.memory_space<vmem>>
      %dma_start3A_80 = tpu.memref_squeeze %dma_start3A_79 : memref<1x8x2048xf32, #tpu.memory_space<vmem>> -> memref<8x2048xf32, #tpu.memory_space<vmem>>
      %dma_start3A_81 = arith.constant 0 : i32
      %dma_start3A_82 = tpu.memref_slice %arg2[%mul3A_69, %dma_start3A_81] : memref<12800x4096xf32, #tpu.memory_space<hbm>> -> memref<8x2048xf32, #tpu.memory_space<hbm>>
      tpu.enqueue_dma source(%dma_start3A_82 : memref<8x2048xf32, #tpu.memory_space<hbm>>) target(%dma_start3A_80 : memref<8x2048xf32, #tpu.memory_space<vmem>>) target_semaphore(%dma_start3A_76 : memref<!tpu.dma_semaphore, #tpu.memory_space<semaphore_mem>>)
      %add3A_83 = arith.constant 0 : i32
      %add3A_84 = arith.constant 1 : i32
      %add3A_85 = arith.addi %add3A_83, %add3A_84 : i32
      %select_n3A_86 = arith.constant true
      %select_n3A_87 = arith.constant 0 : i32
      %select_n3A_88 = arith.select %select_n3A_86, %add3A_85, %select_n3A_87 : i32
      %rem3A_89 = arith.constant 0 : i32
      %rem3A_90 = arith.constant 2 : i32
      %rem3A_91 = arith.remui %rem3A_89, %rem3A_90 : i32
      %mul3A_92 = arith.constant 8 : i32
      %mul3A_93 = arith.muli %mul3A_92, %add3A_13 : i32
      %dma_start3A_94 = arith.constant 0 : i32
      %dma_start3A_95 = arith.constant 0 : i32
      %dma_start3A_96 = tpu.memref_slice %run_scoped3A_8[%rem3A_91, %dma_start3A_94, %dma_start3A_95] : memref<2x8x128xf32, #tpu.memory_space<vmem>> -> memref<1x8x128xf32, #tpu.memory_space<vmem>>
      %dma_start3A_97 = tpu.memref_squeeze %dma_start3A_96 : memref<1x8x128xf32, #tpu.memory_space<vmem>> -> memref<8x128xf32, #tpu.memory_space<vmem>>
      %dma_start3A_98 = arith.constant 0 : i32
      %dma_start3A_99 = tpu.memref_slice %arg3[%mul3A_93, %dma_start3A_98] : memref<12800x128xf32, #tpu.memory_space<hbm>> -> memref<8x128xf32, #tpu.memory_space<hbm>>
      %dma_start3A_100 = tpu.memref_slice %run_scoped3A_9[%rem3A_91] : memref<2x!tpu.dma_semaphore, #tpu.memory_space<semaphore_mem>> -> memref<1x!tpu.dma_semaphore, #tpu.memory_space<semaphore_mem>>
      %dma_start3A_101 = tpu.memref_squeeze %dma_start3A_100 : memref<1x!tpu.dma_semaphore, #tpu.memory_space<semaphore_mem>> -> memref<!tpu.dma_semaphore, #tpu.memory_space<semaphore_mem>>
      %dma_start3A_102 = arith.constant 0 : i32
      %dma_start3A_103 = arith.constant 0 : i32
      %dma_start3A_104 = tpu.memref_slice %run_scoped3A_8[%rem3A_91, %dma_start3A_102, %dma_start3A_103] : memref<2x8x128xf32, #tpu.memory_space<vmem>> -> memref<1x8x128xf32, #tpu.memory_space<vmem>>
      %dma_start3A_105 = tpu.memref_squeeze %dma_start3A_104 : memref<1x8x128xf32, #tpu.memory_space<vmem>> -> memref<8x128xf32, #tpu.memory_space<vmem>>
      %dma_start3A_106 = arith.constant 0 : i32
      %dma_start3A_107 = tpu.memref_slice %arg3[%mul3A_93, %dma_start3A_106] : memref<12800x128xf32, #tpu.memory_space<hbm>> -> memref<8x128xf32, #tpu.memory_space<hbm>>
      tpu.enqueue_dma source(%dma_start3A_107 : memref<8x128xf32, #tpu.memory_space<hbm>>) target(%dma_start3A_105 : memref<8x128xf32, #tpu.memory_space<vmem>>) target_semaphore(%dma_start3A_101 : memref<!tpu.dma_semaphore, #tpu.memory_space<semaphore_mem>>)
      %add3A_108 = arith.constant 0 : i32
      %add3A_109 = arith.constant 1 : i32
      %add3A_110 = arith.addi %add3A_108, %add3A_109 : i32
      %select_n3A_111 = arith.constant true
      %select_n3A_112 = arith.constant 0 : i32
      %select_n3A_113 = arith.select %select_n3A_111, %add3A_110, %select_n3A_112 : i32
      "tpu.trace_stop"() : () -> ()
      %scan3A = arith.constant 0 : i32
      %scan3A_114 = arith.constant 0 : i32
      %scan3A_115 = arith.constant 0 : i32
      %scan3A_116 = arith.constant 0 : i32
      %scan3A_117 = arith.constant 0 : i32
      %scan3A_118 = arith.constant 0 : i32
      %scan3A_119 = arith.constant 0 : i32
      %scan3A_120 = arith.constant 100 : i32
      %scan3A_121 = arith.addi %scan3A_119, %scan3A_120 : i32
      %scan3A_122 = arith.constant 1 : i32
      %scan3A_123:8 = scf.for %scan3A_213 = %scan3A_119 to %scan3A_121 step %scan3A_122 iter_args(%scan3A_214 = %select_n3A_88, %scan3A_215 = %scan3A, %scan3A_216 = %select_n3A_113, %scan3A_217 = %scan3A_114, %scan3A_218 = %scan3A_115, %scan3A_219 = %scan3A_116, %scan3A_220 = %scan3A_117, %scan3A_221 = %scan3A_118) -> (i32, i32, i32, i32, i32, i32, i32, i32)  : i32 {
        %eq3A_222 = arith.constant 0 : i32
        %eq3A_223 = arith.cmpi eq, %scan3A_213, %eq3A_222 : i32
        %eq3A_224 = arith.constant 99 : i32
        %eq3A_225 = arith.cmpi eq, %scan3A_213, %eq3A_224 : i32
        %add3A_226 = arith.addi %scan3A_220, %mul3A_6 : i32
        %add3A_227 = arith.constant 0 : i32
        %add3A_228 = arith.addi %scan3A_221, %add3A_227 : i32
        %sub3A_229 = arith.constant 1 : i32
        %sub3A_230 = arith.subi %scan3A_221, %sub3A_229 : i32
        %select_n3A_231 = arith.constant true
        %select_n3A_232 = arith.select %select_n3A_231, %sub3A_230, %scan3A_221 : i32
        %eq3A_233 = arith.constant -1 : i32
        %eq3A_234 = arith.cmpi eq, %select_n3A_232, %eq3A_233 : i32
        %select_n3A_235 = arith.constant 1 : i32
        %select_n3A_236 = arith.select %eq3A_234, %select_n3A_235, %select_n3A_232 : i32
        %sub3A_237 = arith.constant 1 : i32
        %sub3A_238 = arith.subi %scan3A_220, %sub3A_237 : i32
        %select_n3A_239 = arith.select %eq3A_234, %sub3A_238, %scan3A_220 : i32
        %eq3A_240 = arith.constant -1 : i32
        %eq3A_241 = arith.cmpi eq, %select_n3A_239, %eq3A_240 : i32
        %select_n3A_242 = arith.constant 49 : i32
        %select_n3A_243 = arith.select %eq3A_241, %select_n3A_242, %select_n3A_239 : i32
        %add3A_244 = arith.addi %select_n3A_243, %mul3A_6 : i32
        %add3A_245 = arith.constant 0 : i32
        %add3A_246 = arith.addi %select_n3A_236, %add3A_245 : i32
        %add3A_247 = arith.constant 1 : i32
        %add3A_248 = arith.addi %scan3A_221, %add3A_247 : i32
        %select_n3A_249 = arith.constant true
        %select_n3A_250 = arith.select %select_n3A_249, %add3A_248, %scan3A_221 : i32
        %eq3A_251 = arith.constant 2 : i32
        %eq3A_252 = arith.cmpi eq, %select_n3A_250, %eq3A_251 : i32
        %select_n3A_253 = arith.constant 0 : i32
        %select_n3A_254 = arith.select %eq3A_252, %select_n3A_253, %select_n3A_250 : i32
        %add3A_255 = arith.constant 1 : i32
        %add3A_256 = arith.addi %scan3A_220, %add3A_255 : i32
        %select_n3A_257 = arith.select %eq3A_252, %add3A_256, %scan3A_220 : i32
        %eq3A_258 = arith.constant 50 : i32
        %eq3A_259 = arith.cmpi eq, %select_n3A_257, %eq3A_258 : i32
        %select_n3A_260 = arith.constant 0 : i32
        %select_n3A_261 = arith.select %eq3A_259, %select_n3A_260, %select_n3A_257 : i32
        %add3A_262 = arith.addi %select_n3A_261, %mul3A_6 : i32
        %add3A_263 = arith.constant 0 : i32
        %add3A_264 = arith.addi %select_n3A_254, %add3A_263 : i32
        %add3A_265 = arith.constant 1 : i32
        %add3A_266 = arith.addi %select_n3A_254, %add3A_265 : i32
        %select_n3A_267 = arith.constant true
        %select_n3A_268 = arith.select %select_n3A_267, %add3A_266, %select_n3A_254 : i32
        %eq3A_269 = arith.constant 2 : i32
        %eq3A_270 = arith.cmpi eq, %select_n3A_268, %eq3A_269 : i32
        %select_n3A_271 = arith.constant 0 : i32
        %select_n3A_272 = arith.select %eq3A_270, %select_n3A_271, %select_n3A_268 : i32
        %add3A_273 = arith.constant 1 : i32
        %add3A_274 = arith.addi %select_n3A_261, %add3A_273 : i32
        %select_n3A_275 = arith.select %eq3A_270, %add3A_274, %select_n3A_261 : i32
        %eq3A_276 = arith.constant 50 : i32
        %eq3A_277 = arith.cmpi eq, %select_n3A_275, %eq3A_276 : i32
        %select_n3A_278 = arith.constant 0 : i32
        %select_n3A_279 = arith.select %eq3A_277, %select_n3A_278, %select_n3A_275 : i32
        %add3A_280 = arith.addi %select_n3A_279, %mul3A_6 : i32
        %add3A_281 = arith.constant 0 : i32
        %add3A_282 = arith.addi %select_n3A_272, %add3A_281 : i32
        %ne3A = arith.cmpi ne, %add3A_226, %add3A_262 : i32
        %ne3A_283 = arith.cmpi ne, %add3A_228, %add3A_264 : i32
        %or3A = arith.constant false
        %or3A_284 = arith.ori %or3A, %ne3A : i1
        %or3A_285 = arith.ori %or3A_284, %ne3A_283 : i1
        %ge3A = arith.constant 99 : i32
        %ge3A_286 = arith.cmpi sge, %scan3A_213, %ge3A : i32
        %not3A = arith.constant true
        %not3A_287 = arith.xori %ge3A_286, %not3A : i1
        %and3A = arith.andi %or3A_285, %not3A_287 : i1
        %convert_element_type3A = arith.extui %and3A : i1 to i32
        %cond3A = arith.constant 0 : i32
        %cond3A_288 = arith.cmpi ne, %convert_element_type3A, %cond3A : i32
        scf.if %cond3A_288 {
          "tpu.trace_start"() <{level = 10 : i32, message = "ep_copy_in"}> : () -> ()
          %rem3A_1064 = arith.constant 2 : i32
          %rem3A_1065 = arith.remui %scan3A_214, %rem3A_1064 : i32
          %mul3A_1066 = arith.constant 8 : i32
          %mul3A_1067 = arith.muli %mul3A_1066, %add3A_262 : i32
          %mul3A_1068 = arith.constant 2048 : i32
          %mul3A_1069 = arith.muli %mul3A_1068, %add3A_264 : i32
          %dma_start3A_1070 = arith.constant 0 : i32
          %dma_start3A_1071 = arith.constant 0 : i32
          %dma_start3A_1072 = tpu.memref_slice %run_scoped3A[%rem3A_1065, %dma_start3A_1070, %dma_start3A_1071] : memref<2x8x2048xf32, #tpu.memory_space<vmem>> -> memref<1x8x2048xf32, #tpu.memory_space<vmem>>
          %dma_start3A_1073 = tpu.memref_squeeze %dma_start3A_1072 : memref<1x8x2048xf32, #tpu.memory_space<vmem>> -> memref<8x2048xf32, #tpu.memory_space<vmem>>
          %dma_start3A_1074 = tpu.memref_slice %arg2[%mul3A_1067, %mul3A_1069] : memref<12800x4096xf32, #tpu.memory_space<hbm>> -> memref<8x2048xf32, #tpu.memory_space<hbm>>
          %dma_start3A_1075 = tpu.memref_slice %run_scoped3A_7[%rem3A_1065] : memref<2x!tpu.dma_semaphore, #tpu.memory_space<semaphore_mem>> -> memref<1x!tpu.dma_semaphore, #tpu.memory_space<semaphore_mem>>
          %dma_start3A_1076 = tpu.memref_squeeze %dma_start3A_1075 : memref<1x!tpu.dma_semaphore, #tpu.memory_space<semaphore_mem>> -> memref<!tpu.dma_semaphore, #tpu.memory_space<semaphore_mem>>
          %dma_start3A_1077 = arith.constant 0 : i32
          %dma_start3A_1078 = arith.constant 0 : i32
          %dma_start3A_1079 = tpu.memref_slice %run_scoped3A[%rem3A_1065, %dma_start3A_1077, %dma_start3A_1078] : memref<2x8x2048xf32, #tpu.memory_space<vmem>> -> memref<1x8x2048xf32, #tpu.memory_space<vmem>>
          %dma_start3A_1080 = tpu.memref_squeeze %dma_start3A_1079 : memref<1x8x2048xf32, #tpu.memory_space<vmem>> -> memref<8x2048xf32, #tpu.memory_space<vmem>>
          %dma_start3A_1081 = tpu.memref_slice %arg2[%mul3A_1067, %mul3A_1069] : memref<12800x4096xf32, #tpu.memory_space<hbm>> -> memref<8x2048xf32, #tpu.memory_space<hbm>>
          tpu.enqueue_dma source(%dma_start3A_1081 : memref<8x2048xf32, #tpu.memory_space<hbm>>) target(%dma_start3A_1080 : memref<8x2048xf32, #tpu.memory_space<vmem>>) target_semaphore(%dma_start3A_1076 : memref<!tpu.dma_semaphore, #tpu.memory_space<semaphore_mem>>)
          "tpu.trace_stop"() : () -> ()
        } else {
        }
        %and3A_289 = arith.constant true
        %and3A_290 = arith.andi %and3A, %and3A_289 : i1
        %add3A_291 = arith.constant 1 : i32
        %add3A_292 = arith.addi %scan3A_214, %add3A_291 : i32
        %select_n3A_293 = arith.select %and3A_290, %add3A_292, %scan3A_214 : i32
        %ne3A_294 = arith.cmpi ne, %add3A_226, %add3A_262 : i32
        %or3A_295 = arith.constant false
        %or3A_296 = arith.ori %or3A_295, %ne3A_294 : i1
        %or3A_297 = arith.constant false
        %or3A_298 = arith.ori %or3A_296, %or3A_297 : i1
        %ge3A_299 = arith.constant 99 : i32
        %ge3A_300 = arith.cmpi sge, %scan3A_213, %ge3A_299 : i32
        %not3A_301 = arith.constant true
        %not3A_302 = arith.xori %ge3A_300, %not3A_301 : i1
        %and3A_303 = arith.andi %or3A_298, %not3A_302 : i1
        %convert_element_type3A_304 = arith.extui %and3A_303 : i1 to i32
        %cond3A_305 = arith.constant 0 : i32
        %cond3A_306 = arith.cmpi ne, %convert_element_type3A_304, %cond3A_305 : i32
        scf.if %cond3A_306 {
          "tpu.trace_start"() <{level = 10 : i32, message = "ep_copy_in"}> : () -> ()
          %rem3A_1064 = arith.constant 2 : i32
          %rem3A_1065 = arith.remui %scan3A_216, %rem3A_1064 : i32
          %mul3A_1066 = arith.constant 8 : i32
          %mul3A_1067 = arith.muli %mul3A_1066, %add3A_262 : i32
          %dma_start3A_1068 = arith.constant 0 : i32
          %dma_start3A_1069 = arith.constant 0 : i32
          %dma_start3A_1070 = tpu.memref_slice %run_scoped3A_8[%rem3A_1065, %dma_start3A_1068, %dma_start3A_1069] : memref<2x8x128xf32, #tpu.memory_space<vmem>> -> memref<1x8x128xf32, #tpu.memory_space<vmem>>
          %dma_start3A_1071 = tpu.memref_squeeze %dma_start3A_1070 : memref<1x8x128xf32, #tpu.memory_space<vmem>> -> memref<8x128xf32, #tpu.memory_space<vmem>>
          %dma_start3A_1072 = arith.constant 0 : i32
          %dma_start3A_1073 = tpu.memref_slice %arg3[%mul3A_1067, %dma_start3A_1072] : memref<12800x128xf32, #tpu.memory_space<hbm>> -> memref<8x128xf32, #tpu.memory_space<hbm>>
          %dma_start3A_1074 = tpu.memref_slice %run_scoped3A_9[%rem3A_1065] : memref<2x!tpu.dma_semaphore, #tpu.memory_space<semaphore_mem>> -> memref<1x!tpu.dma_semaphore, #tpu.memory_space<semaphore_mem>>
          %dma_start3A_1075 = tpu.memref_squeeze %dma_start3A_1074 : memref<1x!tpu.dma_semaphore, #tpu.memory_space<semaphore_mem>> -> memref<!tpu.dma_semaphore, #tpu.memory_space<semaphore_mem>>
          %dma_start3A_1076 = arith.constant 0 : i32
          %dma_start3A_1077 = arith.constant 0 : i32
          %dma_start3A_1078 = tpu.memref_slice %run_scoped3A_8[%rem3A_1065, %dma_start3A_1076, %dma_start3A_1077] : memref<2x8x128xf32, #tpu.memory_space<vmem>> -> memref<1x8x128xf32, #tpu.memory_space<vmem>>
          %dma_start3A_1079 = tpu.memref_squeeze %dma_start3A_1078 : memref<1x8x128xf32, #tpu.memory_space<vmem>> -> memref<8x128xf32, #tpu.memory_space<vmem>>
          %dma_start3A_1080 = arith.constant 0 : i32
          %dma_start3A_1081 = tpu.memref_slice %arg3[%mul3A_1067, %dma_start3A_1080] : memref<12800x128xf32, #tpu.memory_space<hbm>> -> memref<8x128xf32, #tpu.memory_space<hbm>>
          tpu.enqueue_dma source(%dma_start3A_1081 : memref<8x128xf32, #tpu.memory_space<hbm>>) target(%dma_start3A_1079 : memref<8x128xf32, #tpu.memory_space<vmem>>) target_semaphore(%dma_start3A_1075 : memref<!tpu.dma_semaphore, #tpu.memory_space<semaphore_mem>>)
          "tpu.trace_stop"() : () -> ()
        } else {
        }
        %and3A_307 = arith.constant true
        %and3A_308 = arith.andi %and3A_303, %and3A_307 : i1
        %add3A_309 = arith.constant 1 : i32
        %add3A_310 = arith.addi %scan3A_216, %add3A_309 : i32
        %select_n3A_311 = arith.select %and3A_308, %add3A_310, %scan3A_216 : i32
        %ne3A_312 = arith.cmpi ne, %add3A_226, %add3A_262 : i32
        %ne3A_313 = arith.cmpi ne, %add3A_228, %add3A_264 : i32
        %or3A_314 = arith.constant false
        %or3A_315 = arith.ori %or3A_314, %ne3A_312 : i1
        %or3A_316 = arith.ori %or3A_315, %ne3A_313 : i1
        %ge3A_317 = arith.constant 99 : i32
        %ge3A_318 = arith.cmpi sge, %scan3A_213, %ge3A_317 : i32
        %not3A_319 = arith.constant true
        %not3A_320 = arith.xori %ge3A_318, %not3A_319 : i1
        %and3A_321 = arith.andi %or3A_316, %not3A_320 : i1
        %ne3A_322 = arith.cmpi ne, %add3A_226, %add3A_244 : i32
        %ne3A_323 = arith.cmpi ne, %add3A_228, %add3A_246 : i32
        %or3A_324 = arith.constant false
        %or3A_325 = arith.ori %or3A_324, %ne3A_322 : i1
        %or3A_326 = arith.ori %or3A_325, %ne3A_323 : i1
        %or3A_327 = arith.ori %or3A_326, %eq3A_223 : i1
        %convert_element_type3A_328 = arith.extui %or3A_327 : i1 to i32
        %cond3A_329 = arith.constant 0 : i32
        %cond3A_330 = arith.cmpi ne, %convert_element_type3A_328, %cond3A_329 : i32
        scf.if %cond3A_330 {
          "tpu.trace_start"() <{level = 10 : i32, message = "ep_wait_in"}> : () -> ()
          %mul3A_1064 = arith.constant 8 : i32
          %mul3A_1065 = arith.muli %mul3A_1064, %add3A_226 : i32
          %mul3A_1066 = arith.constant 2048 : i32
          %mul3A_1067 = arith.muli %mul3A_1066, %add3A_228 : i32
          %rem3A_1068 = arith.constant 2 : i32
          %rem3A_1069 = arith.remui %scan3A_215, %rem3A_1068 : i32
          %dma_wait3A_1070 = arith.constant 0 : i32
          %dma_wait3A_1071 = arith.constant 0 : i32
          %dma_wait3A_1072 = tpu.memref_slice %run_scoped3A[%rem3A_1069, %dma_wait3A_1070, %dma_wait3A_1071] : memref<2x8x2048xf32, #tpu.memory_space<vmem>> -> memref<1x8x2048xf32, #tpu.memory_space<vmem>>
          %dma_wait3A_1073 = tpu.memref_squeeze %dma_wait3A_1072 : memref<1x8x2048xf32, #tpu.memory_space<vmem>> -> memref<8x2048xf32, #tpu.memory_space<vmem>>
          %dma_wait3A_1074 = tpu.memref_slice %arg2[%mul3A_1065, %mul3A_1067] : memref<12800x4096xf32, #tpu.memory_space<hbm>> -> memref<8x2048xf32, #tpu.memory_space<hbm>>
          %dma_wait3A_1075 = tpu.memref_slice %run_scoped3A_7[%rem3A_1069] : memref<2x!tpu.dma_semaphore, #tpu.memory_space<semaphore_mem>> -> memref<1x!tpu.dma_semaphore, #tpu.memory_space<semaphore_mem>>
          %dma_wait3A_1076 = tpu.memref_squeeze %dma_wait3A_1075 : memref<1x!tpu.dma_semaphore, #tpu.memory_space<semaphore_mem>> -> memref<!tpu.dma_semaphore, #tpu.memory_space<semaphore_mem>>
          %dma_wait3A_1077 = arith.constant 0 : i32
          %dma_wait3A_1078 = arith.constant 0 : i32
          %dma_wait3A_1079 = tpu.memref_slice %run_scoped3A[%rem3A_1069, %dma_wait3A_1077, %dma_wait3A_1078] : memref<2x8x2048xf32, #tpu.memory_space<vmem>> -> memref<1x8x2048xf32, #tpu.memory_space<vmem>>
          %dma_wait3A_1080 = tpu.memref_squeeze %dma_wait3A_1079 : memref<1x8x2048xf32, #tpu.memory_space<vmem>> -> memref<8x2048xf32, #tpu.memory_space<vmem>>
          %dma_wait3A_1081 = tpu.memref_slice %arg2[%mul3A_1065, %mul3A_1067] : memref<12800x4096xf32, #tpu.memory_space<hbm>> -> memref<8x2048xf32, #tpu.memory_space<hbm>>
          tpu.wait_dma2 semaphore(%dma_wait3A_1076 : memref<!tpu.dma_semaphore, #tpu.memory_space<semaphore_mem>>) src(%dma_wait3A_1081 : memref<8x2048xf32, #tpu.memory_space<hbm>>) dst(%dma_wait3A_1080 : memref<8x2048xf32, #tpu.memory_space<vmem>>)
          "tpu.trace_stop"() : () -> ()
        } else {
        }
        %ne3A_331 = arith.cmpi ne, %add3A_226, %add3A_244 : i32
        %or3A_332 = arith.constant false
        %or3A_333 = arith.ori %or3A_332, %ne3A_331 : i1
        %or3A_334 = arith.constant false
        %or3A_335 = arith.ori %or3A_333, %or3A_334 : i1
        %or3A_336 = arith.ori %or3A_335, %eq3A_223 : i1
        %convert_element_type3A_337 = arith.extui %or3A_336 : i1 to i32
        %cond3A_338 = arith.constant 0 : i32
        %cond3A_339 = arith.cmpi ne, %convert_element_type3A_337, %cond3A_338 : i32
        scf.if %cond3A_339 {
          "tpu.trace_start"() <{level = 10 : i32, message = "ep_wait_in"}> : () -> ()
          %mul3A_1064 = arith.constant 8 : i32
          %mul3A_1065 = arith.muli %mul3A_1064, %add3A_226 : i32
          %rem3A_1066 = arith.constant 2 : i32
          %rem3A_1067 = arith.remui %scan3A_217, %rem3A_1066 : i32
          %dma_wait3A_1068 = arith.constant 0 : i32
          %dma_wait3A_1069 = arith.constant 0 : i32
          %dma_wait3A_1070 = tpu.memref_slice %run_scoped3A_8[%rem3A_1067, %dma_wait3A_1068, %dma_wait3A_1069] : memref<2x8x128xf32, #tpu.memory_space<vmem>> -> memref<1x8x128xf32, #tpu.memory_space<vmem>>
          %dma_wait3A_1071 = tpu.memref_squeeze %dma_wait3A_1070 : memref<1x8x128xf32, #tpu.memory_space<vmem>> -> memref<8x128xf32, #tpu.memory_space<vmem>>
          %dma_wait3A_1072 = arith.constant 0 : i32
          %dma_wait3A_1073 = tpu.memref_slice %arg3[%mul3A_1065, %dma_wait3A_1072] : memref<12800x128xf32, #tpu.memory_space<hbm>> -> memref<8x128xf32, #tpu.memory_space<hbm>>
          %dma_wait3A_1074 = tpu.memref_slice %run_scoped3A_9[%rem3A_1067] : memref<2x!tpu.dma_semaphore, #tpu.memory_space<semaphore_mem>> -> memref<1x!tpu.dma_semaphore, #tpu.memory_space<semaphore_mem>>
          %dma_wait3A_1075 = tpu.memref_squeeze %dma_wait3A_1074 : memref<1x!tpu.dma_semaphore, #tpu.memory_space<semaphore_mem>> -> memref<!tpu.dma_semaphore, #tpu.memory_space<semaphore_mem>>
          %dma_wait3A_1076 = arith.constant 0 : i32
          %dma_wait3A_1077 = arith.constant 0 : i32
          %dma_wait3A_1078 = tpu.memref_slice %run_scoped3A_8[%rem3A_1067, %dma_wait3A_1076, %dma_wait3A_1077] : memref<2x8x128xf32, #tpu.memory_space<vmem>> -> memref<1x8x128xf32, #tpu.memory_space<vmem>>
          %dma_wait3A_1079 = tpu.memref_squeeze %dma_wait3A_1078 : memref<1x8x128xf32, #tpu.memory_space<vmem>> -> memref<8x128xf32, #tpu.memory_space<vmem>>
          %dma_wait3A_1080 = arith.constant 0 : i32
          %dma_wait3A_1081 = tpu.memref_slice %arg3[%mul3A_1065, %dma_wait3A_1080] : memref<12800x128xf32, #tpu.memory_space<hbm>> -> memref<8x128xf32, #tpu.memory_space<hbm>>
          tpu.wait_dma2 semaphore(%dma_wait3A_1075 : memref<!tpu.dma_semaphore, #tpu.memory_space<semaphore_mem>>) src(%dma_wait3A_1081 : memref<8x128xf32, #tpu.memory_space<hbm>>) dst(%dma_wait3A_1079 : memref<8x128xf32, #tpu.memory_space<vmem>>)
          "tpu.trace_stop"() : () -> ()
        } else {
        }
        %ne3A_340 = arith.cmpi ne, %add3A_226, %add3A_244 : i32
        %ne3A_341 = arith.cmpi ne, %add3A_228, %add3A_246 : i32
        %or3A_342 = arith.constant false
        %or3A_343 = arith.ori %or3A_342, %ne3A_340 : i1
        %or3A_344 = arith.ori %or3A_343, %ne3A_341 : i1
        %or3A_345 = arith.ori %or3A_344, %eq3A_223 : i1
        %convert_element_type3A_346 = arith.extui %or3A_345 : i1 to i32
        %cond3A_347 = arith.constant 0 : i32
        %cond3A_348 = arith.cmpi ne, %convert_element_type3A_346, %cond3A_347 : i32
        scf.if %cond3A_348 {
        } else {
        }
        %rem3A_349 = arith.constant 2 : i32
        %rem3A_350 = arith.remui %scan3A_215, %rem3A_349 : i32
        %rem3A_351 = arith.constant 2 : i32
        %rem3A_352 = arith.remui %scan3A_217, %rem3A_351 : i32
        %rem3A_353 = arith.constant 2 : i32
        %rem3A_354 = arith.remui %scan3A_218, %rem3A_353 : i32
        %get3A = arith.constant 0 : i32
        "tpu.trace_start"() <{level = 10 : i32, message = "ep_run_kernel"}> : () -> ()
        %get3A_355 = arith.constant 0 : i32
        %get3A_356 = arith.constant 0 : i32
        %get3A_357 = tpu.memref_slice %run_scoped3A_8[%rem3A_352, %get3A_355, %get3A_356] : memref<2x8x128xf32, #tpu.memory_space<vmem>> -> memref<1x8x128xf32, #tpu.memory_space<vmem>>
        %get3A_358 = tpu.memref_squeeze %get3A_357 : memref<1x8x128xf32, #tpu.memory_space<vmem>> -> memref<8x128xf32, #tpu.memory_space<vmem>>
        %get3A_359 = arith.index_cast %get3A : i32 to index
        %get3A_360 = arith.constant 0 : index
        %get3A_361 = tpu.vector_load %get3A_358[%get3A_359, %get3A_360] {strides = array<i32>} : memref<8x128xf32, #tpu.memory_space<vmem>>, vector<1x16xf32>,
        %get3A_362 = vector.shape_cast %get3A_361 : vector<1x16xf32> to vector<16xf32>
        %get3A_363 = arith.constant 0 : i32
        %get3A_364 = arith.constant 0 : i32
        %get3A_365 = arith.constant 0 : i32
        %get3A_366 = tpu.memref_slice %run_scoped3A_8[%rem3A_352, %get3A_364, %get3A_365] : memref<2x8x128xf32, #tpu.memory_space<vmem>> -> memref<1x8x128xf32, #tpu.memory_space<vmem>>
        %get3A_367 = tpu.memref_squeeze %get3A_366 : memref<1x8x128xf32, #tpu.memory_space<vmem>> -> memref<8x128xf32, #tpu.memory_space<vmem>>
        %get3A_368 = arith.index_cast %get3A_363 : i32 to index
        %get3A_369 = arith.constant 16 : index
        %get3A_370 = tpu.vector_load %get3A_367[%get3A_368, %get3A_369] {strides = array<i32>} : memref<8x128xf32, #tpu.memory_space<vmem>>, vector<1x16xf32>,
        %get3A_371 = vector.shape_cast %get3A_370 : vector<1x16xf32> to vector<16xf32>
        %get3A_372 = arith.constant 0 : i32
        %get3A_373 = arith.constant 0 : i32
        %get3A_374 = arith.constant 0 : i32
        %get3A_375 = tpu.memref_slice %run_scoped3A_8[%rem3A_352, %get3A_373, %get3A_374] : memref<2x8x128xf32, #tpu.memory_space<vmem>> -> memref<1x8x128xf32, #tpu.memory_space<vmem>>
        %get3A_376 = tpu.memref_squeeze %get3A_375 : memref<1x8x128xf32, #tpu.memory_space<vmem>> -> memref<8x128xf32, #tpu.memory_space<vmem>>
        %get3A_377 = arith.index_cast %get3A_372 : i32 to index
        %get3A_378 = arith.constant 32 : index
        %get3A_379 = tpu.vector_load %get3A_376[%get3A_377, %get3A_378] {strides = array<i32>} : memref<8x128xf32, #tpu.memory_space<vmem>>, vector<1x16xf32>,
        %get3A_380 = vector.shape_cast %get3A_379 : vector<1x16xf32> to vector<16xf32>
        %get3A_381 = arith.constant 0 : i32
        %get3A_382 = arith.constant 0 : i32
        %get3A_383 = arith.constant 0 : i32
        %get3A_384 = tpu.memref_slice %run_scoped3A_8[%rem3A_352, %get3A_382, %get3A_383] : memref<2x8x128xf32, #tpu.memory_space<vmem>> -> memref<1x8x128xf32, #tpu.memory_space<vmem>>
        %get3A_385 = tpu.memref_squeeze %get3A_384 : memref<1x8x128xf32, #tpu.memory_space<vmem>> -> memref<8x128xf32, #tpu.memory_space<vmem>>
        %get3A_386 = arith.index_cast %get3A_381 : i32 to index
        %get3A_387 = arith.constant 48 : index
        %get3A_388 = tpu.vector_load %get3A_385[%get3A_386, %get3A_387] {strides = array<i32>} : memref<8x128xf32, #tpu.memory_space<vmem>>, vector<1x16xf32>,
        %get3A_389 = vector.shape_cast %get3A_388 : vector<1x16xf32> to vector<16xf32>
        %get3A_390 = arith.constant 0 : i32
        %get3A_391 = arith.constant 0 : i32
        %get3A_392 = arith.constant 0 : i32
        %get3A_393 = tpu.memref_slice %run_scoped3A_8[%rem3A_352, %get3A_391, %get3A_392] : memref<2x8x128xf32, #tpu.memory_space<vmem>> -> memref<1x8x128xf32, #tpu.memory_space<vmem>>
        %get3A_394 = tpu.memref_squeeze %get3A_393 : memref<1x8x128xf32, #tpu.memory_space<vmem>> -> memref<8x128xf32, #tpu.memory_space<vmem>>
        %get3A_395 = arith.index_cast %get3A_390 : i32 to index
        %get3A_396 = arith.constant 64 : index
        %get3A_397 = tpu.vector_load %get3A_394[%get3A_395, %get3A_396] {strides = array<i32>} : memref<8x128xf32, #tpu.memory_space<vmem>>, vector<1x16xf32>,
        %get3A_398 = vector.shape_cast %get3A_397 : vector<1x16xf32> to vector<16xf32>
        %get3A_399 = arith.constant 0 : i32
        %get3A_400 = arith.constant 0 : i32
        %get3A_401 = arith.constant 0 : i32
        %get3A_402 = tpu.memref_slice %run_scoped3A_8[%rem3A_352, %get3A_400, %get3A_401] : memref<2x8x128xf32, #tpu.memory_space<vmem>> -> memref<1x8x128xf32, #tpu.memory_space<vmem>>
        %get3A_403 = tpu.memref_squeeze %get3A_402 : memref<1x8x128xf32, #tpu.memory_space<vmem>> -> memref<8x128xf32, #tpu.memory_space<vmem>>
        %get3A_404 = arith.index_cast %get3A_399 : i32 to index
        %get3A_405 = arith.constant 80 : index
        %get3A_406 = tpu.vector_load %get3A_403[%get3A_404, %get3A_405] {strides = array<i32>} : memref<8x128xf32, #tpu.memory_space<vmem>>, vector<1x16xf32>,
        %get3A_407 = vector.shape_cast %get3A_406 : vector<1x16xf32> to vector<16xf32>
        %get3A_408 = arith.constant 0 : i32
        %get3A_409 = arith.constant 0 : i32
        %get3A_410 = arith.constant 0 : i32
        %get3A_411 = tpu.memref_slice %run_scoped3A_8[%rem3A_352, %get3A_409, %get3A_410] : memref<2x8x128xf32, #tpu.memory_space<vmem>> -> memref<1x8x128xf32, #tpu.memory_space<vmem>>
        %get3A_412 = tpu.memref_squeeze %get3A_411 : memref<1x8x128xf32, #tpu.memory_space<vmem>> -> memref<8x128xf32, #tpu.memory_space<vmem>>
        %get3A_413 = arith.index_cast %get3A_408 : i32 to index
        %get3A_414 = arith.constant 96 : index
        %get3A_415 = tpu.vector_load %get3A_412[%get3A_413, %get3A_414] {strides = array<i32>} : memref<8x128xf32, #tpu.memory_space<vmem>>, vector<1x16xf32>,
        %get3A_416 = vector.shape_cast %get3A_415 : vector<1x16xf32> to vector<16xf32>
        %get3A_417 = arith.constant 0 : i32
        %get3A_418 = arith.constant 0 : i32
        %get3A_419 = arith.constant 0 : i32
        %get3A_420 = tpu.memref_slice %run_scoped3A_8[%rem3A_352, %get3A_418, %get3A_419] : memref<2x8x128xf32, #tpu.memory_space<vmem>> -> memref<1x8x128xf32, #tpu.memory_space<vmem>>
        %get3A_421 = tpu.memref_squeeze %get3A_420 : memref<1x8x128xf32, #tpu.memory_space<vmem>> -> memref<8x128xf32, #tpu.memory_space<vmem>>
        %get3A_422 = arith.index_cast %get3A_417 : i32 to index
        %get3A_423 = arith.constant 112 : index
        %get3A_424 = tpu.vector_load %get3A_421[%get3A_422, %get3A_423] {strides = array<i32>} : memref<8x128xf32, #tpu.memory_space<vmem>>, vector<1x16xf32>,
        %get3A_425 = vector.shape_cast %get3A_424 : vector<1x16xf32> to vector<16xf32>
        %parallel_loop3A = arith.constant 0 : i32
        %parallel_loop3A_426 = arith.constant 2048 : i32
        %parallel_loop3A_427 = arith.constant 128 : i32
        scf.for %parallel_loop3A_1064 = %parallel_loop3A to %parallel_loop3A_426 step %parallel_loop3A_427  : i32 {
          %parallel_loop3A_1065 = arith.constant 0 : i32
          %parallel_loop3A_1066 = arith.addi %parallel_loop3A_1064, %parallel_loop3A_1065 : i32
          %parallel_loop3A_1067 = arith.constant 0 : i32
          %parallel_loop3A_1068 = arith.constant 0 : i32
          %parallel_loop3A_1069 = arith.constant 0 : i32
          %parallel_loop3A_1070 = tpu.memref_slice %run_scoped3A[%rem3A_350, %parallel_loop3A_1068, %parallel_loop3A_1069] : memref<2x8x2048xf32, #tpu.memory_space<vmem>> -> memref<1x8x2048xf32, #tpu.memory_space<vmem>>
          %parallel_loop3A_1071 = tpu.memref_squeeze %parallel_loop3A_1070 : memref<1x8x2048xf32, #tpu.memory_space<vmem>> -> memref<8x2048xf32, #tpu.memory_space<vmem>>
          %parallel_loop3A_1072 = arith.index_cast %parallel_loop3A_1067 : i32 to index
          %parallel_loop3A_1073 = arith.index_cast %parallel_loop3A_1066 : i32 to index
          %parallel_loop3A_1074 = tpu.vector_load %parallel_loop3A_1071[%parallel_loop3A_1072, %parallel_loop3A_1073] {strides = array<i32>} : memref<8x2048xf32, #tpu.memory_space<vmem>>, vector<1x16xf32>,
          %parallel_loop3A_1075 = vector.shape_cast %parallel_loop3A_1074 : vector<1x16xf32> to vector<16xf32>
          %parallel_loop3A_1076 = arith.addf %parallel_loop3A_1075, %get3A_362 : vector<16xf32>
          %parallel_loop3A_1077 = arith.constant 0 : i32
          %parallel_loop3A_1078 = arith.constant 0 : i32
          %parallel_loop3A_1079 = arith.constant 0 : i32
          %parallel_loop3A_1080 = tpu.memref_slice %run_scoped3A_10[%rem3A_354, %parallel_loop3A_1078, %parallel_loop3A_1079] : memref<2x8x2048xf32, #tpu.memory_space<vmem>> -> memref<1x8x2048xf32, #tpu.memory_space<vmem>>
          %parallel_loop3A_1081 = tpu.memref_squeeze %parallel_loop3A_1080 : memref<1x8x2048xf32, #tpu.memory_space<vmem>> -> memref<8x2048xf32, #tpu.memory_space<vmem>>
          %parallel_loop3A_1082 = arith.index_cast %parallel_loop3A_1077 : i32 to index
          %parallel_loop3A_1083 = arith.index_cast %parallel_loop3A_1066 : i32 to index
          %parallel_loop3A_1084 = tpu.vector_load %parallel_loop3A_1081[%parallel_loop3A_1082, %parallel_loop3A_1083] {strides = array<i32>} : memref<8x2048xf32, #tpu.memory_space<vmem>>, vector<1x16xf32>,
          %parallel_loop3A_1085 = vector.shape_cast %parallel_loop3A_1084 : vector<1x16xf32> to vector<16xf32>
          %parallel_loop3A_1086 = vector.shape_cast %parallel_loop3A_1076 : vector<16xf32> to vector<1x16xf32>
          tpu.vector_store %parallel_loop3A_1081[%parallel_loop3A_1082, %parallel_loop3A_1083], %parallel_loop3A_1086 {strides = array<i32>} : memref<8x2048xf32, #tpu.memory_space<vmem>>, vector<1x16xf32>,
          %parallel_loop3A_1087 = arith.constant 16 : i32
          %parallel_loop3A_1088 = arith.addi %parallel_loop3A_1064, %parallel_loop3A_1087 : i32
          %parallel_loop3A_1089 = arith.constant 0 : i32
          %parallel_loop3A_1090 = arith.constant 0 : i32
          %parallel_loop3A_1091 = arith.constant 0 : i32
          %parallel_loop3A_1092 = tpu.memref_slice %run_scoped3A[%rem3A_350, %parallel_loop3A_1090, %parallel_loop3A_1091] : memref<2x8x2048xf32, #tpu.memory_space<vmem>> -> memref<1x8x2048xf32, #tpu.memory_space<vmem>>
          %parallel_loop3A_1093 = tpu.memref_squeeze %parallel_loop3A_1092 : memref<1x8x2048xf32, #tpu.memory_space<vmem>> -> memref<8x2048xf32, #tpu.memory_space<vmem>>
          %parallel_loop3A_1094 = arith.index_cast %parallel_loop3A_1089 : i32 to index
          %parallel_loop3A_1095 = arith.index_cast %parallel_loop3A_1088 : i32 to index
          %parallel_loop3A_1096 = tpu.vector_load %parallel_loop3A_1093[%parallel_loop3A_1094, %parallel_loop3A_1095] {strides = array<i32>} : memref<8x2048xf32, #tpu.memory_space<vmem>>, vector<1x16xf32>,
          %parallel_loop3A_1097 = vector.shape_cast %parallel_loop3A_1096 : vector<1x16xf32> to vector<16xf32>
          %parallel_loop3A_1098 = arith.addf %parallel_loop3A_1097, %get3A_371 : vector<16xf32>
          %parallel_loop3A_1099 = arith.constant 0 : i32
          %parallel_loop3A_1100 = arith.constant 0 : i32
          %parallel_loop3A_1101 = arith.constant 0 : i32
          %parallel_loop3A_1102 = tpu.memref_slice %run_scoped3A_10[%rem3A_354, %parallel_loop3A_1100, %parallel_loop3A_1101] : memref<2x8x2048xf32, #tpu.memory_space<vmem>> -> memref<1x8x2048xf32, #tpu.memory_space<vmem>>
          %parallel_loop3A_1103 = tpu.memref_squeeze %parallel_loop3A_1102 : memref<1x8x2048xf32, #tpu.memory_space<vmem>> -> memref<8x2048xf32, #tpu.memory_space<vmem>>
          %parallel_loop3A_1104 = arith.index_cast %parallel_loop3A_1099 : i32 to index
          %parallel_loop3A_1105 = arith.index_cast %parallel_loop3A_1088 : i32 to index
          %parallel_loop3A_1106 = tpu.vector_load %parallel_loop3A_1103[%parallel_loop3A_1104, %parallel_loop3A_1105] {strides = array<i32>} : memref<8x2048xf32, #tpu.memory_space<vmem>>, vector<1x16xf32>,
          %parallel_loop3A_1107 = vector.shape_cast %parallel_loop3A_1106 : vector<1x16xf32> to vector<16xf32>
          %parallel_loop3A_1108 = vector.shape_cast %parallel_loop3A_1098 : vector<16xf32> to vector<1x16xf32>
          tpu.vector_store %parallel_loop3A_1103[%parallel_loop3A_1104, %parallel_loop3A_1105], %parallel_loop3A_1108 {strides = array<i32>} : memref<8x2048xf32, #tpu.memory_space<vmem>>, vector<1x16xf32>,
          %parallel_loop3A_1109 = arith.constant 32 : i32
          %parallel_loop3A_1110 = arith.addi %parallel_loop3A_1064, %parallel_loop3A_1109 : i32
          %parallel_loop3A_1111 = arith.constant 0 : i32
          %parallel_loop3A_1112 = arith.constant 0 : i32
          %parallel_loop3A_1113 = arith.constant 0 : i32
          %parallel_loop3A_1114 = tpu.memref_slice %run_scoped3A[%rem3A_350, %parallel_loop3A_1112, %parallel_loop3A_1113] : memref<2x8x2048xf32, #tpu.memory_space<vmem>> -> memref<1x8x2048xf32, #tpu.memory_space<vmem>>
          %parallel_loop3A_1115 = tpu.memref_squeeze %parallel_loop3A_1114 : memref<1x8x2048xf32, #tpu.memory_space<vmem>> -> memref<8x2048xf32, #tpu.memory_space<vmem>>
          %parallel_loop3A_1116 = arith.index_cast %parallel_loop3A_1111 : i32 to index
          %parallel_loop3A_1117 = arith.index_cast %parallel_loop3A_1110 : i32 to index
          %parallel_loop3A_1118 = tpu.vector_load %parallel_loop3A_1115[%parallel_loop3A_1116, %parallel_loop3A_1117] {strides = array<i32>} : memref<8x2048xf32, #tpu.memory_space<vmem>>, vector<1x16xf32>,
          %parallel_loop3A_1119 = vector.shape_cast %parallel_loop3A_1118 : vector<1x16xf32> to vector<16xf32>
          %parallel_loop3A_1120 = arith.addf %parallel_loop3A_1119, %get3A_380 : vector<16xf32>
          %parallel_loop3A_1121 = arith.constant 0 : i32
          %parallel_loop3A_1122 = arith.constant 0 : i32
          %parallel_loop3A_1123 = arith.constant 0 : i32
          %parallel_loop3A_1124 = tpu.memref_slice %run_scoped3A_10[%rem3A_354, %parallel_loop3A_1122, %parallel_loop3A_1123] : memref<2x8x2048xf32, #tpu.memory_space<vmem>> -> memref<1x8x2048xf32, #tpu.memory_space<vmem>>
          %parallel_loop3A_1125 = tpu.memref_squeeze %parallel_loop3A_1124 : memref<1x8x2048xf32, #tpu.memory_space<vmem>> -> memref<8x2048xf32, #tpu.memory_space<vmem>>
          %parallel_loop3A_1126 = arith.index_cast %parallel_loop3A_1121 : i32 to index
          %parallel_loop3A_1127 = arith.index_cast %parallel_loop3A_1110 : i32 to index
          %parallel_loop3A_1128 = tpu.vector_load %parallel_loop3A_1125[%parallel_loop3A_1126, %parallel_loop3A_1127] {strides = array<i32>} : memref<8x2048xf32, #tpu.memory_space<vmem>>, vector<1x16xf32>,
          %parallel_loop3A_1129 = vector.shape_cast %parallel_loop3A_1128 : vector<1x16xf32> to vector<16xf32>
          %parallel_loop3A_1130 = vector.shape_cast %parallel_loop3A_1120 : vector<16xf32> to vector<1x16xf32>
          tpu.vector_store %parallel_loop3A_1125[%parallel_loop3A_1126, %parallel_loop3A_1127], %parallel_loop3A_1130 {strides = array<i32>} : memref<8x2048xf32, #tpu.memory_space<vmem>>, vector<1x16xf32>,
          %parallel_loop3A_1131 = arith.constant 48 : i32
          %parallel_loop3A_1132 = arith.addi %parallel_loop3A_1064, %parallel_loop3A_1131 : i32
          %parallel_loop3A_1133 = arith.constant 0 : i32
          %parallel_loop3A_1134 = arith.constant 0 : i32
          %parallel_loop3A_1135 = arith.constant 0 : i32
          %parallel_loop3A_1136 = tpu.memref_slice %run_scoped3A[%rem3A_350, %parallel_loop3A_1134, %parallel_loop3A_1135] : memref<2x8x2048xf32, #tpu.memory_space<vmem>> -> memref<1x8x2048xf32, #tpu.memory_space<vmem>>
          %parallel_loop3A_1137 = tpu.memref_squeeze %parallel_loop3A_1136 : memref<1x8x2048xf32, #tpu.memory_space<vmem>> -> memref<8x2048xf32, #tpu.memory_space<vmem>>
          %parallel_loop3A_1138 = arith.index_cast %parallel_loop3A_1133 : i32 to index
          %parallel_loop3A_1139 = arith.index_cast %parallel_loop3A_1132 : i32 to index
          %parallel_loop3A_1140 = tpu.vector_load %parallel_loop3A_1137[%parallel_loop3A_1138, %parallel_loop3A_1139] {strides = array<i32>} : memref<8x2048xf32, #tpu.memory_space<vmem>>, vector<1x16xf32>,
          %parallel_loop3A_1141 = vector.shape_cast %parallel_loop3A_1140 : vector<1x16xf32> to vector<16xf32>
          %parallel_loop3A_1142 = arith.addf %parallel_loop3A_1141, %get3A_389 : vector<16xf32>
          %parallel_loop3A_1143 = arith.constant 0 : i32
          %parallel_loop3A_1144 = arith.constant 0 : i32
          %parallel_loop3A_1145 = arith.constant 0 : i32
          %parallel_loop3A_1146 = tpu.memref_slice %run_scoped3A_10[%rem3A_354, %parallel_loop3A_1144, %parallel_loop3A_1145] : memref<2x8x2048xf32, #tpu.memory_space<vmem>> -> memref<1x8x2048xf32, #tpu.memory_space<vmem>>
          %parallel_loop3A_1147 = tpu.memref_squeeze %parallel_loop3A_1146 : memref<1x8x2048xf32, #tpu.memory_space<vmem>> -> memref<8x2048xf32, #tpu.memory_space<vmem>>
          %parallel_loop3A_1148 = arith.index_cast %parallel_loop3A_1143 : i32 to index
          %parallel_loop3A_1149 = arith.index_cast %parallel_loop3A_1132 : i32 to index
          %parallel_loop3A_1150 = tpu.vector_load %parallel_loop3A_1147[%parallel_loop3A_1148, %parallel_loop3A_1149] {strides = array<i32>} : memref<8x2048xf32, #tpu.memory_space<vmem>>, vector<1x16xf32>,
          %parallel_loop3A_1151 = vector.shape_cast %parallel_loop3A_1150 : vector<1x16xf32> to vector<16xf32>
          %parallel_loop3A_1152 = vector.shape_cast %parallel_loop3A_1142 : vector<16xf32> to vector<1x16xf32>
          tpu.vector_store %parallel_loop3A_1147[%parallel_loop3A_1148, %parallel_loop3A_1149], %parallel_loop3A_1152 {strides = array<i32>} : memref<8x2048xf32, #tpu.memory_space<vmem>>, vector<1x16xf32>,
          %parallel_loop3A_1153 = arith.constant 64 : i32
          %parallel_loop3A_1154 = arith.addi %parallel_loop3A_1064, %parallel_loop3A_1153 : i32
          %parallel_loop3A_1155 = arith.constant 0 : i32
          %parallel_loop3A_1156 = arith.constant 0 : i32
          %parallel_loop3A_1157 = arith.constant 0 : i32
          %parallel_loop3A_1158 = tpu.memref_slice %run_scoped3A[%rem3A_350, %parallel_loop3A_1156, %parallel_loop3A_1157] : memref<2x8x2048xf32, #tpu.memory_space<vmem>> -> memref<1x8x2048xf32, #tpu.memory_space<vmem>>
          %parallel_loop3A_1159 = tpu.memref_squeeze %parallel_loop3A_1158 : memref<1x8x2048xf32, #tpu.memory_space<vmem>> -> memref<8x2048xf32, #tpu.memory_space<vmem>>
          %parallel_loop3A_1160 = arith.index_cast %parallel_loop3A_1155 : i32 to index
          %parallel_loop3A_1161 = arith.index_cast %parallel_loop3A_1154 : i32 to index
          %parallel_loop3A_1162 = tpu.vector_load %parallel_loop3A_1159[%parallel_loop3A_1160, %parallel_loop3A_1161] {strides = array<i32>} : memref<8x2048xf32, #tpu.memory_space<vmem>>, vector<1x16xf32>,
          %parallel_loop3A_1163 = vector.shape_cast %parallel_loop3A_1162 : vector<1x16xf32> to vector<16xf32>
          %parallel_loop3A_1164 = arith.addf %parallel_loop3A_1163, %get3A_398 : vector<16xf32>
          %parallel_loop3A_1165 = arith.constant 0 : i32
          %parallel_loop3A_1166 = arith.constant 0 : i32
          %parallel_loop3A_1167 = arith.constant 0 : i32
          %parallel_loop3A_1168 = tpu.memref_slice %run_scoped3A_10[%rem3A_354, %parallel_loop3A_1166, %parallel_loop3A_1167] : memref<2x8x2048xf32, #tpu.memory_space<vmem>> -> memref<1x8x2048xf32, #tpu.memory_space<vmem>>
          %parallel_loop3A_1169 = tpu.memref_squeeze %parallel_loop3A_1168 : memref<1x8x2048xf32, #tpu.memory_space<vmem>> -> memref<8x2048xf32, #tpu.memory_space<vmem>>
          %parallel_loop3A_1170 = arith.index_cast %parallel_loop3A_1165 : i32 to index
          %parallel_loop3A_1171 = arith.index_cast %parallel_loop3A_1154 : i32 to index
          %parallel_loop3A_1172 = tpu.vector_load %parallel_loop3A_1169[%parallel_loop3A_1170, %parallel_loop3A_1171] {strides = array<i32>} : memref<8x2048xf32, #tpu.memory_space<vmem>>, vector<1x16xf32>,
          %parallel_loop3A_1173 = vector.shape_cast %parallel_loop3A_1172 : vector<1x16xf32> to vector<16xf32>
          %parallel_loop3A_1174 = vector.shape_cast %parallel_loop3A_1164 : vector<16xf32> to vector<1x16xf32>
          tpu.vector_store %parallel_loop3A_1169[%parallel_loop3A_1170, %parallel_loop3A_1171], %parallel_loop3A_1174 {strides = array<i32>} : memref<8x2048xf32, #tpu.memory_space<vmem>>, vector<1x16xf32>,
          %parallel_loop3A_1175 = arith.constant 80 : i32
          %parallel_loop3A_1176 = arith.addi %parallel_loop3A_1064, %parallel_loop3A_1175 : i32
          %parallel_loop3A_1177 = arith.constant 0 : i32
          %parallel_loop3A_1178 = arith.constant 0 : i32
          %parallel_loop3A_1179 = arith.constant 0 : i32
          %parallel_loop3A_1180 = tpu.memref_slice %run_scoped3A[%rem3A_350, %parallel_loop3A_1178, %parallel_loop3A_1179] : memref<2x8x2048xf32, #tpu.memory_space<vmem>> -> memref<1x8x2048xf32, #tpu.memory_space<vmem>>
          %parallel_loop3A_1181 = tpu.memref_squeeze %parallel_loop3A_1180 : memref<1x8x2048xf32, #tpu.memory_space<vmem>> -> memref<8x2048xf32, #tpu.memory_space<vmem>>
          %parallel_loop3A_1182 = arith.index_cast %parallel_loop3A_1177 : i32 to index
          %parallel_loop3A_1183 = arith.index_cast %parallel_loop3A_1176 : i32 to index
          %parallel_loop3A_1184 = tpu.vector_load %parallel_loop3A_1181[%parallel_loop3A_1182, %parallel_loop3A_1183] {strides = array<i32>} : memref<8x2048xf32, #tpu.memory_space<vmem>>, vector<1x16xf32>,
          %parallel_loop3A_1185 = vector.shape_cast %parallel_loop3A_1184 : vector<1x16xf32> to vector<16xf32>
          %parallel_loop3A_1186 = arith.addf %parallel_loop3A_1185, %get3A_407 : vector<16xf32>
          %parallel_loop3A_1187 = arith.constant 0 : i32
          %parallel_loop3A_1188 = arith.constant 0 : i32
          %parallel_loop3A_1189 = arith.constant 0 : i32
          %parallel_loop3A_1190 = tpu.memref_slice %run_scoped3A_10[%rem3A_354, %parallel_loop3A_1188, %parallel_loop3A_1189] : memref<2x8x2048xf32, #tpu.memory_space<vmem>> -> memref<1x8x2048xf32, #tpu.memory_space<vmem>>
          %parallel_loop3A_1191 = tpu.memref_squeeze %parallel_loop3A_1190 : memref<1x8x2048xf32, #tpu.memory_space<vmem>> -> memref<8x2048xf32, #tpu.memory_space<vmem>>
          %parallel_loop3A_1192 = arith.index_cast %parallel_loop3A_1187 : i32 to index
          %parallel_loop3A_1193 = arith.index_cast %parallel_loop3A_1176 : i32 to index
          %parallel_loop3A_1194 = tpu.vector_load %parallel_loop3A_1191[%parallel_loop3A_1192, %parallel_loop3A_1193] {strides = array<i32>} : memref<8x2048xf32, #tpu.memory_space<vmem>>, vector<1x16xf32>,
          %parallel_loop3A_1195 = vector.shape_cast %parallel_loop3A_1194 : vector<1x16xf32> to vector<16xf32>
          %parallel_loop3A_1196 = vector.shape_cast %parallel_loop3A_1186 : vector<16xf32> to vector<1x16xf32>
          tpu.vector_store %parallel_loop3A_1191[%parallel_loop3A_1192, %parallel_loop3A_1193], %parallel_loop3A_1196 {strides = array<i32>} : memref<8x2048xf32, #tpu.memory_space<vmem>>, vector<1x16xf32>,
          %parallel_loop3A_1197 = arith.constant 96 : i32
          %parallel_loop3A_1198 = arith.addi %parallel_loop3A_1064, %parallel_loop3A_1197 : i32
          %parallel_loop3A_1199 = arith.constant 0 : i32
          %parallel_loop3A_1200 = arith.constant 0 : i32
          %parallel_loop3A_1201 = arith.constant 0 : i32
          %parallel_loop3A_1202 = tpu.memref_slice %run_scoped3A[%rem3A_350, %parallel_loop3A_1200, %parallel_loop3A_1201] : memref<2x8x2048xf32, #tpu.memory_space<vmem>> -> memref<1x8x2048xf32, #tpu.memory_space<vmem>>
          %parallel_loop3A_1203 = tpu.memref_squeeze %parallel_loop3A_1202 : memref<1x8x2048xf32, #tpu.memory_space<vmem>> -> memref<8x2048xf32, #tpu.memory_space<vmem>>
          %parallel_loop3A_1204 = arith.index_cast %parallel_loop3A_1199 : i32 to index
          %parallel_loop3A_1205 = arith.index_cast %parallel_loop3A_1198 : i32 to index
          %parallel_loop3A_1206 = tpu.vector_load %parallel_loop3A_1203[%parallel_loop3A_1204, %parallel_loop3A_1205] {strides = array<i32>} : memref<8x2048xf32, #tpu.memory_space<vmem>>, vector<1x16xf32>,
          %parallel_loop3A_1207 = vector.shape_cast %parallel_loop3A_1206 : vector<1x16xf32> to vector<16xf32>
          %parallel_loop3A_1208 = arith.addf %parallel_loop3A_1207, %get3A_416 : vector<16xf32>
          %parallel_loop3A_1209 = arith.constant 0 : i32
          %parallel_loop3A_1210 = arith.constant 0 : i32
          %parallel_loop3A_1211 = arith.constant 0 : i32
          %parallel_loop3A_1212 = tpu.memref_slice %run_scoped3A_10[%rem3A_354, %parallel_loop3A_1210, %parallel_loop3A_1211] : memref<2x8x2048xf32, #tpu.memory_space<vmem>> -> memref<1x8x2048xf32, #tpu.memory_space<vmem>>
          %parallel_loop3A_1213 = tpu.memref_squeeze %parallel_loop3A_1212 : memref<1x8x2048xf32, #tpu.memory_space<vmem>> -> memref<8x2048xf32, #tpu.memory_space<vmem>>
          %parallel_loop3A_1214 = arith.index_cast %parallel_loop3A_1209 : i32 to index
          %parallel_loop3A_1215 = arith.index_cast %parallel_loop3A_1198 : i32 to index
          %parallel_loop3A_1216 = tpu.vector_load %parallel_loop3A_1213[%parallel_loop3A_1214, %parallel_loop3A_1215] {strides = array<i32>} : memref<8x2048xf32, #tpu.memory_space<vmem>>, vector<1x16xf32>,
          %parallel_loop3A_1217 = vector.shape_cast %parallel_loop3A_1216 : vector<1x16xf32> to vector<16xf32>
          %parallel_loop3A_1218 = vector.shape_cast %parallel_loop3A_1208 : vector<16xf32> to vector<1x16xf32>
          tpu.vector_store %parallel_loop3A_1213[%parallel_loop3A_1214, %parallel_loop3A_1215], %parallel_loop3A_1218 {strides = array<i32>} : memref<8x2048xf32, #tpu.memory_space<vmem>>, vector<1x16xf32>,
          %parallel_loop3A_1219 = arith.constant 112 : i32
          %parallel_loop3A_1220 = arith.addi %parallel_loop3A_1064, %parallel_loop3A_1219 : i32
          %parallel_loop3A_1221 = arith.constant 0 : i32
          %parallel_loop3A_1222 = arith.constant 0 : i32
          %parallel_loop3A_1223 = arith.constant 0 : i32
          %parallel_loop3A_1224 = tpu.memref_slice %run_scoped3A[%rem3A_350, %parallel_loop3A_1222, %parallel_loop3A_1223] : memref<2x8x2048xf32, #tpu.memory_space<vmem>> -> memref<1x8x2048xf32, #tpu.memory_space<vmem>>
          %parallel_loop3A_1225 = tpu.memref_squeeze %parallel_loop3A_1224 : memref<1x8x2048xf32, #tpu.memory_space<vmem>> -> memref<8x2048xf32, #tpu.memory_space<vmem>>
          %parallel_loop3A_1226 = arith.index_cast %parallel_loop3A_1221 : i32 to index
          %parallel_loop3A_1227 = arith.index_cast %parallel_loop3A_1220 : i32 to index
          %parallel_loop3A_1228 = tpu.vector_load %parallel_loop3A_1225[%parallel_loop3A_1226, %parallel_loop3A_1227] {strides = array<i32>} : memref<8x2048xf32, #tpu.memory_space<vmem>>, vector<1x16xf32>,
          %parallel_loop3A_1229 = vector.shape_cast %parallel_loop3A_1228 : vector<1x16xf32> to vector<16xf32>
          %parallel_loop3A_1230 = arith.addf %parallel_loop3A_1229, %get3A_425 : vector<16xf32>
          %parallel_loop3A_1231 = arith.constant 0 : i32
          %parallel_loop3A_1232 = arith.constant 0 : i32
          %parallel_loop3A_1233 = arith.constant 0 : i32
          %parallel_loop3A_1234 = tpu.memref_slice %run_scoped3A_10[%rem3A_354, %parallel_loop3A_1232, %parallel_loop3A_1233] : memref<2x8x2048xf32, #tpu.memory_space<vmem>> -> memref<1x8x2048xf32, #tpu.memory_space<vmem>>
          %parallel_loop3A_1235 = tpu.memref_squeeze %parallel_loop3A_1234 : memref<1x8x2048xf32, #tpu.memory_space<vmem>> -> memref<8x2048xf32, #tpu.memory_space<vmem>>
          %parallel_loop3A_1236 = arith.index_cast %parallel_loop3A_1231 : i32 to index
          %parallel_loop3A_1237 = arith.index_cast %parallel_loop3A_1220 : i32 to index
          %parallel_loop3A_1238 = tpu.vector_load %parallel_loop3A_1235[%parallel_loop3A_1236, %parallel_loop3A_1237] {strides = array<i32>} : memref<8x2048xf32, #tpu.memory_space<vmem>>, vector<1x16xf32>,
          %parallel_loop3A_1239 = vector.shape_cast %parallel_loop3A_1238 : vector<1x16xf32> to vector<16xf32>
          %parallel_loop3A_1240 = vector.shape_cast %parallel_loop3A_1230 : vector<16xf32> to vector<1x16xf32>
          tpu.vector_store %parallel_loop3A_1235[%parallel_loop3A_1236, %parallel_loop3A_1237], %parallel_loop3A_1240 {strides = array<i32>} : memref<8x2048xf32, #tpu.memory_space<vmem>>, vector<1x16xf32>,
        } {sc.loop_unroll_factor = 2 : i64, sc.parallel_access}
        %get3A_428 = arith.constant 1 : i32
        %get3A_429 = arith.constant 0 : i32
        %get3A_430 = arith.constant 0 : i32
        %get3A_431 = tpu.memref_slice %run_scoped3A_8[%rem3A_352, %get3A_429, %get3A_430] : memref<2x8x128xf32, #tpu.memory_space<vmem>> -> memref<1x8x128xf32, #tpu.memory_space<vmem>>
        %get3A_432 = tpu.memref_squeeze %get3A_431 : memref<1x8x128xf32, #tpu.memory_space<vmem>> -> memref<8x128xf32, #tpu.memory_space<vmem>>
        %get3A_433 = arith.index_cast %get3A_428 : i32 to index
        %get3A_434 = arith.constant 0 : index
        %get3A_435 = tpu.vector_load %get3A_432[%get3A_433, %get3A_434] {strides = array<i32>} : memref<8x128xf32, #tpu.memory_space<vmem>>, vector<1x16xf32>,
        %get3A_436 = vector.shape_cast %get3A_435 : vector<1x16xf32> to vector<16xf32>
        %get3A_437 = arith.constant 1 : i32
        %get3A_438 = arith.constant 0 : i32
        %get3A_439 = arith.constant 0 : i32
        %get3A_440 = tpu.memref_slice %run_scoped3A_8[%rem3A_352, %get3A_438, %get3A_439] : memref<2x8x128xf32, #tpu.memory_space<vmem>> -> memref<1x8x128xf32, #tpu.memory_space<vmem>>
        %get3A_441 = tpu.memref_squeeze %get3A_440 : memref<1x8x128xf32, #tpu.memory_space<vmem>> -> memref<8x128xf32, #tpu.memory_space<vmem>>
        %get3A_442 = arith.index_cast %get3A_437 : i32 to index
        %get3A_443 = arith.constant 16 : index
        %get3A_444 = tpu.vector_load %get3A_441[%get3A_442, %get3A_443] {strides = array<i32>} : memref<8x128xf32, #tpu.memory_space<vmem>>, vector<1x16xf32>,
        %get3A_445 = vector.shape_cast %get3A_444 : vector<1x16xf32> to vector<16xf32>
        %get3A_446 = arith.constant 1 : i32
        %get3A_447 = arith.constant 0 : i32
        %get3A_448 = arith.constant 0 : i32
        %get3A_449 = tpu.memref_slice %run_scoped3A_8[%rem3A_352, %get3A_447, %get3A_448] : memref<2x8x128xf32, #tpu.memory_space<vmem>> -> memref<1x8x128xf32, #tpu.memory_space<vmem>>
        %get3A_450 = tpu.memref_squeeze %get3A_449 : memref<1x8x128xf32, #tpu.memory_space<vmem>> -> memref<8x128xf32, #tpu.memory_space<vmem>>
        %get3A_451 = arith.index_cast %get3A_446 : i32 to index
        %get3A_452 = arith.constant 32 : index
        %get3A_453 = tpu.vector_load %get3A_450[%get3A_451, %get3A_452] {strides = array<i32>} : memref<8x128xf32, #tpu.memory_space<vmem>>, vector<1x16xf32>,
        %get3A_454 = vector.shape_cast %get3A_453 : vector<1x16xf32> to vector<16xf32>
        %get3A_455 = arith.constant 1 : i32
        %get3A_456 = arith.constant 0 : i32
        %get3A_457 = arith.constant 0 : i32
        %get3A_458 = tpu.memref_slice %run_scoped3A_8[%rem3A_352, %get3A_456, %get3A_457] : memref<2x8x128xf32, #tpu.memory_space<vmem>> -> memref<1x8x128xf32, #tpu.memory_space<vmem>>
        %get3A_459 = tpu.memref_squeeze %get3A_458 : memref<1x8x128xf32, #tpu.memory_space<vmem>> -> memref<8x128xf32, #tpu.memory_space<vmem>>
        %get3A_460 = arith.index_cast %get3A_455 : i32 to index
        %get3A_461 = arith.constant 48 : index
        %get3A_462 = tpu.vector_load %get3A_459[%get3A_460, %get3A_461] {strides = array<i32>} : memref<8x128xf32, #tpu.memory_space<vmem>>, vector<1x16xf32>,
        %get3A_463 = vector.shape_cast %get3A_462 : vector<1x16xf32> to vector<16xf32>
        %get3A_464 = arith.constant 1 : i32
        %get3A_465 = arith.constant 0 : i32
        %get3A_466 = arith.constant 0 : i32
        %get3A_467 = tpu.memref_slice %run_scoped3A_8[%rem3A_352, %get3A_465, %get3A_466] : memref<2x8x128xf32, #tpu.memory_space<vmem>> -> memref<1x8x128xf32, #tpu.memory_space<vmem>>
        %get3A_468 = tpu.memref_squeeze %get3A_467 : memref<1x8x128xf32, #tpu.memory_space<vmem>> -> memref<8x128xf32, #tpu.memory_space<vmem>>
        %get3A_469 = arith.index_cast %get3A_464 : i32 to index
        %get3A_470 = arith.constant 64 : index
        %get3A_471 = tpu.vector_load %get3A_468[%get3A_469, %get3A_470] {strides = array<i32>} : memref<8x128xf32, #tpu.memory_space<vmem>>, vector<1x16xf32>,
        %get3A_472 = vector.shape_cast %get3A_471 : vector<1x16xf32> to vector<16xf32>
        %get3A_473 = arith.constant 1 : i32
        %get3A_474 = arith.constant 0 : i32
        %get3A_475 = arith.constant 0 : i32
        %get3A_476 = tpu.memref_slice %run_scoped3A_8[%rem3A_352, %get3A_474, %get3A_475] : memref<2x8x128xf32, #tpu.memory_space<vmem>> -> memref<1x8x128xf32, #tpu.memory_space<vmem>>
        %get3A_477 = tpu.memref_squeeze %get3A_476 : memref<1x8x128xf32, #tpu.memory_space<vmem>> -> memref<8x128xf32, #tpu.memory_space<vmem>>
        %get3A_478 = arith.index_cast %get3A_473 : i32 to index
        %get3A_479 = arith.constant 80 : index
        %get3A_480 = tpu.vector_load %get3A_477[%get3A_478, %get3A_479] {strides = array<i32>} : memref<8x128xf32, #tpu.memory_space<vmem>>, vector<1x16xf32>,
        %get3A_481 = vector.shape_cast %get3A_480 : vector<1x16xf32> to vector<16xf32>
        %get3A_482 = arith.constant 1 : i32
        %get3A_483 = arith.constant 0 : i32
        %get3A_484 = arith.constant 0 : i32
        %get3A_485 = tpu.memref_slice %run_scoped3A_8[%rem3A_352, %get3A_483, %get3A_484] : memref<2x8x128xf32, #tpu.memory_space<vmem>> -> memref<1x8x128xf32, #tpu.memory_space<vmem>>
        %get3A_486 = tpu.memref_squeeze %get3A_485 : memref<1x8x128xf32, #tpu.memory_space<vmem>> -> memref<8x128xf32, #tpu.memory_space<vmem>>
        %get3A_487 = arith.index_cast %get3A_482 : i32 to index
        %get3A_488 = arith.constant 96 : index
        %get3A_489 = tpu.vector_load %get3A_486[%get3A_487, %get3A_488] {strides = array<i32>} : memref<8x128xf32, #tpu.memory_space<vmem>>, vector<1x16xf32>,
        %get3A_490 = vector.shape_cast %get3A_489 : vector<1x16xf32> to vector<16xf32>
        %get3A_491 = arith.constant 1 : i32
        %get3A_492 = arith.constant 0 : i32
        %get3A_493 = arith.constant 0 : i32
        %get3A_494 = tpu.memref_slice %run_scoped3A_8[%rem3A_352, %get3A_492, %get3A_493] : memref<2x8x128xf32, #tpu.memory_space<vmem>> -> memref<1x8x128xf32, #tpu.memory_space<vmem>>
        %get3A_495 = tpu.memref_squeeze %get3A_494 : memref<1x8x128xf32, #tpu.memory_space<vmem>> -> memref<8x128xf32, #tpu.memory_space<vmem>>
        %get3A_496 = arith.index_cast %get3A_491 : i32 to index
        %get3A_497 = arith.constant 112 : index
        %get3A_498 = tpu.vector_load %get3A_495[%get3A_496, %get3A_497] {strides = array<i32>} : memref<8x128xf32, #tpu.memory_space<vmem>>, vector<1x16xf32>,
        %get3A_499 = vector.shape_cast %get3A_498 : vector<1x16xf32> to vector<16xf32>
        %parallel_loop3A_500 = arith.constant 0 : i32
        %parallel_loop3A_501 = arith.constant 2048 : i32
        %parallel_loop3A_502 = arith.constant 128 : i32
        scf.for %parallel_loop3A_1064 = %parallel_loop3A_500 to %parallel_loop3A_501 step %parallel_loop3A_502  : i32 {
          %parallel_loop3A_1065 = arith.constant 0 : i32
          %parallel_loop3A_1066 = arith.addi %parallel_loop3A_1064, %parallel_loop3A_1065 : i32
          %parallel_loop3A_1067 = arith.constant 1 : i32
          %parallel_loop3A_1068 = arith.constant 0 : i32
          %parallel_loop3A_1069 = arith.constant 0 : i32
          %parallel_loop3A_1070 = tpu.memref_slice %run_scoped3A[%rem3A_350, %parallel_loop3A_1068, %parallel_loop3A_1069] : memref<2x8x2048xf32, #tpu.memory_space<vmem>> -> memref<1x8x2048xf32, #tpu.memory_space<vmem>>
          %parallel_loop3A_1071 = tpu.memref_squeeze %parallel_loop3A_1070 : memref<1x8x2048xf32, #tpu.memory_space<vmem>> -> memref<8x2048xf32, #tpu.memory_space<vmem>>
          %parallel_loop3A_1072 = arith.index_cast %parallel_loop3A_1067 : i32 to index
          %parallel_loop3A_1073 = arith.index_cast %parallel_loop3A_1066 : i32 to index
          %parallel_loop3A_1074 = tpu.vector_load %parallel_loop3A_1071[%parallel_loop3A_1072, %parallel_loop3A_1073] {strides = array<i32>} : memref<8x2048xf32, #tpu.memory_space<vmem>>, vector<1x16xf32>,
          %parallel_loop3A_1075 = vector.shape_cast %parallel_loop3A_1074 : vector<1x16xf32> to vector<16xf32>
          %parallel_loop3A_1076 = arith.addf %parallel_loop3A_1075, %get3A_436 : vector<16xf32>
          %parallel_loop3A_1077 = arith.constant 1 : i32
          %parallel_loop3A_1078 = arith.constant 0 : i32
          %parallel_loop3A_1079 = arith.constant 0 : i32
          %parallel_loop3A_1080 = tpu.memref_slice %run_scoped3A_10[%rem3A_354, %parallel_loop3A_1078, %parallel_loop3A_1079] : memref<2x8x2048xf32, #tpu.memory_space<vmem>> -> memref<1x8x2048xf32, #tpu.memory_space<vmem>>
          %parallel_loop3A_1081 = tpu.memref_squeeze %parallel_loop3A_1080 : memref<1x8x2048xf32, #tpu.memory_space<vmem>> -> memref<8x2048xf32, #tpu.memory_space<vmem>>
          %parallel_loop3A_1082 = arith.index_cast %parallel_loop3A_1077 : i32 to index
          %parallel_loop3A_1083 = arith.index_cast %parallel_loop3A_1066 : i32 to index
          %parallel_loop3A_1084 = tpu.vector_load %parallel_loop3A_1081[%parallel_loop3A_1082, %parallel_loop3A_1083] {strides = array<i32>} : memref<8x2048xf32, #tpu.memory_space<vmem>>, vector<1x16xf32>,
          %parallel_loop3A_1085 = vector.shape_cast %parallel_loop3A_1084 : vector<1x16xf32> to vector<16xf32>
          %parallel_loop3A_1086 = vector.shape_cast %parallel_loop3A_1076 : vector<16xf32> to vector<1x16xf32>
          tpu.vector_store %parallel_loop3A_1081[%parallel_loop3A_1082, %parallel_loop3A_1083], %parallel_loop3A_1086 {strides = array<i32>} : memref<8x2048xf32, #tpu.memory_space<vmem>>, vector<1x16xf32>,
          %parallel_loop3A_1087 = arith.constant 16 : i32
          %parallel_loop3A_1088 = arith.addi %parallel_loop3A_1064, %parallel_loop3A_1087 : i32
          %parallel_loop3A_1089 = arith.constant 1 : i32
          %parallel_loop3A_1090 = arith.constant 0 : i32
          %parallel_loop3A_1091 = arith.constant 0 : i32
          %parallel_loop3A_1092 = tpu.memref_slice %run_scoped3A[%rem3A_350, %parallel_loop3A_1090, %parallel_loop3A_1091] : memref<2x8x2048xf32, #tpu.memory_space<vmem>> -> memref<1x8x2048xf32, #tpu.memory_space<vmem>>
          %parallel_loop3A_1093 = tpu.memref_squeeze %parallel_loop3A_1092 : memref<1x8x2048xf32, #tpu.memory_space<vmem>> -> memref<8x2048xf32, #tpu.memory_space<vmem>>
          %parallel_loop3A_1094 = arith.index_cast %parallel_loop3A_1089 : i32 to index
          %parallel_loop3A_1095 = arith.index_cast %parallel_loop3A_1088 : i32 to index
          %parallel_loop3A_1096 = tpu.vector_load %parallel_loop3A_1093[%parallel_loop3A_1094, %parallel_loop3A_1095] {strides = array<i32>} : memref<8x2048xf32, #tpu.memory_space<vmem>>, vector<1x16xf32>,
          %parallel_loop3A_1097 = vector.shape_cast %parallel_loop3A_1096 : vector<1x16xf32> to vector<16xf32>
          %parallel_loop3A_1098 = arith.addf %parallel_loop3A_1097, %get3A_445 : vector<16xf32>
          %parallel_loop3A_1099 = arith.constant 1 : i32
          %parallel_loop3A_1100 = arith.constant 0 : i32
          %parallel_loop3A_1101 = arith.constant 0 : i32
          %parallel_loop3A_1102 = tpu.memref_slice %run_scoped3A_10[%rem3A_354, %parallel_loop3A_1100, %parallel_loop3A_1101] : memref<2x8x2048xf32, #tpu.memory_space<vmem>> -> memref<1x8x2048xf32, #tpu.memory_space<vmem>>
          %parallel_loop3A_1103 = tpu.memref_squeeze %parallel_loop3A_1102 : memref<1x8x2048xf32, #tpu.memory_space<vmem>> -> memref<8x2048xf32, #tpu.memory_space<vmem>>
          %parallel_loop3A_1104 = arith.index_cast %parallel_loop3A_1099 : i32 to index
          %parallel_loop3A_1105 = arith.index_cast %parallel_loop3A_1088 : i32 to index
          %parallel_loop3A_1106 = tpu.vector_load %parallel_loop3A_1103[%parallel_loop3A_1104, %parallel_loop3A_1105] {strides = array<i32>} : memref<8x2048xf32, #tpu.memory_space<vmem>>, vector<1x16xf32>,
          %parallel_loop3A_1107 = vector.shape_cast %parallel_loop3A_1106 : vector<1x16xf32> to vector<16xf32>
          %parallel_loop3A_1108 = vector.shape_cast %parallel_loop3A_1098 : vector<16xf32> to vector<1x16xf32>
          tpu.vector_store %parallel_loop3A_1103[%parallel_loop3A_1104, %parallel_loop3A_1105], %parallel_loop3A_1108 {strides = array<i32>} : memref<8x2048xf32, #tpu.memory_space<vmem>>, vector<1x16xf32>,
          %parallel_loop3A_1109 = arith.constant 32 : i32
          %parallel_loop3A_1110 = arith.addi %parallel_loop3A_1064, %parallel_loop3A_1109 : i32
          %parallel_loop3A_1111 = arith.constant 1 : i32
          %parallel_loop3A_1112 = arith.constant 0 : i32
          %parallel_loop3A_1113 = arith.constant 0 : i32
          %parallel_loop3A_1114 = tpu.memref_slice %run_scoped3A[%rem3A_350, %parallel_loop3A_1112, %parallel_loop3A_1113] : memref<2x8x2048xf32, #tpu.memory_space<vmem>> -> memref<1x8x2048xf32, #tpu.memory_space<vmem>>
          %parallel_loop3A_1115 = tpu.memref_squeeze %parallel_loop3A_1114 : memref<1x8x2048xf32, #tpu.memory_space<vmem>> -> memref<8x2048xf32, #tpu.memory_space<vmem>>
          %parallel_loop3A_1116 = arith.index_cast %parallel_loop3A_1111 : i32 to index
          %parallel_loop3A_1117 = arith.index_cast %parallel_loop3A_1110 : i32 to index
          %parallel_loop3A_1118 = tpu.vector_load %parallel_loop3A_1115[%parallel_loop3A_1116, %parallel_loop3A_1117] {strides = array<i32>} : memref<8x2048xf32, #tpu.memory_space<vmem>>, vector<1x16xf32>,
          %parallel_loop3A_1119 = vector.shape_cast %parallel_loop3A_1118 : vector<1x16xf32> to vector<16xf32>
          %parallel_loop3A_1120 = arith.addf %parallel_loop3A_1119, %get3A_454 : vector<16xf32>
          %parallel_loop3A_1121 = arith.constant 1 : i32
          %parallel_loop3A_1122 = arith.constant 0 : i32
          %parallel_loop3A_1123 = arith.constant 0 : i32
          %parallel_loop3A_1124 = tpu.memref_slice %run_scoped3A_10[%rem3A_354, %parallel_loop3A_1122, %parallel_loop3A_1123] : memref<2x8x2048xf32, #tpu.memory_space<vmem>> -> memref<1x8x2048xf32, #tpu.memory_space<vmem>>
          %parallel_loop3A_1125 = tpu.memref_squeeze %parallel_loop3A_1124 : memref<1x8x2048xf32, #tpu.memory_space<vmem>> -> memref<8x2048xf32, #tpu.memory_space<vmem>>
          %parallel_loop3A_1126 = arith.index_cast %parallel_loop3A_1121 : i32 to index
          %parallel_loop3A_1127 = arith.index_cast %parallel_loop3A_1110 : i32 to index
          %parallel_loop3A_1128 = tpu.vector_load %parallel_loop3A_1125[%parallel_loop3A_1126, %parallel_loop3A_1127] {strides = array<i32>} : memref<8x2048xf32, #tpu.memory_space<vmem>>, vector<1x16xf32>,
          %parallel_loop3A_1129 = vector.shape_cast %parallel_loop3A_1128 : vector<1x16xf32> to vector<16xf32>
          %parallel_loop3A_1130 = vector.shape_cast %parallel_loop3A_1120 : vector<16xf32> to vector<1x16xf32>
          tpu.vector_store %parallel_loop3A_1125[%parallel_loop3A_1126, %parallel_loop3A_1127], %parallel_loop3A_1130 {strides = array<i32>} : memref<8x2048xf32, #tpu.memory_space<vmem>>, vector<1x16xf32>,
          %parallel_loop3A_1131 = arith.constant 48 : i32
          %parallel_loop3A_1132 = arith.addi %parallel_loop3A_1064, %parallel_loop3A_1131 : i32
          %parallel_loop3A_1133 = arith.constant 1 : i32
          %parallel_loop3A_1134 = arith.constant 0 : i32
          %parallel_loop3A_1135 = arith.constant 0 : i32
          %parallel_loop3A_1136 = tpu.memref_slice %run_scoped3A[%rem3A_350, %parallel_loop3A_1134, %parallel_loop3A_1135] : memref<2x8x2048xf32, #tpu.memory_space<vmem>> -> memref<1x8x2048xf32, #tpu.memory_space<vmem>>
          %parallel_loop3A_1137 = tpu.memref_squeeze %parallel_loop3A_1136 : memref<1x8x2048xf32, #tpu.memory_space<vmem>> -> memref<8x2048xf32, #tpu.memory_space<vmem>>
          %parallel_loop3A_1138 = arith.index_cast %parallel_loop3A_1133 : i32 to index
          %parallel_loop3A_1139 = arith.index_cast %parallel_loop3A_1132 : i32 to index
          %parallel_loop3A_1140 = tpu.vector_load %parallel_loop3A_1137[%parallel_loop3A_1138, %parallel_loop3A_1139] {strides = array<i32>} : memref<8x2048xf32, #tpu.memory_space<vmem>>, vector<1x16xf32>,
          %parallel_loop3A_1141 = vector.shape_cast %parallel_loop3A_1140 : vector<1x16xf32> to vector<16xf32>
          %parallel_loop3A_1142 = arith.addf %parallel_loop3A_1141, %get3A_463 : vector<16xf32>
          %parallel_loop3A_1143 = arith.constant 1 : i32
          %parallel_loop3A_1144 = arith.constant 0 : i32
          %parallel_loop3A_1145 = arith.constant 0 : i32
          %parallel_loop3A_1146 = tpu.memref_slice %run_scoped3A_10[%rem3A_354, %parallel_loop3A_1144, %parallel_loop3A_1145] : memref<2x8x2048xf32, #tpu.memory_space<vmem>> -> memref<1x8x2048xf32, #tpu.memory_space<vmem>>
          %parallel_loop3A_1147 = tpu.memref_squeeze %parallel_loop3A_1146 : memref<1x8x2048xf32, #tpu.memory_space<vmem>> -> memref<8x2048xf32, #tpu.memory_space<vmem>>
          %parallel_loop3A_1148 = arith.index_cast %parallel_loop3A_1143 : i32 to index
          %parallel_loop3A_1149 = arith.index_cast %parallel_loop3A_1132 : i32 to index
          %parallel_loop3A_1150 = tpu.vector_load %parallel_loop3A_1147[%parallel_loop3A_1148, %parallel_loop3A_1149] {strides = array<i32>} : memref<8x2048xf32, #tpu.memory_space<vmem>>, vector<1x16xf32>,
          %parallel_loop3A_1151 = vector.shape_cast %parallel_loop3A_1150 : vector<1x16xf32> to vector<16xf32>
          %parallel_loop3A_1152 = vector.shape_cast %parallel_loop3A_1142 : vector<16xf32> to vector<1x16xf32>
          tpu.vector_store %parallel_loop3A_1147[%parallel_loop3A_1148, %parallel_loop3A_1149], %parallel_loop3A_1152 {strides = array<i32>} : memref<8x2048xf32, #tpu.memory_space<vmem>>, vector<1x16xf32>,
          %parallel_loop3A_1153 = arith.constant 64 : i32
          %parallel_loop3A_1154 = arith.addi %parallel_loop3A_1064, %parallel_loop3A_1153 : i32
          %parallel_loop3A_1155 = arith.constant 1 : i32
          %parallel_loop3A_1156 = arith.constant 0 : i32
          %parallel_loop3A_1157 = arith.constant 0 : i32
          %parallel_loop3A_1158 = tpu.memref_slice %run_scoped3A[%rem3A_350, %parallel_loop3A_1156, %parallel_loop3A_1157] : memref<2x8x2048xf32, #tpu.memory_space<vmem>> -> memref<1x8x2048xf32, #tpu.memory_space<vmem>>
          %parallel_loop3A_1159 = tpu.memref_squeeze %parallel_loop3A_1158 : memref<1x8x2048xf32, #tpu.memory_space<vmem>> -> memref<8x2048xf32, #tpu.memory_space<vmem>>
          %parallel_loop3A_1160 = arith.index_cast %parallel_loop3A_1155 : i32 to index
          %parallel_loop3A_1161 = arith.index_cast %parallel_loop3A_1154 : i32 to index
          %parallel_loop3A_1162 = tpu.vector_load %parallel_loop3A_1159[%parallel_loop3A_1160, %parallel_loop3A_1161] {strides = array<i32>} : memref<8x2048xf32, #tpu.memory_space<vmem>>, vector<1x16xf32>,
          %parallel_loop3A_1163 = vector.shape_cast %parallel_loop3A_1162 : vector<1x16xf32> to vector<16xf32>
          %parallel_loop3A_1164 = arith.addf %parallel_loop3A_1163, %get3A_472 : vector<16xf32>
          %parallel_loop3A_1165 = arith.constant 1 : i32
          %parallel_loop3A_1166 = arith.constant 0 : i32
          %parallel_loop3A_1167 = arith.constant 0 : i32
          %parallel_loop3A_1168 = tpu.memref_slice %run_scoped3A_10[%rem3A_354, %parallel_loop3A_1166, %parallel_loop3A_1167] : memref<2x8x2048xf32, #tpu.memory_space<vmem>> -> memref<1x8x2048xf32, #tpu.memory_space<vmem>>
          %parallel_loop3A_1169 = tpu.memref_squeeze %parallel_loop3A_1168 : memref<1x8x2048xf32, #tpu.memory_space<vmem>> -> memref<8x2048xf32, #tpu.memory_space<vmem>>
          %parallel_loop3A_1170 = arith.index_cast %parallel_loop3A_1165 : i32 to index
          %parallel_loop3A_1171 = arith.index_cast %parallel_loop3A_1154 : i32 to index
          %parallel_loop3A_1172 = tpu.vector_load %parallel_loop3A_1169[%parallel_loop3A_1170, %parallel_loop3A_1171] {strides = array<i32>} : memref<8x2048xf32, #tpu.memory_space<vmem>>, vector<1x16xf32>,
          %parallel_loop3A_1173 = vector.shape_cast %parallel_loop3A_1172 : vector<1x16xf32> to vector<16xf32>
          %parallel_loop3A_1174 = vector.shape_cast %parallel_loop3A_1164 : vector<16xf32> to vector<1x16xf32>
          tpu.vector_store %parallel_loop3A_1169[%parallel_loop3A_1170, %parallel_loop3A_1171], %parallel_loop3A_1174 {strides = array<i32>} : memref<8x2048xf32, #tpu.memory_space<vmem>>, vector<1x16xf32>,
          %parallel_loop3A_1175 = arith.constant 80 : i32
          %parallel_loop3A_1176 = arith.addi %parallel_loop3A_1064, %parallel_loop3A_1175 : i32
          %parallel_loop3A_1177 = arith.constant 1 : i32
          %parallel_loop3A_1178 = arith.constant 0 : i32
          %parallel_loop3A_1179 = arith.constant 0 : i32
          %parallel_loop3A_1180 = tpu.memref_slice %run_scoped3A[%rem3A_350, %parallel_loop3A_1178, %parallel_loop3A_1179] : memref<2x8x2048xf32, #tpu.memory_space<vmem>> -> memref<1x8x2048xf32, #tpu.memory_space<vmem>>
          %parallel_loop3A_1181 = tpu.memref_squeeze %parallel_loop3A_1180 : memref<1x8x2048xf32, #tpu.memory_space<vmem>> -> memref<8x2048xf32, #tpu.memory_space<vmem>>
          %parallel_loop3A_1182 = arith.index_cast %parallel_loop3A_1177 : i32 to index
          %parallel_loop3A_1183 = arith.index_cast %parallel_loop3A_1176 : i32 to index
          %parallel_loop3A_1184 = tpu.vector_load %parallel_loop3A_1181[%parallel_loop3A_1182, %parallel_loop3A_1183] {strides = array<i32>} : memref<8x2048xf32, #tpu.memory_space<vmem>>, vector<1x16xf32>,
          %parallel_loop3A_1185 = vector.shape_cast %parallel_loop3A_1184 : vector<1x16xf32> to vector<16xf32>
          %parallel_loop3A_1186 = arith.addf %parallel_loop3A_1185, %get3A_481 : vector<16xf32>
          %parallel_loop3A_1187 = arith.constant 1 : i32
          %parallel_loop3A_1188 = arith.constant 0 : i32
          %parallel_loop3A_1189 = arith.constant 0 : i32
          %parallel_loop3A_1190 = tpu.memref_slice %run_scoped3A_10[%rem3A_354, %parallel_loop3A_1188, %parallel_loop3A_1189] : memref<2x8x2048xf32, #tpu.memory_space<vmem>> -> memref<1x8x2048xf32, #tpu.memory_space<vmem>>
          %parallel_loop3A_1191 = tpu.memref_squeeze %parallel_loop3A_1190 : memref<1x8x2048xf32, #tpu.memory_space<vmem>> -> memref<8x2048xf32, #tpu.memory_space<vmem>>
          %parallel_loop3A_1192 = arith.index_cast %parallel_loop3A_1187 : i32 to index
          %parallel_loop3A_1193 = arith.index_cast %parallel_loop3A_1176 : i32 to index
          %parallel_loop3A_1194 = tpu.vector_load %parallel_loop3A_1191[%parallel_loop3A_1192, %parallel_loop3A_1193] {strides = array<i32>} : memref<8x2048xf32, #tpu.memory_space<vmem>>, vector<1x16xf32>,
          %parallel_loop3A_1195 = vector.shape_cast %parallel_loop3A_1194 : vector<1x16xf32> to vector<16xf32>
          %parallel_loop3A_1196 = vector.shape_cast %parallel_loop3A_1186 : vector<16xf32> to vector<1x16xf32>
          tpu.vector_store %parallel_loop3A_1191[%parallel_loop3A_1192, %parallel_loop3A_1193], %parallel_loop3A_1196 {strides = array<i32>} : memref<8x2048xf32, #tpu.memory_space<vmem>>, vector<1x16xf32>,
          %parallel_loop3A_1197 = arith.constant 96 : i32
          %parallel_loop3A_1198 = arith.addi %parallel_loop3A_1064, %parallel_loop3A_1197 : i32
          %parallel_loop3A_1199 = arith.constant 1 : i32
          %parallel_loop3A_1200 = arith.constant 0 : i32
          %parallel_loop3A_1201 = arith.constant 0 : i32
          %parallel_loop3A_1202 = tpu.memref_slice %run_scoped3A[%rem3A_350, %parallel_loop3A_1200, %parallel_loop3A_1201] : memref<2x8x2048xf32, #tpu.memory_space<vmem>> -> memref<1x8x2048xf32, #tpu.memory_space<vmem>>
          %parallel_loop3A_1203 = tpu.memref_squeeze %parallel_loop3A_1202 : memref<1x8x2048xf32, #tpu.memory_space<vmem>> -> memref<8x2048xf32, #tpu.memory_space<vmem>>
          %parallel_loop3A_1204 = arith.index_cast %parallel_loop3A_1199 : i32 to index
          %parallel_loop3A_1205 = arith.index_cast %parallel_loop3A_1198 : i32 to index
          %parallel_loop3A_1206 = tpu.vector_load %parallel_loop3A_1203[%parallel_loop3A_1204, %parallel_loop3A_1205] {strides = array<i32>} : memref<8x2048xf32, #tpu.memory_space<vmem>>, vector<1x16xf32>,
          %parallel_loop3A_1207 = vector.shape_cast %parallel_loop3A_1206 : vector<1x16xf32> to vector<16xf32>
          %parallel_loop3A_1208 = arith.addf %parallel_loop3A_1207, %get3A_490 : vector<16xf32>
          %parallel_loop3A_1209 = arith.constant 1 : i32
          %parallel_loop3A_1210 = arith.constant 0 : i32
          %parallel_loop3A_1211 = arith.constant 0 : i32
          %parallel_loop3A_1212 = tpu.memref_slice %run_scoped3A_10[%rem3A_354, %parallel_loop3A_1210, %parallel_loop3A_1211] : memref<2x8x2048xf32, #tpu.memory_space<vmem>> -> memref<1x8x2048xf32, #tpu.memory_space<vmem>>
          %parallel_loop3A_1213 = tpu.memref_squeeze %parallel_loop3A_1212 : memref<1x8x2048xf32, #tpu.memory_space<vmem>> -> memref<8x2048xf32, #tpu.memory_space<vmem>>
          %parallel_loop3A_1214 = arith.index_cast %parallel_loop3A_1209 : i32 to index
          %parallel_loop3A_1215 = arith.index_cast %parallel_loop3A_1198 : i32 to index
          %parallel_loop3A_1216 = tpu.vector_load %parallel_loop3A_1213[%parallel_loop3A_1214, %parallel_loop3A_1215] {strides = array<i32>} : memref<8x2048xf32, #tpu.memory_space<vmem>>, vector<1x16xf32>,
          %parallel_loop3A_1217 = vector.shape_cast %parallel_loop3A_1216 : vector<1x16xf32> to vector<16xf32>
          %parallel_loop3A_1218 = vector.shape_cast %parallel_loop3A_1208 : vector<16xf32> to vector<1x16xf32>
          tpu.vector_store %parallel_loop3A_1213[%parallel_loop3A_1214, %parallel_loop3A_1215], %parallel_loop3A_1218 {strides = array<i32>} : memref<8x2048xf32, #tpu.memory_space<vmem>>, vector<1x16xf32>,
          %parallel_loop3A_1219 = arith.constant 112 : i32
          %parallel_loop3A_1220 = arith.addi %parallel_loop3A_1064, %parallel_loop3A_1219 : i32
          %parallel_loop3A_1221 = arith.constant 1 : i32
          %parallel_loop3A_1222 = arith.constant 0 : i32
          %parallel_loop3A_1223 = arith.constant 0 : i32
          %parallel_loop3A_1224 = tpu.memref_slice %run_scoped3A[%rem3A_350, %parallel_loop3A_1222, %parallel_loop3A_1223] : memref<2x8x2048xf32, #tpu.memory_space<vmem>> -> memref<1x8x2048xf32, #tpu.memory_space<vmem>>
          %parallel_loop3A_1225 = tpu.memref_squeeze %parallel_loop3A_1224 : memref<1x8x2048xf32, #tpu.memory_space<vmem>> -> memref<8x2048xf32, #tpu.memory_space<vmem>>
          %parallel_loop3A_1226 = arith.index_cast %parallel_loop3A_1221 : i32 to index
          %parallel_loop3A_1227 = arith.index_cast %parallel_loop3A_1220 : i32 to index
          %parallel_loop3A_1228 = tpu.vector_load %parallel_loop3A_1225[%parallel_loop3A_1226, %parallel_loop3A_1227] {strides = array<i32>} : memref<8x2048xf32, #tpu.memory_space<vmem>>, vector<1x16xf32>,
          %parallel_loop3A_1229 = vector.shape_cast %parallel_loop3A_1228 : vector<1x16xf32> to vector<16xf32>
          %parallel_loop3A_1230 = arith.addf %parallel_loop3A_1229, %get3A_499 : vector<16xf32>
          %parallel_loop3A_1231 = arith.constant 1 : i32
          %parallel_loop3A_1232 = arith.constant 0 : i32
          %parallel_loop3A_1233 = arith.constant 0 : i32
          %parallel_loop3A_1234 = tpu.memref_slice %run_scoped3A_10[%rem3A_354, %parallel_loop3A_1232, %parallel_loop3A_1233] : memref<2x8x2048xf32, #tpu.memory_space<vmem>> -> memref<1x8x2048xf32, #tpu.memory_space<vmem>>
          %parallel_loop3A_1235 = tpu.memref_squeeze %parallel_loop3A_1234 : memref<1x8x2048xf32, #tpu.memory_space<vmem>> -> memref<8x2048xf32, #tpu.memory_space<vmem>>
          %parallel_loop3A_1236 = arith.index_cast %parallel_loop3A_1231 : i32 to index
          %parallel_loop3A_1237 = arith.index_cast %parallel_loop3A_1220 : i32 to index
          %parallel_loop3A_1238 = tpu.vector_load %parallel_loop3A_1235[%parallel_loop3A_1236, %parallel_loop3A_1237] {strides = array<i32>} : memref<8x2048xf32, #tpu.memory_space<vmem>>, vector<1x16xf32>,
          %parallel_loop3A_1239 = vector.shape_cast %parallel_loop3A_1238 : vector<1x16xf32> to vector<16xf32>
          %parallel_loop3A_1240 = vector.shape_cast %parallel_loop3A_1230 : vector<16xf32> to vector<1x16xf32>
          tpu.vector_store %parallel_loop3A_1235[%parallel_loop3A_1236, %parallel_loop3A_1237], %parallel_loop3A_1240 {strides = array<i32>} : memref<8x2048xf32, #tpu.memory_space<vmem>>, vector<1x16xf32>,
        } {sc.loop_unroll_factor = 2 : i64, sc.parallel_access}
        %get3A_503 = arith.constant 2 : i32
        %get3A_504 = arith.constant 0 : i32
        %get3A_505 = arith.constant 0 : i32
        %get3A_506 = tpu.memref_slice %run_scoped3A_8[%rem3A_352, %get3A_504, %get3A_505] : memref<2x8x128xf32, #tpu.memory_space<vmem>> -> memref<1x8x128xf32, #tpu.memory_space<vmem>>
        %get3A_507 = tpu.memref_squeeze %get3A_506 : memref<1x8x128xf32, #tpu.memory_space<vmem>> -> memref<8x128xf32, #tpu.memory_space<vmem>>
        %get3A_508 = arith.index_cast %get3A_503 : i32 to index
        %get3A_509 = arith.constant 0 : index
        %get3A_510 = tpu.vector_load %get3A_507[%get3A_508, %get3A_509] {strides = array<i32>} : memref<8x128xf32, #tpu.memory_space<vmem>>, vector<1x16xf32>,
        %get3A_511 = vector.shape_cast %get3A_510 : vector<1x16xf32> to vector<16xf32>
        %get3A_512 = arith.constant 2 : i32
        %get3A_513 = arith.constant 0 : i32
        %get3A_514 = arith.constant 0 : i32
        %get3A_515 = tpu.memref_slice %run_scoped3A_8[%rem3A_352, %get3A_513, %get3A_514] : memref<2x8x128xf32, #tpu.memory_space<vmem>> -> memref<1x8x128xf32, #tpu.memory_space<vmem>>
        %get3A_516 = tpu.memref_squeeze %get3A_515 : memref<1x8x128xf32, #tpu.memory_space<vmem>> -> memref<8x128xf32, #tpu.memory_space<vmem>>
        %get3A_517 = arith.index_cast %get3A_512 : i32 to index
        %get3A_518 = arith.constant 16 : index
        %get3A_519 = tpu.vector_load %get3A_516[%get3A_517, %get3A_518] {strides = array<i32>} : memref<8x128xf32, #tpu.memory_space<vmem>>, vector<1x16xf32>,
        %get3A_520 = vector.shape_cast %get3A_519 : vector<1x16xf32> to vector<16xf32>
        %get3A_521 = arith.constant 2 : i32
        %get3A_522 = arith.constant 0 : i32
        %get3A_523 = arith.constant 0 : i32
        %get3A_524 = tpu.memref_slice %run_scoped3A_8[%rem3A_352, %get3A_522, %get3A_523] : memref<2x8x128xf32, #tpu.memory_space<vmem>> -> memref<1x8x128xf32, #tpu.memory_space<vmem>>
        %get3A_525 = tpu.memref_squeeze %get3A_524 : memref<1x8x128xf32, #tpu.memory_space<vmem>> -> memref<8x128xf32, #tpu.memory_space<vmem>>
        %get3A_526 = arith.index_cast %get3A_521 : i32 to index
        %get3A_527 = arith.constant 32 : index
        %get3A_528 = tpu.vector_load %get3A_525[%get3A_526, %get3A_527] {strides = array<i32>} : memref<8x128xf32, #tpu.memory_space<vmem>>, vector<1x16xf32>,
        %get3A_529 = vector.shape_cast %get3A_528 : vector<1x16xf32> to vector<16xf32>
        %get3A_530 = arith.constant 2 : i32
        %get3A_531 = arith.constant 0 : i32
        %get3A_532 = arith.constant 0 : i32
        %get3A_533 = tpu.memref_slice %run_scoped3A_8[%rem3A_352, %get3A_531, %get3A_532] : memref<2x8x128xf32, #tpu.memory_space<vmem>> -> memref<1x8x128xf32, #tpu.memory_space<vmem>>
        %get3A_534 = tpu.memref_squeeze %get3A_533 : memref<1x8x128xf32, #tpu.memory_space<vmem>> -> memref<8x128xf32, #tpu.memory_space<vmem>>
        %get3A_535 = arith.index_cast %get3A_530 : i32 to index
        %get3A_536 = arith.constant 48 : index
        %get3A_537 = tpu.vector_load %get3A_534[%get3A_535, %get3A_536] {strides = array<i32>} : memref<8x128xf32, #tpu.memory_space<vmem>>, vector<1x16xf32>,
        %get3A_538 = vector.shape_cast %get3A_537 : vector<1x16xf32> to vector<16xf32>
        %get3A_539 = arith.constant 2 : i32
        %get3A_540 = arith.constant 0 : i32
        %get3A_541 = arith.constant 0 : i32
        %get3A_542 = tpu.memref_slice %run_scoped3A_8[%rem3A_352, %get3A_540, %get3A_541] : memref<2x8x128xf32, #tpu.memory_space<vmem>> -> memref<1x8x128xf32, #tpu.memory_space<vmem>>
        %get3A_543 = tpu.memref_squeeze %get3A_542 : memref<1x8x128xf32, #tpu.memory_space<vmem>> -> memref<8x128xf32, #tpu.memory_space<vmem>>
        %get3A_544 = arith.index_cast %get3A_539 : i32 to index
        %get3A_545 = arith.constant 64 : index
        %get3A_546 = tpu.vector_load %get3A_543[%get3A_544, %get3A_545] {strides = array<i32>} : memref<8x128xf32, #tpu.memory_space<vmem>>, vector<1x16xf32>,
        %get3A_547 = vector.shape_cast %get3A_546 : vector<1x16xf32> to vector<16xf32>
        %get3A_548 = arith.constant 2 : i32
        %get3A_549 = arith.constant 0 : i32
        %get3A_550 = arith.constant 0 : i32
        %get3A_551 = tpu.memref_slice %run_scoped3A_8[%rem3A_352, %get3A_549, %get3A_550] : memref<2x8x128xf32, #tpu.memory_space<vmem>> -> memref<1x8x128xf32, #tpu.memory_space<vmem>>
        %get3A_552 = tpu.memref_squeeze %get3A_551 : memref<1x8x128xf32, #tpu.memory_space<vmem>> -> memref<8x128xf32, #tpu.memory_space<vmem>>
        %get3A_553 = arith.index_cast %get3A_548 : i32 to index
        %get3A_554 = arith.constant 80 : index
        %get3A_555 = tpu.vector_load %get3A_552[%get3A_553, %get3A_554] {strides = array<i32>} : memref<8x128xf32, #tpu.memory_space<vmem>>, vector<1x16xf32>,
        %get3A_556 = vector.shape_cast %get3A_555 : vector<1x16xf32> to vector<16xf32>
        %get3A_557 = arith.constant 2 : i32
        %get3A_558 = arith.constant 0 : i32
        %get3A_559 = arith.constant 0 : i32
        %get3A_560 = tpu.memref_slice %run_scoped3A_8[%rem3A_352, %get3A_558, %get3A_559] : memref<2x8x128xf32, #tpu.memory_space<vmem>> -> memref<1x8x128xf32, #tpu.memory_space<vmem>>
        %get3A_561 = tpu.memref_squeeze %get3A_560 : memref<1x8x128xf32, #tpu.memory_space<vmem>> -> memref<8x128xf32, #tpu.memory_space<vmem>>
        %get3A_562 = arith.index_cast %get3A_557 : i32 to index
        %get3A_563 = arith.constant 96 : index
        %get3A_564 = tpu.vector_load %get3A_561[%get3A_562, %get3A_563] {strides = array<i32>} : memref<8x128xf32, #tpu.memory_space<vmem>>, vector<1x16xf32>,
        %get3A_565 = vector.shape_cast %get3A_564 : vector<1x16xf32> to vector<16xf32>
        %get3A_566 = arith.constant 2 : i32
        %get3A_567 = arith.constant 0 : i32
        %get3A_568 = arith.constant 0 : i32
        %get3A_569 = tpu.memref_slice %run_scoped3A_8[%rem3A_352, %get3A_567, %get3A_568] : memref<2x8x128xf32, #tpu.memory_space<vmem>> -> memref<1x8x128xf32, #tpu.memory_space<vmem>>
        %get3A_570 = tpu.memref_squeeze %get3A_569 : memref<1x8x128xf32, #tpu.memory_space<vmem>> -> memref<8x128xf32, #tpu.memory_space<vmem>>
        %get3A_571 = arith.index_cast %get3A_566 : i32 to index
        %get3A_572 = arith.constant 112 : index
        %get3A_573 = tpu.vector_load %get3A_570[%get3A_571, %get3A_572] {strides = array<i32>} : memref<8x128xf32, #tpu.memory_space<vmem>>, vector<1x16xf32>,
        %get3A_574 = vector.shape_cast %get3A_573 : vector<1x16xf32> to vector<16xf32>
        %parallel_loop3A_575 = arith.constant 0 : i32
        %parallel_loop3A_576 = arith.constant 2048 : i32
        %parallel_loop3A_577 = arith.constant 128 : i32
        scf.for %parallel_loop3A_1064 = %parallel_loop3A_575 to %parallel_loop3A_576 step %parallel_loop3A_577  : i32 {
          %parallel_loop3A_1065 = arith.constant 0 : i32
          %parallel_loop3A_1066 = arith.addi %parallel_loop3A_1064, %parallel_loop3A_1065 : i32
          %parallel_loop3A_1067 = arith.constant 2 : i32
          %parallel_loop3A_1068 = arith.constant 0 : i32
          %parallel_loop3A_1069 = arith.constant 0 : i32
          %parallel_loop3A_1070 = tpu.memref_slice %run_scoped3A[%rem3A_350, %parallel_loop3A_1068, %parallel_loop3A_1069] : memref<2x8x2048xf32, #tpu.memory_space<vmem>> -> memref<1x8x2048xf32, #tpu.memory_space<vmem>>
          %parallel_loop3A_1071 = tpu.memref_squeeze %parallel_loop3A_1070 : memref<1x8x2048xf32, #tpu.memory_space<vmem>> -> memref<8x2048xf32, #tpu.memory_space<vmem>>
          %parallel_loop3A_1072 = arith.index_cast %parallel_loop3A_1067 : i32 to index
          %parallel_loop3A_1073 = arith.index_cast %parallel_loop3A_1066 : i32 to index
          %parallel_loop3A_1074 = tpu.vector_load %parallel_loop3A_1071[%parallel_loop3A_1072, %parallel_loop3A_1073] {strides = array<i32>} : memref<8x2048xf32, #tpu.memory_space<vmem>>, vector<1x16xf32>,
          %parallel_loop3A_1075 = vector.shape_cast %parallel_loop3A_1074 : vector<1x16xf32> to vector<16xf32>
          %parallel_loop3A_1076 = arith.addf %parallel_loop3A_1075, %get3A_511 : vector<16xf32>
          %parallel_loop3A_1077 = arith.constant 2 : i32
          %parallel_loop3A_1078 = arith.constant 0 : i32
          %parallel_loop3A_1079 = arith.constant 0 : i32
          %parallel_loop3A_1080 = tpu.memref_slice %run_scoped3A_10[%rem3A_354, %parallel_loop3A_1078, %parallel_loop3A_1079] : memref<2x8x2048xf32, #tpu.memory_space<vmem>> -> memref<1x8x2048xf32, #tpu.memory_space<vmem>>
          %parallel_loop3A_1081 = tpu.memref_squeeze %parallel_loop3A_1080 : memref<1x8x2048xf32, #tpu.memory_space<vmem>> -> memref<8x2048xf32, #tpu.memory_space<vmem>>
          %parallel_loop3A_1082 = arith.index_cast %parallel_loop3A_1077 : i32 to index
          %parallel_loop3A_1083 = arith.index_cast %parallel_loop3A_1066 : i32 to index
          %parallel_loop3A_1084 = tpu.vector_load %parallel_loop3A_1081[%parallel_loop3A_1082, %parallel_loop3A_1083] {strides = array<i32>} : memref<8x2048xf32, #tpu.memory_space<vmem>>, vector<1x16xf32>,
          %parallel_loop3A_1085 = vector.shape_cast %parallel_loop3A_1084 : vector<1x16xf32> to vector<16xf32>
          %parallel_loop3A_1086 = vector.shape_cast %parallel_loop3A_1076 : vector<16xf32> to vector<1x16xf32>
          tpu.vector_store %parallel_loop3A_1081[%parallel_loop3A_1082, %parallel_loop3A_1083], %parallel_loop3A_1086 {strides = array<i32>} : memref<8x2048xf32, #tpu.memory_space<vmem>>, vector<1x16xf32>,
          %parallel_loop3A_1087 = arith.constant 16 : i32
          %parallel_loop3A_1088 = arith.addi %parallel_loop3A_1064, %parallel_loop3A_1087 : i32
          %parallel_loop3A_1089 = arith.constant 2 : i32
          %parallel_loop3A_1090 = arith.constant 0 : i32
          %parallel_loop3A_1091 = arith.constant 0 : i32
          %parallel_loop3A_1092 = tpu.memref_slice %run_scoped3A[%rem3A_350, %parallel_loop3A_1090, %parallel_loop3A_1091] : memref<2x8x2048xf32, #tpu.memory_space<vmem>> -> memref<1x8x2048xf32, #tpu.memory_space<vmem>>
          %parallel_loop3A_1093 = tpu.memref_squeeze %parallel_loop3A_1092 : memref<1x8x2048xf32, #tpu.memory_space<vmem>> -> memref<8x2048xf32, #tpu.memory_space<vmem>>
          %parallel_loop3A_1094 = arith.index_cast %parallel_loop3A_1089 : i32 to index
          %parallel_loop3A_1095 = arith.index_cast %parallel_loop3A_1088 : i32 to index
          %parallel_loop3A_1096 = tpu.vector_load %parallel_loop3A_1093[%parallel_loop3A_1094, %parallel_loop3A_1095] {strides = array<i32>} : memref<8x2048xf32, #tpu.memory_space<vmem>>, vector<1x16xf32>,
          %parallel_loop3A_1097 = vector.shape_cast %parallel_loop3A_1096 : vector<1x16xf32> to vector<16xf32>
          %parallel_loop3A_1098 = arith.addf %parallel_loop3A_1097, %get3A_520 : vector<16xf32>
          %parallel_loop3A_1099 = arith.constant 2 : i32
          %parallel_loop3A_1100 = arith.constant 0 : i32
          %parallel_loop3A_1101 = arith.constant 0 : i32
          %parallel_loop3A_1102 = tpu.memref_slice %run_scoped3A_10[%rem3A_354, %parallel_loop3A_1100, %parallel_loop3A_1101] : memref<2x8x2048xf32, #tpu.memory_space<vmem>> -> memref<1x8x2048xf32, #tpu.memory_space<vmem>>
          %parallel_loop3A_1103 = tpu.memref_squeeze %parallel_loop3A_1102 : memref<1x8x2048xf32, #tpu.memory_space<vmem>> -> memref<8x2048xf32, #tpu.memory_space<vmem>>
          %parallel_loop3A_1104 = arith.index_cast %parallel_loop3A_1099 : i32 to index
          %parallel_loop3A_1105 = arith.index_cast %parallel_loop3A_1088 : i32 to index
          %parallel_loop3A_1106 = tpu.vector_load %parallel_loop3A_1103[%parallel_loop3A_1104, %parallel_loop3A_1105] {strides = array<i32>} : memref<8x2048xf32, #tpu.memory_space<vmem>>, vector<1x16xf32>,
          %parallel_loop3A_1107 = vector.shape_cast %parallel_loop3A_1106 : vector<1x16xf32> to vector<16xf32>
          %parallel_loop3A_1108 = vector.shape_cast %parallel_loop3A_1098 : vector<16xf32> to vector<1x16xf32>
          tpu.vector_store %parallel_loop3A_1103[%parallel_loop3A_1104, %parallel_loop3A_1105], %parallel_loop3A_1108 {strides = array<i32>} : memref<8x2048xf32, #tpu.memory_space<vmem>>, vector<1x16xf32>,
          %parallel_loop3A_1109 = arith.constant 32 : i32
          %parallel_loop3A_1110 = arith.addi %parallel_loop3A_1064, %parallel_loop3A_1109 : i32
          %parallel_loop3A_1111 = arith.constant 2 : i32
          %parallel_loop3A_1112 = arith.constant 0 : i32
          %parallel_loop3A_1113 = arith.constant 0 : i32
          %parallel_loop3A_1114 = tpu.memref_slice %run_scoped3A[%rem3A_350, %parallel_loop3A_1112, %parallel_loop3A_1113] : memref<2x8x2048xf32, #tpu.memory_space<vmem>> -> memref<1x8x2048xf32, #tpu.memory_space<vmem>>
          %parallel_loop3A_1115 = tpu.memref_squeeze %parallel_loop3A_1114 : memref<1x8x2048xf32, #tpu.memory_space<vmem>> -> memref<8x2048xf32, #tpu.memory_space<vmem>>
          %parallel_loop3A_1116 = arith.index_cast %parallel_loop3A_1111 : i32 to index
          %parallel_loop3A_1117 = arith.index_cast %parallel_loop3A_1110 : i32 to index
          %parallel_loop3A_1118 = tpu.vector_load %parallel_loop3A_1115[%parallel_loop3A_1116, %parallel_loop3A_1117] {strides = array<i32>} : memref<8x2048xf32, #tpu.memory_space<vmem>>, vector<1x16xf32>,
          %parallel_loop3A_1119 = vector.shape_cast %parallel_loop3A_1118 : vector<1x16xf32> to vector<16xf32>
          %parallel_loop3A_1120 = arith.addf %parallel_loop3A_1119, %get3A_529 : vector<16xf32>
          %parallel_loop3A_1121 = arith.constant 2 : i32
          %parallel_loop3A_1122 = arith.constant 0 : i32
          %parallel_loop3A_1123 = arith.constant 0 : i32
          %parallel_loop3A_1124 = tpu.memref_slice %run_scoped3A_10[%rem3A_354, %parallel_loop3A_1122, %parallel_loop3A_1123] : memref<2x8x2048xf32, #tpu.memory_space<vmem>> -> memref<1x8x2048xf32, #tpu.memory_space<vmem>>
          %parallel_loop3A_1125 = tpu.memref_squeeze %parallel_loop3A_1124 : memref<1x8x2048xf32, #tpu.memory_space<vmem>> -> memref<8x2048xf32, #tpu.memory_space<vmem>>
          %parallel_loop3A_1126 = arith.index_cast %parallel_loop3A_1121 : i32 to index
          %parallel_loop3A_1127 = arith.index_cast %parallel_loop3A_1110 : i32 to index
          %parallel_loop3A_1128 = tpu.vector_load %parallel_loop3A_1125[%parallel_loop3A_1126, %parallel_loop3A_1127] {strides = array<i32>} : memref<8x2048xf32, #tpu.memory_space<vmem>>, vector<1x16xf32>,
          %parallel_loop3A_1129 = vector.shape_cast %parallel_loop3A_1128 : vector<1x16xf32> to vector<16xf32>
          %parallel_loop3A_1130 = vector.shape_cast %parallel_loop3A_1120 : vector<16xf32> to vector<1x16xf32>
          tpu.vector_store %parallel_loop3A_1125[%parallel_loop3A_1126, %parallel_loop3A_1127], %parallel_loop3A_1130 {strides = array<i32>} : memref<8x2048xf32, #tpu.memory_space<vmem>>, vector<1x16xf32>,
          %parallel_loop3A_1131 = arith.constant 48 : i32
          %parallel_loop3A_1132 = arith.addi %parallel_loop3A_1064, %parallel_loop3A_1131 : i32
          %parallel_loop3A_1133 = arith.constant 2 : i32
          %parallel_loop3A_1134 = arith.constant 0 : i32
          %parallel_loop3A_1135 = arith.constant 0 : i32
          %parallel_loop3A_1136 = tpu.memref_slice %run_scoped3A[%rem3A_350, %parallel_loop3A_1134, %parallel_loop3A_1135] : memref<2x8x2048xf32, #tpu.memory_space<vmem>> -> memref<1x8x2048xf32, #tpu.memory_space<vmem>>
          %parallel_loop3A_1137 = tpu.memref_squeeze %parallel_loop3A_1136 : memref<1x8x2048xf32, #tpu.memory_space<vmem>> -> memref<8x2048xf32, #tpu.memory_space<vmem>>
          %parallel_loop3A_1138 = arith.index_cast %parallel_loop3A_1133 : i32 to index
          %parallel_loop3A_1139 = arith.index_cast %parallel_loop3A_1132 : i32 to index
          %parallel_loop3A_1140 = tpu.vector_load %parallel_loop3A_1137[%parallel_loop3A_1138, %parallel_loop3A_1139] {strides = array<i32>} : memref<8x2048xf32, #tpu.memory_space<vmem>>, vector<1x16xf32>,
          %parallel_loop3A_1141 = vector.shape_cast %parallel_loop3A_1140 : vector<1x16xf32> to vector<16xf32>
          %parallel_loop3A_1142 = arith.addf %parallel_loop3A_1141, %get3A_538 : vector<16xf32>
          %parallel_loop3A_1143 = arith.constant 2 : i32
          %parallel_loop3A_1144 = arith.constant 0 : i32
          %parallel_loop3A_1145 = arith.constant 0 : i32
          %parallel_loop3A_1146 = tpu.memref_slice %run_scoped3A_10[%rem3A_354, %parallel_loop3A_1144, %parallel_loop3A_1145] : memref<2x8x2048xf32, #tpu.memory_space<vmem>> -> memref<1x8x2048xf32, #tpu.memory_space<vmem>>
          %parallel_loop3A_1147 = tpu.memref_squeeze %parallel_loop3A_1146 : memref<1x8x2048xf32, #tpu.memory_space<vmem>> -> memref<8x2048xf32, #tpu.memory_space<vmem>>
          %parallel_loop3A_1148 = arith.index_cast %parallel_loop3A_1143 : i32 to index
          %parallel_loop3A_1149 = arith.index_cast %parallel_loop3A_1132 : i32 to index
          %parallel_loop3A_1150 = tpu.vector_load %parallel_loop3A_1147[%parallel_loop3A_1148, %parallel_loop3A_1149] {strides = array<i32>} : memref<8x2048xf32, #tpu.memory_space<vmem>>, vector<1x16xf32>,
          %parallel_loop3A_1151 = vector.shape_cast %parallel_loop3A_1150 : vector<1x16xf32> to vector<16xf32>
          %parallel_loop3A_1152 = vector.shape_cast %parallel_loop3A_1142 : vector<16xf32> to vector<1x16xf32>
          tpu.vector_store %parallel_loop3A_1147[%parallel_loop3A_1148, %parallel_loop3A_1149], %parallel_loop3A_1152 {strides = array<i32>} : memref<8x2048xf32, #tpu.memory_space<vmem>>, vector<1x16xf32>,
          %parallel_loop3A_1153 = arith.constant 64 : i32
          %parallel_loop3A_1154 = arith.addi %parallel_loop3A_1064, %parallel_loop3A_1153 : i32
          %parallel_loop3A_1155 = arith.constant 2 : i32
          %parallel_loop3A_1156 = arith.constant 0 : i32
          %parallel_loop3A_1157 = arith.constant 0 : i32
          %parallel_loop3A_1158 = tpu.memref_slice %run_scoped3A[%rem3A_350, %parallel_loop3A_1156, %parallel_loop3A_1157] : memref<2x8x2048xf32, #tpu.memory_space<vmem>> -> memref<1x8x2048xf32, #tpu.memory_space<vmem>>
          %parallel_loop3A_1159 = tpu.memref_squeeze %parallel_loop3A_1158 : memref<1x8x2048xf32, #tpu.memory_space<vmem>> -> memref<8x2048xf32, #tpu.memory_space<vmem>>
          %parallel_loop3A_1160 = arith.index_cast %parallel_loop3A_1155 : i32 to index
          %parallel_loop3A_1161 = arith.index_cast %parallel_loop3A_1154 : i32 to index
          %parallel_loop3A_1162 = tpu.vector_load %parallel_loop3A_1159[%parallel_loop3A_1160, %parallel_loop3A_1161] {strides = array<i32>} : memref<8x2048xf32, #tpu.memory_space<vmem>>, vector<1x16xf32>,
          %parallel_loop3A_1163 = vector.shape_cast %parallel_loop3A_1162 : vector<1x16xf32> to vector<16xf32>
          %parallel_loop3A_1164 = arith.addf %parallel_loop3A_1163, %get3A_547 : vector<16xf32>
          %parallel_loop3A_1165 = arith.constant 2 : i32
          %parallel_loop3A_1166 = arith.constant 0 : i32
          %parallel_loop3A_1167 = arith.constant 0 : i32
          %parallel_loop3A_1168 = tpu.memref_slice %run_scoped3A_10[%rem3A_354, %parallel_loop3A_1166, %parallel_loop3A_1167] : memref<2x8x2048xf32, #tpu.memory_space<vmem>> -> memref<1x8x2048xf32, #tpu.memory_space<vmem>>
          %parallel_loop3A_1169 = tpu.memref_squeeze %parallel_loop3A_1168 : memref<1x8x2048xf32, #tpu.memory_space<vmem>> -> memref<8x2048xf32, #tpu.memory_space<vmem>>
          %parallel_loop3A_1170 = arith.index_cast %parallel_loop3A_1165 : i32 to index
          %parallel_loop3A_1171 = arith.index_cast %parallel_loop3A_1154 : i32 to index
          %parallel_loop3A_1172 = tpu.vector_load %parallel_loop3A_1169[%parallel_loop3A_1170, %parallel_loop3A_1171] {strides = array<i32>} : memref<8x2048xf32, #tpu.memory_space<vmem>>, vector<1x16xf32>,
          %parallel_loop3A_1173 = vector.shape_cast %parallel_loop3A_1172 : vector<1x16xf32> to vector<16xf32>
          %parallel_loop3A_1174 = vector.shape_cast %parallel_loop3A_1164 : vector<16xf32> to vector<1x16xf32>
          tpu.vector_store %parallel_loop3A_1169[%parallel_loop3A_1170, %parallel_loop3A_1171], %parallel_loop3A_1174 {strides = array<i32>} : memref<8x2048xf32, #tpu.memory_space<vmem>>, vector<1x16xf32>,
          %parallel_loop3A_1175 = arith.constant 80 : i32
          %parallel_loop3A_1176 = arith.addi %parallel_loop3A_1064, %parallel_loop3A_1175 : i32
          %parallel_loop3A_1177 = arith.constant 2 : i32
          %parallel_loop3A_1178 = arith.constant 0 : i32
          %parallel_loop3A_1179 = arith.constant 0 : i32
          %parallel_loop3A_1180 = tpu.memref_slice %run_scoped3A[%rem3A_350, %parallel_loop3A_1178, %parallel_loop3A_1179] : memref<2x8x2048xf32, #tpu.memory_space<vmem>> -> memref<1x8x2048xf32, #tpu.memory_space<vmem>>
          %parallel_loop3A_1181 = tpu.memref_squeeze %parallel_loop3A_1180 : memref<1x8x2048xf32, #tpu.memory_space<vmem>> -> memref<8x2048xf32, #tpu.memory_space<vmem>>
          %parallel_loop3A_1182 = arith.index_cast %parallel_loop3A_1177 : i32 to index
          %parallel_loop3A_1183 = arith.index_cast %parallel_loop3A_1176 : i32 to index
          %parallel_loop3A_1184 = tpu.vector_load %parallel_loop3A_1181[%parallel_loop3A_1182, %parallel_loop3A_1183] {strides = array<i32>} : memref<8x2048xf32, #tpu.memory_space<vmem>>, vector<1x16xf32>,
          %parallel_loop3A_1185 = vector.shape_cast %parallel_loop3A_1184 : vector<1x16xf32> to vector<16xf32>
          %parallel_loop3A_1186 = arith.addf %parallel_loop3A_1185, %get3A_556 : vector<16xf32>
          %parallel_loop3A_1187 = arith.constant 2 : i32
          %parallel_loop3A_1188 = arith.constant 0 : i32
          %parallel_loop3A_1189 = arith.constant 0 : i32
          %parallel_loop3A_1190 = tpu.memref_slice %run_scoped3A_10[%rem3A_354, %parallel_loop3A_1188, %parallel_loop3A_1189] : memref<2x8x2048xf32, #tpu.memory_space<vmem>> -> memref<1x8x2048xf32, #tpu.memory_space<vmem>>
          %parallel_loop3A_1191 = tpu.memref_squeeze %parallel_loop3A_1190 : memref<1x8x2048xf32, #tpu.memory_space<vmem>> -> memref<8x2048xf32, #tpu.memory_space<vmem>>
          %parallel_loop3A_1192 = arith.index_cast %parallel_loop3A_1187 : i32 to index
          %parallel_loop3A_1193 = arith.index_cast %parallel_loop3A_1176 : i32 to index
          %parallel_loop3A_1194 = tpu.vector_load %parallel_loop3A_1191[%parallel_loop3A_1192, %parallel_loop3A_1193] {strides = array<i32>} : memref<8x2048xf32, #tpu.memory_space<vmem>>, vector<1x16xf32>,
          %parallel_loop3A_1195 = vector.shape_cast %parallel_loop3A_1194 : vector<1x16xf32> to vector<16xf32>
          %parallel_loop3A_1196 = vector.shape_cast %parallel_loop3A_1186 : vector<16xf32> to vector<1x16xf32>
          tpu.vector_store %parallel_loop3A_1191[%parallel_loop3A_1192, %parallel_loop3A_1193], %parallel_loop3A_1196 {strides = array<i32>} : memref<8x2048xf32, #tpu.memory_space<vmem>>, vector<1x16xf32>,
          %parallel_loop3A_1197 = arith.constant 96 : i32
          %parallel_loop3A_1198 = arith.addi %parallel_loop3A_1064, %parallel_loop3A_1197 : i32
          %parallel_loop3A_1199 = arith.constant 2 : i32
          %parallel_loop3A_1200 = arith.constant 0 : i32
          %parallel_loop3A_1201 = arith.constant 0 : i32
          %parallel_loop3A_1202 = tpu.memref_slice %run_scoped3A[%rem3A_350, %parallel_loop3A_1200, %parallel_loop3A_1201] : memref<2x8x2048xf32, #tpu.memory_space<vmem>> -> memref<1x8x2048xf32, #tpu.memory_space<vmem>>
          %parallel_loop3A_1203 = tpu.memref_squeeze %parallel_loop3A_1202 : memref<1x8x2048xf32, #tpu.memory_space<vmem>> -> memref<8x2048xf32, #tpu.memory_space<vmem>>
          %parallel_loop3A_1204 = arith.index_cast %parallel_loop3A_1199 : i32 to index
          %parallel_loop3A_1205 = arith.index_cast %parallel_loop3A_1198 : i32 to index
          %parallel_loop3A_1206 = tpu.vector_load %parallel_loop3A_1203[%parallel_loop3A_1204, %parallel_loop3A_1205] {strides = array<i32>} : memref<8x2048xf32, #tpu.memory_space<vmem>>, vector<1x16xf32>,
          %parallel_loop3A_1207 = vector.shape_cast %parallel_loop3A_1206 : vector<1x16xf32> to vector<16xf32>
          %parallel_loop3A_1208 = arith.addf %parallel_loop3A_1207, %get3A_565 : vector<16xf32>
          %parallel_loop3A_1209 = arith.constant 2 : i32
          %parallel_loop3A_1210 = arith.constant 0 : i32
          %parallel_loop3A_1211 = arith.constant 0 : i32
          %parallel_loop3A_1212 = tpu.memref_slice %run_scoped3A_10[%rem3A_354, %parallel_loop3A_1210, %parallel_loop3A_1211] : memref<2x8x2048xf32, #tpu.memory_space<vmem>> -> memref<1x8x2048xf32, #tpu.memory_space<vmem>>
          %parallel_loop3A_1213 = tpu.memref_squeeze %parallel_loop3A_1212 : memref<1x8x2048xf32, #tpu.memory_space<vmem>> -> memref<8x2048xf32, #tpu.memory_space<vmem>>
          %parallel_loop3A_1214 = arith.index_cast %parallel_loop3A_1209 : i32 to index
          %parallel_loop3A_1215 = arith.index_cast %parallel_loop3A_1198 : i32 to index
          %parallel_loop3A_1216 = tpu.vector_load %parallel_loop3A_1213[%parallel_loop3A_1214, %parallel_loop3A_1215] {strides = array<i32>} : memref<8x2048xf32, #tpu.memory_space<vmem>>, vector<1x16xf32>,
          %parallel_loop3A_1217 = vector.shape_cast %parallel_loop3A_1216 : vector<1x16xf32> to vector<16xf32>
          %parallel_loop3A_1218 = vector.shape_cast %parallel_loop3A_1208 : vector<16xf32> to vector<1x16xf32>
          tpu.vector_store %parallel_loop3A_1213[%parallel_loop3A_1214, %parallel_loop3A_1215], %parallel_loop3A_1218 {strides = array<i32>} : memref<8x2048xf32, #tpu.memory_space<vmem>>, vector<1x16xf32>,
          %parallel_loop3A_1219 = arith.constant 112 : i32
          %parallel_loop3A_1220 = arith.addi %parallel_loop3A_1064, %parallel_loop3A_1219 : i32
          %parallel_loop3A_1221 = arith.constant 2 : i32
          %parallel_loop3A_1222 = arith.constant 0 : i32
          %parallel_loop3A_1223 = arith.constant 0 : i32
          %parallel_loop3A_1224 = tpu.memref_slice %run_scoped3A[%rem3A_350, %parallel_loop3A_1222, %parallel_loop3A_1223] : memref<2x8x2048xf32, #tpu.memory_space<vmem>> -> memref<1x8x2048xf32, #tpu.memory_space<vmem>>
          %parallel_loop3A_1225 = tpu.memref_squeeze %parallel_loop3A_1224 : memref<1x8x2048xf32, #tpu.memory_space<vmem>> -> memref<8x2048xf32, #tpu.memory_space<vmem>>
          %parallel_loop3A_1226 = arith.index_cast %parallel_loop3A_1221 : i32 to index
          %parallel_loop3A_1227 = arith.index_cast %parallel_loop3A_1220 : i32 to index
          %parallel_loop3A_1228 = tpu.vector_load %parallel_loop3A_1225[%parallel_loop3A_1226, %parallel_loop3A_1227] {strides = array<i32>} : memref<8x2048xf32, #tpu.memory_space<vmem>>, vector<1x16xf32>,
          %parallel_loop3A_1229 = vector.shape_cast %parallel_loop3A_1228 : vector<1x16xf32> to vector<16xf32>
          %parallel_loop3A_1230 = arith.addf %parallel_loop3A_1229, %get3A_574 : vector<16xf32>
          %parallel_loop3A_1231 = arith.constant 2 : i32
          %parallel_loop3A_1232 = arith.constant 0 : i32
          %parallel_loop3A_1233 = arith.constant 0 : i32
          %parallel_loop3A_1234 = tpu.memref_slice %run_scoped3A_10[%rem3A_354, %parallel_loop3A_1232, %parallel_loop3A_1233] : memref<2x8x2048xf32, #tpu.memory_space<vmem>> -> memref<1x8x2048xf32, #tpu.memory_space<vmem>>
          %parallel_loop3A_1235 = tpu.memref_squeeze %parallel_loop3A_1234 : memref<1x8x2048xf32, #tpu.memory_space<vmem>> -> memref<8x2048xf32, #tpu.memory_space<vmem>>
          %parallel_loop3A_1236 = arith.index_cast %parallel_loop3A_1231 : i32 to index
          %parallel_loop3A_1237 = arith.index_cast %parallel_loop3A_1220 : i32 to index
          %parallel_loop3A_1238 = tpu.vector_load %parallel_loop3A_1235[%parallel_loop3A_1236, %parallel_loop3A_1237] {strides = array<i32>} : memref<8x2048xf32, #tpu.memory_space<vmem>>, vector<1x16xf32>,
          %parallel_loop3A_1239 = vector.shape_cast %parallel_loop3A_1238 : vector<1x16xf32> to vector<16xf32>
          %parallel_loop3A_1240 = vector.shape_cast %parallel_loop3A_1230 : vector<16xf32> to vector<1x16xf32>
          tpu.vector_store %parallel_loop3A_1235[%parallel_loop3A_1236, %parallel_loop3A_1237], %parallel_loop3A_1240 {strides = array<i32>} : memref<8x2048xf32, #tpu.memory_space<vmem>>, vector<1x16xf32>,
        } {sc.loop_unroll_factor = 2 : i64, sc.parallel_access}
        %get3A_578 = arith.constant 3 : i32
        %get3A_579 = arith.constant 0 : i32
        %get3A_580 = arith.constant 0 : i32
        %get3A_581 = tpu.memref_slice %run_scoped3A_8[%rem3A_352, %get3A_579, %get3A_580] : memref<2x8x128xf32, #tpu.memory_space<vmem>> -> memref<1x8x128xf32, #tpu.memory_space<vmem>>
        %get3A_582 = tpu.memref_squeeze %get3A_581 : memref<1x8x128xf32, #tpu.memory_space<vmem>> -> memref<8x128xf32, #tpu.memory_space<vmem>>
        %get3A_583 = arith.index_cast %get3A_578 : i32 to index
        %get3A_584 = arith.constant 0 : index
        %get3A_585 = tpu.vector_load %get3A_582[%get3A_583, %get3A_584] {strides = array<i32>} : memref<8x128xf32, #tpu.memory_space<vmem>>, vector<1x16xf32>,
        %get3A_586 = vector.shape_cast %get3A_585 : vector<1x16xf32> to vector<16xf32>
        %get3A_587 = arith.constant 3 : i32
        %get3A_588 = arith.constant 0 : i32
        %get3A_589 = arith.constant 0 : i32
        %get3A_590 = tpu.memref_slice %run_scoped3A_8[%rem3A_352, %get3A_588, %get3A_589] : memref<2x8x128xf32, #tpu.memory_space<vmem>> -> memref<1x8x128xf32, #tpu.memory_space<vmem>>
        %get3A_591 = tpu.memref_squeeze %get3A_590 : memref<1x8x128xf32, #tpu.memory_space<vmem>> -> memref<8x128xf32, #tpu.memory_space<vmem>>
        %get3A_592 = arith.index_cast %get3A_587 : i32 to index
        %get3A_593 = arith.constant 16 : index
        %get3A_594 = tpu.vector_load %get3A_591[%get3A_592, %get3A_593] {strides = array<i32>} : memref<8x128xf32, #tpu.memory_space<vmem>>, vector<1x16xf32>,
        %get3A_595 = vector.shape_cast %get3A_594 : vector<1x16xf32> to vector<16xf32>
        %get3A_596 = arith.constant 3 : i32
        %get3A_597 = arith.constant 0 : i32
        %get3A_598 = arith.constant 0 : i32
        %get3A_599 = tpu.memref_slice %run_scoped3A_8[%rem3A_352, %get3A_597, %get3A_598] : memref<2x8x128xf32, #tpu.memory_space<vmem>> -> memref<1x8x128xf32, #tpu.memory_space<vmem>>
        %get3A_600 = tpu.memref_squeeze %get3A_599 : memref<1x8x128xf32, #tpu.memory_space<vmem>> -> memref<8x128xf32, #tpu.memory_space<vmem>>
        %get3A_601 = arith.index_cast %get3A_596 : i32 to index
        %get3A_602 = arith.constant 32 : index
        %get3A_603 = tpu.vector_load %get3A_600[%get3A_601, %get3A_602] {strides = array<i32>} : memref<8x128xf32, #tpu.memory_space<vmem>>, vector<1x16xf32>,
        %get3A_604 = vector.shape_cast %get3A_603 : vector<1x16xf32> to vector<16xf32>
        %get3A_605 = arith.constant 3 : i32
        %get3A_606 = arith.constant 0 : i32
        %get3A_607 = arith.constant 0 : i32
        %get3A_608 = tpu.memref_slice %run_scoped3A_8[%rem3A_352, %get3A_606, %get3A_607] : memref<2x8x128xf32, #tpu.memory_space<vmem>> -> memref<1x8x128xf32, #tpu.memory_space<vmem>>
        %get3A_609 = tpu.memref_squeeze %get3A_608 : memref<1x8x128xf32, #tpu.memory_space<vmem>> -> memref<8x128xf32, #tpu.memory_space<vmem>>
        %get3A_610 = arith.index_cast %get3A_605 : i32 to index
        %get3A_611 = arith.constant 48 : index
        %get3A_612 = tpu.vector_load %get3A_609[%get3A_610, %get3A_611] {strides = array<i32>} : memref<8x128xf32, #tpu.memory_space<vmem>>, vector<1x16xf32>,
        %get3A_613 = vector.shape_cast %get3A_612 : vector<1x16xf32> to vector<16xf32>
        %get3A_614 = arith.constant 3 : i32
        %get3A_615 = arith.constant 0 : i32
        %get3A_616 = arith.constant 0 : i32
        %get3A_617 = tpu.memref_slice %run_scoped3A_8[%rem3A_352, %get3A_615, %get3A_616] : memref<2x8x128xf32, #tpu.memory_space<vmem>> -> memref<1x8x128xf32, #tpu.memory_space<vmem>>
        %get3A_618 = tpu.memref_squeeze %get3A_617 : memref<1x8x128xf32, #tpu.memory_space<vmem>> -> memref<8x128xf32, #tpu.memory_space<vmem>>
        %get3A_619 = arith.index_cast %get3A_614 : i32 to index
        %get3A_620 = arith.constant 64 : index
        %get3A_621 = tpu.vector_load %get3A_618[%get3A_619, %get3A_620] {strides = array<i32>} : memref<8x128xf32, #tpu.memory_space<vmem>>, vector<1x16xf32>,
        %get3A_622 = vector.shape_cast %get3A_621 : vector<1x16xf32> to vector<16xf32>
        %get3A_623 = arith.constant 3 : i32
        %get3A_624 = arith.constant 0 : i32
        %get3A_625 = arith.constant 0 : i32
        %get3A_626 = tpu.memref_slice %run_scoped3A_8[%rem3A_352, %get3A_624, %get3A_625] : memref<2x8x128xf32, #tpu.memory_space<vmem>> -> memref<1x8x128xf32, #tpu.memory_space<vmem>>
        %get3A_627 = tpu.memref_squeeze %get3A_626 : memref<1x8x128xf32, #tpu.memory_space<vmem>> -> memref<8x128xf32, #tpu.memory_space<vmem>>
        %get3A_628 = arith.index_cast %get3A_623 : i32 to index
        %get3A_629 = arith.constant 80 : index
        %get3A_630 = tpu.vector_load %get3A_627[%get3A_628, %get3A_629] {strides = array<i32>} : memref<8x128xf32, #tpu.memory_space<vmem>>, vector<1x16xf32>,
        %get3A_631 = vector.shape_cast %get3A_630 : vector<1x16xf32> to vector<16xf32>
        %get3A_632 = arith.constant 3 : i32
        %get3A_633 = arith.constant 0 : i32
        %get3A_634 = arith.constant 0 : i32
        %get3A_635 = tpu.memref_slice %run_scoped3A_8[%rem3A_352, %get3A_633, %get3A_634] : memref<2x8x128xf32, #tpu.memory_space<vmem>> -> memref<1x8x128xf32, #tpu.memory_space<vmem>>
        %get3A_636 = tpu.memref_squeeze %get3A_635 : memref<1x8x128xf32, #tpu.memory_space<vmem>> -> memref<8x128xf32, #tpu.memory_space<vmem>>
        %get3A_637 = arith.index_cast %get3A_632 : i32 to index
        %get3A_638 = arith.constant 96 : index
        %get3A_639 = tpu.vector_load %get3A_636[%get3A_637, %get3A_638] {strides = array<i32>} : memref<8x128xf32, #tpu.memory_space<vmem>>, vector<1x16xf32>,
        %get3A_640 = vector.shape_cast %get3A_639 : vector<1x16xf32> to vector<16xf32>
        %get3A_641 = arith.constant 3 : i32
        %get3A_642 = arith.constant 0 : i32
        %get3A_643 = arith.constant 0 : i32
        %get3A_644 = tpu.memref_slice %run_scoped3A_8[%rem3A_352, %get3A_642, %get3A_643] : memref<2x8x128xf32, #tpu.memory_space<vmem>> -> memref<1x8x128xf32, #tpu.memory_space<vmem>>
        %get3A_645 = tpu.memref_squeeze %get3A_644 : memref<1x8x128xf32, #tpu.memory_space<vmem>> -> memref<8x128xf32, #tpu.memory_space<vmem>>
        %get3A_646 = arith.index_cast %get3A_641 : i32 to index
        %get3A_647 = arith.constant 112 : index
        %get3A_648 = tpu.vector_load %get3A_645[%get3A_646, %get3A_647] {strides = array<i32>} : memref<8x128xf32, #tpu.memory_space<vmem>>, vector<1x16xf32>,
        %get3A_649 = vector.shape_cast %get3A_648 : vector<1x16xf32> to vector<16xf32>
        %parallel_loop3A_650 = arith.constant 0 : i32
        %parallel_loop3A_651 = arith.constant 2048 : i32
        %parallel_loop3A_652 = arith.constant 128 : i32
        scf.for %parallel_loop3A_1064 = %parallel_loop3A_650 to %parallel_loop3A_651 step %parallel_loop3A_652  : i32 {
          %parallel_loop3A_1065 = arith.constant 0 : i32
          %parallel_loop3A_1066 = arith.addi %parallel_loop3A_1064, %parallel_loop3A_1065 : i32
          %parallel_loop3A_1067 = arith.constant 3 : i32
          %parallel_loop3A_1068 = arith.constant 0 : i32
          %parallel_loop3A_1069 = arith.constant 0 : i32
          %parallel_loop3A_1070 = tpu.memref_slice %run_scoped3A[%rem3A_350, %parallel_loop3A_1068, %parallel_loop3A_1069] : memref<2x8x2048xf32, #tpu.memory_space<vmem>> -> memref<1x8x2048xf32, #tpu.memory_space<vmem>>
          %parallel_loop3A_1071 = tpu.memref_squeeze %parallel_loop3A_1070 : memref<1x8x2048xf32, #tpu.memory_space<vmem>> -> memref<8x2048xf32, #tpu.memory_space<vmem>>
          %parallel_loop3A_1072 = arith.index_cast %parallel_loop3A_1067 : i32 to index
          %parallel_loop3A_1073 = arith.index_cast %parallel_loop3A_1066 : i32 to index
          %parallel_loop3A_1074 = tpu.vector_load %parallel_loop3A_1071[%parallel_loop3A_1072, %parallel_loop3A_1073] {strides = array<i32>} : memref<8x2048xf32, #tpu.memory_space<vmem>>, vector<1x16xf32>,
          %parallel_loop3A_1075 = vector.shape_cast %parallel_loop3A_1074 : vector<1x16xf32> to vector<16xf32>
          %parallel_loop3A_1076 = arith.addf %parallel_loop3A_1075, %get3A_586 : vector<16xf32>
          %parallel_loop3A_1077 = arith.constant 3 : i32
          %parallel_loop3A_1078 = arith.constant 0 : i32
          %parallel_loop3A_1079 = arith.constant 0 : i32
          %parallel_loop3A_1080 = tpu.memref_slice %run_scoped3A_10[%rem3A_354, %parallel_loop3A_1078, %parallel_loop3A_1079] : memref<2x8x2048xf32, #tpu.memory_space<vmem>> -> memref<1x8x2048xf32, #tpu.memory_space<vmem>>
          %parallel_loop3A_1081 = tpu.memref_squeeze %parallel_loop3A_1080 : memref<1x8x2048xf32, #tpu.memory_space<vmem>> -> memref<8x2048xf32, #tpu.memory_space<vmem>>
          %parallel_loop3A_1082 = arith.index_cast %parallel_loop3A_1077 : i32 to index
          %parallel_loop3A_1083 = arith.index_cast %parallel_loop3A_1066 : i32 to index
          %parallel_loop3A_1084 = tpu.vector_load %parallel_loop3A_1081[%parallel_loop3A_1082, %parallel_loop3A_1083] {strides = array<i32>} : memref<8x2048xf32, #tpu.memory_space<vmem>>, vector<1x16xf32>,
          %parallel_loop3A_1085 = vector.shape_cast %parallel_loop3A_1084 : vector<1x16xf32> to vector<16xf32>
          %parallel_loop3A_1086 = vector.shape_cast %parallel_loop3A_1076 : vector<16xf32> to vector<1x16xf32>
          tpu.vector_store %parallel_loop3A_1081[%parallel_loop3A_1082, %parallel_loop3A_1083], %parallel_loop3A_1086 {strides = array<i32>} : memref<8x2048xf32, #tpu.memory_space<vmem>>, vector<1x16xf32>,
          %parallel_loop3A_1087 = arith.constant 16 : i32
          %parallel_loop3A_1088 = arith.addi %parallel_loop3A_1064, %parallel_loop3A_1087 : i32
          %parallel_loop3A_1089 = arith.constant 3 : i32
          %parallel_loop3A_1090 = arith.constant 0 : i32
          %parallel_loop3A_1091 = arith.constant 0 : i32
          %parallel_loop3A_1092 = tpu.memref_slice %run_scoped3A[%rem3A_350, %parallel_loop3A_1090, %parallel_loop3A_1091] : memref<2x8x2048xf32, #tpu.memory_space<vmem>> -> memref<1x8x2048xf32, #tpu.memory_space<vmem>>
          %parallel_loop3A_1093 = tpu.memref_squeeze %parallel_loop3A_1092 : memref<1x8x2048xf32, #tpu.memory_space<vmem>> -> memref<8x2048xf32, #tpu.memory_space<vmem>>
          %parallel_loop3A_1094 = arith.index_cast %parallel_loop3A_1089 : i32 to index
          %parallel_loop3A_1095 = arith.index_cast %parallel_loop3A_1088 : i32 to index
          %parallel_loop3A_1096 = tpu.vector_load %parallel_loop3A_1093[%parallel_loop3A_1094, %parallel_loop3A_1095] {strides = array<i32>} : memref<8x2048xf32, #tpu.memory_space<vmem>>, vector<1x16xf32>,
          %parallel_loop3A_1097 = vector.shape_cast %parallel_loop3A_1096 : vector<1x16xf32> to vector<16xf32>
          %parallel_loop3A_1098 = arith.addf %parallel_loop3A_1097, %get3A_595 : vector<16xf32>
          %parallel_loop3A_1099 = arith.constant 3 : i32
          %parallel_loop3A_1100 = arith.constant 0 : i32
          %parallel_loop3A_1101 = arith.constant 0 : i32
          %parallel_loop3A_1102 = tpu.memref_slice %run_scoped3A_10[%rem3A_354, %parallel_loop3A_1100, %parallel_loop3A_1101] : memref<2x8x2048xf32, #tpu.memory_space<vmem>> -> memref<1x8x2048xf32, #tpu.memory_space<vmem>>
          %parallel_loop3A_1103 = tpu.memref_squeeze %parallel_loop3A_1102 : memref<1x8x2048xf32, #tpu.memory_space<vmem>> -> memref<8x2048xf32, #tpu.memory_space<vmem>>
          %parallel_loop3A_1104 = arith.index_cast %parallel_loop3A_1099 : i32 to index
          %parallel_loop3A_1105 = arith.index_cast %parallel_loop3A_1088 : i32 to index
          %parallel_loop3A_1106 = tpu.vector_load %parallel_loop3A_1103[%parallel_loop3A_1104, %parallel_loop3A_1105] {strides = array<i32>} : memref<8x2048xf32, #tpu.memory_space<vmem>>, vector<1x16xf32>,
          %parallel_loop3A_1107 = vector.shape_cast %parallel_loop3A_1106 : vector<1x16xf32> to vector<16xf32>
          %parallel_loop3A_1108 = vector.shape_cast %parallel_loop3A_1098 : vector<16xf32> to vector<1x16xf32>
          tpu.vector_store %parallel_loop3A_1103[%parallel_loop3A_1104, %parallel_loop3A_1105], %parallel_loop3A_1108 {strides = array<i32>} : memref<8x2048xf32, #tpu.memory_space<vmem>>, vector<1x16xf32>,
          %parallel_loop3A_1109 = arith.constant 32 : i32
          %parallel_loop3A_1110 = arith.addi %parallel_loop3A_1064, %parallel_loop3A_1109 : i32
          %parallel_loop3A_1111 = arith.constant 3 : i32
          %parallel_loop3A_1112 = arith.constant 0 : i32
          %parallel_loop3A_1113 = arith.constant 0 : i32
          %parallel_loop3A_1114 = tpu.memref_slice %run_scoped3A[%rem3A_350, %parallel_loop3A_1112, %parallel_loop3A_1113] : memref<2x8x2048xf32, #tpu.memory_space<vmem>> -> memref<1x8x2048xf32, #tpu.memory_space<vmem>>
          %parallel_loop3A_1115 = tpu.memref_squeeze %parallel_loop3A_1114 : memref<1x8x2048xf32, #tpu.memory_space<vmem>> -> memref<8x2048xf32, #tpu.memory_space<vmem>>
          %parallel_loop3A_1116 = arith.index_cast %parallel_loop3A_1111 : i32 to index
          %parallel_loop3A_1117 = arith.index_cast %parallel_loop3A_1110 : i32 to index
          %parallel_loop3A_1118 = tpu.vector_load %parallel_loop3A_1115[%parallel_loop3A_1116, %parallel_loop3A_1117] {strides = array<i32>} : memref<8x2048xf32, #tpu.memory_space<vmem>>, vector<1x16xf32>,
          %parallel_loop3A_1119 = vector.shape_cast %parallel_loop3A_1118 : vector<1x16xf32> to vector<16xf32>
          %parallel_loop3A_1120 = arith.addf %parallel_loop3A_1119, %get3A_604 : vector<16xf32>
          %parallel_loop3A_1121 = arith.constant 3 : i32
          %parallel_loop3A_1122 = arith.constant 0 : i32
          %parallel_loop3A_1123 = arith.constant 0 : i32
          %parallel_loop3A_1124 = tpu.memref_slice %run_scoped3A_10[%rem3A_354, %parallel_loop3A_1122, %parallel_loop3A_1123] : memref<2x8x2048xf32, #tpu.memory_space<vmem>> -> memref<1x8x2048xf32, #tpu.memory_space<vmem>>
          %parallel_loop3A_1125 = tpu.memref_squeeze %parallel_loop3A_1124 : memref<1x8x2048xf32, #tpu.memory_space<vmem>> -> memref<8x2048xf32, #tpu.memory_space<vmem>>
          %parallel_loop3A_1126 = arith.index_cast %parallel_loop3A_1121 : i32 to index
          %parallel_loop3A_1127 = arith.index_cast %parallel_loop3A_1110 : i32 to index
          %parallel_loop3A_1128 = tpu.vector_load %parallel_loop3A_1125[%parallel_loop3A_1126, %parallel_loop3A_1127] {strides = array<i32>} : memref<8x2048xf32, #tpu.memory_space<vmem>>, vector<1x16xf32>,
          %parallel_loop3A_1129 = vector.shape_cast %parallel_loop3A_1128 : vector<1x16xf32> to vector<16xf32>
          %parallel_loop3A_1130 = vector.shape_cast %parallel_loop3A_1120 : vector<16xf32> to vector<1x16xf32>
          tpu.vector_store %parallel_loop3A_1125[%parallel_loop3A_1126, %parallel_loop3A_1127], %parallel_loop3A_1130 {strides = array<i32>} : memref<8x2048xf32, #tpu.memory_space<vmem>>, vector<1x16xf32>,
          %parallel_loop3A_1131 = arith.constant 48 : i32
          %parallel_loop3A_1132 = arith.addi %parallel_loop3A_1064, %parallel_loop3A_1131 : i32
          %parallel_loop3A_1133 = arith.constant 3 : i32
          %parallel_loop3A_1134 = arith.constant 0 : i32
          %parallel_loop3A_1135 = arith.constant 0 : i32
          %parallel_loop3A_1136 = tpu.memref_slice %run_scoped3A[%rem3A_350, %parallel_loop3A_1134, %parallel_loop3A_1135] : memref<2x8x2048xf32, #tpu.memory_space<vmem>> -> memref<1x8x2048xf32, #tpu.memory_space<vmem>>
          %parallel_loop3A_1137 = tpu.memref_squeeze %parallel_loop3A_1136 : memref<1x8x2048xf32, #tpu.memory_space<vmem>> -> memref<8x2048xf32, #tpu.memory_space<vmem>>
          %parallel_loop3A_1138 = arith.index_cast %parallel_loop3A_1133 : i32 to index
          %parallel_loop3A_1139 = arith.index_cast %parallel_loop3A_1132 : i32 to index
          %parallel_loop3A_1140 = tpu.vector_load %parallel_loop3A_1137[%parallel_loop3A_1138, %parallel_loop3A_1139] {strides = array<i32>} : memref<8x2048xf32, #tpu.memory_space<vmem>>, vector<1x16xf32>,
          %parallel_loop3A_1141 = vector.shape_cast %parallel_loop3A_1140 : vector<1x16xf32> to vector<16xf32>
          %parallel_loop3A_1142 = arith.addf %parallel_loop3A_1141, %get3A_613 : vector<16xf32>
          %parallel_loop3A_1143 = arith.constant 3 : i32
          %parallel_loop3A_1144 = arith.constant 0 : i32
          %parallel_loop3A_1145 = arith.constant 0 : i32
          %parallel_loop3A_1146 = tpu.memref_slice %run_scoped3A_10[%rem3A_354, %parallel_loop3A_1144, %parallel_loop3A_1145] : memref<2x8x2048xf32, #tpu.memory_space<vmem>> -> memref<1x8x2048xf32, #tpu.memory_space<vmem>>
          %parallel_loop3A_1147 = tpu.memref_squeeze %parallel_loop3A_1146 : memref<1x8x2048xf32, #tpu.memory_space<vmem>> -> memref<8x2048xf32, #tpu.memory_space<vmem>>
          %parallel_loop3A_1148 = arith.index_cast %parallel_loop3A_1143 : i32 to index
          %parallel_loop3A_1149 = arith.index_cast %parallel_loop3A_1132 : i32 to index
          %parallel_loop3A_1150 = tpu.vector_load %parallel_loop3A_1147[%parallel_loop3A_1148, %parallel_loop3A_1149] {strides = array<i32>} : memref<8x2048xf32, #tpu.memory_space<vmem>>, vector<1x16xf32>,
          %parallel_loop3A_1151 = vector.shape_cast %parallel_loop3A_1150 : vector<1x16xf32> to vector<16xf32>
          %parallel_loop3A_1152 = vector.shape_cast %parallel_loop3A_1142 : vector<16xf32> to vector<1x16xf32>
          tpu.vector_store %parallel_loop3A_1147[%parallel_loop3A_1148, %parallel_loop3A_1149], %parallel_loop3A_1152 {strides = array<i32>} : memref<8x2048xf32, #tpu.memory_space<vmem>>, vector<1x16xf32>,
          %parallel_loop3A_1153 = arith.constant 64 : i32
          %parallel_loop3A_1154 = arith.addi %parallel_loop3A_1064, %parallel_loop3A_1153 : i32
          %parallel_loop3A_1155 = arith.constant 3 : i32
          %parallel_loop3A_1156 = arith.constant 0 : i32
          %parallel_loop3A_1157 = arith.constant 0 : i32
          %parallel_loop3A_1158 = tpu.memref_slice %run_scoped3A[%rem3A_350, %parallel_loop3A_1156, %parallel_loop3A_1157] : memref<2x8x2048xf32, #tpu.memory_space<vmem>> -> memref<1x8x2048xf32, #tpu.memory_space<vmem>>
          %parallel_loop3A_1159 = tpu.memref_squeeze %parallel_loop3A_1158 : memref<1x8x2048xf32, #tpu.memory_space<vmem>> -> memref<8x2048xf32, #tpu.memory_space<vmem>>
          %parallel_loop3A_1160 = arith.index_cast %parallel_loop3A_1155 : i32 to index
          %parallel_loop3A_1161 = arith.index_cast %parallel_loop3A_1154 : i32 to index
          %parallel_loop3A_1162 = tpu.vector_load %parallel_loop3A_1159[%parallel_loop3A_1160, %parallel_loop3A_1161] {strides = array<i32>} : memref<8x2048xf32, #tpu.memory_space<vmem>>, vector<1x16xf32>,
          %parallel_loop3A_1163 = vector.shape_cast %parallel_loop3A_1162 : vector<1x16xf32> to vector<16xf32>
          %parallel_loop3A_1164 = arith.addf %parallel_loop3A_1163, %get3A_622 : vector<16xf32>
          %parallel_loop3A_1165 = arith.constant 3 : i32
          %parallel_loop3A_1166 = arith.constant 0 : i32
          %parallel_loop3A_1167 = arith.constant 0 : i32
          %parallel_loop3A_1168 = tpu.memref_slice %run_scoped3A_10[%rem3A_354, %parallel_loop3A_1166, %parallel_loop3A_1167] : memref<2x8x2048xf32, #tpu.memory_space<vmem>> -> memref<1x8x2048xf32, #tpu.memory_space<vmem>>
          %parallel_loop3A_1169 = tpu.memref_squeeze %parallel_loop3A_1168 : memref<1x8x2048xf32, #tpu.memory_space<vmem>> -> memref<8x2048xf32, #tpu.memory_space<vmem>>
          %parallel_loop3A_1170 = arith.index_cast %parallel_loop3A_1165 : i32 to index
          %parallel_loop3A_1171 = arith.index_cast %parallel_loop3A_1154 : i32 to index
          %parallel_loop3A_1172 = tpu.vector_load %parallel_loop3A_1169[%parallel_loop3A_1170, %parallel_loop3A_1171] {strides = array<i32>} : memref<8x2048xf32, #tpu.memory_space<vmem>>, vector<1x16xf32>,
          %parallel_loop3A_1173 = vector.shape_cast %parallel_loop3A_1172 : vector<1x16xf32> to vector<16xf32>
          %parallel_loop3A_1174 = vector.shape_cast %parallel_loop3A_1164 : vector<16xf32> to vector<1x16xf32>
          tpu.vector_store %parallel_loop3A_1169[%parallel_loop3A_1170, %parallel_loop3A_1171], %parallel_loop3A_1174 {strides = array<i32>} : memref<8x2048xf32, #tpu.memory_space<vmem>>, vector<1x16xf32>,
          %parallel_loop3A_1175 = arith.constant 80 : i32
          %parallel_loop3A_1176 = arith.addi %parallel_loop3A_1064, %parallel_loop3A_1175 : i32
          %parallel_loop3A_1177 = arith.constant 3 : i32
          %parallel_loop3A_1178 = arith.constant 0 : i32
          %parallel_loop3A_1179 = arith.constant 0 : i32
          %parallel_loop3A_1180 = tpu.memref_slice %run_scoped3A[%rem3A_350, %parallel_loop3A_1178, %parallel_loop3A_1179] : memref<2x8x2048xf32, #tpu.memory_space<vmem>> -> memref<1x8x2048xf32, #tpu.memory_space<vmem>>
          %parallel_loop3A_1181 = tpu.memref_squeeze %parallel_loop3A_1180 : memref<1x8x2048xf32, #tpu.memory_space<vmem>> -> memref<8x2048xf32, #tpu.memory_space<vmem>>
          %parallel_loop3A_1182 = arith.index_cast %parallel_loop3A_1177 : i32 to index
          %parallel_loop3A_1183 = arith.index_cast %parallel_loop3A_1176 : i32 to index
          %parallel_loop3A_1184 = tpu.vector_load %parallel_loop3A_1181[%parallel_loop3A_1182, %parallel_loop3A_1183] {strides = array<i32>} : memref<8x2048xf32, #tpu.memory_space<vmem>>, vector<1x16xf32>,
          %parallel_loop3A_1185 = vector.shape_cast %parallel_loop3A_1184 : vector<1x16xf32> to vector<16xf32>
          %parallel_loop3A_1186 = arith.addf %parallel_loop3A_1185, %get3A_631 : vector<16xf32>
          %parallel_loop3A_1187 = arith.constant 3 : i32
          %parallel_loop3A_1188 = arith.constant 0 : i32
          %parallel_loop3A_1189 = arith.constant 0 : i32
          %parallel_loop3A_1190 = tpu.memref_slice %run_scoped3A_10[%rem3A_354, %parallel_loop3A_1188, %parallel_loop3A_1189] : memref<2x8x2048xf32, #tpu.memory_space<vmem>> -> memref<1x8x2048xf32, #tpu.memory_space<vmem>>
          %parallel_loop3A_1191 = tpu.memref_squeeze %parallel_loop3A_1190 : memref<1x8x2048xf32, #tpu.memory_space<vmem>> -> memref<8x2048xf32, #tpu.memory_space<vmem>>
          %parallel_loop3A_1192 = arith.index_cast %parallel_loop3A_1187 : i32 to index
          %parallel_loop3A_1193 = arith.index_cast %parallel_loop3A_1176 : i32 to index
          %parallel_loop3A_1194 = tpu.vector_load %parallel_loop3A_1191[%parallel_loop3A_1192, %parallel_loop3A_1193] {strides = array<i32>} : memref<8x2048xf32, #tpu.memory_space<vmem>>, vector<1x16xf32>,
          %parallel_loop3A_1195 = vector.shape_cast %parallel_loop3A_1194 : vector<1x16xf32> to vector<16xf32>
          %parallel_loop3A_1196 = vector.shape_cast %parallel_loop3A_1186 : vector<16xf32> to vector<1x16xf32>
          tpu.vector_store %parallel_loop3A_1191[%parallel_loop3A_1192, %parallel_loop3A_1193], %parallel_loop3A_1196 {strides = array<i32>} : memref<8x2048xf32, #tpu.memory_space<vmem>>, vector<1x16xf32>,
          %parallel_loop3A_1197 = arith.constant 96 : i32
          %parallel_loop3A_1198 = arith.addi %parallel_loop3A_1064, %parallel_loop3A_1197 : i32
          %parallel_loop3A_1199 = arith.constant 3 : i32
          %parallel_loop3A_1200 = arith.constant 0 : i32
          %parallel_loop3A_1201 = arith.constant 0 : i32
          %parallel_loop3A_1202 = tpu.memref_slice %run_scoped3A[%rem3A_350, %parallel_loop3A_1200, %parallel_loop3A_1201] : memref<2x8x2048xf32, #tpu.memory_space<vmem>> -> memref<1x8x2048xf32, #tpu.memory_space<vmem>>
          %parallel_loop3A_1203 = tpu.memref_squeeze %parallel_loop3A_1202 : memref<1x8x2048xf32, #tpu.memory_space<vmem>> -> memref<8x2048xf32, #tpu.memory_space<vmem>>
          %parallel_loop3A_1204 = arith.index_cast %parallel_loop3A_1199 : i32 to index
          %parallel_loop3A_1205 = arith.index_cast %parallel_loop3A_1198 : i32 to index
          %parallel_loop3A_1206 = tpu.vector_load %parallel_loop3A_1203[%parallel_loop3A_1204, %parallel_loop3A_1205] {strides = array<i32>} : memref<8x2048xf32, #tpu.memory_space<vmem>>, vector<1x16xf32>,
          %parallel_loop3A_1207 = vector.shape_cast %parallel_loop3A_1206 : vector<1x16xf32> to vector<16xf32>
          %parallel_loop3A_1208 = arith.addf %parallel_loop3A_1207, %get3A_640 : vector<16xf32>
          %parallel_loop3A_1209 = arith.constant 3 : i32
          %parallel_loop3A_1210 = arith.constant 0 : i32
          %parallel_loop3A_1211 = arith.constant 0 : i32
          %parallel_loop3A_1212 = tpu.memref_slice %run_scoped3A_10[%rem3A_354, %parallel_loop3A_1210, %parallel_loop3A_1211] : memref<2x8x2048xf32, #tpu.memory_space<vmem>> -> memref<1x8x2048xf32, #tpu.memory_space<vmem>>
          %parallel_loop3A_1213 = tpu.memref_squeeze %parallel_loop3A_1212 : memref<1x8x2048xf32, #tpu.memory_space<vmem>> -> memref<8x2048xf32, #tpu.memory_space<vmem>>
          %parallel_loop3A_1214 = arith.index_cast %parallel_loop3A_1209 : i32 to index
          %parallel_loop3A_1215 = arith.index_cast %parallel_loop3A_1198 : i32 to index
          %parallel_loop3A_1216 = tpu.vector_load %parallel_loop3A_1213[%parallel_loop3A_1214, %parallel_loop3A_1215] {strides = array<i32>} : memref<8x2048xf32, #tpu.memory_space<vmem>>, vector<1x16xf32>,
          %parallel_loop3A_1217 = vector.shape_cast %parallel_loop3A_1216 : vector<1x16xf32> to vector<16xf32>
          %parallel_loop3A_1218 = vector.shape_cast %parallel_loop3A_1208 : vector<16xf32> to vector<1x16xf32>
          tpu.vector_store %parallel_loop3A_1213[%parallel_loop3A_1214, %parallel_loop3A_1215], %parallel_loop3A_1218 {strides = array<i32>} : memref<8x2048xf32, #tpu.memory_space<vmem>>, vector<1x16xf32>,
          %parallel_loop3A_1219 = arith.constant 112 : i32
          %parallel_loop3A_1220 = arith.addi %parallel_loop3A_1064, %parallel_loop3A_1219 : i32
          %parallel_loop3A_1221 = arith.constant 3 : i32
          %parallel_loop3A_1222 = arith.constant 0 : i32
          %parallel_loop3A_1223 = arith.constant 0 : i32
          %parallel_loop3A_1224 = tpu.memref_slice %run_scoped3A[%rem3A_350, %parallel_loop3A_1222, %parallel_loop3A_1223] : memref<2x8x2048xf32, #tpu.memory_space<vmem>> -> memref<1x8x2048xf32, #tpu.memory_space<vmem>>
          %parallel_loop3A_1225 = tpu.memref_squeeze %parallel_loop3A_1224 : memref<1x8x2048xf32, #tpu.memory_space<vmem>> -> memref<8x2048xf32, #tpu.memory_space<vmem>>
          %parallel_loop3A_1226 = arith.index_cast %parallel_loop3A_1221 : i32 to index
          %parallel_loop3A_1227 = arith.index_cast %parallel_loop3A_1220 : i32 to index
          %parallel_loop3A_1228 = tpu.vector_load %parallel_loop3A_1225[%parallel_loop3A_1226, %parallel_loop3A_1227] {strides = array<i32>} : memref<8x2048xf32, #tpu.memory_space<vmem>>, vector<1x16xf32>,
          %parallel_loop3A_1229 = vector.shape_cast %parallel_loop3A_1228 : vector<1x16xf32> to vector<16xf32>
          %parallel_loop3A_1230 = arith.addf %parallel_loop3A_1229, %get3A_649 : vector<16xf32>
          %parallel_loop3A_1231 = arith.constant 3 : i32
          %parallel_loop3A_1232 = arith.constant 0 : i32
          %parallel_loop3A_1233 = arith.constant 0 : i32
          %parallel_loop3A_1234 = tpu.memref_slice %run_scoped3A_10[%rem3A_354, %parallel_loop3A_1232, %parallel_loop3A_1233] : memref<2x8x2048xf32, #tpu.memory_space<vmem>> -> memref<1x8x2048xf32, #tpu.memory_space<vmem>>
          %parallel_loop3A_1235 = tpu.memref_squeeze %parallel_loop3A_1234 : memref<1x8x2048xf32, #tpu.memory_space<vmem>> -> memref<8x2048xf32, #tpu.memory_space<vmem>>
          %parallel_loop3A_1236 = arith.index_cast %parallel_loop3A_1231 : i32 to index
          %parallel_loop3A_1237 = arith.index_cast %parallel_loop3A_1220 : i32 to index
          %parallel_loop3A_1238 = tpu.vector_load %parallel_loop3A_1235[%parallel_loop3A_1236, %parallel_loop3A_1237] {strides = array<i32>} : memref<8x2048xf32, #tpu.memory_space<vmem>>, vector<1x16xf32>,
          %parallel_loop3A_1239 = vector.shape_cast %parallel_loop3A_1238 : vector<1x16xf32> to vector<16xf32>
          %parallel_loop3A_1240 = vector.shape_cast %parallel_loop3A_1230 : vector<16xf32> to vector<1x16xf32>
          tpu.vector_store %parallel_loop3A_1235[%parallel_loop3A_1236, %parallel_loop3A_1237], %parallel_loop3A_1240 {strides = array<i32>} : memref<8x2048xf32, #tpu.memory_space<vmem>>, vector<1x16xf32>,
        } {sc.loop_unroll_factor = 2 : i64, sc.parallel_access}
        %get3A_653 = arith.constant 4 : i32
        %get3A_654 = arith.constant 0 : i32
        %get3A_655 = arith.constant 0 : i32
        %get3A_656 = tpu.memref_slice %run_scoped3A_8[%rem3A_352, %get3A_654, %get3A_655] : memref<2x8x128xf32, #tpu.memory_space<vmem>> -> memref<1x8x128xf32, #tpu.memory_space<vmem>>
        %get3A_657 = tpu.memref_squeeze %get3A_656 : memref<1x8x128xf32, #tpu.memory_space<vmem>> -> memref<8x128xf32, #tpu.memory_space<vmem>>
        %get3A_658 = arith.index_cast %get3A_653 : i32 to index
        %get3A_659 = arith.constant 0 : index
        %get3A_660 = tpu.vector_load %get3A_657[%get3A_658, %get3A_659] {strides = array<i32>} : memref<8x128xf32, #tpu.memory_space<vmem>>, vector<1x16xf32>,
        %get3A_661 = vector.shape_cast %get3A_660 : vector<1x16xf32> to vector<16xf32>
        %get3A_662 = arith.constant 4 : i32
        %get3A_663 = arith.constant 0 : i32
        %get3A_664 = arith.constant 0 : i32
        %get3A_665 = tpu.memref_slice %run_scoped3A_8[%rem3A_352, %get3A_663, %get3A_664] : memref<2x8x128xf32, #tpu.memory_space<vmem>> -> memref<1x8x128xf32, #tpu.memory_space<vmem>>
        %get3A_666 = tpu.memref_squeeze %get3A_665 : memref<1x8x128xf32, #tpu.memory_space<vmem>> -> memref<8x128xf32, #tpu.memory_space<vmem>>
        %get3A_667 = arith.index_cast %get3A_662 : i32 to index
        %get3A_668 = arith.constant 16 : index
        %get3A_669 = tpu.vector_load %get3A_666[%get3A_667, %get3A_668] {strides = array<i32>} : memref<8x128xf32, #tpu.memory_space<vmem>>, vector<1x16xf32>,
        %get3A_670 = vector.shape_cast %get3A_669 : vector<1x16xf32> to vector<16xf32>
        %get3A_671 = arith.constant 4 : i32
        %get3A_672 = arith.constant 0 : i32
        %get3A_673 = arith.constant 0 : i32
        %get3A_674 = tpu.memref_slice %run_scoped3A_8[%rem3A_352, %get3A_672, %get3A_673] : memref<2x8x128xf32, #tpu.memory_space<vmem>> -> memref<1x8x128xf32, #tpu.memory_space<vmem>>
        %get3A_675 = tpu.memref_squeeze %get3A_674 : memref<1x8x128xf32, #tpu.memory_space<vmem>> -> memref<8x128xf32, #tpu.memory_space<vmem>>
        %get3A_676 = arith.index_cast %get3A_671 : i32 to index
        %get3A_677 = arith.constant 32 : index
        %get3A_678 = tpu.vector_load %get3A_675[%get3A_676, %get3A_677] {strides = array<i32>} : memref<8x128xf32, #tpu.memory_space<vmem>>, vector<1x16xf32>,
        %get3A_679 = vector.shape_cast %get3A_678 : vector<1x16xf32> to vector<16xf32>
        %get3A_680 = arith.constant 4 : i32
        %get3A_681 = arith.constant 0 : i32
        %get3A_682 = arith.constant 0 : i32
        %get3A_683 = tpu.memref_slice %run_scoped3A_8[%rem3A_352, %get3A_681, %get3A_682] : memref<2x8x128xf32, #tpu.memory_space<vmem>> -> memref<1x8x128xf32, #tpu.memory_space<vmem>>
        %get3A_684 = tpu.memref_squeeze %get3A_683 : memref<1x8x128xf32, #tpu.memory_space<vmem>> -> memref<8x128xf32, #tpu.memory_space<vmem>>
        %get3A_685 = arith.index_cast %get3A_680 : i32 to index
        %get3A_686 = arith.constant 48 : index
        %get3A_687 = tpu.vector_load %get3A_684[%get3A_685, %get3A_686] {strides = array<i32>} : memref<8x128xf32, #tpu.memory_space<vmem>>, vector<1x16xf32>,
        %get3A_688 = vector.shape_cast %get3A_687 : vector<1x16xf32> to vector<16xf32>
        %get3A_689 = arith.constant 4 : i32
        %get3A_690 = arith.constant 0 : i32
        %get3A_691 = arith.constant 0 : i32
        %get3A_692 = tpu.memref_slice %run_scoped3A_8[%rem3A_352, %get3A_690, %get3A_691] : memref<2x8x128xf32, #tpu.memory_space<vmem>> -> memref<1x8x128xf32, #tpu.memory_space<vmem>>
        %get3A_693 = tpu.memref_squeeze %get3A_692 : memref<1x8x128xf32, #tpu.memory_space<vmem>> -> memref<8x128xf32, #tpu.memory_space<vmem>>
        %get3A_694 = arith.index_cast %get3A_689 : i32 to index
        %get3A_695 = arith.constant 64 : index
        %get3A_696 = tpu.vector_load %get3A_693[%get3A_694, %get3A_695] {strides = array<i32>} : memref<8x128xf32, #tpu.memory_space<vmem>>, vector<1x16xf32>,
        %get3A_697 = vector.shape_cast %get3A_696 : vector<1x16xf32> to vector<16xf32>
        %get3A_698 = arith.constant 4 : i32
        %get3A_699 = arith.constant 0 : i32
        %get3A_700 = arith.constant 0 : i32
        %get3A_701 = tpu.memref_slice %run_scoped3A_8[%rem3A_352, %get3A_699, %get3A_700] : memref<2x8x128xf32, #tpu.memory_space<vmem>> -> memref<1x8x128xf32, #tpu.memory_space<vmem>>
        %get3A_702 = tpu.memref_squeeze %get3A_701 : memref<1x8x128xf32, #tpu.memory_space<vmem>> -> memref<8x128xf32, #tpu.memory_space<vmem>>
        %get3A_703 = arith.index_cast %get3A_698 : i32 to index
        %get3A_704 = arith.constant 80 : index
        %get3A_705 = tpu.vector_load %get3A_702[%get3A_703, %get3A_704] {strides = array<i32>} : memref<8x128xf32, #tpu.memory_space<vmem>>, vector<1x16xf32>,
        %get3A_706 = vector.shape_cast %get3A_705 : vector<1x16xf32> to vector<16xf32>
        %get3A_707 = arith.constant 4 : i32
        %get3A_708 = arith.constant 0 : i32
        %get3A_709 = arith.constant 0 : i32
        %get3A_710 = tpu.memref_slice %run_scoped3A_8[%rem3A_352, %get3A_708, %get3A_709] : memref<2x8x128xf32, #tpu.memory_space<vmem>> -> memref<1x8x128xf32, #tpu.memory_space<vmem>>
        %get3A_711 = tpu.memref_squeeze %get3A_710 : memref<1x8x128xf32, #tpu.memory_space<vmem>> -> memref<8x128xf32, #tpu.memory_space<vmem>>
        %get3A_712 = arith.index_cast %get3A_707 : i32 to index
        %get3A_713 = arith.constant 96 : index
        %get3A_714 = tpu.vector_load %get3A_711[%get3A_712, %get3A_713] {strides = array<i32>} : memref<8x128xf32, #tpu.memory_space<vmem>>, vector<1x16xf32>,
        %get3A_715 = vector.shape_cast %get3A_714 : vector<1x16xf32> to vector<16xf32>
        %get3A_716 = arith.constant 4 : i32
        %get3A_717 = arith.constant 0 : i32
        %get3A_718 = arith.constant 0 : i32
        %get3A_719 = tpu.memref_slice %run_scoped3A_8[%rem3A_352, %get3A_717, %get3A_718] : memref<2x8x128xf32, #tpu.memory_space<vmem>> -> memref<1x8x128xf32, #tpu.memory_space<vmem>>
        %get3A_720 = tpu.memref_squeeze %get3A_719 : memref<1x8x128xf32, #tpu.memory_space<vmem>> -> memref<8x128xf32, #tpu.memory_space<vmem>>
        %get3A_721 = arith.index_cast %get3A_716 : i32 to index
        %get3A_722 = arith.constant 112 : index
        %get3A_723 = tpu.vector_load %get3A_720[%get3A_721, %get3A_722] {strides = array<i32>} : memref<8x128xf32, #tpu.memory_space<vmem>>, vector<1x16xf32>,
        %get3A_724 = vector.shape_cast %get3A_723 : vector<1x16xf32> to vector<16xf32>
        %parallel_loop3A_725 = arith.constant 0 : i32
        %parallel_loop3A_726 = arith.constant 2048 : i32
        %parallel_loop3A_727 = arith.constant 128 : i32
        scf.for %parallel_loop3A_1064 = %parallel_loop3A_725 to %parallel_loop3A_726 step %parallel_loop3A_727  : i32 {
          %parallel_loop3A_1065 = arith.constant 0 : i32
          %parallel_loop3A_1066 = arith.addi %parallel_loop3A_1064, %parallel_loop3A_1065 : i32
          %parallel_loop3A_1067 = arith.constant 4 : i32
          %parallel_loop3A_1068 = arith.constant 0 : i32
          %parallel_loop3A_1069 = arith.constant 0 : i32
          %parallel_loop3A_1070 = tpu.memref_slice %run_scoped3A[%rem3A_350, %parallel_loop3A_1068, %parallel_loop3A_1069] : memref<2x8x2048xf32, #tpu.memory_space<vmem>> -> memref<1x8x2048xf32, #tpu.memory_space<vmem>>
          %parallel_loop3A_1071 = tpu.memref_squeeze %parallel_loop3A_1070 : memref<1x8x2048xf32, #tpu.memory_space<vmem>> -> memref<8x2048xf32, #tpu.memory_space<vmem>>
          %parallel_loop3A_1072 = arith.index_cast %parallel_loop3A_1067 : i32 to index
          %parallel_loop3A_1073 = arith.index_cast %parallel_loop3A_1066 : i32 to index
          %parallel_loop3A_1074 = tpu.vector_load %parallel_loop3A_1071[%parallel_loop3A_1072, %parallel_loop3A_1073] {strides = array<i32>} : memref<8x2048xf32, #tpu.memory_space<vmem>>, vector<1x16xf32>,
          %parallel_loop3A_1075 = vector.shape_cast %parallel_loop3A_1074 : vector<1x16xf32> to vector<16xf32>
          %parallel_loop3A_1076 = arith.addf %parallel_loop3A_1075, %get3A_661 : vector<16xf32>
          %parallel_loop3A_1077 = arith.constant 4 : i32
          %parallel_loop3A_1078 = arith.constant 0 : i32
          %parallel_loop3A_1079 = arith.constant 0 : i32
          %parallel_loop3A_1080 = tpu.memref_slice %run_scoped3A_10[%rem3A_354, %parallel_loop3A_1078, %parallel_loop3A_1079] : memref<2x8x2048xf32, #tpu.memory_space<vmem>> -> memref<1x8x2048xf32, #tpu.memory_space<vmem>>
          %parallel_loop3A_1081 = tpu.memref_squeeze %parallel_loop3A_1080 : memref<1x8x2048xf32, #tpu.memory_space<vmem>> -> memref<8x2048xf32, #tpu.memory_space<vmem>>
          %parallel_loop3A_1082 = arith.index_cast %parallel_loop3A_1077 : i32 to index
          %parallel_loop3A_1083 = arith.index_cast %parallel_loop3A_1066 : i32 to index
          %parallel_loop3A_1084 = tpu.vector_load %parallel_loop3A_1081[%parallel_loop3A_1082, %parallel_loop3A_1083] {strides = array<i32>} : memref<8x2048xf32, #tpu.memory_space<vmem>>, vector<1x16xf32>,
          %parallel_loop3A_1085 = vector.shape_cast %parallel_loop3A_1084 : vector<1x16xf32> to vector<16xf32>
          %parallel_loop3A_1086 = vector.shape_cast %parallel_loop3A_1076 : vector<16xf32> to vector<1x16xf32>
          tpu.vector_store %parallel_loop3A_1081[%parallel_loop3A_1082, %parallel_loop3A_1083], %parallel_loop3A_1086 {strides = array<i32>} : memref<8x2048xf32, #tpu.memory_space<vmem>>, vector<1x16xf32>,
          %parallel_loop3A_1087 = arith.constant 16 : i32
          %parallel_loop3A_1088 = arith.addi %parallel_loop3A_1064, %parallel_loop3A_1087 : i32
          %parallel_loop3A_1089 = arith.constant 4 : i32
          %parallel_loop3A_1090 = arith.constant 0 : i32
          %parallel_loop3A_1091 = arith.constant 0 : i32
          %parallel_loop3A_1092 = tpu.memref_slice %run_scoped3A[%rem3A_350, %parallel_loop3A_1090, %parallel_loop3A_1091] : memref<2x8x2048xf32, #tpu.memory_space<vmem>> -> memref<1x8x2048xf32, #tpu.memory_space<vmem>>
          %parallel_loop3A_1093 = tpu.memref_squeeze %parallel_loop3A_1092 : memref<1x8x2048xf32, #tpu.memory_space<vmem>> -> memref<8x2048xf32, #tpu.memory_space<vmem>>
          %parallel_loop3A_1094 = arith.index_cast %parallel_loop3A_1089 : i32 to index
          %parallel_loop3A_1095 = arith.index_cast %parallel_loop3A_1088 : i32 to index
          %parallel_loop3A_1096 = tpu.vector_load %parallel_loop3A_1093[%parallel_loop3A_1094, %parallel_loop3A_1095] {strides = array<i32>} : memref<8x2048xf32, #tpu.memory_space<vmem>>, vector<1x16xf32>,
          %parallel_loop3A_1097 = vector.shape_cast %parallel_loop3A_1096 : vector<1x16xf32> to vector<16xf32>
          %parallel_loop3A_1098 = arith.addf %parallel_loop3A_1097, %get3A_670 : vector<16xf32>
          %parallel_loop3A_1099 = arith.constant 4 : i32
          %parallel_loop3A_1100 = arith.constant 0 : i32
          %parallel_loop3A_1101 = arith.constant 0 : i32
          %parallel_loop3A_1102 = tpu.memref_slice %run_scoped3A_10[%rem3A_354, %parallel_loop3A_1100, %parallel_loop3A_1101] : memref<2x8x2048xf32, #tpu.memory_space<vmem>> -> memref<1x8x2048xf32, #tpu.memory_space<vmem>>
          %parallel_loop3A_1103 = tpu.memref_squeeze %parallel_loop3A_1102 : memref<1x8x2048xf32, #tpu.memory_space<vmem>> -> memref<8x2048xf32, #tpu.memory_space<vmem>>
          %parallel_loop3A_1104 = arith.index_cast %parallel_loop3A_1099 : i32 to index
          %parallel_loop3A_1105 = arith.index_cast %parallel_loop3A_1088 : i32 to index
          %parallel_loop3A_1106 = tpu.vector_load %parallel_loop3A_1103[%parallel_loop3A_1104, %parallel_loop3A_1105] {strides = array<i32>} : memref<8x2048xf32, #tpu.memory_space<vmem>>, vector<1x16xf32>,
          %parallel_loop3A_1107 = vector.shape_cast %parallel_loop3A_1106 : vector<1x16xf32> to vector<16xf32>
          %parallel_loop3A_1108 = vector.shape_cast %parallel_loop3A_1098 : vector<16xf32> to vector<1x16xf32>
          tpu.vector_store %parallel_loop3A_1103[%parallel_loop3A_1104, %parallel_loop3A_1105], %parallel_loop3A_1108 {strides = array<i32>} : memref<8x2048xf32, #tpu.memory_space<vmem>>, vector<1x16xf32>,
          %parallel_loop3A_1109 = arith.constant 32 : i32
          %parallel_loop3A_1110 = arith.addi %parallel_loop3A_1064, %parallel_loop3A_1109 : i32
          %parallel_loop3A_1111 = arith.constant 4 : i32
          %parallel_loop3A_1112 = arith.constant 0 : i32
          %parallel_loop3A_1113 = arith.constant 0 : i32
          %parallel_loop3A_1114 = tpu.memref_slice %run_scoped3A[%rem3A_350, %parallel_loop3A_1112, %parallel_loop3A_1113] : memref<2x8x2048xf32, #tpu.memory_space<vmem>> -> memref<1x8x2048xf32, #tpu.memory_space<vmem>>
          %parallel_loop3A_1115 = tpu.memref_squeeze %parallel_loop3A_1114 : memref<1x8x2048xf32, #tpu.memory_space<vmem>> -> memref<8x2048xf32, #tpu.memory_space<vmem>>
          %parallel_loop3A_1116 = arith.index_cast %parallel_loop3A_1111 : i32 to index
          %parallel_loop3A_1117 = arith.index_cast %parallel_loop3A_1110 : i32 to index
          %parallel_loop3A_1118 = tpu.vector_load %parallel_loop3A_1115[%parallel_loop3A_1116, %parallel_loop3A_1117] {strides = array<i32>} : memref<8x2048xf32, #tpu.memory_space<vmem>>, vector<1x16xf32>,
          %parallel_loop3A_1119 = vector.shape_cast %parallel_loop3A_1118 : vector<1x16xf32> to vector<16xf32>
          %parallel_loop3A_1120 = arith.addf %parallel_loop3A_1119, %get3A_679 : vector<16xf32>
          %parallel_loop3A_1121 = arith.constant 4 : i32
          %parallel_loop3A_1122 = arith.constant 0 : i32
          %parallel_loop3A_1123 = arith.constant 0 : i32
          %parallel_loop3A_1124 = tpu.memref_slice %run_scoped3A_10[%rem3A_354, %parallel_loop3A_1122, %parallel_loop3A_1123] : memref<2x8x2048xf32, #tpu.memory_space<vmem>> -> memref<1x8x2048xf32, #tpu.memory_space<vmem>>
          %parallel_loop3A_1125 = tpu.memref_squeeze %parallel_loop3A_1124 : memref<1x8x2048xf32, #tpu.memory_space<vmem>> -> memref<8x2048xf32, #tpu.memory_space<vmem>>
          %parallel_loop3A_1126 = arith.index_cast %parallel_loop3A_1121 : i32 to index
          %parallel_loop3A_1127 = arith.index_cast %parallel_loop3A_1110 : i32 to index
          %parallel_loop3A_1128 = tpu.vector_load %parallel_loop3A_1125[%parallel_loop3A_1126, %parallel_loop3A_1127] {strides = array<i32>} : memref<8x2048xf32, #tpu.memory_space<vmem>>, vector<1x16xf32>,
          %parallel_loop3A_1129 = vector.shape_cast %parallel_loop3A_1128 : vector<1x16xf32> to vector<16xf32>
          %parallel_loop3A_1130 = vector.shape_cast %parallel_loop3A_1120 : vector<16xf32> to vector<1x16xf32>
          tpu.vector_store %parallel_loop3A_1125[%parallel_loop3A_1126, %parallel_loop3A_1127], %parallel_loop3A_1130 {strides = array<i32>} : memref<8x2048xf32, #tpu.memory_space<vmem>>, vector<1x16xf32>,
          %parallel_loop3A_1131 = arith.constant 48 : i32
          %parallel_loop3A_1132 = arith.addi %parallel_loop3A_1064, %parallel_loop3A_1131 : i32
          %parallel_loop3A_1133 = arith.constant 4 : i32
          %parallel_loop3A_1134 = arith.constant 0 : i32
          %parallel_loop3A_1135 = arith.constant 0 : i32
          %parallel_loop3A_1136 = tpu.memref_slice %run_scoped3A[%rem3A_350, %parallel_loop3A_1134, %parallel_loop3A_1135] : memref<2x8x2048xf32, #tpu.memory_space<vmem>> -> memref<1x8x2048xf32, #tpu.memory_space<vmem>>
          %parallel_loop3A_1137 = tpu.memref_squeeze %parallel_loop3A_1136 : memref<1x8x2048xf32, #tpu.memory_space<vmem>> -> memref<8x2048xf32, #tpu.memory_space<vmem>>
          %parallel_loop3A_1138 = arith.index_cast %parallel_loop3A_1133 : i32 to index
          %parallel_loop3A_1139 = arith.index_cast %parallel_loop3A_1132 : i32 to index
          %parallel_loop3A_1140 = tpu.vector_load %parallel_loop3A_1137[%parallel_loop3A_1138, %parallel_loop3A_1139] {strides = array<i32>} : memref<8x2048xf32, #tpu.memory_space<vmem>>, vector<1x16xf32>,
          %parallel_loop3A_1141 = vector.shape_cast %parallel_loop3A_1140 : vector<1x16xf32> to vector<16xf32>
          %parallel_loop3A_1142 = arith.addf %parallel_loop3A_1141, %get3A_688 : vector<16xf32>
          %parallel_loop3A_1143 = arith.constant 4 : i32
          %parallel_loop3A_1144 = arith.constant 0 : i32
          %parallel_loop3A_1145 = arith.constant 0 : i32
          %parallel_loop3A_1146 = tpu.memref_slice %run_scoped3A_10[%rem3A_354, %parallel_loop3A_1144, %parallel_loop3A_1145] : memref<2x8x2048xf32, #tpu.memory_space<vmem>> -> memref<1x8x2048xf32, #tpu.memory_space<vmem>>
          %parallel_loop3A_1147 = tpu.memref_squeeze %parallel_loop3A_1146 : memref<1x8x2048xf32, #tpu.memory_space<vmem>> -> memref<8x2048xf32, #tpu.memory_space<vmem>>
          %parallel_loop3A_1148 = arith.index_cast %parallel_loop3A_1143 : i32 to index
          %parallel_loop3A_1149 = arith.index_cast %parallel_loop3A_1132 : i32 to index
          %parallel_loop3A_1150 = tpu.vector_load %parallel_loop3A_1147[%parallel_loop3A_1148, %parallel_loop3A_1149] {strides = array<i32>} : memref<8x2048xf32, #tpu.memory_space<vmem>>, vector<1x16xf32>,
          %parallel_loop3A_1151 = vector.shape_cast %parallel_loop3A_1150 : vector<1x16xf32> to vector<16xf32>
          %parallel_loop3A_1152 = vector.shape_cast %parallel_loop3A_1142 : vector<16xf32> to vector<1x16xf32>
          tpu.vector_store %parallel_loop3A_1147[%parallel_loop3A_1148, %parallel_loop3A_1149], %parallel_loop3A_1152 {strides = array<i32>} : memref<8x2048xf32, #tpu.memory_space<vmem>>, vector<1x16xf32>,
          %parallel_loop3A_1153 = arith.constant 64 : i32
          %parallel_loop3A_1154 = arith.addi %parallel_loop3A_1064, %parallel_loop3A_1153 : i32
          %parallel_loop3A_1155 = arith.constant 4 : i32
          %parallel_loop3A_1156 = arith.constant 0 : i32
          %parallel_loop3A_1157 = arith.constant 0 : i32
          %parallel_loop3A_1158 = tpu.memref_slice %run_scoped3A[%rem3A_350, %parallel_loop3A_1156, %parallel_loop3A_1157] : memref<2x8x2048xf32, #tpu.memory_space<vmem>> -> memref<1x8x2048xf32, #tpu.memory_space<vmem>>
          %parallel_loop3A_1159 = tpu.memref_squeeze %parallel_loop3A_1158 : memref<1x8x2048xf32, #tpu.memory_space<vmem>> -> memref<8x2048xf32, #tpu.memory_space<vmem>>
          %parallel_loop3A_1160 = arith.index_cast %parallel_loop3A_1155 : i32 to index
          %parallel_loop3A_1161 = arith.index_cast %parallel_loop3A_1154 : i32 to index
          %parallel_loop3A_1162 = tpu.vector_load %parallel_loop3A_1159[%parallel_loop3A_1160, %parallel_loop3A_1161] {strides = array<i32>} : memref<8x2048xf32, #tpu.memory_space<vmem>>, vector<1x16xf32>,
          %parallel_loop3A_1163 = vector.shape_cast %parallel_loop3A_1162 : vector<1x16xf32> to vector<16xf32>
          %parallel_loop3A_1164 = arith.addf %parallel_loop3A_1163, %get3A_697 : vector<16xf32>
          %parallel_loop3A_1165 = arith.constant 4 : i32
          %parallel_loop3A_1166 = arith.constant 0 : i32
          %parallel_loop3A_1167 = arith.constant 0 : i32
          %parallel_loop3A_1168 = tpu.memref_slice %run_scoped3A_10[%rem3A_354, %parallel_loop3A_1166, %parallel_loop3A_1167] : memref<2x8x2048xf32, #tpu.memory_space<vmem>> -> memref<1x8x2048xf32, #tpu.memory_space<vmem>>
          %parallel_loop3A_1169 = tpu.memref_squeeze %parallel_loop3A_1168 : memref<1x8x2048xf32, #tpu.memory_space<vmem>> -> memref<8x2048xf32, #tpu.memory_space<vmem>>
          %parallel_loop3A_1170 = arith.index_cast %parallel_loop3A_1165 : i32 to index
          %parallel_loop3A_1171 = arith.index_cast %parallel_loop3A_1154 : i32 to index
          %parallel_loop3A_1172 = tpu.vector_load %parallel_loop3A_1169[%parallel_loop3A_1170, %parallel_loop3A_1171] {strides = array<i32>} : memref<8x2048xf32, #tpu.memory_space<vmem>>, vector<1x16xf32>,
          %parallel_loop3A_1173 = vector.shape_cast %parallel_loop3A_1172 : vector<1x16xf32> to vector<16xf32>
          %parallel_loop3A_1174 = vector.shape_cast %parallel_loop3A_1164 : vector<16xf32> to vector<1x16xf32>
          tpu.vector_store %parallel_loop3A_1169[%parallel_loop3A_1170, %parallel_loop3A_1171], %parallel_loop3A_1174 {strides = array<i32>} : memref<8x2048xf32, #tpu.memory_space<vmem>>, vector<1x16xf32>,
          %parallel_loop3A_1175 = arith.constant 80 : i32
          %parallel_loop3A_1176 = arith.addi %parallel_loop3A_1064, %parallel_loop3A_1175 : i32
          %parallel_loop3A_1177 = arith.constant 4 : i32
          %parallel_loop3A_1178 = arith.constant 0 : i32
          %parallel_loop3A_1179 = arith.constant 0 : i32
          %parallel_loop3A_1180 = tpu.memref_slice %run_scoped3A[%rem3A_350, %parallel_loop3A_1178, %parallel_loop3A_1179] : memref<2x8x2048xf32, #tpu.memory_space<vmem>> -> memref<1x8x2048xf32, #tpu.memory_space<vmem>>
          %parallel_loop3A_1181 = tpu.memref_squeeze %parallel_loop3A_1180 : memref<1x8x2048xf32, #tpu.memory_space<vmem>> -> memref<8x2048xf32, #tpu.memory_space<vmem>>
          %parallel_loop3A_1182 = arith.index_cast %parallel_loop3A_1177 : i32 to index
          %parallel_loop3A_1183 = arith.index_cast %parallel_loop3A_1176 : i32 to index
          %parallel_loop3A_1184 = tpu.vector_load %parallel_loop3A_1181[%parallel_loop3A_1182, %parallel_loop3A_1183] {strides = array<i32>} : memref<8x2048xf32, #tpu.memory_space<vmem>>, vector<1x16xf32>,
          %parallel_loop3A_1185 = vector.shape_cast %parallel_loop3A_1184 : vector<1x16xf32> to vector<16xf32>
          %parallel_loop3A_1186 = arith.addf %parallel_loop3A_1185, %get3A_706 : vector<16xf32>
          %parallel_loop3A_1187 = arith.constant 4 : i32
          %parallel_loop3A_1188 = arith.constant 0 : i32
          %parallel_loop3A_1189 = arith.constant 0 : i32
          %parallel_loop3A_1190 = tpu.memref_slice %run_scoped3A_10[%rem3A_354, %parallel_loop3A_1188, %parallel_loop3A_1189] : memref<2x8x2048xf32, #tpu.memory_space<vmem>> -> memref<1x8x2048xf32, #tpu.memory_space<vmem>>
          %parallel_loop3A_1191 = tpu.memref_squeeze %parallel_loop3A_1190 : memref<1x8x2048xf32, #tpu.memory_space<vmem>> -> memref<8x2048xf32, #tpu.memory_space<vmem>>
          %parallel_loop3A_1192 = arith.index_cast %parallel_loop3A_1187 : i32 to index
          %parallel_loop3A_1193 = arith.index_cast %parallel_loop3A_1176 : i32 to index
          %parallel_loop3A_1194 = tpu.vector_load %parallel_loop3A_1191[%parallel_loop3A_1192, %parallel_loop3A_1193] {strides = array<i32>} : memref<8x2048xf32, #tpu.memory_space<vmem>>, vector<1x16xf32>,
          %parallel_loop3A_1195 = vector.shape_cast %parallel_loop3A_1194 : vector<1x16xf32> to vector<16xf32>
          %parallel_loop3A_1196 = vector.shape_cast %parallel_loop3A_1186 : vector<16xf32> to vector<1x16xf32>
          tpu.vector_store %parallel_loop3A_1191[%parallel_loop3A_1192, %parallel_loop3A_1193], %parallel_loop3A_1196 {strides = array<i32>} : memref<8x2048xf32, #tpu.memory_space<vmem>>, vector<1x16xf32>,
          %parallel_loop3A_1197 = arith.constant 96 : i32
          %parallel_loop3A_1198 = arith.addi %parallel_loop3A_1064, %parallel_loop3A_1197 : i32
          %parallel_loop3A_1199 = arith.constant 4 : i32
          %parallel_loop3A_1200 = arith.constant 0 : i32
          %parallel_loop3A_1201 = arith.constant 0 : i32
          %parallel_loop3A_1202 = tpu.memref_slice %run_scoped3A[%rem3A_350, %parallel_loop3A_1200, %parallel_loop3A_1201] : memref<2x8x2048xf32, #tpu.memory_space<vmem>> -> memref<1x8x2048xf32, #tpu.memory_space<vmem>>
          %parallel_loop3A_1203 = tpu.memref_squeeze %parallel_loop3A_1202 : memref<1x8x2048xf32, #tpu.memory_space<vmem>> -> memref<8x2048xf32, #tpu.memory_space<vmem>>
          %parallel_loop3A_1204 = arith.index_cast %parallel_loop3A_1199 : i32 to index
          %parallel_loop3A_1205 = arith.index_cast %parallel_loop3A_1198 : i32 to index
          %parallel_loop3A_1206 = tpu.vector_load %parallel_loop3A_1203[%parallel_loop3A_1204, %parallel_loop3A_1205] {strides = array<i32>} : memref<8x2048xf32, #tpu.memory_space<vmem>>, vector<1x16xf32>,
          %parallel_loop3A_1207 = vector.shape_cast %parallel_loop3A_1206 : vector<1x16xf32> to vector<16xf32>
          %parallel_loop3A_1208 = arith.addf %parallel_loop3A_1207, %get3A_715 : vector<16xf32>
          %parallel_loop3A_1209 = arith.constant 4 : i32
          %parallel_loop3A_1210 = arith.constant 0 : i32
          %parallel_loop3A_1211 = arith.constant 0 : i32
          %parallel_loop3A_1212 = tpu.memref_slice %run_scoped3A_10[%rem3A_354, %parallel_loop3A_1210, %parallel_loop3A_1211] : memref<2x8x2048xf32, #tpu.memory_space<vmem>> -> memref<1x8x2048xf32, #tpu.memory_space<vmem>>
          %parallel_loop3A_1213 = tpu.memref_squeeze %parallel_loop3A_1212 : memref<1x8x2048xf32, #tpu.memory_space<vmem>> -> memref<8x2048xf32, #tpu.memory_space<vmem>>
          %parallel_loop3A_1214 = arith.index_cast %parallel_loop3A_1209 : i32 to index
          %parallel_loop3A_1215 = arith.index_cast %parallel_loop3A_1198 : i32 to index
          %parallel_loop3A_1216 = tpu.vector_load %parallel_loop3A_1213[%parallel_loop3A_1214, %parallel_loop3A_1215] {strides = array<i32>} : memref<8x2048xf32, #tpu.memory_space<vmem>>, vector<1x16xf32>,
          %parallel_loop3A_1217 = vector.shape_cast %parallel_loop3A_1216 : vector<1x16xf32> to vector<16xf32>
          %parallel_loop3A_1218 = vector.shape_cast %parallel_loop3A_1208 : vector<16xf32> to vector<1x16xf32>
          tpu.vector_store %parallel_loop3A_1213[%parallel_loop3A_1214, %parallel_loop3A_1215], %parallel_loop3A_1218 {strides = array<i32>} : memref<8x2048xf32, #tpu.memory_space<vmem>>, vector<1x16xf32>,
          %parallel_loop3A_1219 = arith.constant 112 : i32
          %parallel_loop3A_1220 = arith.addi %parallel_loop3A_1064, %parallel_loop3A_1219 : i32
          %parallel_loop3A_1221 = arith.constant 4 : i32
          %parallel_loop3A_1222 = arith.constant 0 : i32
          %parallel_loop3A_1223 = arith.constant 0 : i32
          %parallel_loop3A_1224 = tpu.memref_slice %run_scoped3A[%rem3A_350, %parallel_loop3A_1222, %parallel_loop3A_1223] : memref<2x8x2048xf32, #tpu.memory_space<vmem>> -> memref<1x8x2048xf32, #tpu.memory_space<vmem>>
          %parallel_loop3A_1225 = tpu.memref_squeeze %parallel_loop3A_1224 : memref<1x8x2048xf32, #tpu.memory_space<vmem>> -> memref<8x2048xf32, #tpu.memory_space<vmem>>
          %parallel_loop3A_1226 = arith.index_cast %parallel_loop3A_1221 : i32 to index
          %parallel_loop3A_1227 = arith.index_cast %parallel_loop3A_1220 : i32 to index
          %parallel_loop3A_1228 = tpu.vector_load %parallel_loop3A_1225[%parallel_loop3A_1226, %parallel_loop3A_1227] {strides = array<i32>} : memref<8x2048xf32, #tpu.memory_space<vmem>>, vector<1x16xf32>,
          %parallel_loop3A_1229 = vector.shape_cast %parallel_loop3A_1228 : vector<1x16xf32> to vector<16xf32>
          %parallel_loop3A_1230 = arith.addf %parallel_loop3A_1229, %get3A_724 : vector<16xf32>
          %parallel_loop3A_1231 = arith.constant 4 : i32
          %parallel_loop3A_1232 = arith.constant 0 : i32
          %parallel_loop3A_1233 = arith.constant 0 : i32
          %parallel_loop3A_1234 = tpu.memref_slice %run_scoped3A_10[%rem3A_354, %parallel_loop3A_1232, %parallel_loop3A_1233] : memref<2x8x2048xf32, #tpu.memory_space<vmem>> -> memref<1x8x2048xf32, #tpu.memory_space<vmem>>
          %parallel_loop3A_1235 = tpu.memref_squeeze %parallel_loop3A_1234 : memref<1x8x2048xf32, #tpu.memory_space<vmem>> -> memref<8x2048xf32, #tpu.memory_space<vmem>>
          %parallel_loop3A_1236 = arith.index_cast %parallel_loop3A_1231 : i32 to index
          %parallel_loop3A_1237 = arith.index_cast %parallel_loop3A_1220 : i32 to index
          %parallel_loop3A_1238 = tpu.vector_load %parallel_loop3A_1235[%parallel_loop3A_1236, %parallel_loop3A_1237] {strides = array<i32>} : memref<8x2048xf32, #tpu.memory_space<vmem>>, vector<1x16xf32>,
          %parallel_loop3A_1239 = vector.shape_cast %parallel_loop3A_1238 : vector<1x16xf32> to vector<16xf32>
          %parallel_loop3A_1240 = vector.shape_cast %parallel_loop3A_1230 : vector<16xf32> to vector<1x16xf32>
          tpu.vector_store %parallel_loop3A_1235[%parallel_loop3A_1236, %parallel_loop3A_1237], %parallel_loop3A_1240 {strides = array<i32>} : memref<8x2048xf32, #tpu.memory_space<vmem>>, vector<1x16xf32>,
        } {sc.loop_unroll_factor = 2 : i64, sc.parallel_access}
        %get3A_728 = arith.constant 5 : i32
        %get3A_729 = arith.constant 0 : i32
        %get3A_730 = arith.constant 0 : i32
        %get3A_731 = tpu.memref_slice %run_scoped3A_8[%rem3A_352, %get3A_729, %get3A_730] : memref<2x8x128xf32, #tpu.memory_space<vmem>> -> memref<1x8x128xf32, #tpu.memory_space<vmem>>
        %get3A_732 = tpu.memref_squeeze %get3A_731 : memref<1x8x128xf32, #tpu.memory_space<vmem>> -> memref<8x128xf32, #tpu.memory_space<vmem>>
        %get3A_733 = arith.index_cast %get3A_728 : i32 to index
        %get3A_734 = arith.constant 0 : index
        %get3A_735 = tpu.vector_load %get3A_732[%get3A_733, %get3A_734] {strides = array<i32>} : memref<8x128xf32, #tpu.memory_space<vmem>>, vector<1x16xf32>,
        %get3A_736 = vector.shape_cast %get3A_735 : vector<1x16xf32> to vector<16xf32>
        %get3A_737 = arith.constant 5 : i32
        %get3A_738 = arith.constant 0 : i32
        %get3A_739 = arith.constant 0 : i32
        %get3A_740 = tpu.memref_slice %run_scoped3A_8[%rem3A_352, %get3A_738, %get3A_739] : memref<2x8x128xf32, #tpu.memory_space<vmem>> -> memref<1x8x128xf32, #tpu.memory_space<vmem>>
        %get3A_741 = tpu.memref_squeeze %get3A_740 : memref<1x8x128xf32, #tpu.memory_space<vmem>> -> memref<8x128xf32, #tpu.memory_space<vmem>>
        %get3A_742 = arith.index_cast %get3A_737 : i32 to index
        %get3A_743 = arith.constant 16 : index
        %get3A_744 = tpu.vector_load %get3A_741[%get3A_742, %get3A_743] {strides = array<i32>} : memref<8x128xf32, #tpu.memory_space<vmem>>, vector<1x16xf32>,
        %get3A_745 = vector.shape_cast %get3A_744 : vector<1x16xf32> to vector<16xf32>
        %get3A_746 = arith.constant 5 : i32
        %get3A_747 = arith.constant 0 : i32
        %get3A_748 = arith.constant 0 : i32
        %get3A_749 = tpu.memref_slice %run_scoped3A_8[%rem3A_352, %get3A_747, %get3A_748] : memref<2x8x128xf32, #tpu.memory_space<vmem>> -> memref<1x8x128xf32, #tpu.memory_space<vmem>>
        %get3A_750 = tpu.memref_squeeze %get3A_749 : memref<1x8x128xf32, #tpu.memory_space<vmem>> -> memref<8x128xf32, #tpu.memory_space<vmem>>
        %get3A_751 = arith.index_cast %get3A_746 : i32 to index
        %get3A_752 = arith.constant 32 : index
        %get3A_753 = tpu.vector_load %get3A_750[%get3A_751, %get3A_752] {strides = array<i32>} : memref<8x128xf32, #tpu.memory_space<vmem>>, vector<1x16xf32>,
        %get3A_754 = vector.shape_cast %get3A_753 : vector<1x16xf32> to vector<16xf32>
        %get3A_755 = arith.constant 5 : i32
        %get3A_756 = arith.constant 0 : i32
        %get3A_757 = arith.constant 0 : i32
        %get3A_758 = tpu.memref_slice %run_scoped3A_8[%rem3A_352, %get3A_756, %get3A_757] : memref<2x8x128xf32, #tpu.memory_space<vmem>> -> memref<1x8x128xf32, #tpu.memory_space<vmem>>
        %get3A_759 = tpu.memref_squeeze %get3A_758 : memref<1x8x128xf32, #tpu.memory_space<vmem>> -> memref<8x128xf32, #tpu.memory_space<vmem>>
        %get3A_760 = arith.index_cast %get3A_755 : i32 to index
        %get3A_761 = arith.constant 48 : index
        %get3A_762 = tpu.vector_load %get3A_759[%get3A_760, %get3A_761] {strides = array<i32>} : memref<8x128xf32, #tpu.memory_space<vmem>>, vector<1x16xf32>,
        %get3A_763 = vector.shape_cast %get3A_762 : vector<1x16xf32> to vector<16xf32>
        %get3A_764 = arith.constant 5 : i32
        %get3A_765 = arith.constant 0 : i32
        %get3A_766 = arith.constant 0 : i32
        %get3A_767 = tpu.memref_slice %run_scoped3A_8[%rem3A_352, %get3A_765, %get3A_766] : memref<2x8x128xf32, #tpu.memory_space<vmem>> -> memref<1x8x128xf32, #tpu.memory_space<vmem>>
        %get3A_768 = tpu.memref_squeeze %get3A_767 : memref<1x8x128xf32, #tpu.memory_space<vmem>> -> memref<8x128xf32, #tpu.memory_space<vmem>>
        %get3A_769 = arith.index_cast %get3A_764 : i32 to index
        %get3A_770 = arith.constant 64 : index
        %get3A_771 = tpu.vector_load %get3A_768[%get3A_769, %get3A_770] {strides = array<i32>} : memref<8x128xf32, #tpu.memory_space<vmem>>, vector<1x16xf32>,
        %get3A_772 = vector.shape_cast %get3A_771 : vector<1x16xf32> to vector<16xf32>
        %get3A_773 = arith.constant 5 : i32
        %get3A_774 = arith.constant 0 : i32
        %get3A_775 = arith.constant 0 : i32
        %get3A_776 = tpu.memref_slice %run_scoped3A_8[%rem3A_352, %get3A_774, %get3A_775] : memref<2x8x128xf32, #tpu.memory_space<vmem>> -> memref<1x8x128xf32, #tpu.memory_space<vmem>>
        %get3A_777 = tpu.memref_squeeze %get3A_776 : memref<1x8x128xf32, #tpu.memory_space<vmem>> -> memref<8x128xf32, #tpu.memory_space<vmem>>
        %get3A_778 = arith.index_cast %get3A_773 : i32 to index
        %get3A_779 = arith.constant 80 : index
        %get3A_780 = tpu.vector_load %get3A_777[%get3A_778, %get3A_779] {strides = array<i32>} : memref<8x128xf32, #tpu.memory_space<vmem>>, vector<1x16xf32>,
        %get3A_781 = vector.shape_cast %get3A_780 : vector<1x16xf32> to vector<16xf32>
        %get3A_782 = arith.constant 5 : i32
        %get3A_783 = arith.constant 0 : i32
        %get3A_784 = arith.constant 0 : i32
        %get3A_785 = tpu.memref_slice %run_scoped3A_8[%rem3A_352, %get3A_783, %get3A_784] : memref<2x8x128xf32, #tpu.memory_space<vmem>> -> memref<1x8x128xf32, #tpu.memory_space<vmem>>
        %get3A_786 = tpu.memref_squeeze %get3A_785 : memref<1x8x128xf32, #tpu.memory_space<vmem>> -> memref<8x128xf32, #tpu.memory_space<vmem>>
        %get3A_787 = arith.index_cast %get3A_782 : i32 to index
        %get3A_788 = arith.constant 96 : index
        %get3A_789 = tpu.vector_load %get3A_786[%get3A_787, %get3A_788] {strides = array<i32>} : memref<8x128xf32, #tpu.memory_space<vmem>>, vector<1x16xf32>,
        %get3A_790 = vector.shape_cast %get3A_789 : vector<1x16xf32> to vector<16xf32>
        %get3A_791 = arith.constant 5 : i32
        %get3A_792 = arith.constant 0 : i32
        %get3A_793 = arith.constant 0 : i32
        %get3A_794 = tpu.memref_slice %run_scoped3A_8[%rem3A_352, %get3A_792, %get3A_793] : memref<2x8x128xf32, #tpu.memory_space<vmem>> -> memref<1x8x128xf32, #tpu.memory_space<vmem>>
        %get3A_795 = tpu.memref_squeeze %get3A_794 : memref<1x8x128xf32, #tpu.memory_space<vmem>> -> memref<8x128xf32, #tpu.memory_space<vmem>>
        %get3A_796 = arith.index_cast %get3A_791 : i32 to index
        %get3A_797 = arith.constant 112 : index
        %get3A_798 = tpu.vector_load %get3A_795[%get3A_796, %get3A_797] {strides = array<i32>} : memref<8x128xf32, #tpu.memory_space<vmem>>, vector<1x16xf32>,
        %get3A_799 = vector.shape_cast %get3A_798 : vector<1x16xf32> to vector<16xf32>
        %parallel_loop3A_800 = arith.constant 0 : i32
        %parallel_loop3A_801 = arith.constant 2048 : i32
        %parallel_loop3A_802 = arith.constant 128 : i32
        scf.for %parallel_loop3A_1064 = %parallel_loop3A_800 to %parallel_loop3A_801 step %parallel_loop3A_802  : i32 {
          %parallel_loop3A_1065 = arith.constant 0 : i32
          %parallel_loop3A_1066 = arith.addi %parallel_loop3A_1064, %parallel_loop3A_1065 : i32
          %parallel_loop3A_1067 = arith.constant 5 : i32
          %parallel_loop3A_1068 = arith.constant 0 : i32
          %parallel_loop3A_1069 = arith.constant 0 : i32
          %parallel_loop3A_1070 = tpu.memref_slice %run_scoped3A[%rem3A_350, %parallel_loop3A_1068, %parallel_loop3A_1069] : memref<2x8x2048xf32, #tpu.memory_space<vmem>> -> memref<1x8x2048xf32, #tpu.memory_space<vmem>>
          %parallel_loop3A_1071 = tpu.memref_squeeze %parallel_loop3A_1070 : memref<1x8x2048xf32, #tpu.memory_space<vmem>> -> memref<8x2048xf32, #tpu.memory_space<vmem>>
          %parallel_loop3A_1072 = arith.index_cast %parallel_loop3A_1067 : i32 to index
          %parallel_loop3A_1073 = arith.index_cast %parallel_loop3A_1066 : i32 to index
          %parallel_loop3A_1074 = tpu.vector_load %parallel_loop3A_1071[%parallel_loop3A_1072, %parallel_loop3A_1073] {strides = array<i32>} : memref<8x2048xf32, #tpu.memory_space<vmem>>, vector<1x16xf32>,
          %parallel_loop3A_1075 = vector.shape_cast %parallel_loop3A_1074 : vector<1x16xf32> to vector<16xf32>
          %parallel_loop3A_1076 = arith.addf %parallel_loop3A_1075, %get3A_736 : vector<16xf32>
          %parallel_loop3A_1077 = arith.constant 5 : i32
          %parallel_loop3A_1078 = arith.constant 0 : i32
          %parallel_loop3A_1079 = arith.constant 0 : i32
          %parallel_loop3A_1080 = tpu.memref_slice %run_scoped3A_10[%rem3A_354, %parallel_loop3A_1078, %parallel_loop3A_1079] : memref<2x8x2048xf32, #tpu.memory_space<vmem>> -> memref<1x8x2048xf32, #tpu.memory_space<vmem>>
          %parallel_loop3A_1081 = tpu.memref_squeeze %parallel_loop3A_1080 : memref<1x8x2048xf32, #tpu.memory_space<vmem>> -> memref<8x2048xf32, #tpu.memory_space<vmem>>
          %parallel_loop3A_1082 = arith.index_cast %parallel_loop3A_1077 : i32 to index
          %parallel_loop3A_1083 = arith.index_cast %parallel_loop3A_1066 : i32 to index
          %parallel_loop3A_1084 = tpu.vector_load %parallel_loop3A_1081[%parallel_loop3A_1082, %parallel_loop3A_1083] {strides = array<i32>} : memref<8x2048xf32, #tpu.memory_space<vmem>>, vector<1x16xf32>,
          %parallel_loop3A_1085 = vector.shape_cast %parallel_loop3A_1084 : vector<1x16xf32> to vector<16xf32>
          %parallel_loop3A_1086 = vector.shape_cast %parallel_loop3A_1076 : vector<16xf32> to vector<1x16xf32>
          tpu.vector_store %parallel_loop3A_1081[%parallel_loop3A_1082, %parallel_loop3A_1083], %parallel_loop3A_1086 {strides = array<i32>} : memref<8x2048xf32, #tpu.memory_space<vmem>>, vector<1x16xf32>,
          %parallel_loop3A_1087 = arith.constant 16 : i32
          %parallel_loop3A_1088 = arith.addi %parallel_loop3A_1064, %parallel_loop3A_1087 : i32
          %parallel_loop3A_1089 = arith.constant 5 : i32
          %parallel_loop3A_1090 = arith.constant 0 : i32
          %parallel_loop3A_1091 = arith.constant 0 : i32
          %parallel_loop3A_1092 = tpu.memref_slice %run_scoped3A[%rem3A_350, %parallel_loop3A_1090, %parallel_loop3A_1091] : memref<2x8x2048xf32, #tpu.memory_space<vmem>> -> memref<1x8x2048xf32, #tpu.memory_space<vmem>>
          %parallel_loop3A_1093 = tpu.memref_squeeze %parallel_loop3A_1092 : memref<1x8x2048xf32, #tpu.memory_space<vmem>> -> memref<8x2048xf32, #tpu.memory_space<vmem>>
          %parallel_loop3A_1094 = arith.index_cast %parallel_loop3A_1089 : i32 to index
          %parallel_loop3A_1095 = arith.index_cast %parallel_loop3A_1088 : i32 to index
          %parallel_loop3A_1096 = tpu.vector_load %parallel_loop3A_1093[%parallel_loop3A_1094, %parallel_loop3A_1095] {strides = array<i32>} : memref<8x2048xf32, #tpu.memory_space<vmem>>, vector<1x16xf32>,
          %parallel_loop3A_1097 = vector.shape_cast %parallel_loop3A_1096 : vector<1x16xf32> to vector<16xf32>
          %parallel_loop3A_1098 = arith.addf %parallel_loop3A_1097, %get3A_745 : vector<16xf32>
          %parallel_loop3A_1099 = arith.constant 5 : i32
          %parallel_loop3A_1100 = arith.constant 0 : i32
          %parallel_loop3A_1101 = arith.constant 0 : i32
          %parallel_loop3A_1102 = tpu.memref_slice %run_scoped3A_10[%rem3A_354, %parallel_loop3A_1100, %parallel_loop3A_1101] : memref<2x8x2048xf32, #tpu.memory_space<vmem>> -> memref<1x8x2048xf32, #tpu.memory_space<vmem>>
          %parallel_loop3A_1103 = tpu.memref_squeeze %parallel_loop3A_1102 : memref<1x8x2048xf32, #tpu.memory_space<vmem>> -> memref<8x2048xf32, #tpu.memory_space<vmem>>
          %parallel_loop3A_1104 = arith.index_cast %parallel_loop3A_1099 : i32 to index
          %parallel_loop3A_1105 = arith.index_cast %parallel_loop3A_1088 : i32 to index
          %parallel_loop3A_1106 = tpu.vector_load %parallel_loop3A_1103[%parallel_loop3A_1104, %parallel_loop3A_1105] {strides = array<i32>} : memref<8x2048xf32, #tpu.memory_space<vmem>>, vector<1x16xf32>,
          %parallel_loop3A_1107 = vector.shape_cast %parallel_loop3A_1106 : vector<1x16xf32> to vector<16xf32>
          %parallel_loop3A_1108 = vector.shape_cast %parallel_loop3A_1098 : vector<16xf32> to vector<1x16xf32>
          tpu.vector_store %parallel_loop3A_1103[%parallel_loop3A_1104, %parallel_loop3A_1105], %parallel_loop3A_1108 {strides = array<i32>} : memref<8x2048xf32, #tpu.memory_space<vmem>>, vector<1x16xf32>,
          %parallel_loop3A_1109 = arith.constant 32 : i32
          %parallel_loop3A_1110 = arith.addi %parallel_loop3A_1064, %parallel_loop3A_1109 : i32
          %parallel_loop3A_1111 = arith.constant 5 : i32
          %parallel_loop3A_1112 = arith.constant 0 : i32
          %parallel_loop3A_1113 = arith.constant 0 : i32
          %parallel_loop3A_1114 = tpu.memref_slice %run_scoped3A[%rem3A_350, %parallel_loop3A_1112, %parallel_loop3A_1113] : memref<2x8x2048xf32, #tpu.memory_space<vmem>> -> memref<1x8x2048xf32, #tpu.memory_space<vmem>>
          %parallel_loop3A_1115 = tpu.memref_squeeze %parallel_loop3A_1114 : memref<1x8x2048xf32, #tpu.memory_space<vmem>> -> memref<8x2048xf32, #tpu.memory_space<vmem>>
          %parallel_loop3A_1116 = arith.index_cast %parallel_loop3A_1111 : i32 to index
          %parallel_loop3A_1117 = arith.index_cast %parallel_loop3A_1110 : i32 to index
          %parallel_loop3A_1118 = tpu.vector_load %parallel_loop3A_1115[%parallel_loop3A_1116, %parallel_loop3A_1117] {strides = array<i32>} : memref<8x2048xf32, #tpu.memory_space<vmem>>, vector<1x16xf32>,
          %parallel_loop3A_1119 = vector.shape_cast %parallel_loop3A_1118 : vector<1x16xf32> to vector<16xf32>
          %parallel_loop3A_1120 = arith.addf %parallel_loop3A_1119, %get3A_754 : vector<16xf32>
          %parallel_loop3A_1121 = arith.constant 5 : i32
          %parallel_loop3A_1122 = arith.constant 0 : i32
          %parallel_loop3A_1123 = arith.constant 0 : i32
          %parallel_loop3A_1124 = tpu.memref_slice %run_scoped3A_10[%rem3A_354, %parallel_loop3A_1122, %parallel_loop3A_1123] : memref<2x8x2048xf32, #tpu.memory_space<vmem>> -> memref<1x8x2048xf32, #tpu.memory_space<vmem>>
          %parallel_loop3A_1125 = tpu.memref_squeeze %parallel_loop3A_1124 : memref<1x8x2048xf32, #tpu.memory_space<vmem>> -> memref<8x2048xf32, #tpu.memory_space<vmem>>
          %parallel_loop3A_1126 = arith.index_cast %parallel_loop3A_1121 : i32 to index
          %parallel_loop3A_1127 = arith.index_cast %parallel_loop3A_1110 : i32 to index
          %parallel_loop3A_1128 = tpu.vector_load %parallel_loop3A_1125[%parallel_loop3A_1126, %parallel_loop3A_1127] {strides = array<i32>} : memref<8x2048xf32, #tpu.memory_space<vmem>>, vector<1x16xf32>,
          %parallel_loop3A_1129 = vector.shape_cast %parallel_loop3A_1128 : vector<1x16xf32> to vector<16xf32>
          %parallel_loop3A_1130 = vector.shape_cast %parallel_loop3A_1120 : vector<16xf32> to vector<1x16xf32>
          tpu.vector_store %parallel_loop3A_1125[%parallel_loop3A_1126, %parallel_loop3A_1127], %parallel_loop3A_1130 {strides = array<i32>} : memref<8x2048xf32, #tpu.memory_space<vmem>>, vector<1x16xf32>,
          %parallel_loop3A_1131 = arith.constant 48 : i32
          %parallel_loop3A_1132 = arith.addi %parallel_loop3A_1064, %parallel_loop3A_1131 : i32
          %parallel_loop3A_1133 = arith.constant 5 : i32
          %parallel_loop3A_1134 = arith.constant 0 : i32
          %parallel_loop3A_1135 = arith.constant 0 : i32
          %parallel_loop3A_1136 = tpu.memref_slice %run_scoped3A[%rem3A_350, %parallel_loop3A_1134, %parallel_loop3A_1135] : memref<2x8x2048xf32, #tpu.memory_space<vmem>> -> memref<1x8x2048xf32, #tpu.memory_space<vmem>>
          %parallel_loop3A_1137 = tpu.memref_squeeze %parallel_loop3A_1136 : memref<1x8x2048xf32, #tpu.memory_space<vmem>> -> memref<8x2048xf32, #tpu.memory_space<vmem>>
          %parallel_loop3A_1138 = arith.index_cast %parallel_loop3A_1133 : i32 to index
          %parallel_loop3A_1139 = arith.index_cast %parallel_loop3A_1132 : i32 to index
          %parallel_loop3A_1140 = tpu.vector_load %parallel_loop3A_1137[%parallel_loop3A_1138, %parallel_loop3A_1139] {strides = array<i32>} : memref<8x2048xf32, #tpu.memory_space<vmem>>, vector<1x16xf32>,
          %parallel_loop3A_1141 = vector.shape_cast %parallel_loop3A_1140 : vector<1x16xf32> to vector<16xf32>
          %parallel_loop3A_1142 = arith.addf %parallel_loop3A_1141, %get3A_763 : vector<16xf32>
          %parallel_loop3A_1143 = arith.constant 5 : i32
          %parallel_loop3A_1144 = arith.constant 0 : i32
          %parallel_loop3A_1145 = arith.constant 0 : i32
          %parallel_loop3A_1146 = tpu.memref_slice %run_scoped3A_10[%rem3A_354, %parallel_loop3A_1144, %parallel_loop3A_1145] : memref<2x8x2048xf32, #tpu.memory_space<vmem>> -> memref<1x8x2048xf32, #tpu.memory_space<vmem>>
          %parallel_loop3A_1147 = tpu.memref_squeeze %parallel_loop3A_1146 : memref<1x8x2048xf32, #tpu.memory_space<vmem>> -> memref<8x2048xf32, #tpu.memory_space<vmem>>
          %parallel_loop3A_1148 = arith.index_cast %parallel_loop3A_1143 : i32 to index
          %parallel_loop3A_1149 = arith.index_cast %parallel_loop3A_1132 : i32 to index
          %parallel_loop3A_1150 = tpu.vector_load %parallel_loop3A_1147[%parallel_loop3A_1148, %parallel_loop3A_1149] {strides = array<i32>} : memref<8x2048xf32, #tpu.memory_space<vmem>>, vector<1x16xf32>,
          %parallel_loop3A_1151 = vector.shape_cast %parallel_loop3A_1150 : vector<1x16xf32> to vector<16xf32>
          %parallel_loop3A_1152 = vector.shape_cast %parallel_loop3A_1142 : vector<16xf32> to vector<1x16xf32>
          tpu.vector_store %parallel_loop3A_1147[%parallel_loop3A_1148, %parallel_loop3A_1149], %parallel_loop3A_1152 {strides = array<i32>} : memref<8x2048xf32, #tpu.memory_space<vmem>>, vector<1x16xf32>,
          %parallel_loop3A_1153 = arith.constant 64 : i32
          %parallel_loop3A_1154 = arith.addi %parallel_loop3A_1064, %parallel_loop3A_1153 : i32
          %parallel_loop3A_1155 = arith.constant 5 : i32
          %parallel_loop3A_1156 = arith.constant 0 : i32
          %parallel_loop3A_1157 = arith.constant 0 : i32
          %parallel_loop3A_1158 = tpu.memref_slice %run_scoped3A[%rem3A_350, %parallel_loop3A_1156, %parallel_loop3A_1157] : memref<2x8x2048xf32, #tpu.memory_space<vmem>> -> memref<1x8x2048xf32, #tpu.memory_space<vmem>>
          %parallel_loop3A_1159 = tpu.memref_squeeze %parallel_loop3A_1158 : memref<1x8x2048xf32, #tpu.memory_space<vmem>> -> memref<8x2048xf32, #tpu.memory_space<vmem>>
          %parallel_loop3A_1160 = arith.index_cast %parallel_loop3A_1155 : i32 to index
          %parallel_loop3A_1161 = arith.index_cast %parallel_loop3A_1154 : i32 to index
          %parallel_loop3A_1162 = tpu.vector_load %parallel_loop3A_1159[%parallel_loop3A_1160, %parallel_loop3A_1161] {strides = array<i32>} : memref<8x2048xf32, #tpu.memory_space<vmem>>, vector<1x16xf32>,
          %parallel_loop3A_1163 = vector.shape_cast %parallel_loop3A_1162 : vector<1x16xf32> to vector<16xf32>
          %parallel_loop3A_1164 = arith.addf %parallel_loop3A_1163, %get3A_772 : vector<16xf32>
          %parallel_loop3A_1165 = arith.constant 5 : i32
          %parallel_loop3A_1166 = arith.constant 0 : i32
          %parallel_loop3A_1167 = arith.constant 0 : i32
          %parallel_loop3A_1168 = tpu.memref_slice %run_scoped3A_10[%rem3A_354, %parallel_loop3A_1166, %parallel_loop3A_1167] : memref<2x8x2048xf32, #tpu.memory_space<vmem>> -> memref<1x8x2048xf32, #tpu.memory_space<vmem>>
          %parallel_loop3A_1169 = tpu.memref_squeeze %parallel_loop3A_1168 : memref<1x8x2048xf32, #tpu.memory_space<vmem>> -> memref<8x2048xf32, #tpu.memory_space<vmem>>
          %parallel_loop3A_1170 = arith.index_cast %parallel_loop3A_1165 : i32 to index
          %parallel_loop3A_1171 = arith.index_cast %parallel_loop3A_1154 : i32 to index
          %parallel_loop3A_1172 = tpu.vector_load %parallel_loop3A_1169[%parallel_loop3A_1170, %parallel_loop3A_1171] {strides = array<i32>} : memref<8x2048xf32, #tpu.memory_space<vmem>>, vector<1x16xf32>,
          %parallel_loop3A_1173 = vector.shape_cast %parallel_loop3A_1172 : vector<1x16xf32> to vector<16xf32>
          %parallel_loop3A_1174 = vector.shape_cast %parallel_loop3A_1164 : vector<16xf32> to vector<1x16xf32>
          tpu.vector_store %parallel_loop3A_1169[%parallel_loop3A_1170, %parallel_loop3A_1171], %parallel_loop3A_1174 {strides = array<i32>} : memref<8x2048xf32, #tpu.memory_space<vmem>>, vector<1x16xf32>,
          %parallel_loop3A_1175 = arith.constant 80 : i32
          %parallel_loop3A_1176 = arith.addi %parallel_loop3A_1064, %parallel_loop3A_1175 : i32
          %parallel_loop3A_1177 = arith.constant 5 : i32
          %parallel_loop3A_1178 = arith.constant 0 : i32
          %parallel_loop3A_1179 = arith.constant 0 : i32
          %parallel_loop3A_1180 = tpu.memref_slice %run_scoped3A[%rem3A_350, %parallel_loop3A_1178, %parallel_loop3A_1179] : memref<2x8x2048xf32, #tpu.memory_space<vmem>> -> memref<1x8x2048xf32, #tpu.memory_space<vmem>>
          %parallel_loop3A_1181 = tpu.memref_squeeze %parallel_loop3A_1180 : memref<1x8x2048xf32, #tpu.memory_space<vmem>> -> memref<8x2048xf32, #tpu.memory_space<vmem>>
          %parallel_loop3A_1182 = arith.index_cast %parallel_loop3A_1177 : i32 to index
          %parallel_loop3A_1183 = arith.index_cast %parallel_loop3A_1176 : i32 to index
          %parallel_loop3A_1184 = tpu.vector_load %parallel_loop3A_1181[%parallel_loop3A_1182, %parallel_loop3A_1183] {strides = array<i32>} : memref<8x2048xf32, #tpu.memory_space<vmem>>, vector<1x16xf32>,
          %parallel_loop3A_1185 = vector.shape_cast %parallel_loop3A_1184 : vector<1x16xf32> to vector<16xf32>
          %parallel_loop3A_1186 = arith.addf %parallel_loop3A_1185, %get3A_781 : vector<16xf32>
          %parallel_loop3A_1187 = arith.constant 5 : i32
          %parallel_loop3A_1188 = arith.constant 0 : i32
          %parallel_loop3A_1189 = arith.constant 0 : i32
          %parallel_loop3A_1190 = tpu.memref_slice %run_scoped3A_10[%rem3A_354, %parallel_loop3A_1188, %parallel_loop3A_1189] : memref<2x8x2048xf32, #tpu.memory_space<vmem>> -> memref<1x8x2048xf32, #tpu.memory_space<vmem>>
          %parallel_loop3A_1191 = tpu.memref_squeeze %parallel_loop3A_1190 : memref<1x8x2048xf32, #tpu.memory_space<vmem>> -> memref<8x2048xf32, #tpu.memory_space<vmem>>
          %parallel_loop3A_1192 = arith.index_cast %parallel_loop3A_1187 : i32 to index
          %parallel_loop3A_1193 = arith.index_cast %parallel_loop3A_1176 : i32 to index
          %parallel_loop3A_1194 = tpu.vector_load %parallel_loop3A_1191[%parallel_loop3A_1192, %parallel_loop3A_1193] {strides = array<i32>} : memref<8x2048xf32, #tpu.memory_space<vmem>>, vector<1x16xf32>,
          %parallel_loop3A_1195 = vector.shape_cast %parallel_loop3A_1194 : vector<1x16xf32> to vector<16xf32>
          %parallel_loop3A_1196 = vector.shape_cast %parallel_loop3A_1186 : vector<16xf32> to vector<1x16xf32>
          tpu.vector_store %parallel_loop3A_1191[%parallel_loop3A_1192, %parallel_loop3A_1193], %parallel_loop3A_1196 {strides = array<i32>} : memref<8x2048xf32, #tpu.memory_space<vmem>>, vector<1x16xf32>,
          %parallel_loop3A_1197 = arith.constant 96 : i32
          %parallel_loop3A_1198 = arith.addi %parallel_loop3A_1064, %parallel_loop3A_1197 : i32
          %parallel_loop3A_1199 = arith.constant 5 : i32
          %parallel_loop3A_1200 = arith.constant 0 : i32
          %parallel_loop3A_1201 = arith.constant 0 : i32
          %parallel_loop3A_1202 = tpu.memref_slice %run_scoped3A[%rem3A_350, %parallel_loop3A_1200, %parallel_loop3A_1201] : memref<2x8x2048xf32, #tpu.memory_space<vmem>> -> memref<1x8x2048xf32, #tpu.memory_space<vmem>>
          %parallel_loop3A_1203 = tpu.memref_squeeze %parallel_loop3A_1202 : memref<1x8x2048xf32, #tpu.memory_space<vmem>> -> memref<8x2048xf32, #tpu.memory_space<vmem>>
          %parallel_loop3A_1204 = arith.index_cast %parallel_loop3A_1199 : i32 to index
          %parallel_loop3A_1205 = arith.index_cast %parallel_loop3A_1198 : i32 to index
          %parallel_loop3A_1206 = tpu.vector_load %parallel_loop3A_1203[%parallel_loop3A_1204, %parallel_loop3A_1205] {strides = array<i32>} : memref<8x2048xf32, #tpu.memory_space<vmem>>, vector<1x16xf32>,
          %parallel_loop3A_1207 = vector.shape_cast %parallel_loop3A_1206 : vector<1x16xf32> to vector<16xf32>
          %parallel_loop3A_1208 = arith.addf %parallel_loop3A_1207, %get3A_790 : vector<16xf32>
          %parallel_loop3A_1209 = arith.constant 5 : i32
          %parallel_loop3A_1210 = arith.constant 0 : i32
          %parallel_loop3A_1211 = arith.constant 0 : i32
          %parallel_loop3A_1212 = tpu.memref_slice %run_scoped3A_10[%rem3A_354, %parallel_loop3A_1210, %parallel_loop3A_1211] : memref<2x8x2048xf32, #tpu.memory_space<vmem>> -> memref<1x8x2048xf32, #tpu.memory_space<vmem>>
          %parallel_loop3A_1213 = tpu.memref_squeeze %parallel_loop3A_1212 : memref<1x8x2048xf32, #tpu.memory_space<vmem>> -> memref<8x2048xf32, #tpu.memory_space<vmem>>
          %parallel_loop3A_1214 = arith.index_cast %parallel_loop3A_1209 : i32 to index
          %parallel_loop3A_1215 = arith.index_cast %parallel_loop3A_1198 : i32 to index
          %parallel_loop3A_1216 = tpu.vector_load %parallel_loop3A_1213[%parallel_loop3A_1214, %parallel_loop3A_1215] {strides = array<i32>} : memref<8x2048xf32, #tpu.memory_space<vmem>>, vector<1x16xf32>,
          %parallel_loop3A_1217 = vector.shape_cast %parallel_loop3A_1216 : vector<1x16xf32> to vector<16xf32>
          %parallel_loop3A_1218 = vector.shape_cast %parallel_loop3A_1208 : vector<16xf32> to vector<1x16xf32>
          tpu.vector_store %parallel_loop3A_1213[%parallel_loop3A_1214, %parallel_loop3A_1215], %parallel_loop3A_1218 {strides = array<i32>} : memref<8x2048xf32, #tpu.memory_space<vmem>>, vector<1x16xf32>,
          %parallel_loop3A_1219 = arith.constant 112 : i32
          %parallel_loop3A_1220 = arith.addi %parallel_loop3A_1064, %parallel_loop3A_1219 : i32
          %parallel_loop3A_1221 = arith.constant 5 : i32
          %parallel_loop3A_1222 = arith.constant 0 : i32
          %parallel_loop3A_1223 = arith.constant 0 : i32
          %parallel_loop3A_1224 = tpu.memref_slice %run_scoped3A[%rem3A_350, %parallel_loop3A_1222, %parallel_loop3A_1223] : memref<2x8x2048xf32, #tpu.memory_space<vmem>> -> memref<1x8x2048xf32, #tpu.memory_space<vmem>>
          %parallel_loop3A_1225 = tpu.memref_squeeze %parallel_loop3A_1224 : memref<1x8x2048xf32, #tpu.memory_space<vmem>> -> memref<8x2048xf32, #tpu.memory_space<vmem>>
          %parallel_loop3A_1226 = arith.index_cast %parallel_loop3A_1221 : i32 to index
          %parallel_loop3A_1227 = arith.index_cast %parallel_loop3A_1220 : i32 to index
          %parallel_loop3A_1228 = tpu.vector_load %parallel_loop3A_1225[%parallel_loop3A_1226, %parallel_loop3A_1227] {strides = array<i32>} : memref<8x2048xf32, #tpu.memory_space<vmem>>, vector<1x16xf32>,
          %parallel_loop3A_1229 = vector.shape_cast %parallel_loop3A_1228 : vector<1x16xf32> to vector<16xf32>
          %parallel_loop3A_1230 = arith.addf %parallel_loop3A_1229, %get3A_799 : vector<16xf32>
          %parallel_loop3A_1231 = arith.constant 5 : i32
          %parallel_loop3A_1232 = arith.constant 0 : i32
          %parallel_loop3A_1233 = arith.constant 0 : i32
          %parallel_loop3A_1234 = tpu.memref_slice %run_scoped3A_10[%rem3A_354, %parallel_loop3A_1232, %parallel_loop3A_1233] : memref<2x8x2048xf32, #tpu.memory_space<vmem>> -> memref<1x8x2048xf32, #tpu.memory_space<vmem>>
          %parallel_loop3A_1235 = tpu.memref_squeeze %parallel_loop3A_1234 : memref<1x8x2048xf32, #tpu.memory_space<vmem>> -> memref<8x2048xf32, #tpu.memory_space<vmem>>
          %parallel_loop3A_1236 = arith.index_cast %parallel_loop3A_1231 : i32 to index
          %parallel_loop3A_1237 = arith.index_cast %parallel_loop3A_1220 : i32 to index
          %parallel_loop3A_1238 = tpu.vector_load %parallel_loop3A_1235[%parallel_loop3A_1236, %parallel_loop3A_1237] {strides = array<i32>} : memref<8x2048xf32, #tpu.memory_space<vmem>>, vector<1x16xf32>,
          %parallel_loop3A_1239 = vector.shape_cast %parallel_loop3A_1238 : vector<1x16xf32> to vector<16xf32>
          %parallel_loop3A_1240 = vector.shape_cast %parallel_loop3A_1230 : vector<16xf32> to vector<1x16xf32>
          tpu.vector_store %parallel_loop3A_1235[%parallel_loop3A_1236, %parallel_loop3A_1237], %parallel_loop3A_1240 {strides = array<i32>} : memref<8x2048xf32, #tpu.memory_space<vmem>>, vector<1x16xf32>,
        } {sc.loop_unroll_factor = 2 : i64, sc.parallel_access}
        %get3A_803 = arith.constant 6 : i32
        %get3A_804 = arith.constant 0 : i32
        %get3A_805 = arith.constant 0 : i32
        %get3A_806 = tpu.memref_slice %run_scoped3A_8[%rem3A_352, %get3A_804, %get3A_805] : memref<2x8x128xf32, #tpu.memory_space<vmem>> -> memref<1x8x128xf32, #tpu.memory_space<vmem>>
        %get3A_807 = tpu.memref_squeeze %get3A_806 : memref<1x8x128xf32, #tpu.memory_space<vmem>> -> memref<8x128xf32, #tpu.memory_space<vmem>>
        %get3A_808 = arith.index_cast %get3A_803 : i32 to index
        %get3A_809 = arith.constant 0 : index
        %get3A_810 = tpu.vector_load %get3A_807[%get3A_808, %get3A_809] {strides = array<i32>} : memref<8x128xf32, #tpu.memory_space<vmem>>, vector<1x16xf32>,
        %get3A_811 = vector.shape_cast %get3A_810 : vector<1x16xf32> to vector<16xf32>
        %get3A_812 = arith.constant 6 : i32
        %get3A_813 = arith.constant 0 : i32
        %get3A_814 = arith.constant 0 : i32
        %get3A_815 = tpu.memref_slice %run_scoped3A_8[%rem3A_352, %get3A_813, %get3A_814] : memref<2x8x128xf32, #tpu.memory_space<vmem>> -> memref<1x8x128xf32, #tpu.memory_space<vmem>>
        %get3A_816 = tpu.memref_squeeze %get3A_815 : memref<1x8x128xf32, #tpu.memory_space<vmem>> -> memref<8x128xf32, #tpu.memory_space<vmem>>
        %get3A_817 = arith.index_cast %get3A_812 : i32 to index
        %get3A_818 = arith.constant 16 : index
        %get3A_819 = tpu.vector_load %get3A_816[%get3A_817, %get3A_818] {strides = array<i32>} : memref<8x128xf32, #tpu.memory_space<vmem>>, vector<1x16xf32>,
        %get3A_820 = vector.shape_cast %get3A_819 : vector<1x16xf32> to vector<16xf32>
        %get3A_821 = arith.constant 6 : i32
        %get3A_822 = arith.constant 0 : i32
        %get3A_823 = arith.constant 0 : i32
        %get3A_824 = tpu.memref_slice %run_scoped3A_8[%rem3A_352, %get3A_822, %get3A_823] : memref<2x8x128xf32, #tpu.memory_space<vmem>> -> memref<1x8x128xf32, #tpu.memory_space<vmem>>
        %get3A_825 = tpu.memref_squeeze %get3A_824 : memref<1x8x128xf32, #tpu.memory_space<vmem>> -> memref<8x128xf32, #tpu.memory_space<vmem>>
        %get3A_826 = arith.index_cast %get3A_821 : i32 to index
        %get3A_827 = arith.constant 32 : index
        %get3A_828 = tpu.vector_load %get3A_825[%get3A_826, %get3A_827] {strides = array<i32>} : memref<8x128xf32, #tpu.memory_space<vmem>>, vector<1x16xf32>,
        %get3A_829 = vector.shape_cast %get3A_828 : vector<1x16xf32> to vector<16xf32>
        %get3A_830 = arith.constant 6 : i32
        %get3A_831 = arith.constant 0 : i32
        %get3A_832 = arith.constant 0 : i32
        %get3A_833 = tpu.memref_slice %run_scoped3A_8[%rem3A_352, %get3A_831, %get3A_832] : memref<2x8x128xf32, #tpu.memory_space<vmem>> -> memref<1x8x128xf32, #tpu.memory_space<vmem>>
        %get3A_834 = tpu.memref_squeeze %get3A_833 : memref<1x8x128xf32, #tpu.memory_space<vmem>> -> memref<8x128xf32, #tpu.memory_space<vmem>>
        %get3A_835 = arith.index_cast %get3A_830 : i32 to index
        %get3A_836 = arith.constant 48 : index
        %get3A_837 = tpu.vector_load %get3A_834[%get3A_835, %get3A_836] {strides = array<i32>} : memref<8x128xf32, #tpu.memory_space<vmem>>, vector<1x16xf32>,
        %get3A_838 = vector.shape_cast %get3A_837 : vector<1x16xf32> to vector<16xf32>
        %get3A_839 = arith.constant 6 : i32
        %get3A_840 = arith.constant 0 : i32
        %get3A_841 = arith.constant 0 : i32
        %get3A_842 = tpu.memref_slice %run_scoped3A_8[%rem3A_352, %get3A_840, %get3A_841] : memref<2x8x128xf32, #tpu.memory_space<vmem>> -> memref<1x8x128xf32, #tpu.memory_space<vmem>>
        %get3A_843 = tpu.memref_squeeze %get3A_842 : memref<1x8x128xf32, #tpu.memory_space<vmem>> -> memref<8x128xf32, #tpu.memory_space<vmem>>
        %get3A_844 = arith.index_cast %get3A_839 : i32 to index
        %get3A_845 = arith.constant 64 : index
        %get3A_846 = tpu.vector_load %get3A_843[%get3A_844, %get3A_845] {strides = array<i32>} : memref<8x128xf32, #tpu.memory_space<vmem>>, vector<1x16xf32>,
        %get3A_847 = vector.shape_cast %get3A_846 : vector<1x16xf32> to vector<16xf32>
        %get3A_848 = arith.constant 6 : i32
        %get3A_849 = arith.constant 0 : i32
        %get3A_850 = arith.constant 0 : i32
        %get3A_851 = tpu.memref_slice %run_scoped3A_8[%rem3A_352, %get3A_849, %get3A_850] : memref<2x8x128xf32, #tpu.memory_space<vmem>> -> memref<1x8x128xf32, #tpu.memory_space<vmem>>
        %get3A_852 = tpu.memref_squeeze %get3A_851 : memref<1x8x128xf32, #tpu.memory_space<vmem>> -> memref<8x128xf32, #tpu.memory_space<vmem>>
        %get3A_853 = arith.index_cast %get3A_848 : i32 to index
        %get3A_854 = arith.constant 80 : index
        %get3A_855 = tpu.vector_load %get3A_852[%get3A_853, %get3A_854] {strides = array<i32>} : memref<8x128xf32, #tpu.memory_space<vmem>>, vector<1x16xf32>,
        %get3A_856 = vector.shape_cast %get3A_855 : vector<1x16xf32> to vector<16xf32>
        %get3A_857 = arith.constant 6 : i32
        %get3A_858 = arith.constant 0 : i32
        %get3A_859 = arith.constant 0 : i32
        %get3A_860 = tpu.memref_slice %run_scoped3A_8[%rem3A_352, %get3A_858, %get3A_859] : memref<2x8x128xf32, #tpu.memory_space<vmem>> -> memref<1x8x128xf32, #tpu.memory_space<vmem>>
        %get3A_861 = tpu.memref_squeeze %get3A_860 : memref<1x8x128xf32, #tpu.memory_space<vmem>> -> memref<8x128xf32, #tpu.memory_space<vmem>>
        %get3A_862 = arith.index_cast %get3A_857 : i32 to index
        %get3A_863 = arith.constant 96 : index
        %get3A_864 = tpu.vector_load %get3A_861[%get3A_862, %get3A_863] {strides = array<i32>} : memref<8x128xf32, #tpu.memory_space<vmem>>, vector<1x16xf32>,
        %get3A_865 = vector.shape_cast %get3A_864 : vector<1x16xf32> to vector<16xf32>
        %get3A_866 = arith.constant 6 : i32
        %get3A_867 = arith.constant 0 : i32
        %get3A_868 = arith.constant 0 : i32
        %get3A_869 = tpu.memref_slice %run_scoped3A_8[%rem3A_352, %get3A_867, %get3A_868] : memref<2x8x128xf32, #tpu.memory_space<vmem>> -> memref<1x8x128xf32, #tpu.memory_space<vmem>>
        %get3A_870 = tpu.memref_squeeze %get3A_869 : memref<1x8x128xf32, #tpu.memory_space<vmem>> -> memref<8x128xf32, #tpu.memory_space<vmem>>
        %get3A_871 = arith.index_cast %get3A_866 : i32 to index
        %get3A_872 = arith.constant 112 : index
        %get3A_873 = tpu.vector_load %get3A_870[%get3A_871, %get3A_872] {strides = array<i32>} : memref<8x128xf32, #tpu.memory_space<vmem>>, vector<1x16xf32>,
        %get3A_874 = vector.shape_cast %get3A_873 : vector<1x16xf32> to vector<16xf32>
        %parallel_loop3A_875 = arith.constant 0 : i32
        %parallel_loop3A_876 = arith.constant 2048 : i32
        %parallel_loop3A_877 = arith.constant 128 : i32
        scf.for %parallel_loop3A_1064 = %parallel_loop3A_875 to %parallel_loop3A_876 step %parallel_loop3A_877  : i32 {
          %parallel_loop3A_1065 = arith.constant 0 : i32
          %parallel_loop3A_1066 = arith.addi %parallel_loop3A_1064, %parallel_loop3A_1065 : i32
          %parallel_loop3A_1067 = arith.constant 6 : i32
          %parallel_loop3A_1068 = arith.constant 0 : i32
          %parallel_loop3A_1069 = arith.constant 0 : i32
          %parallel_loop3A_1070 = tpu.memref_slice %run_scoped3A[%rem3A_350, %parallel_loop3A_1068, %parallel_loop3A_1069] : memref<2x8x2048xf32, #tpu.memory_space<vmem>> -> memref<1x8x2048xf32, #tpu.memory_space<vmem>>
          %parallel_loop3A_1071 = tpu.memref_squeeze %parallel_loop3A_1070 : memref<1x8x2048xf32, #tpu.memory_space<vmem>> -> memref<8x2048xf32, #tpu.memory_space<vmem>>
          %parallel_loop3A_1072 = arith.index_cast %parallel_loop3A_1067 : i32 to index
          %parallel_loop3A_1073 = arith.index_cast %parallel_loop3A_1066 : i32 to index
          %parallel_loop3A_1074 = tpu.vector_load %parallel_loop3A_1071[%parallel_loop3A_1072, %parallel_loop3A_1073] {strides = array<i32>} : memref<8x2048xf32, #tpu.memory_space<vmem>>, vector<1x16xf32>,
          %parallel_loop3A_1075 = vector.shape_cast %parallel_loop3A_1074 : vector<1x16xf32> to vector<16xf32>
          %parallel_loop3A_1076 = arith.addf %parallel_loop3A_1075, %get3A_811 : vector<16xf32>
          %parallel_loop3A_1077 = arith.constant 6 : i32
          %parallel_loop3A_1078 = arith.constant 0 : i32
          %parallel_loop3A_1079 = arith.constant 0 : i32
          %parallel_loop3A_1080 = tpu.memref_slice %run_scoped3A_10[%rem3A_354, %parallel_loop3A_1078, %parallel_loop3A_1079] : memref<2x8x2048xf32, #tpu.memory_space<vmem>> -> memref<1x8x2048xf32, #tpu.memory_space<vmem>>
          %parallel_loop3A_1081 = tpu.memref_squeeze %parallel_loop3A_1080 : memref<1x8x2048xf32, #tpu.memory_space<vmem>> -> memref<8x2048xf32, #tpu.memory_space<vmem>>
          %parallel_loop3A_1082 = arith.index_cast %parallel_loop3A_1077 : i32 to index
          %parallel_loop3A_1083 = arith.index_cast %parallel_loop3A_1066 : i32 to index
          %parallel_loop3A_1084 = tpu.vector_load %parallel_loop3A_1081[%parallel_loop3A_1082, %parallel_loop3A_1083] {strides = array<i32>} : memref<8x2048xf32, #tpu.memory_space<vmem>>, vector<1x16xf32>,
          %parallel_loop3A_1085 = vector.shape_cast %parallel_loop3A_1084 : vector<1x16xf32> to vector<16xf32>
          %parallel_loop3A_1086 = vector.shape_cast %parallel_loop3A_1076 : vector<16xf32> to vector<1x16xf32>
          tpu.vector_store %parallel_loop3A_1081[%parallel_loop3A_1082, %parallel_loop3A_1083], %parallel_loop3A_1086 {strides = array<i32>} : memref<8x2048xf32, #tpu.memory_space<vmem>>, vector<1x16xf32>,
          %parallel_loop3A_1087 = arith.constant 16 : i32
          %parallel_loop3A_1088 = arith.addi %parallel_loop3A_1064, %parallel_loop3A_1087 : i32
          %parallel_loop3A_1089 = arith.constant 6 : i32
          %parallel_loop3A_1090 = arith.constant 0 : i32
          %parallel_loop3A_1091 = arith.constant 0 : i32
          %parallel_loop3A_1092 = tpu.memref_slice %run_scoped3A[%rem3A_350, %parallel_loop3A_1090, %parallel_loop3A_1091] : memref<2x8x2048xf32, #tpu.memory_space<vmem>> -> memref<1x8x2048xf32, #tpu.memory_space<vmem>>
          %parallel_loop3A_1093 = tpu.memref_squeeze %parallel_loop3A_1092 : memref<1x8x2048xf32, #tpu.memory_space<vmem>> -> memref<8x2048xf32, #tpu.memory_space<vmem>>
          %parallel_loop3A_1094 = arith.index_cast %parallel_loop3A_1089 : i32 to index
          %parallel_loop3A_1095 = arith.index_cast %parallel_loop3A_1088 : i32 to index
          %parallel_loop3A_1096 = tpu.vector_load %parallel_loop3A_1093[%parallel_loop3A_1094, %parallel_loop3A_1095] {strides = array<i32>} : memref<8x2048xf32, #tpu.memory_space<vmem>>, vector<1x16xf32>,
          %parallel_loop3A_1097 = vector.shape_cast %parallel_loop3A_1096 : vector<1x16xf32> to vector<16xf32>
          %parallel_loop3A_1098 = arith.addf %parallel_loop3A_1097, %get3A_820 : vector<16xf32>
          %parallel_loop3A_1099 = arith.constant 6 : i32
          %parallel_loop3A_1100 = arith.constant 0 : i32
          %parallel_loop3A_1101 = arith.constant 0 : i32
          %parallel_loop3A_1102 = tpu.memref_slice %run_scoped3A_10[%rem3A_354, %parallel_loop3A_1100, %parallel_loop3A_1101] : memref<2x8x2048xf32, #tpu.memory_space<vmem>> -> memref<1x8x2048xf32, #tpu.memory_space<vmem>>
          %parallel_loop3A_1103 = tpu.memref_squeeze %parallel_loop3A_1102 : memref<1x8x2048xf32, #tpu.memory_space<vmem>> -> memref<8x2048xf32, #tpu.memory_space<vmem>>
          %parallel_loop3A_1104 = arith.index_cast %parallel_loop3A_1099 : i32 to index
          %parallel_loop3A_1105 = arith.index_cast %parallel_loop3A_1088 : i32 to index
          %parallel_loop3A_1106 = tpu.vector_load %parallel_loop3A_1103[%parallel_loop3A_1104, %parallel_loop3A_1105] {strides = array<i32>} : memref<8x2048xf32, #tpu.memory_space<vmem>>, vector<1x16xf32>,
          %parallel_loop3A_1107 = vector.shape_cast %parallel_loop3A_1106 : vector<1x16xf32> to vector<16xf32>
          %parallel_loop3A_1108 = vector.shape_cast %parallel_loop3A_1098 : vector<16xf32> to vector<1x16xf32>
          tpu.vector_store %parallel_loop3A_1103[%parallel_loop3A_1104, %parallel_loop3A_1105], %parallel_loop3A_1108 {strides = array<i32>} : memref<8x2048xf32, #tpu.memory_space<vmem>>, vector<1x16xf32>,
          %parallel_loop3A_1109 = arith.constant 32 : i32
          %parallel_loop3A_1110 = arith.addi %parallel_loop3A_1064, %parallel_loop3A_1109 : i32
          %parallel_loop3A_1111 = arith.constant 6 : i32
          %parallel_loop3A_1112 = arith.constant 0 : i32
          %parallel_loop3A_1113 = arith.constant 0 : i32
          %parallel_loop3A_1114 = tpu.memref_slice %run_scoped3A[%rem3A_350, %parallel_loop3A_1112, %parallel_loop3A_1113] : memref<2x8x2048xf32, #tpu.memory_space<vmem>> -> memref<1x8x2048xf32, #tpu.memory_space<vmem>>
          %parallel_loop3A_1115 = tpu.memref_squeeze %parallel_loop3A_1114 : memref<1x8x2048xf32, #tpu.memory_space<vmem>> -> memref<8x2048xf32, #tpu.memory_space<vmem>>
          %parallel_loop3A_1116 = arith.index_cast %parallel_loop3A_1111 : i32 to index
          %parallel_loop3A_1117 = arith.index_cast %parallel_loop3A_1110 : i32 to index
          %parallel_loop3A_1118 = tpu.vector_load %parallel_loop3A_1115[%parallel_loop3A_1116, %parallel_loop3A_1117] {strides = array<i32>} : memref<8x2048xf32, #tpu.memory_space<vmem>>, vector<1x16xf32>,
          %parallel_loop3A_1119 = vector.shape_cast %parallel_loop3A_1118 : vector<1x16xf32> to vector<16xf32>
          %parallel_loop3A_1120 = arith.addf %parallel_loop3A_1119, %get3A_829 : vector<16xf32>
          %parallel_loop3A_1121 = arith.constant 6 : i32
          %parallel_loop3A_1122 = arith.constant 0 : i32
          %parallel_loop3A_1123 = arith.constant 0 : i32
          %parallel_loop3A_1124 = tpu.memref_slice %run_scoped3A_10[%rem3A_354, %parallel_loop3A_1122, %parallel_loop3A_1123] : memref<2x8x2048xf32, #tpu.memory_space<vmem>> -> memref<1x8x2048xf32, #tpu.memory_space<vmem>>
          %parallel_loop3A_1125 = tpu.memref_squeeze %parallel_loop3A_1124 : memref<1x8x2048xf32, #tpu.memory_space<vmem>> -> memref<8x2048xf32, #tpu.memory_space<vmem>>
          %parallel_loop3A_1126 = arith.index_cast %parallel_loop3A_1121 : i32 to index
          %parallel_loop3A_1127 = arith.index_cast %parallel_loop3A_1110 : i32 to index
          %parallel_loop3A_1128 = tpu.vector_load %parallel_loop3A_1125[%parallel_loop3A_1126, %parallel_loop3A_1127] {strides = array<i32>} : memref<8x2048xf32, #tpu.memory_space<vmem>>, vector<1x16xf32>,
          %parallel_loop3A_1129 = vector.shape_cast %parallel_loop3A_1128 : vector<1x16xf32> to vector<16xf32>
          %parallel_loop3A_1130 = vector.shape_cast %parallel_loop3A_1120 : vector<16xf32> to vector<1x16xf32>
          tpu.vector_store %parallel_loop3A_1125[%parallel_loop3A_1126, %parallel_loop3A_1127], %parallel_loop3A_1130 {strides = array<i32>} : memref<8x2048xf32, #tpu.memory_space<vmem>>, vector<1x16xf32>,
          %parallel_loop3A_1131 = arith.constant 48 : i32
          %parallel_loop3A_1132 = arith.addi %parallel_loop3A_1064, %parallel_loop3A_1131 : i32
          %parallel_loop3A_1133 = arith.constant 6 : i32
          %parallel_loop3A_1134 = arith.constant 0 : i32
          %parallel_loop3A_1135 = arith.constant 0 : i32
          %parallel_loop3A_1136 = tpu.memref_slice %run_scoped3A[%rem3A_350, %parallel_loop3A_1134, %parallel_loop3A_1135] : memref<2x8x2048xf32, #tpu.memory_space<vmem>> -> memref<1x8x2048xf32, #tpu.memory_space<vmem>>
          %parallel_loop3A_1137 = tpu.memref_squeeze %parallel_loop3A_1136 : memref<1x8x2048xf32, #tpu.memory_space<vmem>> -> memref<8x2048xf32, #tpu.memory_space<vmem>>
          %parallel_loop3A_1138 = arith.index_cast %parallel_loop3A_1133 : i32 to index
          %parallel_loop3A_1139 = arith.index_cast %parallel_loop3A_1132 : i32 to index
          %parallel_loop3A_1140 = tpu.vector_load %parallel_loop3A_1137[%parallel_loop3A_1138, %parallel_loop3A_1139] {strides = array<i32>} : memref<8x2048xf32, #tpu.memory_space<vmem>>, vector<1x16xf32>,
          %parallel_loop3A_1141 = vector.shape_cast %parallel_loop3A_1140 : vector<1x16xf32> to vector<16xf32>
          %parallel_loop3A_1142 = arith.addf %parallel_loop3A_1141, %get3A_838 : vector<16xf32>
          %parallel_loop3A_1143 = arith.constant 6 : i32
          %parallel_loop3A_1144 = arith.constant 0 : i32
          %parallel_loop3A_1145 = arith.constant 0 : i32
          %parallel_loop3A_1146 = tpu.memref_slice %run_scoped3A_10[%rem3A_354, %parallel_loop3A_1144, %parallel_loop3A_1145] : memref<2x8x2048xf32, #tpu.memory_space<vmem>> -> memref<1x8x2048xf32, #tpu.memory_space<vmem>>
          %parallel_loop3A_1147 = tpu.memref_squeeze %parallel_loop3A_1146 : memref<1x8x2048xf32, #tpu.memory_space<vmem>> -> memref<8x2048xf32, #tpu.memory_space<vmem>>
          %parallel_loop3A_1148 = arith.index_cast %parallel_loop3A_1143 : i32 to index
          %parallel_loop3A_1149 = arith.index_cast %parallel_loop3A_1132 : i32 to index
          %parallel_loop3A_1150 = tpu.vector_load %parallel_loop3A_1147[%parallel_loop3A_1148, %parallel_loop3A_1149] {strides = array<i32>} : memref<8x2048xf32, #tpu.memory_space<vmem>>, vector<1x16xf32>,
          %parallel_loop3A_1151 = vector.shape_cast %parallel_loop3A_1150 : vector<1x16xf32> to vector<16xf32>
          %parallel_loop3A_1152 = vector.shape_cast %parallel_loop3A_1142 : vector<16xf32> to vector<1x16xf32>
          tpu.vector_store %parallel_loop3A_1147[%parallel_loop3A_1148, %parallel_loop3A_1149], %parallel_loop3A_1152 {strides = array<i32>} : memref<8x2048xf32, #tpu.memory_space<vmem>>, vector<1x16xf32>,
          %parallel_loop3A_1153 = arith.constant 64 : i32
          %parallel_loop3A_1154 = arith.addi %parallel_loop3A_1064, %parallel_loop3A_1153 : i32
          %parallel_loop3A_1155 = arith.constant 6 : i32
          %parallel_loop3A_1156 = arith.constant 0 : i32
          %parallel_loop3A_1157 = arith.constant 0 : i32
          %parallel_loop3A_1158 = tpu.memref_slice %run_scoped3A[%rem3A_350, %parallel_loop3A_1156, %parallel_loop3A_1157] : memref<2x8x2048xf32, #tpu.memory_space<vmem>> -> memref<1x8x2048xf32, #tpu.memory_space<vmem>>
          %parallel_loop3A_1159 = tpu.memref_squeeze %parallel_loop3A_1158 : memref<1x8x2048xf32, #tpu.memory_space<vmem>> -> memref<8x2048xf32, #tpu.memory_space<vmem>>
          %parallel_loop3A_1160 = arith.index_cast %parallel_loop3A_1155 : i32 to index
          %parallel_loop3A_1161 = arith.index_cast %parallel_loop3A_1154 : i32 to index
          %parallel_loop3A_1162 = tpu.vector_load %parallel_loop3A_1159[%parallel_loop3A_1160, %parallel_loop3A_1161] {strides = array<i32>} : memref<8x2048xf32, #tpu.memory_space<vmem>>, vector<1x16xf32>,
          %parallel_loop3A_1163 = vector.shape_cast %parallel_loop3A_1162 : vector<1x16xf32> to vector<16xf32>
          %parallel_loop3A_1164 = arith.addf %parallel_loop3A_1163, %get3A_847 : vector<16xf32>
          %parallel_loop3A_1165 = arith.constant 6 : i32
          %parallel_loop3A_1166 = arith.constant 0 : i32
          %parallel_loop3A_1167 = arith.constant 0 : i32
          %parallel_loop3A_1168 = tpu.memref_slice %run_scoped3A_10[%rem3A_354, %parallel_loop3A_1166, %parallel_loop3A_1167] : memref<2x8x2048xf32, #tpu.memory_space<vmem>> -> memref<1x8x2048xf32, #tpu.memory_space<vmem>>
          %parallel_loop3A_1169 = tpu.memref_squeeze %parallel_loop3A_1168 : memref<1x8x2048xf32, #tpu.memory_space<vmem>> -> memref<8x2048xf32, #tpu.memory_space<vmem>>
          %parallel_loop3A_1170 = arith.index_cast %parallel_loop3A_1165 : i32 to index
          %parallel_loop3A_1171 = arith.index_cast %parallel_loop3A_1154 : i32 to index
          %parallel_loop3A_1172 = tpu.vector_load %parallel_loop3A_1169[%parallel_loop3A_1170, %parallel_loop3A_1171] {strides = array<i32>} : memref<8x2048xf32, #tpu.memory_space<vmem>>, vector<1x16xf32>,
          %parallel_loop3A_1173 = vector.shape_cast %parallel_loop3A_1172 : vector<1x16xf32> to vector<16xf32>
          %parallel_loop3A_1174 = vector.shape_cast %parallel_loop3A_1164 : vector<16xf32> to vector<1x16xf32>
          tpu.vector_store %parallel_loop3A_1169[%parallel_loop3A_1170, %parallel_loop3A_1171], %parallel_loop3A_1174 {strides = array<i32>} : memref<8x2048xf32, #tpu.memory_space<vmem>>, vector<1x16xf32>,
          %parallel_loop3A_1175 = arith.constant 80 : i32
          %parallel_loop3A_1176 = arith.addi %parallel_loop3A_1064, %parallel_loop3A_1175 : i32
          %parallel_loop3A_1177 = arith.constant 6 : i32
          %parallel_loop3A_1178 = arith.constant 0 : i32
          %parallel_loop3A_1179 = arith.constant 0 : i32
          %parallel_loop3A_1180 = tpu.memref_slice %run_scoped3A[%rem3A_350, %parallel_loop3A_1178, %parallel_loop3A_1179] : memref<2x8x2048xf32, #tpu.memory_space<vmem>> -> memref<1x8x2048xf32, #tpu.memory_space<vmem>>
          %parallel_loop3A_1181 = tpu.memref_squeeze %parallel_loop3A_1180 : memref<1x8x2048xf32, #tpu.memory_space<vmem>> -> memref<8x2048xf32, #tpu.memory_space<vmem>>
          %parallel_loop3A_1182 = arith.index_cast %parallel_loop3A_1177 : i32 to index
          %parallel_loop3A_1183 = arith.index_cast %parallel_loop3A_1176 : i32 to index
          %parallel_loop3A_1184 = tpu.vector_load %parallel_loop3A_1181[%parallel_loop3A_1182, %parallel_loop3A_1183] {strides = array<i32>} : memref<8x2048xf32, #tpu.memory_space<vmem>>, vector<1x16xf32>,
          %parallel_loop3A_1185 = vector.shape_cast %parallel_loop3A_1184 : vector<1x16xf32> to vector<16xf32>
          %parallel_loop3A_1186 = arith.addf %parallel_loop3A_1185, %get3A_856 : vector<16xf32>
          %parallel_loop3A_1187 = arith.constant 6 : i32
          %parallel_loop3A_1188 = arith.constant 0 : i32
          %parallel_loop3A_1189 = arith.constant 0 : i32
          %parallel_loop3A_1190 = tpu.memref_slice %run_scoped3A_10[%rem3A_354, %parallel_loop3A_1188, %parallel_loop3A_1189] : memref<2x8x2048xf32, #tpu.memory_space<vmem>> -> memref<1x8x2048xf32, #tpu.memory_space<vmem>>
          %parallel_loop3A_1191 = tpu.memref_squeeze %parallel_loop3A_1190 : memref<1x8x2048xf32, #tpu.memory_space<vmem>> -> memref<8x2048xf32, #tpu.memory_space<vmem>>
          %parallel_loop3A_1192 = arith.index_cast %parallel_loop3A_1187 : i32 to index
          %parallel_loop3A_1193 = arith.index_cast %parallel_loop3A_1176 : i32 to index
          %parallel_loop3A_1194 = tpu.vector_load %parallel_loop3A_1191[%parallel_loop3A_1192, %parallel_loop3A_1193] {strides = array<i32>} : memref<8x2048xf32, #tpu.memory_space<vmem>>, vector<1x16xf32>,
          %parallel_loop3A_1195 = vector.shape_cast %parallel_loop3A_1194 : vector<1x16xf32> to vector<16xf32>
          %parallel_loop3A_1196 = vector.shape_cast %parallel_loop3A_1186 : vector<16xf32> to vector<1x16xf32>
          tpu.vector_store %parallel_loop3A_1191[%parallel_loop3A_1192, %parallel_loop3A_1193], %parallel_loop3A_1196 {strides = array<i32>} : memref<8x2048xf32, #tpu.memory_space<vmem>>, vector<1x16xf32>,
          %parallel_loop3A_1197 = arith.constant 96 : i32
          %parallel_loop3A_1198 = arith.addi %parallel_loop3A_1064, %parallel_loop3A_1197 : i32
          %parallel_loop3A_1199 = arith.constant 6 : i32
          %parallel_loop3A_1200 = arith.constant 0 : i32
          %parallel_loop3A_1201 = arith.constant 0 : i32
          %parallel_loop3A_1202 = tpu.memref_slice %run_scoped3A[%rem3A_350, %parallel_loop3A_1200, %parallel_loop3A_1201] : memref<2x8x2048xf32, #tpu.memory_space<vmem>> -> memref<1x8x2048xf32, #tpu.memory_space<vmem>>
          %parallel_loop3A_1203 = tpu.memref_squeeze %parallel_loop3A_1202 : memref<1x8x2048xf32, #tpu.memory_space<vmem>> -> memref<8x2048xf32, #tpu.memory_space<vmem>>
          %parallel_loop3A_1204 = arith.index_cast %parallel_loop3A_1199 : i32 to index
          %parallel_loop3A_1205 = arith.index_cast %parallel_loop3A_1198 : i32 to index
          %parallel_loop3A_1206 = tpu.vector_load %parallel_loop3A_1203[%parallel_loop3A_1204, %parallel_loop3A_1205] {strides = array<i32>} : memref<8x2048xf32, #tpu.memory_space<vmem>>, vector<1x16xf32>,
          %parallel_loop3A_1207 = vector.shape_cast %parallel_loop3A_1206 : vector<1x16xf32> to vector<16xf32>
          %parallel_loop3A_1208 = arith.addf %parallel_loop3A_1207, %get3A_865 : vector<16xf32>
          %parallel_loop3A_1209 = arith.constant 6 : i32
          %parallel_loop3A_1210 = arith.constant 0 : i32
          %parallel_loop3A_1211 = arith.constant 0 : i32
          %parallel_loop3A_1212 = tpu.memref_slice %run_scoped3A_10[%rem3A_354, %parallel_loop3A_1210, %parallel_loop3A_1211] : memref<2x8x2048xf32, #tpu.memory_space<vmem>> -> memref<1x8x2048xf32, #tpu.memory_space<vmem>>
          %parallel_loop3A_1213 = tpu.memref_squeeze %parallel_loop3A_1212 : memref<1x8x2048xf32, #tpu.memory_space<vmem>> -> memref<8x2048xf32, #tpu.memory_space<vmem>>
          %parallel_loop3A_1214 = arith.index_cast %parallel_loop3A_1209 : i32 to index
          %parallel_loop3A_1215 = arith.index_cast %parallel_loop3A_1198 : i32 to index
          %parallel_loop3A_1216 = tpu.vector_load %parallel_loop3A_1213[%parallel_loop3A_1214, %parallel_loop3A_1215] {strides = array<i32>} : memref<8x2048xf32, #tpu.memory_space<vmem>>, vector<1x16xf32>,
          %parallel_loop3A_1217 = vector.shape_cast %parallel_loop3A_1216 : vector<1x16xf32> to vector<16xf32>
          %parallel_loop3A_1218 = vector.shape_cast %parallel_loop3A_1208 : vector<16xf32> to vector<1x16xf32>
          tpu.vector_store %parallel_loop3A_1213[%parallel_loop3A_1214, %parallel_loop3A_1215], %parallel_loop3A_1218 {strides = array<i32>} : memref<8x2048xf32, #tpu.memory_space<vmem>>, vector<1x16xf32>,
          %parallel_loop3A_1219 = arith.constant 112 : i32
          %parallel_loop3A_1220 = arith.addi %parallel_loop3A_1064, %parallel_loop3A_1219 : i32
          %parallel_loop3A_1221 = arith.constant 6 : i32
          %parallel_loop3A_1222 = arith.constant 0 : i32
          %parallel_loop3A_1223 = arith.constant 0 : i32
          %parallel_loop3A_1224 = tpu.memref_slice %run_scoped3A[%rem3A_350, %parallel_loop3A_1222, %parallel_loop3A_1223] : memref<2x8x2048xf32, #tpu.memory_space<vmem>> -> memref<1x8x2048xf32, #tpu.memory_space<vmem>>
          %parallel_loop3A_1225 = tpu.memref_squeeze %parallel_loop3A_1224 : memref<1x8x2048xf32, #tpu.memory_space<vmem>> -> memref<8x2048xf32, #tpu.memory_space<vmem>>
          %parallel_loop3A_1226 = arith.index_cast %parallel_loop3A_1221 : i32 to index
          %parallel_loop3A_1227 = arith.index_cast %parallel_loop3A_1220 : i32 to index
          %parallel_loop3A_1228 = tpu.vector_load %parallel_loop3A_1225[%parallel_loop3A_1226, %parallel_loop3A_1227] {strides = array<i32>} : memref<8x2048xf32, #tpu.memory_space<vmem>>, vector<1x16xf32>,
          %parallel_loop3A_1229 = vector.shape_cast %parallel_loop3A_1228 : vector<1x16xf32> to vector<16xf32>
          %parallel_loop3A_1230 = arith.addf %parallel_loop3A_1229, %get3A_874 : vector<16xf32>
          %parallel_loop3A_1231 = arith.constant 6 : i32
          %parallel_loop3A_1232 = arith.constant 0 : i32
          %parallel_loop3A_1233 = arith.constant 0 : i32
          %parallel_loop3A_1234 = tpu.memref_slice %run_scoped3A_10[%rem3A_354, %parallel_loop3A_1232, %parallel_loop3A_1233] : memref<2x8x2048xf32, #tpu.memory_space<vmem>> -> memref<1x8x2048xf32, #tpu.memory_space<vmem>>
          %parallel_loop3A_1235 = tpu.memref_squeeze %parallel_loop3A_1234 : memref<1x8x2048xf32, #tpu.memory_space<vmem>> -> memref<8x2048xf32, #tpu.memory_space<vmem>>
          %parallel_loop3A_1236 = arith.index_cast %parallel_loop3A_1231 : i32 to index
          %parallel_loop3A_1237 = arith.index_cast %parallel_loop3A_1220 : i32 to index
          %parallel_loop3A_1238 = tpu.vector_load %parallel_loop3A_1235[%parallel_loop3A_1236, %parallel_loop3A_1237] {strides = array<i32>} : memref<8x2048xf32, #tpu.memory_space<vmem>>, vector<1x16xf32>,
          %parallel_loop3A_1239 = vector.shape_cast %parallel_loop3A_1238 : vector<1x16xf32> to vector<16xf32>
          %parallel_loop3A_1240 = vector.shape_cast %parallel_loop3A_1230 : vector<16xf32> to vector<1x16xf32>
          tpu.vector_store %parallel_loop3A_1235[%parallel_loop3A_1236, %parallel_loop3A_1237], %parallel_loop3A_1240 {strides = array<i32>} : memref<8x2048xf32, #tpu.memory_space<vmem>>, vector<1x16xf32>,
        } {sc.loop_unroll_factor = 2 : i64, sc.parallel_access}
        %get3A_878 = arith.constant 7 : i32
        %get3A_879 = arith.constant 0 : i32
        %get3A_880 = arith.constant 0 : i32
        %get3A_881 = tpu.memref_slice %run_scoped3A_8[%rem3A_352, %get3A_879, %get3A_880] : memref<2x8x128xf32, #tpu.memory_space<vmem>> -> memref<1x8x128xf32, #tpu.memory_space<vmem>>
        %get3A_882 = tpu.memref_squeeze %get3A_881 : memref<1x8x128xf32, #tpu.memory_space<vmem>> -> memref<8x128xf32, #tpu.memory_space<vmem>>
        %get3A_883 = arith.index_cast %get3A_878 : i32 to index
        %get3A_884 = arith.constant 0 : index
        %get3A_885 = tpu.vector_load %get3A_882[%get3A_883, %get3A_884] {strides = array<i32>} : memref<8x128xf32, #tpu.memory_space<vmem>>, vector<1x16xf32>,
        %get3A_886 = vector.shape_cast %get3A_885 : vector<1x16xf32> to vector<16xf32>
        %get3A_887 = arith.constant 7 : i32
        %get3A_888 = arith.constant 0 : i32
        %get3A_889 = arith.constant 0 : i32
        %get3A_890 = tpu.memref_slice %run_scoped3A_8[%rem3A_352, %get3A_888, %get3A_889] : memref<2x8x128xf32, #tpu.memory_space<vmem>> -> memref<1x8x128xf32, #tpu.memory_space<vmem>>
        %get3A_891 = tpu.memref_squeeze %get3A_890 : memref<1x8x128xf32, #tpu.memory_space<vmem>> -> memref<8x128xf32, #tpu.memory_space<vmem>>
        %get3A_892 = arith.index_cast %get3A_887 : i32 to index
        %get3A_893 = arith.constant 16 : index
        %get3A_894 = tpu.vector_load %get3A_891[%get3A_892, %get3A_893] {strides = array<i32>} : memref<8x128xf32, #tpu.memory_space<vmem>>, vector<1x16xf32>,
        %get3A_895 = vector.shape_cast %get3A_894 : vector<1x16xf32> to vector<16xf32>
        %get3A_896 = arith.constant 7 : i32
        %get3A_897 = arith.constant 0 : i32
        %get3A_898 = arith.constant 0 : i32
        %get3A_899 = tpu.memref_slice %run_scoped3A_8[%rem3A_352, %get3A_897, %get3A_898] : memref<2x8x128xf32, #tpu.memory_space<vmem>> -> memref<1x8x128xf32, #tpu.memory_space<vmem>>
        %get3A_900 = tpu.memref_squeeze %get3A_899 : memref<1x8x128xf32, #tpu.memory_space<vmem>> -> memref<8x128xf32, #tpu.memory_space<vmem>>
        %get3A_901 = arith.index_cast %get3A_896 : i32 to index
        %get3A_902 = arith.constant 32 : index
        %get3A_903 = tpu.vector_load %get3A_900[%get3A_901, %get3A_902] {strides = array<i32>} : memref<8x128xf32, #tpu.memory_space<vmem>>, vector<1x16xf32>,
        %get3A_904 = vector.shape_cast %get3A_903 : vector<1x16xf32> to vector<16xf32>
        %get3A_905 = arith.constant 7 : i32
        %get3A_906 = arith.constant 0 : i32
        %get3A_907 = arith.constant 0 : i32
        %get3A_908 = tpu.memref_slice %run_scoped3A_8[%rem3A_352, %get3A_906, %get3A_907] : memref<2x8x128xf32, #tpu.memory_space<vmem>> -> memref<1x8x128xf32, #tpu.memory_space<vmem>>
        %get3A_909 = tpu.memref_squeeze %get3A_908 : memref<1x8x128xf32, #tpu.memory_space<vmem>> -> memref<8x128xf32, #tpu.memory_space<vmem>>
        %get3A_910 = arith.index_cast %get3A_905 : i32 to index
        %get3A_911 = arith.constant 48 : index
        %get3A_912 = tpu.vector_load %get3A_909[%get3A_910, %get3A_911] {strides = array<i32>} : memref<8x128xf32, #tpu.memory_space<vmem>>, vector<1x16xf32>,
        %get3A_913 = vector.shape_cast %get3A_912 : vector<1x16xf32> to vector<16xf32>
        %get3A_914 = arith.constant 7 : i32
        %get3A_915 = arith.constant 0 : i32
        %get3A_916 = arith.constant 0 : i32
        %get3A_917 = tpu.memref_slice %run_scoped3A_8[%rem3A_352, %get3A_915, %get3A_916] : memref<2x8x128xf32, #tpu.memory_space<vmem>> -> memref<1x8x128xf32, #tpu.memory_space<vmem>>
        %get3A_918 = tpu.memref_squeeze %get3A_917 : memref<1x8x128xf32, #tpu.memory_space<vmem>> -> memref<8x128xf32, #tpu.memory_space<vmem>>
        %get3A_919 = arith.index_cast %get3A_914 : i32 to index
        %get3A_920 = arith.constant 64 : index
        %get3A_921 = tpu.vector_load %get3A_918[%get3A_919, %get3A_920] {strides = array<i32>} : memref<8x128xf32, #tpu.memory_space<vmem>>, vector<1x16xf32>,
        %get3A_922 = vector.shape_cast %get3A_921 : vector<1x16xf32> to vector<16xf32>
        %get3A_923 = arith.constant 7 : i32
        %get3A_924 = arith.constant 0 : i32
        %get3A_925 = arith.constant 0 : i32
        %get3A_926 = tpu.memref_slice %run_scoped3A_8[%rem3A_352, %get3A_924, %get3A_925] : memref<2x8x128xf32, #tpu.memory_space<vmem>> -> memref<1x8x128xf32, #tpu.memory_space<vmem>>
        %get3A_927 = tpu.memref_squeeze %get3A_926 : memref<1x8x128xf32, #tpu.memory_space<vmem>> -> memref<8x128xf32, #tpu.memory_space<vmem>>
        %get3A_928 = arith.index_cast %get3A_923 : i32 to index
        %get3A_929 = arith.constant 80 : index
        %get3A_930 = tpu.vector_load %get3A_927[%get3A_928, %get3A_929] {strides = array<i32>} : memref<8x128xf32, #tpu.memory_space<vmem>>, vector<1x16xf32>,
        %get3A_931 = vector.shape_cast %get3A_930 : vector<1x16xf32> to vector<16xf32>
        %get3A_932 = arith.constant 7 : i32
        %get3A_933 = arith.constant 0 : i32
        %get3A_934 = arith.constant 0 : i32
        %get3A_935 = tpu.memref_slice %run_scoped3A_8[%rem3A_352, %get3A_933, %get3A_934] : memref<2x8x128xf32, #tpu.memory_space<vmem>> -> memref<1x8x128xf32, #tpu.memory_space<vmem>>
        %get3A_936 = tpu.memref_squeeze %get3A_935 : memref<1x8x128xf32, #tpu.memory_space<vmem>> -> memref<8x128xf32, #tpu.memory_space<vmem>>
        %get3A_937 = arith.index_cast %get3A_932 : i32 to index
        %get3A_938 = arith.constant 96 : index
        %get3A_939 = tpu.vector_load %get3A_936[%get3A_937, %get3A_938] {strides = array<i32>} : memref<8x128xf32, #tpu.memory_space<vmem>>, vector<1x16xf32>,
        %get3A_940 = vector.shape_cast %get3A_939 : vector<1x16xf32> to vector<16xf32>
        %get3A_941 = arith.constant 7 : i32
        %get3A_942 = arith.constant 0 : i32
        %get3A_943 = arith.constant 0 : i32
        %get3A_944 = tpu.memref_slice %run_scoped3A_8[%rem3A_352, %get3A_942, %get3A_943] : memref<2x8x128xf32, #tpu.memory_space<vmem>> -> memref<1x8x128xf32, #tpu.memory_space<vmem>>
        %get3A_945 = tpu.memref_squeeze %get3A_944 : memref<1x8x128xf32, #tpu.memory_space<vmem>> -> memref<8x128xf32, #tpu.memory_space<vmem>>
        %get3A_946 = arith.index_cast %get3A_941 : i32 to index
        %get3A_947 = arith.constant 112 : index
        %get3A_948 = tpu.vector_load %get3A_945[%get3A_946, %get3A_947] {strides = array<i32>} : memref<8x128xf32, #tpu.memory_space<vmem>>, vector<1x16xf32>,
        %get3A_949 = vector.shape_cast %get3A_948 : vector<1x16xf32> to vector<16xf32>
        %parallel_loop3A_950 = arith.constant 0 : i32
        %parallel_loop3A_951 = arith.constant 2048 : i32
        %parallel_loop3A_952 = arith.constant 128 : i32
        scf.for %parallel_loop3A_1064 = %parallel_loop3A_950 to %parallel_loop3A_951 step %parallel_loop3A_952  : i32 {
          %parallel_loop3A_1065 = arith.constant 0 : i32
          %parallel_loop3A_1066 = arith.addi %parallel_loop3A_1064, %parallel_loop3A_1065 : i32
          %parallel_loop3A_1067 = arith.constant 7 : i32
          %parallel_loop3A_1068 = arith.constant 0 : i32
          %parallel_loop3A_1069 = arith.constant 0 : i32
          %parallel_loop3A_1070 = tpu.memref_slice %run_scoped3A[%rem3A_350, %parallel_loop3A_1068, %parallel_loop3A_1069] : memref<2x8x2048xf32, #tpu.memory_space<vmem>> -> memref<1x8x2048xf32, #tpu.memory_space<vmem>>
          %parallel_loop3A_1071 = tpu.memref_squeeze %parallel_loop3A_1070 : memref<1x8x2048xf32, #tpu.memory_space<vmem>> -> memref<8x2048xf32, #tpu.memory_space<vmem>>
          %parallel_loop3A_1072 = arith.index_cast %parallel_loop3A_1067 : i32 to index
          %parallel_loop3A_1073 = arith.index_cast %parallel_loop3A_1066 : i32 to index
          %parallel_loop3A_1074 = tpu.vector_load %parallel_loop3A_1071[%parallel_loop3A_1072, %parallel_loop3A_1073] {strides = array<i32>} : memref<8x2048xf32, #tpu.memory_space<vmem>>, vector<1x16xf32>,
          %parallel_loop3A_1075 = vector.shape_cast %parallel_loop3A_1074 : vector<1x16xf32> to vector<16xf32>
          %parallel_loop3A_1076 = arith.addf %parallel_loop3A_1075, %get3A_886 : vector<16xf32>
          %parallel_loop3A_1077 = arith.constant 7 : i32
          %parallel_loop3A_1078 = arith.constant 0 : i32
          %parallel_loop3A_1079 = arith.constant 0 : i32
          %parallel_loop3A_1080 = tpu.memref_slice %run_scoped3A_10[%rem3A_354, %parallel_loop3A_1078, %parallel_loop3A_1079] : memref<2x8x2048xf32, #tpu.memory_space<vmem>> -> memref<1x8x2048xf32, #tpu.memory_space<vmem>>
          %parallel_loop3A_1081 = tpu.memref_squeeze %parallel_loop3A_1080 : memref<1x8x2048xf32, #tpu.memory_space<vmem>> -> memref<8x2048xf32, #tpu.memory_space<vmem>>
          %parallel_loop3A_1082 = arith.index_cast %parallel_loop3A_1077 : i32 to index
          %parallel_loop3A_1083 = arith.index_cast %parallel_loop3A_1066 : i32 to index
          %parallel_loop3A_1084 = tpu.vector_load %parallel_loop3A_1081[%parallel_loop3A_1082, %parallel_loop3A_1083] {strides = array<i32>} : memref<8x2048xf32, #tpu.memory_space<vmem>>, vector<1x16xf32>,
          %parallel_loop3A_1085 = vector.shape_cast %parallel_loop3A_1084 : vector<1x16xf32> to vector<16xf32>
          %parallel_loop3A_1086 = vector.shape_cast %parallel_loop3A_1076 : vector<16xf32> to vector<1x16xf32>
          tpu.vector_store %parallel_loop3A_1081[%parallel_loop3A_1082, %parallel_loop3A_1083], %parallel_loop3A_1086 {strides = array<i32>} : memref<8x2048xf32, #tpu.memory_space<vmem>>, vector<1x16xf32>,
          %parallel_loop3A_1087 = arith.constant 16 : i32
          %parallel_loop3A_1088 = arith.addi %parallel_loop3A_1064, %parallel_loop3A_1087 : i32
          %parallel_loop3A_1089 = arith.constant 7 : i32
          %parallel_loop3A_1090 = arith.constant 0 : i32
          %parallel_loop3A_1091 = arith.constant 0 : i32
          %parallel_loop3A_1092 = tpu.memref_slice %run_scoped3A[%rem3A_350, %parallel_loop3A_1090, %parallel_loop3A_1091] : memref<2x8x2048xf32, #tpu.memory_space<vmem>> -> memref<1x8x2048xf32, #tpu.memory_space<vmem>>
          %parallel_loop3A_1093 = tpu.memref_squeeze %parallel_loop3A_1092 : memref<1x8x2048xf32, #tpu.memory_space<vmem>> -> memref<8x2048xf32, #tpu.memory_space<vmem>>
          %parallel_loop3A_1094 = arith.index_cast %parallel_loop3A_1089 : i32 to index
          %parallel_loop3A_1095 = arith.index_cast %parallel_loop3A_1088 : i32 to index
          %parallel_loop3A_1096 = tpu.vector_load %parallel_loop3A_1093[%parallel_loop3A_1094, %parallel_loop3A_1095] {strides = array<i32>} : memref<8x2048xf32, #tpu.memory_space<vmem>>, vector<1x16xf32>,
          %parallel_loop3A_1097 = vector.shape_cast %parallel_loop3A_1096 : vector<1x16xf32> to vector<16xf32>
          %parallel_loop3A_1098 = arith.addf %parallel_loop3A_1097, %get3A_895 : vector<16xf32>
          %parallel_loop3A_1099 = arith.constant 7 : i32
          %parallel_loop3A_1100 = arith.constant 0 : i32
          %parallel_loop3A_1101 = arith.constant 0 : i32
          %parallel_loop3A_1102 = tpu.memref_slice %run_scoped3A_10[%rem3A_354, %parallel_loop3A_1100, %parallel_loop3A_1101] : memref<2x8x2048xf32, #tpu.memory_space<vmem>> -> memref<1x8x2048xf32, #tpu.memory_space<vmem>>
          %parallel_loop3A_1103 = tpu.memref_squeeze %parallel_loop3A_1102 : memref<1x8x2048xf32, #tpu.memory_space<vmem>> -> memref<8x2048xf32, #tpu.memory_space<vmem>>
          %parallel_loop3A_1104 = arith.index_cast %parallel_loop3A_1099 : i32 to index
          %parallel_loop3A_1105 = arith.index_cast %parallel_loop3A_1088 : i32 to index
          %parallel_loop3A_1106 = tpu.vector_load %parallel_loop3A_1103[%parallel_loop3A_1104, %parallel_loop3A_1105] {strides = array<i32>} : memref<8x2048xf32, #tpu.memory_space<vmem>>, vector<1x16xf32>,
          %parallel_loop3A_1107 = vector.shape_cast %parallel_loop3A_1106 : vector<1x16xf32> to vector<16xf32>
          %parallel_loop3A_1108 = vector.shape_cast %parallel_loop3A_1098 : vector<16xf32> to vector<1x16xf32>
          tpu.vector_store %parallel_loop3A_1103[%parallel_loop3A_1104, %parallel_loop3A_1105], %parallel_loop3A_1108 {strides = array<i32>} : memref<8x2048xf32, #tpu.memory_space<vmem>>, vector<1x16xf32>,
          %parallel_loop3A_1109 = arith.constant 32 : i32
          %parallel_loop3A_1110 = arith.addi %parallel_loop3A_1064, %parallel_loop3A_1109 : i32
          %parallel_loop3A_1111 = arith.constant 7 : i32
          %parallel_loop3A_1112 = arith.constant 0 : i32
          %parallel_loop3A_1113 = arith.constant 0 : i32
          %parallel_loop3A_1114 = tpu.memref_slice %run_scoped3A[%rem3A_350, %parallel_loop3A_1112, %parallel_loop3A_1113] : memref<2x8x2048xf32, #tpu.memory_space<vmem>> -> memref<1x8x2048xf32, #tpu.memory_space<vmem>>
          %parallel_loop3A_1115 = tpu.memref_squeeze %parallel_loop3A_1114 : memref<1x8x2048xf32, #tpu.memory_space<vmem>> -> memref<8x2048xf32, #tpu.memory_space<vmem>>
          %parallel_loop3A_1116 = arith.index_cast %parallel_loop3A_1111 : i32 to index
          %parallel_loop3A_1117 = arith.index_cast %parallel_loop3A_1110 : i32 to index
          %parallel_loop3A_1118 = tpu.vector_load %parallel_loop3A_1115[%parallel_loop3A_1116, %parallel_loop3A_1117] {strides = array<i32>} : memref<8x2048xf32, #tpu.memory_space<vmem>>, vector<1x16xf32>,
          %parallel_loop3A_1119 = vector.shape_cast %parallel_loop3A_1118 : vector<1x16xf32> to vector<16xf32>
          %parallel_loop3A_1120 = arith.addf %parallel_loop3A_1119, %get3A_904 : vector<16xf32>
          %parallel_loop3A_1121 = arith.constant 7 : i32
          %parallel_loop3A_1122 = arith.constant 0 : i32
          %parallel_loop3A_1123 = arith.constant 0 : i32
          %parallel_loop3A_1124 = tpu.memref_slice %run_scoped3A_10[%rem3A_354, %parallel_loop3A_1122, %parallel_loop3A_1123] : memref<2x8x2048xf32, #tpu.memory_space<vmem>> -> memref<1x8x2048xf32, #tpu.memory_space<vmem>>
          %parallel_loop3A_1125 = tpu.memref_squeeze %parallel_loop3A_1124 : memref<1x8x2048xf32, #tpu.memory_space<vmem>> -> memref<8x2048xf32, #tpu.memory_space<vmem>>
          %parallel_loop3A_1126 = arith.index_cast %parallel_loop3A_1121 : i32 to index
          %parallel_loop3A_1127 = arith.index_cast %parallel_loop3A_1110 : i32 to index
          %parallel_loop3A_1128 = tpu.vector_load %parallel_loop3A_1125[%parallel_loop3A_1126, %parallel_loop3A_1127] {strides = array<i32>} : memref<8x2048xf32, #tpu.memory_space<vmem>>, vector<1x16xf32>,
          %parallel_loop3A_1129 = vector.shape_cast %parallel_loop3A_1128 : vector<1x16xf32> to vector<16xf32>
          %parallel_loop3A_1130 = vector.shape_cast %parallel_loop3A_1120 : vector<16xf32> to vector<1x16xf32>
          tpu.vector_store %parallel_loop3A_1125[%parallel_loop3A_1126, %parallel_loop3A_1127], %parallel_loop3A_1130 {strides = array<i32>} : memref<8x2048xf32, #tpu.memory_space<vmem>>, vector<1x16xf32>,
          %parallel_loop3A_1131 = arith.constant 48 : i32
          %parallel_loop3A_1132 = arith.addi %parallel_loop3A_1064, %parallel_loop3A_1131 : i32
          %parallel_loop3A_1133 = arith.constant 7 : i32
          %parallel_loop3A_1134 = arith.constant 0 : i32
          %parallel_loop3A_1135 = arith.constant 0 : i32
          %parallel_loop3A_1136 = tpu.memref_slice %run_scoped3A[%rem3A_350, %parallel_loop3A_1134, %parallel_loop3A_1135] : memref<2x8x2048xf32, #tpu.memory_space<vmem>> -> memref<1x8x2048xf32, #tpu.memory_space<vmem>>
          %parallel_loop3A_1137 = tpu.memref_squeeze %parallel_loop3A_1136 : memref<1x8x2048xf32, #tpu.memory_space<vmem>> -> memref<8x2048xf32, #tpu.memory_space<vmem>>
          %parallel_loop3A_1138 = arith.index_cast %parallel_loop3A_1133 : i32 to index
          %parallel_loop3A_1139 = arith.index_cast %parallel_loop3A_1132 : i32 to index
          %parallel_loop3A_1140 = tpu.vector_load %parallel_loop3A_1137[%parallel_loop3A_1138, %parallel_loop3A_1139] {strides = array<i32>} : memref<8x2048xf32, #tpu.memory_space<vmem>>, vector<1x16xf32>,
          %parallel_loop3A_1141 = vector.shape_cast %parallel_loop3A_1140 : vector<1x16xf32> to vector<16xf32>
          %parallel_loop3A_1142 = arith.addf %parallel_loop3A_1141, %get3A_913 : vector<16xf32>
          %parallel_loop3A_1143 = arith.constant 7 : i32
          %parallel_loop3A_1144 = arith.constant 0 : i32
          %parallel_loop3A_1145 = arith.constant 0 : i32
          %parallel_loop3A_1146 = tpu.memref_slice %run_scoped3A_10[%rem3A_354, %parallel_loop3A_1144, %parallel_loop3A_1145] : memref<2x8x2048xf32, #tpu.memory_space<vmem>> -> memref<1x8x2048xf32, #tpu.memory_space<vmem>>
          %parallel_loop3A_1147 = tpu.memref_squeeze %parallel_loop3A_1146 : memref<1x8x2048xf32, #tpu.memory_space<vmem>> -> memref<8x2048xf32, #tpu.memory_space<vmem>>
          %parallel_loop3A_1148 = arith.index_cast %parallel_loop3A_1143 : i32 to index
          %parallel_loop3A_1149 = arith.index_cast %parallel_loop3A_1132 : i32 to index
          %parallel_loop3A_1150 = tpu.vector_load %parallel_loop3A_1147[%parallel_loop3A_1148, %parallel_loop3A_1149] {strides = array<i32>} : memref<8x2048xf32, #tpu.memory_space<vmem>>, vector<1x16xf32>,
          %parallel_loop3A_1151 = vector.shape_cast %parallel_loop3A_1150 : vector<1x16xf32> to vector<16xf32>
          %parallel_loop3A_1152 = vector.shape_cast %parallel_loop3A_1142 : vector<16xf32> to vector<1x16xf32>
          tpu.vector_store %parallel_loop3A_1147[%parallel_loop3A_1148, %parallel_loop3A_1149], %parallel_loop3A_1152 {strides = array<i32>} : memref<8x2048xf32, #tpu.memory_space<vmem>>, vector<1x16xf32>,
          %parallel_loop3A_1153 = arith.constant 64 : i32
          %parallel_loop3A_1154 = arith.addi %parallel_loop3A_1064, %parallel_loop3A_1153 : i32
          %parallel_loop3A_1155 = arith.constant 7 : i32
          %parallel_loop3A_1156 = arith.constant 0 : i32
          %parallel_loop3A_1157 = arith.constant 0 : i32
          %parallel_loop3A_1158 = tpu.memref_slice %run_scoped3A[%rem3A_350, %parallel_loop3A_1156, %parallel_loop3A_1157] : memref<2x8x2048xf32, #tpu.memory_space<vmem>> -> memref<1x8x2048xf32, #tpu.memory_space<vmem>>
          %parallel_loop3A_1159 = tpu.memref_squeeze %parallel_loop3A_1158 : memref<1x8x2048xf32, #tpu.memory_space<vmem>> -> memref<8x2048xf32, #tpu.memory_space<vmem>>
          %parallel_loop3A_1160 = arith.index_cast %parallel_loop3A_1155 : i32 to index
          %parallel_loop3A_1161 = arith.index_cast %parallel_loop3A_1154 : i32 to index
          %parallel_loop3A_1162 = tpu.vector_load %parallel_loop3A_1159[%parallel_loop3A_1160, %parallel_loop3A_1161] {strides = array<i32>} : memref<8x2048xf32, #tpu.memory_space<vmem>>, vector<1x16xf32>,
          %parallel_loop3A_1163 = vector.shape_cast %parallel_loop3A_1162 : vector<1x16xf32> to vector<16xf32>
          %parallel_loop3A_1164 = arith.addf %parallel_loop3A_1163, %get3A_922 : vector<16xf32>
          %parallel_loop3A_1165 = arith.constant 7 : i32
          %parallel_loop3A_1166 = arith.constant 0 : i32
          %parallel_loop3A_1167 = arith.constant 0 : i32
          %parallel_loop3A_1168 = tpu.memref_slice %run_scoped3A_10[%rem3A_354, %parallel_loop3A_1166, %parallel_loop3A_1167] : memref<2x8x2048xf32, #tpu.memory_space<vmem>> -> memref<1x8x2048xf32, #tpu.memory_space<vmem>>
          %parallel_loop3A_1169 = tpu.memref_squeeze %parallel_loop3A_1168 : memref<1x8x2048xf32, #tpu.memory_space<vmem>> -> memref<8x2048xf32, #tpu.memory_space<vmem>>
          %parallel_loop3A_1170 = arith.index_cast %parallel_loop3A_1165 : i32 to index
          %parallel_loop3A_1171 = arith.index_cast %parallel_loop3A_1154 : i32 to index
          %parallel_loop3A_1172 = tpu.vector_load %parallel_loop3A_1169[%parallel_loop3A_1170, %parallel_loop3A_1171] {strides = array<i32>} : memref<8x2048xf32, #tpu.memory_space<vmem>>, vector<1x16xf32>,
          %parallel_loop3A_1173 = vector.shape_cast %parallel_loop3A_1172 : vector<1x16xf32> to vector<16xf32>
          %parallel_loop3A_1174 = vector.shape_cast %parallel_loop3A_1164 : vector<16xf32> to vector<1x16xf32>
          tpu.vector_store %parallel_loop3A_1169[%parallel_loop3A_1170, %parallel_loop3A_1171], %parallel_loop3A_1174 {strides = array<i32>} : memref<8x2048xf32, #tpu.memory_space<vmem>>, vector<1x16xf32>,
          %parallel_loop3A_1175 = arith.constant 80 : i32
          %parallel_loop3A_1176 = arith.addi %parallel_loop3A_1064, %parallel_loop3A_1175 : i32
          %parallel_loop3A_1177 = arith.constant 7 : i32
          %parallel_loop3A_1178 = arith.constant 0 : i32
          %parallel_loop3A_1179 = arith.constant 0 : i32
          %parallel_loop3A_1180 = tpu.memref_slice %run_scoped3A[%rem3A_350, %parallel_loop3A_1178, %parallel_loop3A_1179] : memref<2x8x2048xf32, #tpu.memory_space<vmem>> -> memref<1x8x2048xf32, #tpu.memory_space<vmem>>
          %parallel_loop3A_1181 = tpu.memref_squeeze %parallel_loop3A_1180 : memref<1x8x2048xf32, #tpu.memory_space<vmem>> -> memref<8x2048xf32, #tpu.memory_space<vmem>>
          %parallel_loop3A_1182 = arith.index_cast %parallel_loop3A_1177 : i32 to index
          %parallel_loop3A_1183 = arith.index_cast %parallel_loop3A_1176 : i32 to index
          %parallel_loop3A_1184 = tpu.vector_load %parallel_loop3A_1181[%parallel_loop3A_1182, %parallel_loop3A_1183] {strides = array<i32>} : memref<8x2048xf32, #tpu.memory_space<vmem>>, vector<1x16xf32>,
          %parallel_loop3A_1185 = vector.shape_cast %parallel_loop3A_1184 : vector<1x16xf32> to vector<16xf32>
          %parallel_loop3A_1186 = arith.addf %parallel_loop3A_1185, %get3A_931 : vector<16xf32>
          %parallel_loop3A_1187 = arith.constant 7 : i32
          %parallel_loop3A_1188 = arith.constant 0 : i32
          %parallel_loop3A_1189 = arith.constant 0 : i32
          %parallel_loop3A_1190 = tpu.memref_slice %run_scoped3A_10[%rem3A_354, %parallel_loop3A_1188, %parallel_loop3A_1189] : memref<2x8x2048xf32, #tpu.memory_space<vmem>> -> memref<1x8x2048xf32, #tpu.memory_space<vmem>>
          %parallel_loop3A_1191 = tpu.memref_squeeze %parallel_loop3A_1190 : memref<1x8x2048xf32, #tpu.memory_space<vmem>> -> memref<8x2048xf32, #tpu.memory_space<vmem>>
          %parallel_loop3A_1192 = arith.index_cast %parallel_loop3A_1187 : i32 to index
          %parallel_loop3A_1193 = arith.index_cast %parallel_loop3A_1176 : i32 to index
          %parallel_loop3A_1194 = tpu.vector_load %parallel_loop3A_1191[%parallel_loop3A_1192, %parallel_loop3A_1193] {strides = array<i32>} : memref<8x2048xf32, #tpu.memory_space<vmem>>, vector<1x16xf32>,
          %parallel_loop3A_1195 = vector.shape_cast %parallel_loop3A_1194 : vector<1x16xf32> to vector<16xf32>
          %parallel_loop3A_1196 = vector.shape_cast %parallel_loop3A_1186 : vector<16xf32> to vector<1x16xf32>
          tpu.vector_store %parallel_loop3A_1191[%parallel_loop3A_1192, %parallel_loop3A_1193], %parallel_loop3A_1196 {strides = array<i32>} : memref<8x2048xf32, #tpu.memory_space<vmem>>, vector<1x16xf32>,
          %parallel_loop3A_1197 = arith.constant 96 : i32
          %parallel_loop3A_1198 = arith.addi %parallel_loop3A_1064, %parallel_loop3A_1197 : i32
          %parallel_loop3A_1199 = arith.constant 7 : i32
          %parallel_loop3A_1200 = arith.constant 0 : i32
          %parallel_loop3A_1201 = arith.constant 0 : i32
          %parallel_loop3A_1202 = tpu.memref_slice %run_scoped3A[%rem3A_350, %parallel_loop3A_1200, %parallel_loop3A_1201] : memref<2x8x2048xf32, #tpu.memory_space<vmem>> -> memref<1x8x2048xf32, #tpu.memory_space<vmem>>
          %parallel_loop3A_1203 = tpu.memref_squeeze %parallel_loop3A_1202 : memref<1x8x2048xf32, #tpu.memory_space<vmem>> -> memref<8x2048xf32, #tpu.memory_space<vmem>>
          %parallel_loop3A_1204 = arith.index_cast %parallel_loop3A_1199 : i32 to index
          %parallel_loop3A_1205 = arith.index_cast %parallel_loop3A_1198 : i32 to index
          %parallel_loop3A_1206 = tpu.vector_load %parallel_loop3A_1203[%parallel_loop3A_1204, %parallel_loop3A_1205] {strides = array<i32>} : memref<8x2048xf32, #tpu.memory_space<vmem>>, vector<1x16xf32>,
          %parallel_loop3A_1207 = vector.shape_cast %parallel_loop3A_1206 : vector<1x16xf32> to vector<16xf32>
          %parallel_loop3A_1208 = arith.addf %parallel_loop3A_1207, %get3A_940 : vector<16xf32>
          %parallel_loop3A_1209 = arith.constant 7 : i32
          %parallel_loop3A_1210 = arith.constant 0 : i32
          %parallel_loop3A_1211 = arith.constant 0 : i32
          %parallel_loop3A_1212 = tpu.memref_slice %run_scoped3A_10[%rem3A_354, %parallel_loop3A_1210, %parallel_loop3A_1211] : memref<2x8x2048xf32, #tpu.memory_space<vmem>> -> memref<1x8x2048xf32, #tpu.memory_space<vmem>>
          %parallel_loop3A_1213 = tpu.memref_squeeze %parallel_loop3A_1212 : memref<1x8x2048xf32, #tpu.memory_space<vmem>> -> memref<8x2048xf32, #tpu.memory_space<vmem>>
          %parallel_loop3A_1214 = arith.index_cast %parallel_loop3A_1209 : i32 to index
          %parallel_loop3A_1215 = arith.index_cast %parallel_loop3A_1198 : i32 to index
          %parallel_loop3A_1216 = tpu.vector_load %parallel_loop3A_1213[%parallel_loop3A_1214, %parallel_loop3A_1215] {strides = array<i32>} : memref<8x2048xf32, #tpu.memory_space<vmem>>, vector<1x16xf32>,
          %parallel_loop3A_1217 = vector.shape_cast %parallel_loop3A_1216 : vector<1x16xf32> to vector<16xf32>
          %parallel_loop3A_1218 = vector.shape_cast %parallel_loop3A_1208 : vector<16xf32> to vector<1x16xf32>
          tpu.vector_store %parallel_loop3A_1213[%parallel_loop3A_1214, %parallel_loop3A_1215], %parallel_loop3A_1218 {strides = array<i32>} : memref<8x2048xf32, #tpu.memory_space<vmem>>, vector<1x16xf32>,
          %parallel_loop3A_1219 = arith.constant 112 : i32
          %parallel_loop3A_1220 = arith.addi %parallel_loop3A_1064, %parallel_loop3A_1219 : i32
          %parallel_loop3A_1221 = arith.constant 7 : i32
          %parallel_loop3A_1222 = arith.constant 0 : i32
          %parallel_loop3A_1223 = arith.constant 0 : i32
          %parallel_loop3A_1224 = tpu.memref_slice %run_scoped3A[%rem3A_350, %parallel_loop3A_1222, %parallel_loop3A_1223] : memref<2x8x2048xf32, #tpu.memory_space<vmem>> -> memref<1x8x2048xf32, #tpu.memory_space<vmem>>
          %parallel_loop3A_1225 = tpu.memref_squeeze %parallel_loop3A_1224 : memref<1x8x2048xf32, #tpu.memory_space<vmem>> -> memref<8x2048xf32, #tpu.memory_space<vmem>>
          %parallel_loop3A_1226 = arith.index_cast %parallel_loop3A_1221 : i32 to index
          %parallel_loop3A_1227 = arith.index_cast %parallel_loop3A_1220 : i32 to index
          %parallel_loop3A_1228 = tpu.vector_load %parallel_loop3A_1225[%parallel_loop3A_1226, %parallel_loop3A_1227] {strides = array<i32>} : memref<8x2048xf32, #tpu.memory_space<vmem>>, vector<1x16xf32>,
          %parallel_loop3A_1229 = vector.shape_cast %parallel_loop3A_1228 : vector<1x16xf32> to vector<16xf32>
          %parallel_loop3A_1230 = arith.addf %parallel_loop3A_1229, %get3A_949 : vector<16xf32>
          %parallel_loop3A_1231 = arith.constant 7 : i32
          %parallel_loop3A_1232 = arith.constant 0 : i32
          %parallel_loop3A_1233 = arith.constant 0 : i32
          %parallel_loop3A_1234 = tpu.memref_slice %run_scoped3A_10[%rem3A_354, %parallel_loop3A_1232, %parallel_loop3A_1233] : memref<2x8x2048xf32, #tpu.memory_space<vmem>> -> memref<1x8x2048xf32, #tpu.memory_space<vmem>>
          %parallel_loop3A_1235 = tpu.memref_squeeze %parallel_loop3A_1234 : memref<1x8x2048xf32, #tpu.memory_space<vmem>> -> memref<8x2048xf32, #tpu.memory_space<vmem>>
          %parallel_loop3A_1236 = arith.index_cast %parallel_loop3A_1231 : i32 to index
          %parallel_loop3A_1237 = arith.index_cast %parallel_loop3A_1220 : i32 to index
          %parallel_loop3A_1238 = tpu.vector_load %parallel_loop3A_1235[%parallel_loop3A_1236, %parallel_loop3A_1237] {strides = array<i32>} : memref<8x2048xf32, #tpu.memory_space<vmem>>, vector<1x16xf32>,
          %parallel_loop3A_1239 = vector.shape_cast %parallel_loop3A_1238 : vector<1x16xf32> to vector<16xf32>
          %parallel_loop3A_1240 = vector.shape_cast %parallel_loop3A_1230 : vector<16xf32> to vector<1x16xf32>
          tpu.vector_store %parallel_loop3A_1235[%parallel_loop3A_1236, %parallel_loop3A_1237], %parallel_loop3A_1240 {strides = array<i32>} : memref<8x2048xf32, #tpu.memory_space<vmem>>, vector<1x16xf32>,
        } {sc.loop_unroll_factor = 2 : i64, sc.parallel_access}
        "tpu.trace_stop"() : () -> ()
        %ne3A_953 = arith.cmpi ne, %add3A_226, %add3A_262 : i32
        %ne3A_954 = arith.cmpi ne, %add3A_228, %add3A_264 : i32
        %or3A_955 = arith.constant false
        %or3A_956 = arith.ori %or3A_955, %ne3A_953 : i1
        %or3A_957 = arith.ori %or3A_956, %ne3A_954 : i1
        %or3A_958 = arith.ori %or3A_957, %eq3A_225 : i1
        %convert_element_type3A_959 = arith.extui %or3A_958 : i1 to i32
        %cond3A_960 = arith.constant 0 : i32
        %cond3A_961 = arith.cmpi ne, %convert_element_type3A_959, %cond3A_960 : i32
        scf.if %cond3A_961 {
        } else {
        }
        %and3A_962 = arith.constant false
        %and3A_963 = arith.andi %or3A_958, %and3A_962 : i1
        %ne3A_964 = arith.cmpi ne, %add3A_226, %add3A_262 : i32
        %or3A_965 = arith.constant false
        %or3A_966 = arith.ori %or3A_965, %ne3A_964 : i1
        %or3A_967 = arith.constant false
        %or3A_968 = arith.ori %or3A_966, %or3A_967 : i1
        %or3A_969 = arith.ori %or3A_968, %eq3A_225 : i1
        %convert_element_type3A_970 = arith.extui %or3A_969 : i1 to i32
        %cond3A_971 = arith.constant 0 : i32
        %cond3A_972 = arith.cmpi ne, %convert_element_type3A_970, %cond3A_971 : i32
        scf.if %cond3A_972 {
        } else {
        }
        %and3A_973 = arith.constant false
        %and3A_974 = arith.andi %or3A_969, %and3A_973 : i1
        %ne3A_975 = arith.cmpi ne, %add3A_226, %add3A_262 : i32
        %ne3A_976 = arith.cmpi ne, %add3A_228, %add3A_264 : i32
        %or3A_977 = arith.constant false
        %or3A_978 = arith.ori %or3A_977, %ne3A_975 : i1
        %or3A_979 = arith.ori %or3A_978, %ne3A_976 : i1
        %or3A_980 = arith.ori %or3A_979, %eq3A_225 : i1
        %convert_element_type3A_981 = arith.extui %or3A_980 : i1 to i32
        %cond3A_982 = arith.constant 0 : i32
        %cond3A_983 = arith.cmpi ne, %convert_element_type3A_981, %cond3A_982 : i32
        scf.if %cond3A_983 {
          "tpu.trace_start"() <{level = 10 : i32, message = "ep_copy_out"}> : () -> ()
          %rem3A_1064 = arith.constant 2 : i32
          %rem3A_1065 = arith.remui %scan3A_218, %rem3A_1064 : i32
          %mul3A_1066 = arith.constant 8 : i32
          %mul3A_1067 = arith.muli %mul3A_1066, %add3A_226 : i32
          %mul3A_1068 = arith.constant 2048 : i32
          %mul3A_1069 = arith.muli %mul3A_1068, %add3A_228 : i32
          %dma_start3A_1070 = arith.constant 0 : i32
          %dma_start3A_1071 = arith.constant 0 : i32
          %dma_start3A_1072 = tpu.memref_slice %run_scoped3A_10[%rem3A_1065, %dma_start3A_1070, %dma_start3A_1071] : memref<2x8x2048xf32, #tpu.memory_space<vmem>> -> memref<1x8x2048xf32, #tpu.memory_space<vmem>>
          %dma_start3A_1073 = tpu.memref_squeeze %dma_start3A_1072 : memref<1x8x2048xf32, #tpu.memory_space<vmem>> -> memref<8x2048xf32, #tpu.memory_space<vmem>>
          %dma_start3A_1074 = tpu.memref_slice %arg4[%mul3A_1067, %mul3A_1069] : memref<12800x4096xf32, #tpu.memory_space<hbm>> -> memref<8x2048xf32, #tpu.memory_space<hbm>>
          %dma_start3A_1075 = tpu.memref_slice %run_scoped3A_11[%rem3A_1065] : memref<2x!tpu.dma_semaphore, #tpu.memory_space<semaphore_mem>> -> memref<1x!tpu.dma_semaphore, #tpu.memory_space<semaphore_mem>>
          %dma_start3A_1076 = tpu.memref_squeeze %dma_start3A_1075 : memref<1x!tpu.dma_semaphore, #tpu.memory_space<semaphore_mem>> -> memref<!tpu.dma_semaphore, #tpu.memory_space<semaphore_mem>>
          %dma_start3A_1077 = tpu.memref_slice %arg4[%mul3A_1067, %mul3A_1069] : memref<12800x4096xf32, #tpu.memory_space<hbm>> -> memref<8x2048xf32, #tpu.memory_space<hbm>>
          %dma_start3A_1078 = arith.constant 0 : i32
          %dma_start3A_1079 = arith.constant 0 : i32
          %dma_start3A_1080 = tpu.memref_slice %run_scoped3A_10[%rem3A_1065, %dma_start3A_1078, %dma_start3A_1079] : memref<2x8x2048xf32, #tpu.memory_space<vmem>> -> memref<1x8x2048xf32, #tpu.memory_space<vmem>>
          %dma_start3A_1081 = tpu.memref_squeeze %dma_start3A_1080 : memref<1x8x2048xf32, #tpu.memory_space<vmem>> -> memref<8x2048xf32, #tpu.memory_space<vmem>>
          tpu.enqueue_dma source(%dma_start3A_1081 : memref<8x2048xf32, #tpu.memory_space<vmem>>) target(%dma_start3A_1077 : memref<8x2048xf32, #tpu.memory_space<hbm>>) target_semaphore(%dma_start3A_1076 : memref<!tpu.dma_semaphore, #tpu.memory_space<semaphore_mem>>)
          "tpu.trace_stop"() : () -> ()
        } else {
        }
        %and3A_984 = arith.constant true
        %and3A_985 = arith.andi %or3A_980, %and3A_984 : i1
        %add3A_986 = arith.constant 1 : i32
        %add3A_987 = arith.addi %scan3A_218, %add3A_986 : i32
        %select_n3A_988 = arith.select %and3A_985, %add3A_987, %scan3A_218 : i32
        %ne3A_989 = arith.cmpi ne, %add3A_226, %add3A_244 : i32
        %ne3A_990 = arith.cmpi ne, %add3A_228, %add3A_246 : i32
        %or3A_991 = arith.constant false
        %or3A_992 = arith.ori %or3A_991, %ne3A_989 : i1
        %or3A_993 = arith.ori %or3A_992, %ne3A_990 : i1
        %not3A_994 = arith.constant true
        %not3A_995 = arith.xori %eq3A_223, %not3A_994 : i1
        %and3A_996 = arith.andi %or3A_993, %not3A_995 : i1
        %convert_element_type3A_997 = arith.extui %and3A_996 : i1 to i32
        %cond3A_998 = arith.constant 0 : i32
        %cond3A_999 = arith.cmpi ne, %convert_element_type3A_997, %cond3A_998 : i32
        scf.if %cond3A_999 {
        } else {
        }
        %and3A_1000 = arith.constant false
        %and3A_1001 = arith.andi %and3A_996, %and3A_1000 : i1
        %ne3A_1002 = arith.cmpi ne, %add3A_226, %add3A_244 : i32
        %or3A_1003 = arith.constant false
        %or3A_1004 = arith.ori %or3A_1003, %ne3A_1002 : i1
        %or3A_1005 = arith.constant false
        %or3A_1006 = arith.ori %or3A_1004, %or3A_1005 : i1
        %not3A_1007 = arith.constant true
        %not3A_1008 = arith.xori %eq3A_223, %not3A_1007 : i1
        %and3A_1009 = arith.andi %or3A_1006, %not3A_1008 : i1
        %convert_element_type3A_1010 = arith.extui %and3A_1009 : i1 to i32
        %cond3A_1011 = arith.constant 0 : i32
        %cond3A_1012 = arith.cmpi ne, %convert_element_type3A_1010, %cond3A_1011 : i32
        scf.if %cond3A_1012 {
        } else {
        }
        %and3A_1013 = arith.constant false
        %and3A_1014 = arith.andi %and3A_1009, %and3A_1013 : i1
        %ne3A_1015 = arith.cmpi ne, %add3A_226, %add3A_244 : i32
        %ne3A_1016 = arith.cmpi ne, %add3A_228, %add3A_246 : i32
        %or3A_1017 = arith.constant false
        %or3A_1018 = arith.ori %or3A_1017, %ne3A_1015 : i1
        %or3A_1019 = arith.ori %or3A_1018, %ne3A_1016 : i1
        %not3A_1020 = arith.constant true
        %not3A_1021 = arith.xori %eq3A_223, %not3A_1020 : i1
        %and3A_1022 = arith.andi %or3A_1019, %not3A_1021 : i1
        %convert_element_type3A_1023 = arith.extui %and3A_1022 : i1 to i32
        %cond3A_1024 = arith.constant 0 : i32
        %cond3A_1025 = arith.cmpi ne, %convert_element_type3A_1023, %cond3A_1024 : i32
        scf.if %cond3A_1025 {
          "tpu.trace_start"() <{level = 10 : i32, message = "ep_wait_out"}> : () -> ()
          %rem3A_1064 = arith.constant 2 : i32
          %rem3A_1065 = arith.remui %scan3A_219, %rem3A_1064 : i32
          %mul3A_1066 = arith.constant 8 : i32
          %mul3A_1067 = arith.muli %mul3A_1066, %add3A_244 : i32
          %mul3A_1068 = arith.constant 2048 : i32
          %mul3A_1069 = arith.muli %mul3A_1068, %add3A_246 : i32
          %dma_wait3A_1070 = arith.constant 0 : i32
          %dma_wait3A_1071 = arith.constant 0 : i32
          %dma_wait3A_1072 = tpu.memref_slice %run_scoped3A_10[%rem3A_1065, %dma_wait3A_1070, %dma_wait3A_1071] : memref<2x8x2048xf32, #tpu.memory_space<vmem>> -> memref<1x8x2048xf32, #tpu.memory_space<vmem>>
          %dma_wait3A_1073 = tpu.memref_squeeze %dma_wait3A_1072 : memref<1x8x2048xf32, #tpu.memory_space<vmem>> -> memref<8x2048xf32, #tpu.memory_space<vmem>>
          %dma_wait3A_1074 = tpu.memref_slice %arg4[%mul3A_1067, %mul3A_1069] : memref<12800x4096xf32, #tpu.memory_space<hbm>> -> memref<8x2048xf32, #tpu.memory_space<hbm>>
          %dma_wait3A_1075 = tpu.memref_slice %run_scoped3A_11[%rem3A_1065] : memref<2x!tpu.dma_semaphore, #tpu.memory_space<semaphore_mem>> -> memref<1x!tpu.dma_semaphore, #tpu.memory_space<semaphore_mem>>
          %dma_wait3A_1076 = tpu.memref_squeeze %dma_wait3A_1075 : memref<1x!tpu.dma_semaphore, #tpu.memory_space<semaphore_mem>> -> memref<!tpu.dma_semaphore, #tpu.memory_space<semaphore_mem>>
          %dma_wait3A_1077 = tpu.memref_slice %arg4[%mul3A_1067, %mul3A_1069] : memref<12800x4096xf32, #tpu.memory_space<hbm>> -> memref<8x2048xf32, #tpu.memory_space<hbm>>
          %dma_wait3A_1078 = arith.constant 0 : i32
          %dma_wait3A_1079 = arith.constant 0 : i32
          %dma_wait3A_1080 = tpu.memref_slice %run_scoped3A_10[%rem3A_1065, %dma_wait3A_1078, %dma_wait3A_1079] : memref<2x8x2048xf32, #tpu.memory_space<vmem>> -> memref<1x8x2048xf32, #tpu.memory_space<vmem>>
          %dma_wait3A_1081 = tpu.memref_squeeze %dma_wait3A_1080 : memref<1x8x2048xf32, #tpu.memory_space<vmem>> -> memref<8x2048xf32, #tpu.memory_space<vmem>>
          tpu.wait_dma2 semaphore(%dma_wait3A_1076 : memref<!tpu.dma_semaphore, #tpu.memory_space<semaphore_mem>>) src(%dma_wait3A_1081 : memref<8x2048xf32, #tpu.memory_space<vmem>>) dst(%dma_wait3A_1077 : memref<8x2048xf32, #tpu.memory_space<hbm>>)
          "tpu.trace_stop"() : () -> ()
        } else {
        }
        %and3A_1026 = arith.constant true
        %and3A_1027 = arith.andi %and3A_1022, %and3A_1026 : i1
        %add3A_1028 = arith.constant 1 : i32
        %add3A_1029 = arith.addi %scan3A_219, %add3A_1028 : i32
        %select_n3A_1030 = arith.select %and3A_1027, %add3A_1029, %scan3A_219 : i32
        %ne3A_1031 = arith.cmpi ne, %add3A_226, %add3A_262 : i32
        %ne3A_1032 = arith.cmpi ne, %add3A_228, %add3A_264 : i32
        %or3A_1033 = arith.constant false
        %or3A_1034 = arith.ori %or3A_1033, %ne3A_1031 : i1
        %or3A_1035 = arith.ori %or3A_1034, %ne3A_1032 : i1
        %or3A_1036 = arith.ori %or3A_1035, %eq3A_225 : i1
        %add3A_1037 = arith.constant 1 : i32
        %add3A_1038 = arith.addi %scan3A_215, %add3A_1037 : i32
        %select_n3A_1039 = arith.select %or3A_1036, %add3A_1038, %scan3A_215 : i32
        %ne3A_1040 = arith.cmpi ne, %add3A_226, %add3A_262 : i32
        %or3A_1041 = arith.constant false
        %or3A_1042 = arith.ori %or3A_1041, %ne3A_1040 : i1
        %or3A_1043 = arith.constant false
        %or3A_1044 = arith.ori %or3A_1042, %or3A_1043 : i1
        %or3A_1045 = arith.ori %or3A_1044, %eq3A_225 : i1
        %add3A_1046 = arith.constant 1 : i32
        %add3A_1047 = arith.addi %scan3A_217, %add3A_1046 : i32
        %select_n3A_1048 = arith.select %or3A_1045, %add3A_1047, %scan3A_217 : i32
        %add3A_1049 = arith.constant 1 : i32
        %add3A_1050 = arith.addi %scan3A_221, %add3A_1049 : i32
        %select_n3A_1051 = arith.constant true
        %select_n3A_1052 = arith.select %select_n3A_1051, %add3A_1050, %scan3A_221 : i32
        %eq3A_1053 = arith.constant 2 : i32
        %eq3A_1054 = arith.cmpi eq, %select_n3A_1052, %eq3A_1053 : i32
        %select_n3A_1055 = arith.constant 0 : i32
        %select_n3A_1056 = arith.select %eq3A_1054, %select_n3A_1055, %select_n3A_1052 : i32
        %add3A_1057 = arith.constant 1 : i32
        %add3A_1058 = arith.addi %scan3A_220, %add3A_1057 : i32
        %select_n3A_1059 = arith.select %eq3A_1054, %add3A_1058, %scan3A_220 : i32
        %eq3A_1060 = arith.constant 50 : i32
        %eq3A_1061 = arith.cmpi eq, %select_n3A_1059, %eq3A_1060 : i32
        %select_n3A_1062 = arith.constant 0 : i32
        %select_n3A_1063 = arith.select %eq3A_1061, %select_n3A_1062, %select_n3A_1059 : i32
        scf.yield %select_n3A_293, %select_n3A_1039, %select_n3A_311, %select_n3A_1048, %select_n3A_988, %select_n3A_1030, %select_n3A_1063, %select_n3A_1056 : i32, i32, i32, i32, i32, i32, i32, i32
      }
      %scan3A_124 = arith.constant 100 : i32
      %sub3A = arith.constant 1 : i32
      %sub3A_125 = arith.subi %scan3A_123#7, %sub3A : i32
      %select_n3A_126 = arith.constant true
      %select_n3A_127 = arith.select %select_n3A_126, %sub3A_125, %scan3A_123#7 : i32
      %eq3A_128 = arith.constant -1 : i32
      %eq3A_129 = arith.cmpi eq, %select_n3A_127, %eq3A_128 : i32
      %select_n3A_130 = arith.constant 1 : i32
      %select_n3A_131 = arith.select %eq3A_129, %select_n3A_130, %select_n3A_127 : i32
      %sub3A_132 = arith.constant 1 : i32
      %sub3A_133 = arith.subi %scan3A_123#6, %sub3A_132 : i32
      %select_n3A_134 = arith.select %eq3A_129, %sub3A_133, %scan3A_123#6 : i32
      %eq3A_135 = arith.constant -1 : i32
      %eq3A_136 = arith.cmpi eq, %select_n3A_134, %eq3A_135 : i32
      %select_n3A_137 = arith.constant 49 : i32
      %select_n3A_138 = arith.select %eq3A_136, %select_n3A_137, %select_n3A_134 : i32
      %add3A_139 = arith.addi %select_n3A_138, %mul3A_6 : i32
      %add3A_140 = arith.constant 0 : i32
      %add3A_141 = arith.addi %select_n3A_131, %add3A_140 : i32
      %sub3A_142 = arith.constant 1 : i32
      %sub3A_143 = arith.subi %select_n3A_131, %sub3A_142 : i32
      %select_n3A_144 = arith.constant true
      %select_n3A_145 = arith.select %select_n3A_144, %sub3A_143, %select_n3A_131 : i32
      %eq3A_146 = arith.constant -1 : i32
      %eq3A_147 = arith.cmpi eq, %select_n3A_145, %eq3A_146 : i32
      %select_n3A_148 = arith.constant 1 : i32
      %select_n3A_149 = arith.select %eq3A_147, %select_n3A_148, %select_n3A_145 : i32
      %sub3A_150 = arith.constant 1 : i32
      %sub3A_151 = arith.subi %select_n3A_138, %sub3A_150 : i32
      %select_n3A_152 = arith.select %eq3A_147, %sub3A_151, %select_n3A_138 : i32
      %eq3A_153 = arith.constant -1 : i32
      %eq3A_154 = arith.cmpi eq, %select_n3A_152, %eq3A_153 : i32
      %select_n3A_155 = arith.constant 49 : i32
      %select_n3A_156 = arith.select %eq3A_154, %select_n3A_155, %select_n3A_152 : i32
      %add3A_157 = arith.addi %select_n3A_156, %mul3A_6 : i32
      %add3A_158 = arith.constant 0 : i32
      %add3A_159 = arith.addi %select_n3A_149, %add3A_158 : i32
      %add3A_160 = arith.constant 1 : i32
      %add3A_161 = arith.addi %select_n3A_131, %add3A_160 : i32
      %select_n3A_162 = arith.constant true
      %select_n3A_163 = arith.select %select_n3A_162, %add3A_161, %select_n3A_131 : i32
      %eq3A_164 = arith.constant 2 : i32
      %eq3A_165 = arith.cmpi eq, %select_n3A_163, %eq3A_164 : i32
      %select_n3A_166 = arith.constant 0 : i32
      %select_n3A_167 = arith.select %eq3A_165, %select_n3A_166, %select_n3A_163 : i32
      %add3A_168 = arith.constant 1 : i32
      %add3A_169 = arith.addi %select_n3A_138, %add3A_168 : i32
      %select_n3A_170 = arith.select %eq3A_165, %add3A_169, %select_n3A_138 : i32
      %eq3A_171 = arith.constant 50 : i32
      %eq3A_172 = arith.cmpi eq, %select_n3A_170, %eq3A_171 : i32
      %select_n3A_173 = arith.constant 0 : i32
      %select_n3A_174 = arith.select %eq3A_172, %select_n3A_173, %select_n3A_170 : i32
      %add3A_175 = arith.addi %select_n3A_174, %mul3A_6 : i32
      %add3A_176 = arith.constant 0 : i32
      %add3A_177 = arith.addi %select_n3A_167, %add3A_176 : i32
      %add3A_178 = arith.constant 1 : i32
      %add3A_179 = arith.addi %select_n3A_167, %add3A_178 : i32
      %select_n3A_180 = arith.constant true
      %select_n3A_181 = arith.select %select_n3A_180, %add3A_179, %select_n3A_167 : i32
      %eq3A_182 = arith.constant 2 : i32
      %eq3A_183 = arith.cmpi eq, %select_n3A_181, %eq3A_182 : i32
      %select_n3A_184 = arith.constant 0 : i32
      %select_n3A_185 = arith.select %eq3A_183, %select_n3A_184, %select_n3A_181 : i32
      %add3A_186 = arith.constant 1 : i32
      %add3A_187 = arith.addi %select_n3A_174, %add3A_186 : i32
      %select_n3A_188 = arith.select %eq3A_183, %add3A_187, %select_n3A_174 : i32
      %eq3A_189 = arith.constant 50 : i32
      %eq3A_190 = arith.cmpi eq, %select_n3A_188, %eq3A_189 : i32
      %select_n3A_191 = arith.constant 0 : i32
      %select_n3A_192 = arith.select %eq3A_190, %select_n3A_191, %select_n3A_188 : i32
      %add3A_193 = arith.addi %select_n3A_192, %mul3A_6 : i32
      %add3A_194 = arith.constant 0 : i32
      %add3A_195 = arith.addi %select_n3A_185, %add3A_194 : i32
      "tpu.trace_start"() <{level = 10 : i32, message = "ep_finalize"}> : () -> ()
      %rem3A_196 = arith.constant 2 : i32
      %rem3A_197 = arith.remui %scan3A_123#5, %rem3A_196 : i32
      %mul3A_198 = arith.constant 8 : i32
      %mul3A_199 = arith.muli %mul3A_198, %add3A_139 : i32
      %mul3A_200 = arith.constant 2048 : i32
      %mul3A_201 = arith.muli %mul3A_200, %add3A_141 : i32
      %dma_wait3A = arith.constant 0 : i32
      %dma_wait3A_202 = arith.constant 0 : i32
      %dma_wait3A_203 = tpu.memref_slice %run_scoped3A_10[%rem3A_197, %dma_wait3A, %dma_wait3A_202] : memref<2x8x2048xf32, #tpu.memory_space<vmem>> -> memref<1x8x2048xf32, #tpu.memory_space<vmem>>
      %dma_wait3A_204 = tpu.memref_squeeze %dma_wait3A_203 : memref<1x8x2048xf32, #tpu.memory_space<vmem>> -> memref<8x2048xf32, #tpu.memory_space<vmem>>
      %dma_wait3A_205 = tpu.memref_slice %arg4[%mul3A_199, %mul3A_201] : memref<12800x4096xf32, #tpu.memory_space<hbm>> -> memref<8x2048xf32, #tpu.memory_space<hbm>>
      %dma_wait3A_206 = tpu.memref_slice %run_scoped3A_11[%rem3A_197] : memref<2x!tpu.dma_semaphore, #tpu.memory_space<semaphore_mem>> -> memref<1x!tpu.dma_semaphore, #tpu.memory_space<semaphore_mem>>
      %dma_wait3A_207 = tpu.memref_squeeze %dma_wait3A_206 : memref<1x!tpu.dma_semaphore, #tpu.memory_space<semaphore_mem>> -> memref<!tpu.dma_semaphore, #tpu.memory_space<semaphore_mem>>
      %dma_wait3A_208 = tpu.memref_slice %arg4[%mul3A_199, %mul3A_201] : memref<12800x4096xf32, #tpu.memory_space<hbm>> -> memref<8x2048xf32, #tpu.memory_space<hbm>>
      %dma_wait3A_209 = arith.constant 0 : i32
      %dma_wait3A_210 = arith.constant 0 : i32
      %dma_wait3A_211 = tpu.memref_slice %run_scoped3A_10[%rem3A_197, %dma_wait3A_209, %dma_wait3A_210] : memref<2x8x2048xf32, #tpu.memory_space<vmem>> -> memref<1x8x2048xf32, #tpu.memory_space<vmem>>
      %dma_wait3A_212 = tpu.memref_squeeze %dma_wait3A_211 : memref<1x8x2048xf32, #tpu.memory_space<vmem>> -> memref<8x2048xf32, #tpu.memory_space<vmem>>
      tpu.wait_dma2 semaphore(%dma_wait3A_207 : memref<!tpu.dma_semaphore, #tpu.memory_space<semaphore_mem>>) src(%dma_wait3A_212 : memref<8x2048xf32, #tpu.memory_space<vmem>>) dst(%dma_wait3A_208 : memref<8x2048xf32, #tpu.memory_space<hbm>>)
      "tpu.trace_stop"() : () -> ()
      tpu.yield
    }) : () -> ()
    return
  }
}

</mosaic_0001>

<sc_bundles>
// kernel: kernel.3.cloned.1.call-start
scs
__scs_entry_jumppad:
0x0: {  	(pc) =	sbr.rel $0x88, $3  }
0x1: {  	(tag) =	ssettag $0x0;
	lr =	simm.s32 $0x1  }
0x2: {  	[smem:$0x3F9F] =	sst lr;
	_ =	strace $0xD0000000  }
0x3: {  	_ = 	snop  }
0x4: {  	_ = 	snop  }
0x5: {  	_ = 	snop  }
0x6: {  	_ = 	snop  }
0x7: {  	_ = 	snop  }
__scs_overlays_trampoline_lowered:
0x8: {  	[smem:$0x3FAE] =	sst s0  }
0x9: {  	[smem:$0x3FAF] =	sst s1  }
0xa: {  	[smem:$0x3FB0] =	sst s2  }
0xb: {  	[smem:$0x3FB1] =	sst s3  }
0xc: {  	[smem:$0x3FB2] =	sst s4  }
0xd: {  	[smem:$0x3FB3] =	sst s5  }
0xe: {  	[smem:$0x3FB4] =	sst s6  }
0xf: {  	[smem:$0x3FB5] =	sst s7  }
0x10: {  	[smem:$0x3FB6] =	sst s8  }
0x11: {  	[smem:$0x3FB7] =	sst s9;
	s0 =	simm.s32 @!p0 $0x0  }
0x12: {  	s1 =	sld [smem:$0x3F9D];
	s0 =	simm.s32 @p0 $0x1  }
0x13: {  	[smem:$0x3FB8] =	sst s0;
	s0 =	simm.s32 @!p1 $0x0  }
0x14: {  	s2 =	sld [smem:$0x3F9C];
	s0 =	simm.s32 @p1 $0x1  }
0x15: {  	[smem:$0x3FB9] =	sst s0;
	s0 =	simm.s32 @!p2 $0x0  }
0x16: {  	s3 =	sld [smem:$0x3FDB];
	s0 =	simm.s32 @p2 $0x1  }
0x17: {  	s4 =	simm.s32 $0x1BF5;
	[smem:$0x3FBB] =	sst s0  }
0x18: {  	s0 =	sld [smem:$0x3F9E];
	_ =	swait.ge [sflag:s4], $0x0  }
0x19: {  	s7 =	sld [smem:$0x3F9F]  }
0x1a: {  	s8 =	sadd.s32 $0xFFFFE003, lr  }
0x1b: {  	s9 =	sadd.s32 $0xFFFFFEF7, lr;
	s5 =	simm.s32 $0xFFFFFFFF;
	p2 =	slt.u32 s8, $0xFFFFF086  }
0x1c: {  	p1 =	slt.u32 s9, $0xF7A;
	s5 =	simm.s32 @!p2 $0x0  }
0x1d: {  	s5 =	simm.s32 @p1 $0x1;
	p0 =	seq.s32 s7, s2  }
0x1e: {  	s7 =	smul.u32 @!p0 $0xF7A, s2;
	p2 =	seq.s32 @!p0 s5, $0x0  }
0x1f: {  	s9 =	smul.u32 $0xF7A, s1;
	s8 =	simm.s32 @!p0 $0x1BF5;
	p2 =	por !p2, p0  }
0x20: {  	[sflag:s8] =	ssyncset.s32 @!p0 $0xFFFFF086;
	s6 =	sadd.s32 @!p0 s3, s7;
	s7 =	simm.s32 @!p0 $0x108  }
0x21: {  	s3 =	sadd.s32 s3, s9;
	s6 =	sadd.s32 @!p0 $0x88, s6;
	s7 =	simm.s32 @p2 $0x1082  }
0x22: {  	[simem:s7], [sflag:s8] =	dma.local @!p0 [hbm:s6], $0xF7A  }
0x23: {  	s9 =	sor.u32 $0xD0000000, s2;
	s6 =	simm.s32 $0x108;
	_ =	swait.ge @!p0 [sflag:s8], $0x0  }
0x24: {  	s3 =	sadd.s32 $0x88, s3;
	s6 =	simm.s32 @!p1 $0x1082;
	[sflag:s4] =	ssyncset.s32 $0xFFFFF086  }
0x25: {  	[simem:s6], [sflag:s4] =	dma.local [hbm:s3], $0xF7A  }
0x26: {  	[smem:$0x3F9F] =	sst s1;
	(tag) =	ssettag s2;
	_ =	strace s9  }
0x27: {  	s1 =	sld [smem:$0x3FAF]  }
0x28: {  	s2 =	sld [smem:$0x3FB0]  }
0x29: {  	s4 =	sld [smem:$0x3FB2]  }
0x2a: {  	p0 =	seq.s32 s5, $0x0;
	s5 =	sld [smem:$0x3FB3]  }
0x2b: {  	s6 =	sld [smem:$0x3FB4]  }
0x2c: {  	s7 =	sld [smem:$0x3FB5]  }
0x2d: {  	s3 =	simm.s32 $0x108;
	s8 =	sld [smem:$0x3FB6]  }
0x2e: {  	s3 =	simm.s32 @!p0 $0x1082;
	s9 =	sld [smem:$0x3FB7]  }
0x2f: {  	lr =	sadd.s32 s0, s3;
	s0 =	sld [smem:$0x3FAE]  }
0x30: {  	s3 =	sld [smem:$0x3FB1]  }
0x31: {  	[smem:$0x3FBA] =	sst s10  }
0x32: {  	s10 =	sld [smem:$0x3FB8];
	_ =	sdelay $0x3  }
0x33: {  	p0 =	seq.s32 s10, $0x1;
	s10 =	sld [smem:$0x3FBA];
	_ =	sdelay $0x3  }
0x34: {  	[smem:$0x3FBA] =	sst s10  }
0x35: {  	s10 =	sld [smem:$0x3FB9];
	_ =	sdelay $0x3  }
0x36: {  	p1 =	seq.s32 s10, $0x1;
	s10 =	sld [smem:$0x3FBA];
	_ =	sdelay $0x3  }
0x37: {  	[smem:$0x3FBA] =	sst s10  }
0x38: {  	s10 =	sld [smem:$0x3FBB]  }
0x39: {  	_ = 	snop;
	(pc) =	sbr.ind lr, $3  }
0x3a: {  	_ = 	snop  }
0x3b: {  	_ = 	snop  }
0x3c: {  	p2 =	seq.s32 s10, $0x1;
	s10 =	sld [smem:$0x3FBA]  }
0x3d: {  	_ =	shalt  }
0x3e: {  	_ =	shalt  }
0x3f: {  	_ =	shalt  }
0x40: {  	_ =	shalt  }
0x41: {  	_ =	shalt  }
0x42: {  	_ =	shalt  }
0x43: {  	_ =	shalt  }
0x44: {  	_ =	shalt  }
0x45: {  	_ =	shalt  }
0x46: {  	_ =	shalt  }
0x47: {  	_ =	shalt  }
0x48: {  	_ =	shalt  }
0x49: {  	_ =	shalt  }
0x4a: {  	_ =	shalt  }
0x4b: {  	_ =	shalt  }
0x4c: {  	_ =	shalt  }
0x4d: {  	_ =	shalt  }
0x4e: {  	_ =	shalt  }
0x4f: {  	_ =	shalt  }
0x50: {  	_ =	shalt  }
0x51: {  	_ =	shalt  }
0x52: {  	_ =	shalt  }
0x53: {  	_ =	shalt  }
0x54: {  	_ =	shalt  }
0x55: {  	_ =	shalt  }
0x56: {  	_ =	shalt  }
0x57: {  	_ =	shalt  }
0x58: {  	_ =	shalt  }
0x59: {  	_ =	shalt  }
0x5a: {  	_ =	shalt  }
0x5b: {  	_ =	shalt  }
0x5c: {  	_ =	shalt  }
0x5d: {  	_ =	shalt  }
0x5e: {  	_ =	shalt  }
0x5f: {  	_ =	shalt  }
0x60: {  	_ =	shalt  }
0x61: {  	_ =	shalt  }
0x62: {  	_ =	shalt  }
0x63: {  	_ =	shalt  }
0x64: {  	_ =	shalt  }
0x65: {  	_ =	shalt  }
0x66: {  	_ =	shalt  }
0x67: {  	_ =	shalt  }
0x68: {  	_ =	shalt  }
0x69: {  	_ =	shalt  }
0x6a: {  	_ =	shalt  }
0x6b: {  	_ =	shalt  }
0x6c: {  	_ =	shalt  }
0x6d: {  	_ =	shalt  }
0x6e: {  	_ =	shalt  }
0x6f: {  	_ =	shalt  }
0x70: {  	_ =	shalt  }
0x71: {  	_ =	shalt  }
0x72: {  	_ =	shalt  }
0x73: {  	_ =	shalt  }
0x74: {  	_ =	shalt  }
0x75: {  	_ =	shalt  }
0x76: {  	_ =	shalt  }
0x77: {  	_ =	shalt  }
0x78: {  	_ =	shalt  }
0x79: {  	_ =	shalt  }
0x7a: {  	_ =	shalt  }
0x7b: {  	_ =	shalt  }
0x7c: {  	_ =	shalt  }
0x7d: {  	_ =	shalt  }
0x7e: {  	_ =	shalt  }
0x7f: {  	_ =	shalt  }
0x80: {  	_ =	shalt  }
0x81: {  	_ =	shalt  }
0x82: {  	_ =	shalt  }
0x83: {  	_ =	shalt  }
0x84: {  	_ =	shalt  }
0x85: {  	_ =	shalt  }
0x86: {  	_ =	shalt  }
0x87: {  	_ =	shalt  }
.Lfunc_end0:
.L_simem_size_0:
called_computation_lowered:
.L_overlay_start_0:
0x88: {  	s2 =	sld [smem:$0x3FD9]  }
0x89: {  	s3 =	sld [smem:$0x3FFE];
	_ =	sdelay $0x1  }
0x8a: {  	s1 =	srdreg.scid  }
0x8b: {  	s0 =	sand.u32 $0x1, s1  }
0x8c: {  	s17 =	sshll.u32 s0, $0xA;
	s2 =	sadd.s32 s3, s2  }
0x8d: {  	s2 =	sadd.s32 s2, s17  }
0x8e: {  	[smem:$0x3FC6] =	sst s2  }
0x8f: {  	_ = 	snop  }
0x90: {  	s2 =	sld [smem:$0x3FC9]  }
0x91: {  	s18 =	sld [smem:$0x3FD0];
	(tm) =	ssettm $0x1  }
0x92: {  	s4 =	sld [smem:$0x3FFB];
	_ =	sdelay $0x3  }
0x93: {  	_ =	strace s4  }
0x94: {  	s4 =	sld [smem:$0x3FFC];
	_ =	sdelay $0x3  }
0x95: {  	_ =	strace s4  }
0x96: {  	s4 =	sld [smem:$0x3FFD];
	_ =	sdelay $0x3  }
0x97: {  	_ =	strace s4  }
0x98: {  	_ =	strace $0x8FFFFFFF  }
0x99: {  	s19 =	sld [smem:$0x3FDB];
	_ =	sdelay $0x1  }
0x9a: {  	s5 =	simm.s32 $_scs_section_size  }
0x9b: {  	s6 =	simm.s32 $_size__tile_overlayer_lowered;
	s7 =	simm.s32 $_tile_overlayer_lowered  }
0x9c: {  	s22 =	simm.s32 $0x1BFF;
	s21 =	sshll.u32 s7, $0x1;
	s4 =	sadd.s32 s5, s19  }
0x9d: {  	s8 =	simm.s32 $0x0;
	s20 =	sshll.u32 s6, $0x1;
	s6 =	sadd.s32 s21, s4  }
0x9e: {  	[timem:s8], [sflag:s22] =	dma.local [hbm:s6], s20  }
0x9f: {  	_ =	swait.ge [sflag:s22], s20  }
0xa0: {  	s5 =	ssub.s32 $0x0, s20;
	[sflag:s22] =	ssyncset.done $0x0  }
0xa1: {  	[sflag:s22] =	ssyncadd.s32 s5;
	_ =	sdelay $0x1  }
0xa2: {  	s23 =	simm.s32 $0x1B8B  }
0xa3: {  	_ =	swait.ge [sflag:s23], $0x1  }
0xa4: {  	[sflag:s23] =	ssyncset.done $0x0  }
0xa5: {  	s25 =	simm.s32 $0x1B8E;
	s24 =	sld [smem:$0x3FFE];
	[sflag:s23] =	ssyncadd.s32 $0xFFFFFFFF  }
0xa6: {  	s26 =	simm.s32 $execute0_lowered;
	[smem:$0x3FD2] =	sst s25  }
0xa7: {  	s6 =	sshll.u32 s26, $0x1;
	_ =	strace $0x80000046;
	[dreg:$0x1] =	wrdreg $0xFFFFFFFF  }
0xa8: {  	s28 =	simm.s32 $_size_execute0_lowered;
	s4 =	sadd.s32 s4, s6;
	[dreg:$0x0] =	wrdreg $0x0  }
0xa9: {  	s6 =	sshll.u32 s28, $0x1;
	[dreg:$0x2] =	wrdreg s4  }
0xaa: {  	[dreg:$0x3] =	wrdreg s6  }
0xab: {  	[dreg:$0x4] =	wrdreg $0xC0  }
0xac: {  	_ =	task [dreg:s8], $0x5FFFF  }
0xad: {  	[dreg:$0x1] =	wrdreg $0xFFFFFFFF  }
0xae: {  	[dreg:$0x0] =	wrdreg $0x60  }
0xaf: {  	[dreg:$0x2] =	wrdreg s2  }
0xb0: {  	[dreg:$0x3] =	wrdreg s24  }
0xb1: {  	[dreg:$0x4] =	wrdreg s18  }
0xb2: {  	[dreg:$0x5] =	wrdreg $0x9  }
0xb3: {  	_ =	task.clear_ibuf [dreg:s8], $0x6FFFF;
	_ =	strace $0x90000046  }
0xb4: {  	s29 =	simm.s32 $0x9;
	_ =	strace $0x80000051  }
0xb5: {  	_ =	swait.ge [sflag:s29], $0x1  }
0xb6: {  	[sflag:s29] =	ssyncadd.s32 $0xFFFFFFFF  }
0xb7: {  	_ =	strace $0x90000051  }
0xb8: {  	_ =	sfence  }
0xb9: {  	s30 =	sld [smem:$0x0];
	_ =	sdelay $0x2  }
0xba: {  	s31 =	sshll.u32 s1, $0xD;
	s1 =	sshrl.u32 s1, $0x2  }
0xbb: {  	s3 =	sand.u32 $0x4000, s31;
	s1 =	sadd.s32 s1, s30  }
0xbc: {  	s0 =	sor.u32 s3, s0;
	s1 =	sshll.u32 s1, $0x11  }
0xbd: {  	s0 =	sor.u32 s1, s0  }
0xbe: {  	s0 =	sadd.s32 $0x8F2B, s0  }
0xbf: {  	[sflag:s0] =	ssyncadd.remote.s32 $0x1  }
0xc0: {  	_ =	sfence.sel $0xFFFF  }
0xc1: {  	[dreg:$0x0] =	wrdreg $0xFFFFFFFF;
	(pc) =	sbr.abs _section_cstart, $3  }
0xc2: {  	[dreg:$0x1] =	wrdreg $0xFFFFFFFF  }
0xc3: {  	_ =	task.clear_ibuf [dreg:s8], $0x2FFFF;
	_ =	strace $0x9FFFFFFF  }
0xc4: {  	(tm) =	ssettm $0x7FFFFFFF  }
0xc5: {  	_ =	shalt  }
tec
execute0_lowered:
.L_overlay_start_1:
0x0: {  	(tag) =	ssettag $0x1  }
0x1: {  	s0 =	rddreg [dreg:$0x0]  }
0x2: {  	s1 =	srdreg.scid;
	s2 =	rddreg [dreg:$0x1]  }
0x3: {  	s3 =	rddreg [dreg:$0x2];
	s1 =	sand.u32 $0x1, s1  }
0x4: {  	s5 =	stileid.u32;
	s4 =	sshll.u32 s1, $0x4;
	s1 =	ssub.s32 $0x2, s1  }
0x5: {  	s6 =	simm.s32 $0x0;
	s4 =	sor.u32 s5, s4;
	s29 =	sshrl.u32 s1, $0x1  }
0x6: {  	[smem:$0x7FF] =	sst s6;
	s7 =	smul.u32 $0x32000, s4;
	s1 =	ssub.s32 s1, s29  }
0x7: {  	_ =	strace $0x80000047;
	s8 =	smul.u32 $0x1900, s4;
	s1 =	smax.u32 s1, $0x1  }
0x8: {  	s5 =	sadd.s32 $0x400, s2;
	s30 =	sadd.s32 s0, s7;
	[dreg:$0x6] =	wrdreg s1  }
0x9: {  	s31 =	sadd.s32 s5, s8;
	[dreg:$0x4] =	wrdreg s30  }
0xa: {  	s2 =	simm.s32 $0x0;
	s6 =	smul.u32 $0x32, s4;
	[dreg:$0x5] =	wrdreg s31  }
.LBB2_1:
0xb: {  	[dreg:$0x7] =	wrdreg s2  }
0xc: {  	s1 =	simm.s32 $0x0;
	s4 =	simm.s32 $0x8000;
	s22 =	simm.s32 $0x0  }
0xd: {  	s24 =	simm.s32 $0x0;
	s13 =	simm.s32 $0x0;
	_ =	strace $0x80000048  }
0xe: {  	s14 =	simm.s32 $0x0;
	s15 =	simm.s32 $0x0;
	s30 =	rddreg [dreg:$0x4]  }
0xf: {  	[tilespmem:s1], [sflag:$0x1] =	stream.linear.gather [hbm4b:s30+s1], $0x4000, $0x200038;
	[tilespmem:$0x10800] =	vst v63  }
0x10: {  	s16 =	simm.s32 $0x1;
	s17 =	simm.s32 $0x0;
	s31 =	rddreg [dreg:$0x5]  }
0x11: {  	[tilespmem:s4], [sflag:$0x3] =	stream.linear.gather [hbm4b:s31+s1], $0x400, $0x200038;
	[tilespmem:$0x10800] =	vst v63  }
0x12: {  	s18 =	simm.s32 $0x1;
	s19 =	simm.s32 $0x0;
	_ =	strace $0x90000048  }
.LBB2_2:
0x13: {  	s20 =	sadd.s32 $0x1, s22  }
0x14: {  	s1 =	simm.s32 $0x1;
	p0 =	seq.s32 s20, $0x2  }
0x15: {  	s1 =	simm.s32 @!p0 $0x0  }
0x16: {  	s21 =	sadd.s32 s1, s24  }
0x17: {  	p1 =	seq.s32 s21, $0x32  }
0x18: {  	s20 =	simm.s32 @p0 $0x0;
	s21 =	simm.s32 @p1 $0x0  }
0x19: {  	p6 =	sne.s32 s22, s20;
	p0 =	sne.s32 s24, s21  }
0x1a: {  	p2 =	sne.s32 s19, $0x63;
	p1 =	por p6, p0  }
0x1b: {  	s1 =	sadd.s32 s6, s21;
	p3 =	por !p2, !p1;
	p2 =	por !p2, !p0  }
0x1c: {  	p3 =	por !p3, !p3;
	p4 =	por !p2, !p2;
	p2 =	seq.s32 s22, $0x0  }
0x1d: {  	s2 =	sshll.u32 @p3 s1, $0xF;
	s4 =	sshll.u32 @p3 s20, $0xE;
	_ =	strace @p3 $0x80000049  }
0x1e: {  	s8 =	simm.s32 @p3 $0x0;
	s1 =	sshll.u32 @p4 s1, $0x7;
	s2 =	sadd.s32 @p3 s4, s2  }
0x1f: {  	s4 =	sand.u32 @p3 $0x1, s18;
	s1 =	sand.u32 @p4 $0x1FFFFF80, s1;
	s2 =	sshrl.u32 @p3 s2, $0x3  }
0x20: {  	s7 =	sshll.u32 @p3 s4, $0xE;
	s4 =	sadd.s32 @p3 $0x1, s4;
	s2 =	sadd.s32 @p3 s0, s2  }
0x21: {  	[tilespmem:s7], [sflag:s4] =	stream.linear.gather @p3 [hbm4b:s2+s8], $0x4000, $0x200038;
	[tilespmem:$0x10800] =	vst v63  }
0x22: {  	s1 =	sadd.s32 @p4 s5, s1;
	s2 =	sand.u32 @p4 $0x1, s16;
	s7 =	simm.s32 $0x1  }
0x23: {  	s8 =	simm.s32 @p4 $0x0;
	_ =	strace @p3 $0x90000049;
	s4 =	sshll.u32 @p4 s2, $0xA  }
0x24: {  	s2 =	sadd.s32 @p4 $0x3, s2;
	_ =	strace @p4 $0x8000004A;
	s4 =	sor.u32 @p4 $0x8000, s4  }
0x25: {  	[tilespmem:s4], [sflag:s2] =	stream.linear.gather @p4 [hbm4b:s1+s8], $0x400, $0x200038;
	[tilespmem:$0x10800] =	vst v63  }
0x26: {  	s7 =	simm.s32 @!p2 $0x0;
	s8 =	sand.u32 $0x1, s17;
	_ =	strace @p4 $0x9000004A  }
0x27: {  	s9 =	ssub.s32 s24, s7;
	s10 =	sadd.s32 $0x1, s8;
	_ =	strace $0x8000004B  }
0x28: {  	p6 =	sne.s32 s24, $0x31;
	p5 =	seq.s32 s9, $0xFFFFFFFF;
	_ =	swait.ge [sflag:s10], $0x4000  }
0x29: {  	p6 =	por @!p5 p2, p2;
	p2 =	seq.s32 s19, $0x0;
	[sflag:s10] =	ssyncset.done $0x0  }
0x2a: {  	p5 =	por p2, p6;
	[sflag:s10] =	ssyncadd.s32 $0xFFFFC000  }
0x2b: {  	s2 =	sand.u32 @p5 $0x1, s15;
	_ =	strace $0x9000004B  }
0x2c: {  	s2 =	sadd.s32 @p5 $0x3, s2;
	_ =	strace @p5 $0x8000004C  }
0x2d: {  	_ =	swait.ge @p5 [sflag:s2], $0x400  }
0x2e: {  	[sflag:s2] =	ssyncset.done @p5 $0x0  }
0x2f: {  	[sflag:s2] =	ssyncadd.s32 @p5 $0xFFFFFC00  }
0x30: {  	s11 =	sshll.u32 s15, $0xA;
	_ =	strace @p5 $0x9000004C  }
0x31: {  	s26 =	sand.u32 $0x400, s11;
	s1 =	sshll.u32 s8, $0x10;
	_ =	strace $0x8000004D  }
0x32: {  	s28 =	sshrl.u32 s1, $0x2;
	v6 =	vld [tilespmem:s26+$0x8000]  }
0x33: {  	s12 =	sor.u32 $0x400, s28;
	v7 =	vld [tilespmem:s26+$0x8010]  }
0x34: {  	v0 =	vld [tilespmem:s12+$0x0]  }
0x35: {  	v5 =	vld [tilespmem:s26+$0x8020]  }
0x36: {  	v4 =	vld [tilespmem:s26+$0x8030]  }
0x37: {  	s23 =	sand.u32 $0x1, s14;
	v3 =	vld [tilespmem:s26+$0x8040]  }
0x38: {  	s25 =	sshll.u32 s23, $0x10;
	v8 =	vld [tilespmem:s12+$0xFFFFFC00]  }
0x39: {  	s29 =	sshrl.u32 s25, $0x2;
	v2 =	vld [tilespmem:s26+$0x8050];
	v9 =	vadd.f32 v0, v6  }
0x3a: {  	s30 =	sor.u32 $0x8C00, s29;
	v1 =	vld [tilespmem:s26+$0x8060]  }
0x3b: {  	v0 =	vld [tilespmem:s26+$0x8070];
	[tilespmem:s30+$0x0] =	vst v9  }
0x3c: {  	v9 =	vld [tilespmem:s12+$0x10]  }
0x3d: {  	v8 =	vadd.f32 v8, v6;
	_ =	sdelay $0x1  }
0x3e: {  	[tilespmem:s30+$0xFFFFFC00] =	vst v8  }
0x3f: {  	v8 =	vld [tilespmem:s12+$0xFFFFFC10]  }
0x40: {  	v9 =	vadd.f32 v9, v7  }
0x41: {  	s1 =	sadd.s32 $0x800, s12  }
0x42: {  	[tilespmem:s30+$0x10] =	vst v9;
	v9 =	vld [tilespmem:s1+$0x0]  }
0x43: {  	v10 =	vld [tilespmem:s12+$0x20]  }
0x44: {  	v8 =	vadd.f32 v8, v7;
	_ =	sdelay $0x1  }
0x45: {  	[tilespmem:s30+$0xFFFFFC10] =	vst v8;
	v8 =	vld [tilespmem:s1+$0xFFFFFC00]  }
0x46: {  	v11 =	vld [tilespmem:s12+$0xFFFFFC20];
	v9 =	vadd.f32 v9, v6  }
0x47: {  	s31 =	sadd.s32 $0x800, s30;
	v10 =	vadd.f32 v10, v5  }
0x48: {  	[tilespmem:s31+$0x0] =	vst v9  }
0x49: {  	v9 =	vld [tilespmem:s1+$0x10];
	[tilespmem:s30+$0x20] =	vst v10  }
0x4a: {  	v8 =	vadd.f32 v8, v6;
	v10 =	vld [tilespmem:s12+$0x30]  }
0x4b: {  	v11 =	vadd.f32 v11, v5  }
0x4c: {  	[tilespmem:s31+$0xFFFFFC00] =	vst v8  }
0x4d: {  	v8 =	vld [tilespmem:s1+$0xFFFFFC10];
	[tilespmem:s30+$0xFFFFFC20] =	vst v11  }
0x4e: {  	v11 =	vld [tilespmem:s12+$0xFFFFFC30];
	v9 =	vadd.f32 v9, v7  }
0x4f: {  	s2 =	sadd.s32 $0x800, s1;
	v10 =	vadd.f32 v10, v4  }
0x50: {  	[tilespmem:s31+$0x10] =	vst v9;
	v9 =	vld [tilespmem:s2+$0x0]  }
0x51: {  	[tilespmem:s30+$0x30] =	vst v10;
	v10 =	vld [tilespmem:s1+$0x20]  }
0x52: {  	v8 =	vadd.f32 v8, v7;
	v12 =	vld [tilespmem:s12+$0x40]  }
0x53: {  	v11 =	vadd.f32 v11, v4  }
0x54: {  	[tilespmem:s31+$0xFFFFFC10] =	vst v8;
	v8 =	vld [tilespmem:s2+$0xFFFFFC00]  }
0x55: {  	[tilespmem:s30+$0xFFFFFC30] =	vst v11;
	v11 =	vld [tilespmem:s1+$0xFFFFFC20];
	v9 =	vadd.f32 v9, v6  }
0x56: {  	s10 =	sadd.s32 $0x800, s31;
	v13 =	vld [tilespmem:s12+$0xFFFFFC40];
	v10 =	vadd.f32 v10, v5  }
0x57: {  	[tilespmem:s10+$0x0] =	vst v9;
	v9 =	vadd.f32 v12, v3  }
0x58: {  	v12 =	vld [tilespmem:s2+$0x10];
	[tilespmem:s31+$0x20] =	vst v10  }
0x59: {  	v8 =	vadd.f32 v8, v6;
	v10 =	vld [tilespmem:s1+$0x30];
	[tilespmem:s30+$0x40] =	vst v9  }
0x5a: {  	v9 =	vadd.f32 v11, v5;
	v11 =	vld [tilespmem:s12+$0x50]  }
0x5b: {  	[tilespmem:s10+$0xFFFFFC00] =	vst v8;
	v8 =	vadd.f32 v13, v3  }
0x5c: {  	v13 =	vld [tilespmem:s2+$0xFFFFFC10];
	[tilespmem:s31+$0xFFFFFC20] =	vst v9  }
0x5d: {  	[tilespmem:s30+$0xFFFFFC40] =	vst v8;
	v9 =	vadd.f32 v12, v7;
	v12 =	vld [tilespmem:s1+$0xFFFFFC30]  }
0x5e: {  	s4 =	sadd.s32 $0x800, s2;
	v8 =	vadd.f32 v10, v4;
	v10 =	vld [tilespmem:s12+$0xFFFFFC50]  }
0x5f: {  	[tilespmem:s10+$0x10] =	vst v9;
	v9 =	vadd.f32 v11, v2;
	v11 =	vld [tilespmem:s4+$0x0]  }
0x60: {  	[tilespmem:s31+$0x30] =	vst v8;
	v8 =	vld [tilespmem:s2+$0x20]  }
0x61: {  	v13 =	vadd.f32 v13, v7;
	[tilespmem:s30+$0x50] =	vst v9;
	v9 =	vld [tilespmem:s1+$0x40]  }
0x62: {  	v12 =	vadd.f32 v12, v4;
	v14 =	vld [tilespmem:s12+$0x60]  }
0x63: {  	[tilespmem:s10+$0xFFFFFC10] =	vst v13;
	v13 =	vld [tilespmem:s4+$0xFFFFFC00];
	v10 =	vadd.f32 v10, v2  }
0x64: {  	[tilespmem:s31+$0xFFFFFC30] =	vst v12;
	v11 =	vadd.f32 v11, v6;
	v12 =	vld [tilespmem:s2+$0xFFFFFC20]  }
0x65: {  	s7 =	sadd.s32 $0x800, s10;
	[tilespmem:s30+$0xFFFFFC50] =	vst v10;
	v8 =	vadd.f32 v8, v5;
	v10 =	vld [tilespmem:s1+$0xFFFFFC40]  }
0x66: {  	[tilespmem:s7+$0x0] =	vst v11;
	v9 =	vadd.f32 v9, v3;
	v11 =	vld [tilespmem:s12+$0xFFFFFC60]  }
0x67: {  	v15 =	vld [tilespmem:s4+$0x10];
	[tilespmem:s10+$0x20] =	vst v8;
	v8 =	vadd.f32 v14, v1  }
0x68: {  	v13 =	vadd.f32 v13, v6;
	v14 =	vld [tilespmem:s2+$0x30];
	[tilespmem:s31+$0x40] =	vst v9  }
0x69: {  	v9 =	vadd.f32 v12, v5;
	v16 =	vld [tilespmem:s1+$0x50];
	[tilespmem:s30+$0x60] =	vst v8  }
0x6a: {  	[tilespmem:s7+$0xFFFFFC00] =	vst v13;
	v10 =	vadd.f32 v10, v3;
	v8 =	vld [tilespmem:s12+$0x70]  }
0x6b: {  	s11 =	simm.s32 $0x1;
	s9 =	simm.s32 $0x1;
	v13 =	vld [tilespmem:s4+$0xFFFFFC10];
	[tilespmem:s10+$0xFFFFFC20] =	vst v9;
	v9 =	vadd.f32 v11, v1  }
0x6c: {  	s25 =	sadd.s32 s6, s24;
	s11 =	simm.s32 @!p4 $0x0;
	s9 =	simm.s32 @!p3 $0x0;
	v11 =	vadd.f32 v15, v7;
	v12 =	vld [tilespmem:s2+$0xFFFFFC30];
	[tilespmem:s31+$0xFFFFFC40] =	vst v10  }
0x6d: {  	s16 =	sadd.s32 s11, s16;
	s24 =	sor.u32 $0x8800, s29;
	s18 =	sadd.s32 s9, s18;
	v10 =	vld [tilespmem:s1+$0xFFFFFC50];
	[tilespmem:s30+$0xFFFFFC60] =	vst v9;
	v14 =	vadd.f32 v14, v4  }
0x6e: {  	s9 =	simm.s32 $0x300;
	s8 =	smov.u32 s7;
	s11 =	sadd.s32 $0x800, s4;
	[tilespmem:s7+$0x10] =	vst v11;
	v11 =	vadd.f32 v16, v2;
	v9 =	vld [tilespmem:s12+$0xFFFFFC70]  }
.LBB2_3:
0x6f: {  	v15 =	vld [tilespmem:s11+$0x0];
	[tilespmem:s10+$0x30] =	vst v14;
	v8 =	vadd.f32 v8, v0;
	s12 =	smov.u32 s4;
	s4 =	smov.u32 s11  }
0x70: {  	v13 =	vadd.f32 v13, v7;
	v14 =	vld [tilespmem:s12+$0x20];
	[tilespmem:s31+$0x50] =	vst v11  }
0x71: {  	v11 =	vadd.f32 v12, v4;
	v12 =	vld [tilespmem:s2+$0x40];
	[tilespmem:s30+$0x70] =	vst v8  }
0x72: {  	s9 =	sadd.s32 $0x100, s9;
	[tilespmem:s7+$0xFFFFFC10] =	vst v13;
	v8 =	vadd.f32 v10, v2;
	v10 =	vld [tilespmem:s1+$0x60]  }
0x73: {  	p3 =	slt.u32 s9, $0x700;
	v13 =	vld [tilespmem:s11+$0xFFFFFC00];
	[tilespmem:s10+$0xFFFFFC30] =	vst v11;
	v9 =	vadd.f32 v9, v0  }
0x74: {  	v11 =	vadd.f32 v15, v6;
	v15 =	vld [tilespmem:s12+$0xFFFFFC20];
	[tilespmem:s31+$0xFFFFFC50] =	vst v8  }
0x75: {  	s7 =	sadd.s32 $0x800, s7;
	v8 =	vadd.f32 v14, v5;
	v14 =	vld [tilespmem:s2+$0xFFFFFC40];
	[tilespmem:s30+$0xFFFFFC70] =	vst v9;
	s30 =	smov.u32 s31;
	s31 =	smov.u32 s10  }
0x76: {  	s10 =	smov.u32 s8;
	s8 =	smov.u32 s7;
	[tilespmem:s7+$0x0] =	vst v11;
	v9 =	vadd.f32 v12, v3;
	v11 =	vld [tilespmem:s1+$0xFFFFFC60]  }
0x77: {  	v12 =	vld [tilespmem:s11+$0x10];
	[tilespmem:s10+$0x20] =	vst v8;
	v8 =	vadd.f32 v10, v1  }
0x78: {  	v10 =	vadd.f32 v13, v6;
	v16 =	vld [tilespmem:s12+$0x30];
	[tilespmem:s31+$0x40] =	vst v9  }
0x79: {  	v9 =	vadd.f32 v15, v5;
	v15 =	vld [tilespmem:s2+$0x50];
	[tilespmem:s30+$0x60] =	vst v8  }
.Ltmp0:
0x7a: {  	[tilespmem:s7+$0xFFFFFC00] =	vst v10;
	v10 =	vadd.f32 v14, v3;
	v8 =	vld [tilespmem:s1+$0x70];
	(pc) =	sbr.rel @p3 .LBB2_3-.Ltmp0, $4  }
0x7b: {  	v13 =	vld [tilespmem:s11+$0xFFFFFC10];
	[tilespmem:s10+$0xFFFFFC20] =	vst v9;
	v9 =	vadd.f32 v11, v1  }
0x7c: {  	v11 =	vadd.f32 v12, v7;
	v12 =	vld [tilespmem:s12+$0xFFFFFC30];
	[tilespmem:s31+$0xFFFFFC40] =	vst v10  }
0x7d: {  	v14 =	vadd.f32 v16, v4;
	v10 =	vld [tilespmem:s2+$0xFFFFFC50];
	[tilespmem:s30+$0xFFFFFC60] =	vst v9  }
0x7e: {  	s11 =	sadd.s32 $0x800, s11;
	[tilespmem:s7+$0x10] =	vst v11;
	v11 =	vadd.f32 v15, v2;
	v9 =	vld [tilespmem:s1+$0xFFFFFC70];
	s1 =	smov.u32 s2;
	s2 =	smov.u32 s12  }
0x7f: {  	_ = 	snop  }
0x80: {  	v6 =	vadd.f32 v13, v7;
	_ =	sdelay $0x1  }
0x81: {  	v7 =	vld [tilespmem:s4+$0x20];
	[tilespmem:s7+$0xFFFFFC10] =	vst v6  }
0x82: {  	v6 =	vld [tilespmem:s4+$0xFFFFFC20];
	_ =	sdelay $0x3  }
0x83: {  	v7 =	vadd.f32 v7, v5  }
0x84: {  	v5 =	vadd.f32 v6, v5  }
0x85: {  	[tilespmem:s8+$0x20] =	vst v7  }
0x86: {  	v6 =	vld [tilespmem:s4+$0x30];
	[tilespmem:s8+$0xFFFFFC20] =	vst v5  }
0x87: {  	v5 =	vld [tilespmem:s4+$0xFFFFFC30];
	_ =	sdelay $0x2  }
0x88: {  	v7 =	vadd.f32 v12, v4  }
0x89: {  	[tilespmem:s10+$0x30] =	vst v14;
	v6 =	vadd.f32 v6, v4  }
0x8a: {  	v12 =	vld [tilespmem:s2+$0x40];
	[tilespmem:s10+$0xFFFFFC30] =	vst v7;
	v4 =	vadd.f32 v5, v4  }
0x8b: {  	[tilespmem:s8+$0x30] =	vst v6;
	v5 =	vld [tilespmem:s2+$0xFFFFFC40]  }
0x8c: {  	v6 =	vld [tilespmem:s4+$0x40];
	[tilespmem:s8+$0xFFFFFC30] =	vst v4  }
0x8d: {  	v4 =	vld [tilespmem:s4+$0xFFFFFC40];
	_ =	sdelay $0x1  }
0x8e: {  	v7 =	vadd.f32 v12, v3  }
0x8f: {  	v5 =	vadd.f32 v5, v3  }
0x90: {  	[tilespmem:s10+$0x40] =	vst v7;
	v6 =	vadd.f32 v6, v3  }
0x91: {  	v7 =	vld [tilespmem:s2+$0x50];
	[tilespmem:s10+$0xFFFFFC40] =	vst v5;
	v3 =	vadd.f32 v4, v3  }
0x92: {  	[tilespmem:s8+$0x40] =	vst v6;
	v4 =	vld [tilespmem:s2+$0xFFFFFC50]  }
0x93: {  	v5 =	vld [tilespmem:s4+$0x50];
	[tilespmem:s8+$0xFFFFFC40] =	vst v3  }
0x94: {  	v3 =	vld [tilespmem:s4+$0xFFFFFC50]  }
0x95: {  	v6 =	vadd.f32 v10, v2  }
0x96: {  	[tilespmem:s31+$0x50] =	vst v11;
	v7 =	vadd.f32 v7, v2  }
0x97: {  	v10 =	vld [tilespmem:s1+$0x60];
	[tilespmem:s31+$0xFFFFFC50] =	vst v6;
	v4 =	vadd.f32 v4, v2  }
0x98: {  	[tilespmem:s10+$0x50] =	vst v7;
	v6 =	vld [tilespmem:s1+$0xFFFFFC60];
	v5 =	vadd.f32 v5, v2  }
0x99: {  	v7 =	vld [tilespmem:s2+$0x60];
	[tilespmem:s10+$0xFFFFFC50] =	vst v4;
	v2 =	vadd.f32 v3, v2  }
0x9a: {  	[tilespmem:s8+$0x50] =	vst v5;
	v3 =	vld [tilespmem:s2+$0xFFFFFC60]  }
0x9b: {  	v4 =	vld [tilespmem:s4+$0x60];
	[tilespmem:s8+$0xFFFFFC50] =	vst v2  }
0x9c: {  	v2 =	vadd.f32 v10, v1;
	v5 =	vld [tilespmem:s4+$0xFFFFFC60]  }
0x9d: {  	v6 =	vadd.f32 v6, v1  }
0x9e: {  	[tilespmem:s31+$0x60] =	vst v2;
	v2 =	vadd.f32 v7, v1  }
0x9f: {  	[tilespmem:s31+$0xFFFFFC60] =	vst v6;
	v7 =	vld [tilespmem:s1+$0x70];
	v3 =	vadd.f32 v3, v1  }
0xa0: {  	v6 =	vld [tilespmem:s1+$0xFFFFFC70];
	[tilespmem:s10+$0x60] =	vst v2;
	v2 =	vadd.f32 v4, v1  }
0xa1: {  	v4 =	vld [tilespmem:s2+$0x70];
	[tilespmem:s10+$0xFFFFFC60] =	vst v3;
	v1 =	vadd.f32 v5, v1  }
0xa2: {  	v3 =	vadd.f32 v8, v0;
	v5 =	vld [tilespmem:s2+$0xFFFFFC70];
	[tilespmem:s8+$0x60] =	vst v2  }
0xa3: {  	v2 =	vadd.f32 v9, v0;
	v8 =	vld [tilespmem:s4+$0x70];
	[tilespmem:s8+$0xFFFFFC60] =	vst v1  }
0xa4: {  	[tilespmem:s30+$0x70] =	vst v3;
	v1 =	vadd.f32 v7, v0;
	v3 =	vld [tilespmem:s4+$0xFFFFFC70]  }
0xa5: {  	[tilespmem:s30+$0xFFFFFC70] =	vst v2;
	v2 =	vadd.f32 v6, v0  }
0xa6: {  	[tilespmem:s31+$0x70] =	vst v1;
	v1 =	vadd.f32 v4, v0  }
0xa7: {  	[tilespmem:s31+$0xFFFFFC70] =	vst v2;
	v2 =	vadd.f32 v5, v0  }
0xa8: {  	[tilespmem:s10+$0x70] =	vst v1;
	v1 =	vadd.f32 v8, v0  }
0xa9: {  	[tilespmem:s10+$0xFFFFFC70] =	vst v2;
	v0 =	vadd.f32 v3, v0  }
0xaa: {  	[tilespmem:s8+$0x70] =	vst v1  }
0xab: {  	[tilespmem:s8+$0xFFFFFC70] =	vst v0  }
0xac: {  	v7 =	vld [tilespmem:s26+$0x8080]  }
0xad: {  	s12 =	sadd.s32 $0x480, s28;
	v6 =	vld [tilespmem:s26+$0x8090]  }
0xae: {  	v0 =	vld [tilespmem:s12+$0x0]  }
0xaf: {  	v5 =	vld [tilespmem:s26+$0x80A0]  }
0xb0: {  	v4 =	vld [tilespmem:s26+$0x80B0]  }
0xb1: {  	v3 =	vld [tilespmem:s26+$0x80C0]  }
0xb2: {  	v8 =	vld [tilespmem:s12+$0xFFFFFC00]  }
0xb3: {  	v2 =	vld [tilespmem:s26+$0x80D0];
	v9 =	vadd.f32 v0, v7  }
0xb4: {  	s30 =	sadd.s32 $0x8C80, s29;
	v1 =	vld [tilespmem:s26+$0x80E0]  }
0xb5: {  	v0 =	vld [tilespmem:s26+$0x80F0];
	[tilespmem:s30+$0x0] =	vst v9  }
0xb6: {  	v9 =	vld [tilespmem:s12+$0x10]  }
0xb7: {  	v8 =	vadd.f32 v8, v7;
	_ =	sdelay $0x1  }
0xb8: {  	[tilespmem:s30+$0xFFFFFC00] =	vst v8  }
0xb9: {  	v8 =	vld [tilespmem:s12+$0xFFFFFC10]  }
0xba: {  	v9 =	vadd.f32 v9, v6  }
0xbb: {  	s1 =	sadd.s32 $0x800, s12  }
0xbc: {  	[tilespmem:s30+$0x10] =	vst v9;
	v9 =	vld [tilespmem:s1+$0x0]  }
0xbd: {  	v10 =	vld [tilespmem:s12+$0x20]  }
0xbe: {  	v8 =	vadd.f32 v8, v6;
	_ =	sdelay $0x1  }
0xbf: {  	[tilespmem:s30+$0xFFFFFC10] =	vst v8;
	v8 =	vld [tilespmem:s1+$0xFFFFFC00]  }
0xc0: {  	v11 =	vld [tilespmem:s12+$0xFFFFFC20];
	v9 =	vadd.f32 v9, v7  }
0xc1: {  	s31 =	sadd.s32 $0x800, s30;
	v10 =	vadd.f32 v10, v5  }
0xc2: {  	[tilespmem:s31+$0x0] =	vst v9  }
0xc3: {  	v9 =	vld [tilespmem:s1+$0x10];
	[tilespmem:s30+$0x20] =	vst v10  }
0xc4: {  	v8 =	vadd.f32 v8, v7;
	v10 =	vld [tilespmem:s12+$0x30]  }
0xc5: {  	v11 =	vadd.f32 v11, v5  }
0xc6: {  	[tilespmem:s31+$0xFFFFFC00] =	vst v8  }
0xc7: {  	v8 =	vld [tilespmem:s1+$0xFFFFFC10];
	[tilespmem:s30+$0xFFFFFC20] =	vst v11  }
0xc8: {  	v11 =	vld [tilespmem:s12+$0xFFFFFC30];
	v9 =	vadd.f32 v9, v6  }
0xc9: {  	s2 =	sadd.s32 $0x800, s1;
	v10 =	vadd.f32 v10, v4  }
0xca: {  	[tilespmem:s31+$0x10] =	vst v9;
	v9 =	vld [tilespmem:s2+$0x0]  }
0xcb: {  	[tilespmem:s30+$0x30] =	vst v10;
	v10 =	vld [tilespmem:s1+$0x20]  }
0xcc: {  	v8 =	vadd.f32 v8, v6;
	v12 =	vld [tilespmem:s12+$0x40]  }
0xcd: {  	v11 =	vadd.f32 v11, v4  }
0xce: {  	[tilespmem:s31+$0xFFFFFC10] =	vst v8;
	v8 =	vld [tilespmem:s2+$0xFFFFFC00]  }
0xcf: {  	[tilespmem:s30+$0xFFFFFC30] =	vst v11;
	v11 =	vld [tilespmem:s1+$0xFFFFFC20];
	v9 =	vadd.f32 v9, v7  }
0xd0: {  	s10 =	sadd.s32 $0x800, s31;
	v13 =	vld [tilespmem:s12+$0xFFFFFC40];
	v10 =	vadd.f32 v10, v5  }
0xd1: {  	[tilespmem:s10+$0x0] =	vst v9;
	v9 =	vadd.f32 v12, v3  }
0xd2: {  	v12 =	vld [tilespmem:s2+$0x10];
	[tilespmem:s31+$0x20] =	vst v10  }
0xd3: {  	v8 =	vadd.f32 v8, v7;
	v10 =	vld [tilespmem:s1+$0x30];
	[tilespmem:s30+$0x40] =	vst v9  }
0xd4: {  	v9 =	vadd.f32 v11, v5;
	v11 =	vld [tilespmem:s12+$0x50]  }
0xd5: {  	[tilespmem:s10+$0xFFFFFC00] =	vst v8;
	v8 =	vadd.f32 v13, v3  }
0xd6: {  	v13 =	vld [tilespmem:s2+$0xFFFFFC10];
	[tilespmem:s31+$0xFFFFFC20] =	vst v9  }
0xd7: {  	[tilespmem:s30+$0xFFFFFC40] =	vst v8;
	v9 =	vadd.f32 v12, v6;
	v12 =	vld [tilespmem:s1+$0xFFFFFC30]  }
0xd8: {  	s4 =	sadd.s32 $0x800, s2;
	v8 =	vadd.f32 v10, v4;
	v10 =	vld [tilespmem:s12+$0xFFFFFC50]  }
0xd9: {  	[tilespmem:s10+$0x10] =	vst v9;
	v9 =	vadd.f32 v11, v2;
	v11 =	vld [tilespmem:s4+$0x0]  }
0xda: {  	[tilespmem:s31+$0x30] =	vst v8;
	v8 =	vld [tilespmem:s2+$0x20]  }
0xdb: {  	v13 =	vadd.f32 v13, v6;
	[tilespmem:s30+$0x50] =	vst v9;
	v9 =	vld [tilespmem:s1+$0x40]  }
0xdc: {  	v12 =	vadd.f32 v12, v4;
	v14 =	vld [tilespmem:s12+$0x60]  }
0xdd: {  	[tilespmem:s10+$0xFFFFFC10] =	vst v13;
	v13 =	vld [tilespmem:s4+$0xFFFFFC00];
	v10 =	vadd.f32 v10, v2  }
0xde: {  	[tilespmem:s31+$0xFFFFFC30] =	vst v12;
	v11 =	vadd.f32 v11, v7;
	v12 =	vld [tilespmem:s2+$0xFFFFFC20]  }
0xdf: {  	s8 =	sadd.s32 $0x800, s10;
	[tilespmem:s30+$0xFFFFFC50] =	vst v10;
	v8 =	vadd.f32 v8, v5;
	v10 =	vld [tilespmem:s1+$0xFFFFFC40]  }
0xe0: {  	[tilespmem:s8+$0x0] =	vst v11;
	v9 =	vadd.f32 v9, v3;
	v11 =	vld [tilespmem:s12+$0xFFFFFC60]  }
0xe1: {  	v15 =	vld [tilespmem:s4+$0x10];
	[tilespmem:s10+$0x20] =	vst v8;
	v8 =	vadd.f32 v14, v1  }
0xe2: {  	v13 =	vadd.f32 v13, v7;
	v14 =	vld [tilespmem:s2+$0x30];
	[tilespmem:s31+$0x40] =	vst v9  }
0xe3: {  	v9 =	vadd.f32 v12, v5;
	v16 =	vld [tilespmem:s1+$0x50];
	[tilespmem:s30+$0x60] =	vst v8  }
0xe4: {  	[tilespmem:s8+$0xFFFFFC00] =	vst v13;
	v10 =	vadd.f32 v10, v3;
	v8 =	vld [tilespmem:s12+$0x70]  }
0xe5: {  	v13 =	vld [tilespmem:s4+$0xFFFFFC10];
	[tilespmem:s10+$0xFFFFFC20] =	vst v9;
	v9 =	vadd.f32 v11, v1  }
0xe6: {  	v11 =	vadd.f32 v15, v6;
	v12 =	vld [tilespmem:s2+$0xFFFFFC30];
	[tilespmem:s31+$0xFFFFFC40] =	vst v10  }
0xe7: {  	v10 =	vld [tilespmem:s1+$0xFFFFFC50];
	[tilespmem:s30+$0xFFFFFC60] =	vst v9;
	v14 =	vadd.f32 v14, v4  }
0xe8: {  	s9 =	simm.s32 $0x300;
	s11 =	sadd.s32 $0x800, s4;
	s7 =	smov.u32 s8;
	[tilespmem:s8+$0x10] =	vst v11;
	v11 =	vadd.f32 v16, v2;
	v9 =	vld [tilespmem:s12+$0xFFFFFC70]  }
.LBB2_5:
0xe9: {  	v15 =	vld [tilespmem:s11+$0x0];
	[tilespmem:s10+$0x30] =	vst v14;
	v8 =	vadd.f32 v8, v0;
	s12 =	smov.u32 s4;
	s4 =	smov.u32 s11  }
0xea: {  	v13 =	vadd.f32 v13, v6;
	v14 =	vld [tilespmem:s12+$0x20];
	[tilespmem:s31+$0x50] =	vst v11  }
0xeb: {  	v11 =	vadd.f32 v12, v4;
	v12 =	vld [tilespmem:s2+$0x40];
	[tilespmem:s30+$0x70] =	vst v8  }
0xec: {  	s9 =	sadd.s32 $0x100, s9;
	[tilespmem:s8+$0xFFFFFC10] =	vst v13;
	v8 =	vadd.f32 v10, v2;
	v10 =	vld [tilespmem:s1+$0x60]  }
0xed: {  	p3 =	slt.u32 s9, $0x700;
	v13 =	vld [tilespmem:s11+$0xFFFFFC00];
	[tilespmem:s10+$0xFFFFFC30] =	vst v11;
	v9 =	vadd.f32 v9, v0  }
0xee: {  	v11 =	vadd.f32 v15, v7;
	v15 =	vld [tilespmem:s12+$0xFFFFFC20];
	[tilespmem:s31+$0xFFFFFC50] =	vst v8  }
0xef: {  	s8 =	sadd.s32 $0x800, s8;
	v8 =	vadd.f32 v14, v5;
	v14 =	vld [tilespmem:s2+$0xFFFFFC40];
	[tilespmem:s30+$0xFFFFFC70] =	vst v9;
	s30 =	smov.u32 s31;
	s31 =	smov.u32 s10  }
0xf0: {  	s10 =	smov.u32 s7;
	s7 =	smov.u32 s8;
	[tilespmem:s8+$0x0] =	vst v11;
	v9 =	vadd.f32 v12, v3;
	v11 =	vld [tilespmem:s1+$0xFFFFFC60]  }
0xf1: {  	v12 =	vld [tilespmem:s11+$0x10];
	[tilespmem:s10+$0x20] =	vst v8;
	v8 =	vadd.f32 v10, v1  }
0xf2: {  	v10 =	vadd.f32 v13, v7;
	v16 =	vld [tilespmem:s12+$0x30];
	[tilespmem:s31+$0x40] =	vst v9  }
0xf3: {  	v9 =	vadd.f32 v15, v5;
	v15 =	vld [tilespmem:s2+$0x50];
	[tilespmem:s30+$0x60] =	vst v8  }
.Ltmp1:
0xf4: {  	[tilespmem:s8+$0xFFFFFC00] =	vst v10;
	v10 =	vadd.f32 v14, v3;
	v8 =	vld [tilespmem:s1+$0x70];
	(pc) =	sbr.rel @p3 .LBB2_5-.Ltmp1, $4  }
0xf5: {  	v13 =	vld [tilespmem:s11+$0xFFFFFC10];
	[tilespmem:s10+$0xFFFFFC20] =	vst v9;
	v9 =	vadd.f32 v11, v1  }
0xf6: {  	v11 =	vadd.f32 v12, v6;
	v12 =	vld [tilespmem:s12+$0xFFFFFC30];
	[tilespmem:s31+$0xFFFFFC40] =	vst v10  }
0xf7: {  	v14 =	vadd.f32 v16, v4;
	v10 =	vld [tilespmem:s2+$0xFFFFFC50];
	[tilespmem:s30+$0xFFFFFC60] =	vst v9  }
0xf8: {  	s11 =	sadd.s32 $0x800, s11;
	[tilespmem:s8+$0x10] =	vst v11;
	v11 =	vadd.f32 v15, v2;
	v9 =	vld [tilespmem:s1+$0xFFFFFC70];
	s1 =	smov.u32 s2;
	s2 =	smov.u32 s12  }
0xf9: {  	_ = 	snop  }
0xfa: {  	v6 =	vadd.f32 v13, v6;
	_ =	sdelay $0x1  }
0xfb: {  	v7 =	vld [tilespmem:s4+$0x20];
	[tilespmem:s8+$0xFFFFFC10] =	vst v6  }
0xfc: {  	v6 =	vld [tilespmem:s4+$0xFFFFFC20];
	_ =	sdelay $0x3  }
0xfd: {  	v7 =	vadd.f32 v7, v5  }
0xfe: {  	v5 =	vadd.f32 v6, v5  }
0xff: {  	[tilespmem:s7+$0x20] =	vst v7  }
0x100: {  	v6 =	vld [tilespmem:s4+$0x30];
	[tilespmem:s7+$0xFFFFFC20] =	vst v5  }
0x101: {  	v5 =	vld [tilespmem:s4+$0xFFFFFC30];
	_ =	sdelay $0x2  }
0x102: {  	v7 =	vadd.f32 v12, v4  }
0x103: {  	[tilespmem:s10+$0x30] =	vst v14;
	v6 =	vadd.f32 v6, v4  }
0x104: {  	v12 =	vld [tilespmem:s2+$0x40];
	[tilespmem:s10+$0xFFFFFC30] =	vst v7;
	v4 =	vadd.f32 v5, v4  }
0x105: {  	[tilespmem:s7+$0x30] =	vst v6;
	v5 =	vld [tilespmem:s2+$0xFFFFFC40]  }
0x106: {  	v6 =	vld [tilespmem:s4+$0x40];
	[tilespmem:s7+$0xFFFFFC30] =	vst v4  }
0x107: {  	v4 =	vld [tilespmem:s4+$0xFFFFFC40];
	_ =	sdelay $0x1  }
0x108: {  	v7 =	vadd.f32 v12, v3  }
0x109: {  	v5 =	vadd.f32 v5, v3  }
0x10a: {  	[tilespmem:s10+$0x40] =	vst v7;
	v6 =	vadd.f32 v6, v3  }
0x10b: {  	v7 =	vld [tilespmem:s2+$0x50];
	[tilespmem:s10+$0xFFFFFC40] =	vst v5;
	v3 =	vadd.f32 v4, v3  }
0x10c: {  	[tilespmem:s7+$0x40] =	vst v6;
	v4 =	vld [tilespmem:s2+$0xFFFFFC50]  }
0x10d: {  	v5 =	vld [tilespmem:s4+$0x50];
	[tilespmem:s7+$0xFFFFFC40] =	vst v3  }
0x10e: {  	v3 =	vld [tilespmem:s4+$0xFFFFFC50]  }
0x10f: {  	v6 =	vadd.f32 v10, v2  }
0x110: {  	[tilespmem:s31+$0x50] =	vst v11;
	v7 =	vadd.f32 v7, v2  }
0x111: {  	v10 =	vld [tilespmem:s1+$0x60];
	[tilespmem:s31+$0xFFFFFC50] =	vst v6;
	v4 =	vadd.f32 v4, v2  }
0x112: {  	[tilespmem:s10+$0x50] =	vst v7;
	v6 =	vld [tilespmem:s1+$0xFFFFFC60];
	v5 =	vadd.f32 v5, v2  }
0x113: {  	v7 =	vld [tilespmem:s2+$0x60];
	[tilespmem:s10+$0xFFFFFC50] =	vst v4;
	v2 =	vadd.f32 v3, v2  }
0x114: {  	[tilespmem:s7+$0x50] =	vst v5;
	v3 =	vld [tilespmem:s2+$0xFFFFFC60]  }
0x115: {  	v4 =	vld [tilespmem:s4+$0x60];
	[tilespmem:s7+$0xFFFFFC50] =	vst v2  }
0x116: {  	v2 =	vadd.f32 v10, v1;
	v5 =	vld [tilespmem:s4+$0xFFFFFC60]  }
0x117: {  	v6 =	vadd.f32 v6, v1  }
0x118: {  	[tilespmem:s31+$0x60] =	vst v2;
	v2 =	vadd.f32 v7, v1  }
0x119: {  	[tilespmem:s31+$0xFFFFFC60] =	vst v6;
	v7 =	vld [tilespmem:s1+$0x70];
	v3 =	vadd.f32 v3, v1  }
0x11a: {  	v6 =	vld [tilespmem:s1+$0xFFFFFC70];
	[tilespmem:s10+$0x60] =	vst v2;
	v2 =	vadd.f32 v4, v1  }
0x11b: {  	v4 =	vld [tilespmem:s2+$0x70];
	[tilespmem:s10+$0xFFFFFC60] =	vst v3;
	v1 =	vadd.f32 v5, v1  }
0x11c: {  	v3 =	vadd.f32 v8, v0;
	v5 =	vld [tilespmem:s2+$0xFFFFFC70];
	[tilespmem:s7+$0x60] =	vst v2  }
0x11d: {  	v2 =	vadd.f32 v9, v0;
	v8 =	vld [tilespmem:s4+$0x70];
	[tilespmem:s7+$0xFFFFFC60] =	vst v1  }
0x11e: {  	[tilespmem:s30+$0x70] =	vst v3;
	v1 =	vadd.f32 v7, v0;
	v3 =	vld [tilespmem:s4+$0xFFFFFC70]  }
0x11f: {  	[tilespmem:s30+$0xFFFFFC70] =	vst v2;
	v2 =	vadd.f32 v6, v0  }
0x120: {  	[tilespmem:s31+$0x70] =	vst v1;
	v1 =	vadd.f32 v4, v0  }
0x121: {  	[tilespmem:s31+$0xFFFFFC70] =	vst v2;
	v2 =	vadd.f32 v5, v0  }
0x122: {  	[tilespmem:s10+$0x70] =	vst v1;
	v1 =	vadd.f32 v8, v0  }
0x123: {  	[tilespmem:s10+$0xFFFFFC70] =	vst v2;
	v0 =	vadd.f32 v3, v0  }
0x124: {  	[tilespmem:s7+$0x70] =	vst v1  }
0x125: {  	[tilespmem:s7+$0xFFFFFC70] =	vst v0  }
0x126: {  	v7 =	vld [tilespmem:s26+$0x8100]  }
0x127: {  	s12 =	sadd.s32 $0x500, s28;
	v6 =	vld [tilespmem:s26+$0x8110]  }
0x128: {  	v0 =	vld [tilespmem:s12+$0x0]  }
0x129: {  	v5 =	vld [tilespmem:s26+$0x8120]  }
0x12a: {  	v4 =	vld [tilespmem:s26+$0x8130]  }
0x12b: {  	v3 =	vld [tilespmem:s26+$0x8140]  }
0x12c: {  	v8 =	vld [tilespmem:s12+$0xFFFFFC00]  }
0x12d: {  	v2 =	vld [tilespmem:s26+$0x8150];
	v9 =	vadd.f32 v0, v7  }
0x12e: {  	s30 =	sadd.s32 $0x8D00, s29;
	v1 =	vld [tilespmem:s26+$0x8160]  }
0x12f: {  	v0 =	vld [tilespmem:s26+$0x8170];
	[tilespmem:s30+$0x0] =	vst v9  }
0x130: {  	v9 =	vld [tilespmem:s12+$0x10]  }
0x131: {  	v8 =	vadd.f32 v8, v7;
	_ =	sdelay $0x1  }
0x132: {  	[tilespmem:s30+$0xFFFFFC00] =	vst v8  }
0x133: {  	v8 =	vld [tilespmem:s12+$0xFFFFFC10]  }
0x134: {  	v9 =	vadd.f32 v9, v6  }
0x135: {  	s1 =	sadd.s32 $0x800, s12  }
0x136: {  	[tilespmem:s30+$0x10] =	vst v9;
	v9 =	vld [tilespmem:s1+$0x0]  }
0x137: {  	v10 =	vld [tilespmem:s12+$0x20]  }
0x138: {  	v8 =	vadd.f32 v8, v6;
	_ =	sdelay $0x1  }
0x139: {  	[tilespmem:s30+$0xFFFFFC10] =	vst v8;
	v8 =	vld [tilespmem:s1+$0xFFFFFC00]  }
0x13a: {  	v11 =	vld [tilespmem:s12+$0xFFFFFC20];
	v9 =	vadd.f32 v9, v7  }
0x13b: {  	s31 =	sadd.s32 $0x800, s30;
	v10 =	vadd.f32 v10, v5  }
0x13c: {  	[tilespmem:s31+$0x0] =	vst v9  }
0x13d: {  	v9 =	vld [tilespmem:s1+$0x10];
	[tilespmem:s30+$0x20] =	vst v10  }
0x13e: {  	v8 =	vadd.f32 v8, v7;
	v10 =	vld [tilespmem:s12+$0x30]  }
0x13f: {  	v11 =	vadd.f32 v11, v5  }
0x140: {  	[tilespmem:s31+$0xFFFFFC00] =	vst v8  }
0x141: {  	v8 =	vld [tilespmem:s1+$0xFFFFFC10];
	[tilespmem:s30+$0xFFFFFC20] =	vst v11  }
0x142: {  	v11 =	vld [tilespmem:s12+$0xFFFFFC30];
	v9 =	vadd.f32 v9, v6  }
0x143: {  	s2 =	sadd.s32 $0x800, s1;
	v10 =	vadd.f32 v10, v4  }
0x144: {  	[tilespmem:s31+$0x10] =	vst v9;
	v9 =	vld [tilespmem:s2+$0x0]  }
0x145: {  	[tilespmem:s30+$0x30] =	vst v10;
	v10 =	vld [tilespmem:s1+$0x20]  }
0x146: {  	v8 =	vadd.f32 v8, v6;
	v12 =	vld [tilespmem:s12+$0x40]  }
0x147: {  	v11 =	vadd.f32 v11, v4  }
0x148: {  	[tilespmem:s31+$0xFFFFFC10] =	vst v8;
	v8 =	vld [tilespmem:s2+$0xFFFFFC00]  }
0x149: {  	[tilespmem:s30+$0xFFFFFC30] =	vst v11;
	v11 =	vld [tilespmem:s1+$0xFFFFFC20];
	v9 =	vadd.f32 v9, v7  }
0x14a: {  	s10 =	sadd.s32 $0x800, s31;
	v13 =	vld [tilespmem:s12+$0xFFFFFC40];
	v10 =	vadd.f32 v10, v5  }
0x14b: {  	[tilespmem:s10+$0x0] =	vst v9;
	v9 =	vadd.f32 v12, v3  }
0x14c: {  	v12 =	vld [tilespmem:s2+$0x10];
	[tilespmem:s31+$0x20] =	vst v10  }
0x14d: {  	v8 =	vadd.f32 v8, v7;
	v10 =	vld [tilespmem:s1+$0x30];
	[tilespmem:s30+$0x40] =	vst v9  }
0x14e: {  	v9 =	vadd.f32 v11, v5;
	v11 =	vld [tilespmem:s12+$0x50]  }
0x14f: {  	[tilespmem:s10+$0xFFFFFC00] =	vst v8;
	v8 =	vadd.f32 v13, v3  }
0x150: {  	v13 =	vld [tilespmem:s2+$0xFFFFFC10];
	[tilespmem:s31+$0xFFFFFC20] =	vst v9  }
0x151: {  	[tilespmem:s30+$0xFFFFFC40] =	vst v8;
	v9 =	vadd.f32 v12, v6;
	v12 =	vld [tilespmem:s1+$0xFFFFFC30]  }
0x152: {  	s4 =	sadd.s32 $0x800, s2;
	v8 =	vadd.f32 v10, v4;
	v10 =	vld [tilespmem:s12+$0xFFFFFC50]  }
0x153: {  	[tilespmem:s10+$0x10] =	vst v9;
	v9 =	vadd.f32 v11, v2;
	v11 =	vld [tilespmem:s4+$0x0]  }
0x154: {  	[tilespmem:s31+$0x30] =	vst v8;
	v8 =	vld [tilespmem:s2+$0x20]  }
0x155: {  	v13 =	vadd.f32 v13, v6;
	[tilespmem:s30+$0x50] =	vst v9;
	v9 =	vld [tilespmem:s1+$0x40]  }
0x156: {  	v12 =	vadd.f32 v12, v4;
	v14 =	vld [tilespmem:s12+$0x60]  }
0x157: {  	[tilespmem:s10+$0xFFFFFC10] =	vst v13;
	v13 =	vld [tilespmem:s4+$0xFFFFFC00];
	v10 =	vadd.f32 v10, v2  }
0x158: {  	[tilespmem:s31+$0xFFFFFC30] =	vst v12;
	v11 =	vadd.f32 v11, v7;
	v12 =	vld [tilespmem:s2+$0xFFFFFC20]  }
0x159: {  	s8 =	sadd.s32 $0x800, s10;
	[tilespmem:s30+$0xFFFFFC50] =	vst v10;
	v8 =	vadd.f32 v8, v5;
	v10 =	vld [tilespmem:s1+$0xFFFFFC40]  }
0x15a: {  	[tilespmem:s8+$0x0] =	vst v11;
	v9 =	vadd.f32 v9, v3;
	v11 =	vld [tilespmem:s12+$0xFFFFFC60]  }
0x15b: {  	v15 =	vld [tilespmem:s4+$0x10];
	[tilespmem:s10+$0x20] =	vst v8;
	v8 =	vadd.f32 v14, v1  }
0x15c: {  	v13 =	vadd.f32 v13, v7;
	v14 =	vld [tilespmem:s2+$0x30];
	[tilespmem:s31+$0x40] =	vst v9  }
0x15d: {  	v9 =	vadd.f32 v12, v5;
	v16 =	vld [tilespmem:s1+$0x50];
	[tilespmem:s30+$0x60] =	vst v8  }
0x15e: {  	[tilespmem:s8+$0xFFFFFC00] =	vst v13;
	v10 =	vadd.f32 v10, v3;
	v8 =	vld [tilespmem:s12+$0x70]  }
0x15f: {  	v13 =	vld [tilespmem:s4+$0xFFFFFC10];
	[tilespmem:s10+$0xFFFFFC20] =	vst v9;
	v9 =	vadd.f32 v11, v1  }
0x160: {  	v11 =	vadd.f32 v15, v6;
	v12 =	vld [tilespmem:s2+$0xFFFFFC30];
	[tilespmem:s31+$0xFFFFFC40] =	vst v10  }
0x161: {  	v10 =	vld [tilespmem:s1+$0xFFFFFC50];
	[tilespmem:s30+$0xFFFFFC60] =	vst v9;
	v14 =	vadd.f32 v14, v4  }
0x162: {  	s9 =	simm.s32 $0x300;
	s11 =	sadd.s32 $0x800, s4;
	s7 =	smov.u32 s8;
	[tilespmem:s8+$0x10] =	vst v11;
	v11 =	vadd.f32 v16, v2;
	v9 =	vld [tilespmem:s12+$0xFFFFFC70]  }
.LBB2_7:
0x163: {  	v15 =	vld [tilespmem:s11+$0x0];
	[tilespmem:s10+$0x30] =	vst v14;
	v8 =	vadd.f32 v8, v0;
	s12 =	smov.u32 s4;
	s4 =	smov.u32 s11  }
0x164: {  	v13 =	vadd.f32 v13, v6;
	v14 =	vld [tilespmem:s12+$0x20];
	[tilespmem:s31+$0x50] =	vst v11  }
0x165: {  	v11 =	vadd.f32 v12, v4;
	v12 =	vld [tilespmem:s2+$0x40];
	[tilespmem:s30+$0x70] =	vst v8  }
0x166: {  	s9 =	sadd.s32 $0x100, s9;
	[tilespmem:s8+$0xFFFFFC10] =	vst v13;
	v8 =	vadd.f32 v10, v2;
	v10 =	vld [tilespmem:s1+$0x60]  }
0x167: {  	p3 =	slt.u32 s9, $0x700;
	v13 =	vld [tilespmem:s11+$0xFFFFFC00];
	[tilespmem:s10+$0xFFFFFC30] =	vst v11;
	v9 =	vadd.f32 v9, v0  }
0x168: {  	v11 =	vadd.f32 v15, v7;
	v15 =	vld [tilespmem:s12+$0xFFFFFC20];
	[tilespmem:s31+$0xFFFFFC50] =	vst v8  }
0x169: {  	s8 =	sadd.s32 $0x800, s8;
	v8 =	vadd.f32 v14, v5;
	v14 =	vld [tilespmem:s2+$0xFFFFFC40];
	[tilespmem:s30+$0xFFFFFC70] =	vst v9;
	s30 =	smov.u32 s31;
	s31 =	smov.u32 s10  }
0x16a: {  	s10 =	smov.u32 s7;
	s7 =	smov.u32 s8;
	[tilespmem:s8+$0x0] =	vst v11;
	v9 =	vadd.f32 v12, v3;
	v11 =	vld [tilespmem:s1+$0xFFFFFC60]  }
0x16b: {  	v12 =	vld [tilespmem:s11+$0x10];
	[tilespmem:s10+$0x20] =	vst v8;
	v8 =	vadd.f32 v10, v1  }
0x16c: {  	v10 =	vadd.f32 v13, v7;
	v16 =	vld [tilespmem:s12+$0x30];
	[tilespmem:s31+$0x40] =	vst v9  }
0x16d: {  	v9 =	vadd.f32 v15, v5;
	v15 =	vld [tilespmem:s2+$0x50];
	[tilespmem:s30+$0x60] =	vst v8  }
.Ltmp2:
0x16e: {  	[tilespmem:s8+$0xFFFFFC00] =	vst v10;
	v10 =	vadd.f32 v14, v3;
	v8 =	vld [tilespmem:s1+$0x70];
	(pc) =	sbr.rel @p3 .LBB2_7-.Ltmp2, $4  }
0x16f: {  	v13 =	vld [tilespmem:s11+$0xFFFFFC10];
	[tilespmem:s10+$0xFFFFFC20] =	vst v9;
	v9 =	vadd.f32 v11, v1  }
0x170: {  	v11 =	vadd.f32 v12, v6;
	v12 =	vld [tilespmem:s12+$0xFFFFFC30];
	[tilespmem:s31+$0xFFFFFC40] =	vst v10  }
0x171: {  	v14 =	vadd.f32 v16, v4;
	v10 =	vld [tilespmem:s2+$0xFFFFFC50];
	[tilespmem:s30+$0xFFFFFC60] =	vst v9  }
0x172: {  	s11 =	sadd.s32 $0x800, s11;
	[tilespmem:s8+$0x10] =	vst v11;
	v11 =	vadd.f32 v15, v2;
	v9 =	vld [tilespmem:s1+$0xFFFFFC70];
	s1 =	smov.u32 s2;
	s2 =	smov.u32 s12  }
0x173: {  	_ = 	snop  }
0x174: {  	v6 =	vadd.f32 v13, v6;
	_ =	sdelay $0x1  }
0x175: {  	v7 =	vld [tilespmem:s4+$0x20];
	[tilespmem:s8+$0xFFFFFC10] =	vst v6  }
0x176: {  	v6 =	vld [tilespmem:s4+$0xFFFFFC20];
	_ =	sdelay $0x3  }
0x177: {  	v7 =	vadd.f32 v7, v5  }
0x178: {  	v5 =	vadd.f32 v6, v5  }
0x179: {  	[tilespmem:s7+$0x20] =	vst v7  }
0x17a: {  	v6 =	vld [tilespmem:s4+$0x30];
	[tilespmem:s7+$0xFFFFFC20] =	vst v5  }
0x17b: {  	v5 =	vld [tilespmem:s4+$0xFFFFFC30];
	_ =	sdelay $0x2  }
0x17c: {  	v7 =	vadd.f32 v12, v4  }
0x17d: {  	[tilespmem:s10+$0x30] =	vst v14;
	v6 =	vadd.f32 v6, v4  }
0x17e: {  	v12 =	vld [tilespmem:s2+$0x40];
	[tilespmem:s10+$0xFFFFFC30] =	vst v7;
	v4 =	vadd.f32 v5, v4  }
0x17f: {  	[tilespmem:s7+$0x30] =	vst v6;
	v5 =	vld [tilespmem:s2+$0xFFFFFC40]  }
0x180: {  	v6 =	vld [tilespmem:s4+$0x40];
	[tilespmem:s7+$0xFFFFFC30] =	vst v4  }
0x181: {  	v4 =	vld [tilespmem:s4+$0xFFFFFC40];
	_ =	sdelay $0x1  }
0x182: {  	v7 =	vadd.f32 v12, v3  }
0x183: {  	v5 =	vadd.f32 v5, v3  }
0x184: {  	[tilespmem:s10+$0x40] =	vst v7;
	v6 =	vadd.f32 v6, v3  }
0x185: {  	v7 =	vld [tilespmem:s2+$0x50];
	[tilespmem:s10+$0xFFFFFC40] =	vst v5;
	v3 =	vadd.f32 v4, v3  }
0x186: {  	[tilespmem:s7+$0x40] =	vst v6;
	v4 =	vld [tilespmem:s2+$0xFFFFFC50]  }
0x187: {  	v5 =	vld [tilespmem:s4+$0x50];
	[tilespmem:s7+$0xFFFFFC40] =	vst v3  }
0x188: {  	v3 =	vld [tilespmem:s4+$0xFFFFFC50]  }
0x189: {  	v6 =	vadd.f32 v10, v2  }
0x18a: {  	[tilespmem:s31+$0x50] =	vst v11;
	v7 =	vadd.f32 v7, v2  }
0x18b: {  	v10 =	vld [tilespmem:s1+$0x60];
	[tilespmem:s31+$0xFFFFFC50] =	vst v6;
	v4 =	vadd.f32 v4, v2  }
0x18c: {  	[tilespmem:s10+$0x50] =	vst v7;
	v6 =	vld [tilespmem:s1+$0xFFFFFC60];
	v5 =	vadd.f32 v5, v2  }
0x18d: {  	v7 =	vld [tilespmem:s2+$0x60];
	[tilespmem:s10+$0xFFFFFC50] =	vst v4;
	v2 =	vadd.f32 v3, v2  }
0x18e: {  	[tilespmem:s7+$0x50] =	vst v5;
	v3 =	vld [tilespmem:s2+$0xFFFFFC60]  }
0x18f: {  	v4 =	vld [tilespmem:s4+$0x60];
	[tilespmem:s7+$0xFFFFFC50] =	vst v2  }
0x190: {  	v2 =	vadd.f32 v10, v1;
	v5 =	vld [tilespmem:s4+$0xFFFFFC60]  }
0x191: {  	v6 =	vadd.f32 v6, v1  }
0x192: {  	[tilespmem:s31+$0x60] =	vst v2;
	v2 =	vadd.f32 v7, v1  }
0x193: {  	[tilespmem:s31+$0xFFFFFC60] =	vst v6;
	v7 =	vld [tilespmem:s1+$0x70];
	v3 =	vadd.f32 v3, v1  }
0x194: {  	v6 =	vld [tilespmem:s1+$0xFFFFFC70];
	[tilespmem:s10+$0x60] =	vst v2;
	v2 =	vadd.f32 v4, v1  }
0x195: {  	v4 =	vld [tilespmem:s2+$0x70];
	[tilespmem:s10+$0xFFFFFC60] =	vst v3;
	v1 =	vadd.f32 v5, v1  }
0x196: {  	v3 =	vadd.f32 v8, v0;
	v5 =	vld [tilespmem:s2+$0xFFFFFC70];
	[tilespmem:s7+$0x60] =	vst v2  }
0x197: {  	v2 =	vadd.f32 v9, v0;
	v8 =	vld [tilespmem:s4+$0x70];
	[tilespmem:s7+$0xFFFFFC60] =	vst v1  }
0x198: {  	[tilespmem:s30+$0x70] =	vst v3;
	v1 =	vadd.f32 v7, v0;
	v3 =	vld [tilespmem:s4+$0xFFFFFC70]  }
0x199: {  	[tilespmem:s30+$0xFFFFFC70] =	vst v2;
	v2 =	vadd.f32 v6, v0  }
0x19a: {  	[tilespmem:s31+$0x70] =	vst v1;
	v1 =	vadd.f32 v4, v0  }
0x19b: {  	[tilespmem:s31+$0xFFFFFC70] =	vst v2;
	v2 =	vadd.f32 v5, v0  }
0x19c: {  	[tilespmem:s10+$0x70] =	vst v1;
	v1 =	vadd.f32 v8, v0  }
0x19d: {  	[tilespmem:s10+$0xFFFFFC70] =	vst v2;
	v0 =	vadd.f32 v3, v0  }
0x19e: {  	[tilespmem:s7+$0x70] =	vst v1  }
0x19f: {  	[tilespmem:s7+$0xFFFFFC70] =	vst v0  }
0x1a0: {  	v7 =	vld [tilespmem:s26+$0x8180]  }
0x1a1: {  	s12 =	sadd.s32 $0x580, s28;
	v6 =	vld [tilespmem:s26+$0x8190]  }
0x1a2: {  	v0 =	vld [tilespmem:s12+$0x0]  }
0x1a3: {  	v5 =	vld [tilespmem:s26+$0x81A0]  }
0x1a4: {  	v4 =	vld [tilespmem:s26+$0x81B0]  }
0x1a5: {  	v3 =	vld [tilespmem:s26+$0x81C0]  }
0x1a6: {  	v8 =	vld [tilespmem:s12+$0xFFFFFC00]  }
0x1a7: {  	v2 =	vld [tilespmem:s26+$0x81D0];
	v9 =	vadd.f32 v0, v7  }
0x1a8: {  	s30 =	sadd.s32 $0x8D80, s29;
	v1 =	vld [tilespmem:s26+$0x81E0]  }
0x1a9: {  	v0 =	vld [tilespmem:s26+$0x81F0];
	[tilespmem:s30+$0x0] =	vst v9  }
0x1aa: {  	v9 =	vld [tilespmem:s12+$0x10]  }
0x1ab: {  	v8 =	vadd.f32 v8, v7;
	_ =	sdelay $0x1  }
0x1ac: {  	[tilespmem:s30+$0xFFFFFC00] =	vst v8  }
0x1ad: {  	v8 =	vld [tilespmem:s12+$0xFFFFFC10]  }
0x1ae: {  	v9 =	vadd.f32 v9, v6  }
0x1af: {  	s1 =	sadd.s32 $0x800, s12  }
0x1b0: {  	[tilespmem:s30+$0x10] =	vst v9;
	v9 =	vld [tilespmem:s1+$0x0]  }
0x1b1: {  	v10 =	vld [tilespmem:s12+$0x20]  }
0x1b2: {  	v8 =	vadd.f32 v8, v6;
	_ =	sdelay $0x1  }
0x1b3: {  	[tilespmem:s30+$0xFFFFFC10] =	vst v8;
	v8 =	vld [tilespmem:s1+$0xFFFFFC00]  }
0x1b4: {  	v11 =	vld [tilespmem:s12+$0xFFFFFC20];
	v9 =	vadd.f32 v9, v7  }
0x1b5: {  	s31 =	sadd.s32 $0x800, s30;
	v10 =	vadd.f32 v10, v5  }
0x1b6: {  	[tilespmem:s31+$0x0] =	vst v9  }
0x1b7: {  	v9 =	vld [tilespmem:s1+$0x10];
	[tilespmem:s30+$0x20] =	vst v10  }
0x1b8: {  	v8 =	vadd.f32 v8, v7;
	v10 =	vld [tilespmem:s12+$0x30]  }
0x1b9: {  	v11 =	vadd.f32 v11, v5  }
0x1ba: {  	[tilespmem:s31+$0xFFFFFC00] =	vst v8  }
0x1bb: {  	v8 =	vld [tilespmem:s1+$0xFFFFFC10];
	[tilespmem:s30+$0xFFFFFC20] =	vst v11  }
0x1bc: {  	v11 =	vld [tilespmem:s12+$0xFFFFFC30];
	v9 =	vadd.f32 v9, v6  }
0x1bd: {  	s2 =	sadd.s32 $0x800, s1;
	v10 =	vadd.f32 v10, v4  }
0x1be: {  	[tilespmem:s31+$0x10] =	vst v9;
	v9 =	vld [tilespmem:s2+$0x0]  }
0x1bf: {  	[tilespmem:s30+$0x30] =	vst v10;
	v10 =	vld [tilespmem:s1+$0x20]  }
0x1c0: {  	v8 =	vadd.f32 v8, v6;
	v12 =	vld [tilespmem:s12+$0x40]  }
0x1c1: {  	v11 =	vadd.f32 v11, v4  }
0x1c2: {  	[tilespmem:s31+$0xFFFFFC10] =	vst v8;
	v8 =	vld [tilespmem:s2+$0xFFFFFC00]  }
0x1c3: {  	[tilespmem:s30+$0xFFFFFC30] =	vst v11;
	v11 =	vld [tilespmem:s1+$0xFFFFFC20];
	v9 =	vadd.f32 v9, v7  }
0x1c4: {  	s10 =	sadd.s32 $0x800, s31;
	v13 =	vld [tilespmem:s12+$0xFFFFFC40];
	v10 =	vadd.f32 v10, v5  }
0x1c5: {  	[tilespmem:s10+$0x0] =	vst v9;
	v9 =	vadd.f32 v12, v3  }
0x1c6: {  	v12 =	vld [tilespmem:s2+$0x10];
	[tilespmem:s31+$0x20] =	vst v10  }
0x1c7: {  	v8 =	vadd.f32 v8, v7;
	v10 =	vld [tilespmem:s1+$0x30];
	[tilespmem:s30+$0x40] =	vst v9  }
0x1c8: {  	v9 =	vadd.f32 v11, v5;
	v11 =	vld [tilespmem:s12+$0x50]  }
0x1c9: {  	[tilespmem:s10+$0xFFFFFC00] =	vst v8;
	v8 =	vadd.f32 v13, v3  }
0x1ca: {  	v13 =	vld [tilespmem:s2+$0xFFFFFC10];
	[tilespmem:s31+$0xFFFFFC20] =	vst v9  }
0x1cb: {  	[tilespmem:s30+$0xFFFFFC40] =	vst v8;
	v9 =	vadd.f32 v12, v6;
	v12 =	vld [tilespmem:s1+$0xFFFFFC30]  }
0x1cc: {  	s4 =	sadd.s32 $0x800, s2;
	v8 =	vadd.f32 v10, v4;
	v10 =	vld [tilespmem:s12+$0xFFFFFC50]  }
0x1cd: {  	[tilespmem:s10+$0x10] =	vst v9;
	v9 =	vadd.f32 v11, v2;
	v11 =	vld [tilespmem:s4+$0x0]  }
0x1ce: {  	[tilespmem:s31+$0x30] =	vst v8;
	v8 =	vld [tilespmem:s2+$0x20]  }
0x1cf: {  	v13 =	vadd.f32 v13, v6;
	[tilespmem:s30+$0x50] =	vst v9;
	v9 =	vld [tilespmem:s1+$0x40]  }
0x1d0: {  	v12 =	vadd.f32 v12, v4;
	v14 =	vld [tilespmem:s12+$0x60]  }
0x1d1: {  	[tilespmem:s10+$0xFFFFFC10] =	vst v13;
	v13 =	vld [tilespmem:s4+$0xFFFFFC00];
	v10 =	vadd.f32 v10, v2  }
0x1d2: {  	[tilespmem:s31+$0xFFFFFC30] =	vst v12;
	v11 =	vadd.f32 v11, v7;
	v12 =	vld [tilespmem:s2+$0xFFFFFC20]  }
0x1d3: {  	s8 =	sadd.s32 $0x800, s10;
	[tilespmem:s30+$0xFFFFFC50] =	vst v10;
	v8 =	vadd.f32 v8, v5;
	v10 =	vld [tilespmem:s1+$0xFFFFFC40]  }
0x1d4: {  	[tilespmem:s8+$0x0] =	vst v11;
	v9 =	vadd.f32 v9, v3;
	v11 =	vld [tilespmem:s12+$0xFFFFFC60]  }
0x1d5: {  	v15 =	vld [tilespmem:s4+$0x10];
	[tilespmem:s10+$0x20] =	vst v8;
	v8 =	vadd.f32 v14, v1  }
0x1d6: {  	v13 =	vadd.f32 v13, v7;
	v14 =	vld [tilespmem:s2+$0x30];
	[tilespmem:s31+$0x40] =	vst v9  }
0x1d7: {  	v9 =	vadd.f32 v12, v5;
	v16 =	vld [tilespmem:s1+$0x50];
	[tilespmem:s30+$0x60] =	vst v8  }
0x1d8: {  	[tilespmem:s8+$0xFFFFFC00] =	vst v13;
	v10 =	vadd.f32 v10, v3;
	v8 =	vld [tilespmem:s12+$0x70]  }
0x1d9: {  	v13 =	vld [tilespmem:s4+$0xFFFFFC10];
	[tilespmem:s10+$0xFFFFFC20] =	vst v9;
	v9 =	vadd.f32 v11, v1  }
0x1da: {  	v11 =	vadd.f32 v15, v6;
	v12 =	vld [tilespmem:s2+$0xFFFFFC30];
	[tilespmem:s31+$0xFFFFFC40] =	vst v10  }
0x1db: {  	v10 =	vld [tilespmem:s1+$0xFFFFFC50];
	[tilespmem:s30+$0xFFFFFC60] =	vst v9;
	v14 =	vadd.f32 v14, v4  }
0x1dc: {  	s9 =	simm.s32 $0x300;
	s11 =	sadd.s32 $0x800, s4;
	s7 =	smov.u32 s8;
	[tilespmem:s8+$0x10] =	vst v11;
	v11 =	vadd.f32 v16, v2;
	v9 =	vld [tilespmem:s12+$0xFFFFFC70]  }
.LBB2_9:
0x1dd: {  	v15 =	vld [tilespmem:s11+$0x0];
	[tilespmem:s10+$0x30] =	vst v14;
	v8 =	vadd.f32 v8, v0;
	s12 =	smov.u32 s4;
	s4 =	smov.u32 s11  }
0x1de: {  	v13 =	vadd.f32 v13, v6;
	v14 =	vld [tilespmem:s12+$0x20];
	[tilespmem:s31+$0x50] =	vst v11  }
0x1df: {  	v11 =	vadd.f32 v12, v4;
	v12 =	vld [tilespmem:s2+$0x40];
	[tilespmem:s30+$0x70] =	vst v8  }
0x1e0: {  	s9 =	sadd.s32 $0x100, s9;
	[tilespmem:s8+$0xFFFFFC10] =	vst v13;
	v8 =	vadd.f32 v10, v2;
	v10 =	vld [tilespmem:s1+$0x60]  }
0x1e1: {  	p3 =	slt.u32 s9, $0x700;
	v13 =	vld [tilespmem:s11+$0xFFFFFC00];
	[tilespmem:s10+$0xFFFFFC30] =	vst v11;
	v9 =	vadd.f32 v9, v0  }
0x1e2: {  	v11 =	vadd.f32 v15, v7;
	v15 =	vld [tilespmem:s12+$0xFFFFFC20];
	[tilespmem:s31+$0xFFFFFC50] =	vst v8  }
0x1e3: {  	s8 =	sadd.s32 $0x800, s8;
	v8 =	vadd.f32 v14, v5;
	v14 =	vld [tilespmem:s2+$0xFFFFFC40];
	[tilespmem:s30+$0xFFFFFC70] =	vst v9;
	s30 =	smov.u32 s31;
	s31 =	smov.u32 s10  }
0x1e4: {  	s10 =	smov.u32 s7;
	s7 =	smov.u32 s8;
	[tilespmem:s8+$0x0] =	vst v11;
	v9 =	vadd.f32 v12, v3;
	v11 =	vld [tilespmem:s1+$0xFFFFFC60]  }
0x1e5: {  	v12 =	vld [tilespmem:s11+$0x10];
	[tilespmem:s10+$0x20] =	vst v8;
	v8 =	vadd.f32 v10, v1  }
0x1e6: {  	v10 =	vadd.f32 v13, v7;
	v16 =	vld [tilespmem:s12+$0x30];
	[tilespmem:s31+$0x40] =	vst v9  }
0x1e7: {  	v9 =	vadd.f32 v15, v5;
	v15 =	vld [tilespmem:s2+$0x50];
	[tilespmem:s30+$0x60] =	vst v8  }
.Ltmp3:
0x1e8: {  	[tilespmem:s8+$0xFFFFFC00] =	vst v10;
	v10 =	vadd.f32 v14, v3;
	v8 =	vld [tilespmem:s1+$0x70];
	(pc) =	sbr.rel @p3 .LBB2_9-.Ltmp3, $4  }
0x1e9: {  	v13 =	vld [tilespmem:s11+$0xFFFFFC10];
	[tilespmem:s10+$0xFFFFFC20] =	vst v9;
	v9 =	vadd.f32 v11, v1  }
0x1ea: {  	v11 =	vadd.f32 v12, v6;
	v12 =	vld [tilespmem:s12+$0xFFFFFC30];
	[tilespmem:s31+$0xFFFFFC40] =	vst v10  }
0x1eb: {  	v14 =	vadd.f32 v16, v4;
	v10 =	vld [tilespmem:s2+$0xFFFFFC50];
	[tilespmem:s30+$0xFFFFFC60] =	vst v9  }
0x1ec: {  	s11 =	sadd.s32 $0x800, s11;
	[tilespmem:s8+$0x10] =	vst v11;
	v11 =	vadd.f32 v15, v2;
	v9 =	vld [tilespmem:s1+$0xFFFFFC70];
	s1 =	smov.u32 s2;
	s2 =	smov.u32 s12  }
0x1ed: {  	_ = 	snop  }
0x1ee: {  	v6 =	vadd.f32 v13, v6;
	_ =	sdelay $0x1  }
0x1ef: {  	v7 =	vld [tilespmem:s4+$0x20];
	[tilespmem:s8+$0xFFFFFC10] =	vst v6  }
0x1f0: {  	v6 =	vld [tilespmem:s4+$0xFFFFFC20];
	_ =	sdelay $0x3  }
0x1f1: {  	v7 =	vadd.f32 v7, v5  }
0x1f2: {  	v5 =	vadd.f32 v6, v5  }
0x1f3: {  	[tilespmem:s7+$0x20] =	vst v7  }
0x1f4: {  	v6 =	vld [tilespmem:s4+$0x30];
	[tilespmem:s7+$0xFFFFFC20] =	vst v5  }
0x1f5: {  	v5 =	vld [tilespmem:s4+$0xFFFFFC30];
	_ =	sdelay $0x2  }
0x1f6: {  	v7 =	vadd.f32 v12, v4  }
0x1f7: {  	[tilespmem:s10+$0x30] =	vst v14;
	v6 =	vadd.f32 v6, v4  }
0x1f8: {  	v12 =	vld [tilespmem:s2+$0x40];
	[tilespmem:s10+$0xFFFFFC30] =	vst v7;
	v4 =	vadd.f32 v5, v4  }
0x1f9: {  	[tilespmem:s7+$0x30] =	vst v6;
	v5 =	vld [tilespmem:s2+$0xFFFFFC40]  }
0x1fa: {  	v6 =	vld [tilespmem:s4+$0x40];
	[tilespmem:s7+$0xFFFFFC30] =	vst v4  }
0x1fb: {  	v4 =	vld [tilespmem:s4+$0xFFFFFC40];
	_ =	sdelay $0x1  }
0x1fc: {  	v7 =	vadd.f32 v12, v3  }
0x1fd: {  	v5 =	vadd.f32 v5, v3  }
0x1fe: {  	[tilespmem:s10+$0x40] =	vst v7;
	v6 =	vadd.f32 v6, v3  }
0x1ff: {  	v7 =	vld [tilespmem:s2+$0x50];
	[tilespmem:s10+$0xFFFFFC40] =	vst v5;
	v3 =	vadd.f32 v4, v3  }
0x200: {  	[tilespmem:s7+$0x40] =	vst v6;
	v4 =	vld [tilespmem:s2+$0xFFFFFC50]  }
0x201: {  	v5 =	vld [tilespmem:s4+$0x50];
	[tilespmem:s7+$0xFFFFFC40] =	vst v3  }
0x202: {  	v3 =	vld [tilespmem:s4+$0xFFFFFC50]  }
0x203: {  	v6 =	vadd.f32 v10, v2  }
0x204: {  	[tilespmem:s31+$0x50] =	vst v11;
	v7 =	vadd.f32 v7, v2  }
0x205: {  	v10 =	vld [tilespmem:s1+$0x60];
	[tilespmem:s31+$0xFFFFFC50] =	vst v6;
	v4 =	vadd.f32 v4, v2  }
0x206: {  	[tilespmem:s10+$0x50] =	vst v7;
	v6 =	vld [tilespmem:s1+$0xFFFFFC60];
	v5 =	vadd.f32 v5, v2  }
0x207: {  	v7 =	vld [tilespmem:s2+$0x60];
	[tilespmem:s10+$0xFFFFFC50] =	vst v4;
	v2 =	vadd.f32 v3, v2  }
0x208: {  	[tilespmem:s7+$0x50] =	vst v5;
	v3 =	vld [tilespmem:s2+$0xFFFFFC60]  }
0x209: {  	v4 =	vld [tilespmem:s4+$0x60];
	[tilespmem:s7+$0xFFFFFC50] =	vst v2  }
0x20a: {  	v2 =	vadd.f32 v10, v1;
	v5 =	vld [tilespmem:s4+$0xFFFFFC60]  }
0x20b: {  	v6 =	vadd.f32 v6, v1  }
0x20c: {  	[tilespmem:s31+$0x60] =	vst v2;
	v2 =	vadd.f32 v7, v1  }
0x20d: {  	[tilespmem:s31+$0xFFFFFC60] =	vst v6;
	v7 =	vld [tilespmem:s1+$0x70];
	v3 =	vadd.f32 v3, v1  }
0x20e: {  	v6 =	vld [tilespmem:s1+$0xFFFFFC70];
	[tilespmem:s10+$0x60] =	vst v2;
	v2 =	vadd.f32 v4, v1  }
0x20f: {  	v4 =	vld [tilespmem:s2+$0x70];
	[tilespmem:s10+$0xFFFFFC60] =	vst v3;
	v1 =	vadd.f32 v5, v1  }
0x210: {  	v3 =	vadd.f32 v8, v0;
	v5 =	vld [tilespmem:s2+$0xFFFFFC70];
	[tilespmem:s7+$0x60] =	vst v2  }
0x211: {  	v2 =	vadd.f32 v9, v0;
	v8 =	vld [tilespmem:s4+$0x70];
	[tilespmem:s7+$0xFFFFFC60] =	vst v1  }
0x212: {  	[tilespmem:s30+$0x70] =	vst v3;
	v1 =	vadd.f32 v7, v0;
	v3 =	vld [tilespmem:s4+$0xFFFFFC70]  }
0x213: {  	[tilespmem:s30+$0xFFFFFC70] =	vst v2;
	v2 =	vadd.f32 v6, v0  }
0x214: {  	[tilespmem:s31+$0x70] =	vst v1;
	v1 =	vadd.f32 v4, v0  }
0x215: {  	[tilespmem:s31+$0xFFFFFC70] =	vst v2;
	v2 =	vadd.f32 v5, v0  }
0x216: {  	[tilespmem:s10+$0x70] =	vst v1;
	v1 =	vadd.f32 v8, v0  }
0x217: {  	[tilespmem:s10+$0xFFFFFC70] =	vst v2;
	v0 =	vadd.f32 v3, v0  }
0x218: {  	[tilespmem:s7+$0x70] =	vst v1  }
0x219: {  	[tilespmem:s7+$0xFFFFFC70] =	vst v0  }
0x21a: {  	v7 =	vld [tilespmem:s26+$0x8200]  }
0x21b: {  	s12 =	sadd.s32 $0x600, s28;
	v6 =	vld [tilespmem:s26+$0x8210]  }
0x21c: {  	v0 =	vld [tilespmem:s12+$0x0]  }
0x21d: {  	v5 =	vld [tilespmem:s26+$0x8220]  }
0x21e: {  	v4 =	vld [tilespmem:s26+$0x8230]  }
0x21f: {  	v3 =	vld [tilespmem:s26+$0x8240]  }
0x220: {  	v8 =	vld [tilespmem:s12+$0xFFFFFC00]  }
0x221: {  	v2 =	vld [tilespmem:s26+$0x8250];
	v9 =	vadd.f32 v0, v7  }
0x222: {  	s30 =	sadd.s32 $0x8E00, s29;
	v1 =	vld [tilespmem:s26+$0x8260]  }
0x223: {  	v0 =	vld [tilespmem:s26+$0x8270];
	[tilespmem:s30+$0x0] =	vst v9  }
0x224: {  	v9 =	vld [tilespmem:s12+$0x10]  }
0x225: {  	v8 =	vadd.f32 v8, v7;
	_ =	sdelay $0x1  }
0x226: {  	[tilespmem:s30+$0xFFFFFC00] =	vst v8  }
0x227: {  	v8 =	vld [tilespmem:s12+$0xFFFFFC10]  }
0x228: {  	v9 =	vadd.f32 v9, v6  }
0x229: {  	s1 =	sadd.s32 $0x800, s12  }
0x22a: {  	[tilespmem:s30+$0x10] =	vst v9;
	v9 =	vld [tilespmem:s1+$0x0]  }
0x22b: {  	v10 =	vld [tilespmem:s12+$0x20]  }
0x22c: {  	v8 =	vadd.f32 v8, v6;
	_ =	sdelay $0x1  }
0x22d: {  	[tilespmem:s30+$0xFFFFFC10] =	vst v8;
	v8 =	vld [tilespmem:s1+$0xFFFFFC00]  }
0x22e: {  	v11 =	vld [tilespmem:s12+$0xFFFFFC20];
	v9 =	vadd.f32 v9, v7  }
0x22f: {  	s31 =	sadd.s32 $0x800, s30;
	v10 =	vadd.f32 v10, v5  }
0x230: {  	[tilespmem:s31+$0x0] =	vst v9  }
0x231: {  	v9 =	vld [tilespmem:s1+$0x10];
	[tilespmem:s30+$0x20] =	vst v10  }
0x232: {  	v8 =	vadd.f32 v8, v7;
	v10 =	vld [tilespmem:s12+$0x30]  }
0x233: {  	v11 =	vadd.f32 v11, v5  }
0x234: {  	[tilespmem:s31+$0xFFFFFC00] =	vst v8  }
0x235: {  	v8 =	vld [tilespmem:s1+$0xFFFFFC10];
	[tilespmem:s30+$0xFFFFFC20] =	vst v11  }
0x236: {  	v11 =	vld [tilespmem:s12+$0xFFFFFC30];
	v9 =	vadd.f32 v9, v6  }
0x237: {  	s2 =	sadd.s32 $0x800, s1;
	v10 =	vadd.f32 v10, v4  }
0x238: {  	[tilespmem:s31+$0x10] =	vst v9;
	v9 =	vld [tilespmem:s2+$0x0]  }
0x239: {  	[tilespmem:s30+$0x30] =	vst v10;
	v10 =	vld [tilespmem:s1+$0x20]  }
0x23a: {  	v8 =	vadd.f32 v8, v6;
	v12 =	vld [tilespmem:s12+$0x40]  }
0x23b: {  	v11 =	vadd.f32 v11, v4  }
0x23c: {  	[tilespmem:s31+$0xFFFFFC10] =	vst v8;
	v8 =	vld [tilespmem:s2+$0xFFFFFC00]  }
0x23d: {  	[tilespmem:s30+$0xFFFFFC30] =	vst v11;
	v11 =	vld [tilespmem:s1+$0xFFFFFC20];
	v9 =	vadd.f32 v9, v7  }
0x23e: {  	s10 =	sadd.s32 $0x800, s31;
	v13 =	vld [tilespmem:s12+$0xFFFFFC40];
	v10 =	vadd.f32 v10, v5  }
0x23f: {  	[tilespmem:s10+$0x0] =	vst v9;
	v9 =	vadd.f32 v12, v3  }
0x240: {  	v12 =	vld [tilespmem:s2+$0x10];
	[tilespmem:s31+$0x20] =	vst v10  }
0x241: {  	v8 =	vadd.f32 v8, v7;
	v10 =	vld [tilespmem:s1+$0x30];
	[tilespmem:s30+$0x40] =	vst v9  }
0x242: {  	v9 =	vadd.f32 v11, v5;
	v11 =	vld [tilespmem:s12+$0x50]  }
0x243: {  	[tilespmem:s10+$0xFFFFFC00] =	vst v8;
	v8 =	vadd.f32 v13, v3  }
0x244: {  	v13 =	vld [tilespmem:s2+$0xFFFFFC10];
	[tilespmem:s31+$0xFFFFFC20] =	vst v9  }
0x245: {  	[tilespmem:s30+$0xFFFFFC40] =	vst v8;
	v9 =	vadd.f32 v12, v6;
	v12 =	vld [tilespmem:s1+$0xFFFFFC30]  }
0x246: {  	s4 =	sadd.s32 $0x800, s2;
	v8 =	vadd.f32 v10, v4;
	v10 =	vld [tilespmem:s12+$0xFFFFFC50]  }
0x247: {  	[tilespmem:s10+$0x10] =	vst v9;
	v9 =	vadd.f32 v11, v2;
	v11 =	vld [tilespmem:s4+$0x0]  }
0x248: {  	[tilespmem:s31+$0x30] =	vst v8;
	v8 =	vld [tilespmem:s2+$0x20]  }
0x249: {  	v13 =	vadd.f32 v13, v6;
	[tilespmem:s30+$0x50] =	vst v9;
	v9 =	vld [tilespmem:s1+$0x40]  }
0x24a: {  	v12 =	vadd.f32 v12, v4;
	v14 =	vld [tilespmem:s12+$0x60]  }
0x24b: {  	[tilespmem:s10+$0xFFFFFC10] =	vst v13;
	v13 =	vld [tilespmem:s4+$0xFFFFFC00];
	v10 =	vadd.f32 v10, v2  }
0x24c: {  	[tilespmem:s31+$0xFFFFFC30] =	vst v12;
	v11 =	vadd.f32 v11, v7;
	v12 =	vld [tilespmem:s2+$0xFFFFFC20]  }
0x24d: {  	s8 =	sadd.s32 $0x800, s10;
	[tilespmem:s30+$0xFFFFFC50] =	vst v10;
	v8 =	vadd.f32 v8, v5;
	v10 =	vld [tilespmem:s1+$0xFFFFFC40]  }
0x24e: {  	[tilespmem:s8+$0x0] =	vst v11;
	v9 =	vadd.f32 v9, v3;
	v11 =	vld [tilespmem:s12+$0xFFFFFC60]  }
0x24f: {  	v15 =	vld [tilespmem:s4+$0x10];
	[tilespmem:s10+$0x20] =	vst v8;
	v8 =	vadd.f32 v14, v1  }
0x250: {  	v13 =	vadd.f32 v13, v7;
	v14 =	vld [tilespmem:s2+$0x30];
	[tilespmem:s31+$0x40] =	vst v9  }
0x251: {  	v9 =	vadd.f32 v12, v5;
	v16 =	vld [tilespmem:s1+$0x50];
	[tilespmem:s30+$0x60] =	vst v8  }
0x252: {  	[tilespmem:s8+$0xFFFFFC00] =	vst v13;
	v10 =	vadd.f32 v10, v3;
	v8 =	vld [tilespmem:s12+$0x70]  }
0x253: {  	v13 =	vld [tilespmem:s4+$0xFFFFFC10];
	[tilespmem:s10+$0xFFFFFC20] =	vst v9;
	v9 =	vadd.f32 v11, v1  }
0x254: {  	v11 =	vadd.f32 v15, v6;
	v12 =	vld [tilespmem:s2+$0xFFFFFC30];
	[tilespmem:s31+$0xFFFFFC40] =	vst v10  }
0x255: {  	v10 =	vld [tilespmem:s1+$0xFFFFFC50];
	[tilespmem:s30+$0xFFFFFC60] =	vst v9;
	v14 =	vadd.f32 v14, v4  }
0x256: {  	s9 =	simm.s32 $0x300;
	s11 =	sadd.s32 $0x800, s4;
	s7 =	smov.u32 s8;
	[tilespmem:s8+$0x10] =	vst v11;
	v11 =	vadd.f32 v16, v2;
	v9 =	vld [tilespmem:s12+$0xFFFFFC70]  }
.LBB2_11:
0x257: {  	v15 =	vld [tilespmem:s11+$0x0];
	[tilespmem:s10+$0x30] =	vst v14;
	v8 =	vadd.f32 v8, v0;
	s12 =	smov.u32 s4;
	s4 =	smov.u32 s11  }
0x258: {  	v13 =	vadd.f32 v13, v6;
	v14 =	vld [tilespmem:s12+$0x20];
	[tilespmem:s31+$0x50] =	vst v11  }
0x259: {  	v11 =	vadd.f32 v12, v4;
	v12 =	vld [tilespmem:s2+$0x40];
	[tilespmem:s30+$0x70] =	vst v8  }
0x25a: {  	s9 =	sadd.s32 $0x100, s9;
	[tilespmem:s8+$0xFFFFFC10] =	vst v13;
	v8 =	vadd.f32 v10, v2;
	v10 =	vld [tilespmem:s1+$0x60]  }
0x25b: {  	p3 =	slt.u32 s9, $0x700;
	v13 =	vld [tilespmem:s11+$0xFFFFFC00];
	[tilespmem:s10+$0xFFFFFC30] =	vst v11;
	v9 =	vadd.f32 v9, v0  }
0x25c: {  	v11 =	vadd.f32 v15, v7;
	v15 =	vld [tilespmem:s12+$0xFFFFFC20];
	[tilespmem:s31+$0xFFFFFC50] =	vst v8  }
0x25d: {  	s8 =	sadd.s32 $0x800, s8;
	v8 =	vadd.f32 v14, v5;
	v14 =	vld [tilespmem:s2+$0xFFFFFC40];
	[tilespmem:s30+$0xFFFFFC70] =	vst v9;
	s30 =	smov.u32 s31;
	s31 =	smov.u32 s10  }
0x25e: {  	s10 =	smov.u32 s7;
	s7 =	smov.u32 s8;
	[tilespmem:s8+$0x0] =	vst v11;
	v9 =	vadd.f32 v12, v3;
	v11 =	vld [tilespmem:s1+$0xFFFFFC60]  }
0x25f: {  	v12 =	vld [tilespmem:s11+$0x10];
	[tilespmem:s10+$0x20] =	vst v8;
	v8 =	vadd.f32 v10, v1  }
0x260: {  	v10 =	vadd.f32 v13, v7;
	v16 =	vld [tilespmem:s12+$0x30];
	[tilespmem:s31+$0x40] =	vst v9  }
0x261: {  	v9 =	vadd.f32 v15, v5;
	v15 =	vld [tilespmem:s2+$0x50];
	[tilespmem:s30+$0x60] =	vst v8  }
.Ltmp4:
0x262: {  	[tilespmem:s8+$0xFFFFFC00] =	vst v10;
	v10 =	vadd.f32 v14, v3;
	v8 =	vld [tilespmem:s1+$0x70];
	(pc) =	sbr.rel @p3 .LBB2_11-.Ltmp4, $4  }
0x263: {  	v13 =	vld [tilespmem:s11+$0xFFFFFC10];
	[tilespmem:s10+$0xFFFFFC20] =	vst v9;
	v9 =	vadd.f32 v11, v1  }
0x264: {  	v11 =	vadd.f32 v12, v6;
	v12 =	vld [tilespmem:s12+$0xFFFFFC30];
	[tilespmem:s31+$0xFFFFFC40] =	vst v10  }
0x265: {  	v14 =	vadd.f32 v16, v4;
	v10 =	vld [tilespmem:s2+$0xFFFFFC50];
	[tilespmem:s30+$0xFFFFFC60] =	vst v9  }
0x266: {  	s11 =	sadd.s32 $0x800, s11;
	[tilespmem:s8+$0x10] =	vst v11;
	v11 =	vadd.f32 v15, v2;
	v9 =	vld [tilespmem:s1+$0xFFFFFC70];
	s1 =	smov.u32 s2;
	s2 =	smov.u32 s12  }
0x267: {  	_ = 	snop  }
0x268: {  	v6 =	vadd.f32 v13, v6;
	_ =	sdelay $0x1  }
0x269: {  	v7 =	vld [tilespmem:s4+$0x20];
	[tilespmem:s8+$0xFFFFFC10] =	vst v6  }
0x26a: {  	v6 =	vld [tilespmem:s4+$0xFFFFFC20];
	_ =	sdelay $0x3  }
0x26b: {  	v7 =	vadd.f32 v7, v5  }
0x26c: {  	v5 =	vadd.f32 v6, v5  }
0x26d: {  	[tilespmem:s7+$0x20] =	vst v7  }
0x26e: {  	v6 =	vld [tilespmem:s4+$0x30];
	[tilespmem:s7+$0xFFFFFC20] =	vst v5  }
0x26f: {  	v5 =	vld [tilespmem:s4+$0xFFFFFC30];
	_ =	sdelay $0x2  }
0x270: {  	v7 =	vadd.f32 v12, v4  }
0x271: {  	[tilespmem:s10+$0x30] =	vst v14;
	v6 =	vadd.f32 v6, v4  }
0x272: {  	v12 =	vld [tilespmem:s2+$0x40];
	[tilespmem:s10+$0xFFFFFC30] =	vst v7;
	v4 =	vadd.f32 v5, v4  }
0x273: {  	[tilespmem:s7+$0x30] =	vst v6;
	v5 =	vld [tilespmem:s2+$0xFFFFFC40]  }
0x274: {  	v6 =	vld [tilespmem:s4+$0x40];
	[tilespmem:s7+$0xFFFFFC30] =	vst v4  }
0x275: {  	v4 =	vld [tilespmem:s4+$0xFFFFFC40];
	_ =	sdelay $0x1  }
0x276: {  	v7 =	vadd.f32 v12, v3  }
0x277: {  	v5 =	vadd.f32 v5, v3  }
0x278: {  	[tilespmem:s10+$0x40] =	vst v7;
	v6 =	vadd.f32 v6, v3  }
0x279: {  	v7 =	vld [tilespmem:s2+$0x50];
	[tilespmem:s10+$0xFFFFFC40] =	vst v5;
	v3 =	vadd.f32 v4, v3  }
0x27a: {  	[tilespmem:s7+$0x40] =	vst v6;
	v4 =	vld [tilespmem:s2+$0xFFFFFC50]  }
0x27b: {  	v5 =	vld [tilespmem:s4+$0x50];
	[tilespmem:s7+$0xFFFFFC40] =	vst v3  }
0x27c: {  	v3 =	vld [tilespmem:s4+$0xFFFFFC50]  }
0x27d: {  	v6 =	vadd.f32 v10, v2  }
0x27e: {  	[tilespmem:s31+$0x50] =	vst v11;
	v7 =	vadd.f32 v7, v2  }
0x27f: {  	v10 =	vld [tilespmem:s1+$0x60];
	[tilespmem:s31+$0xFFFFFC50] =	vst v6;
	v4 =	vadd.f32 v4, v2  }
0x280: {  	[tilespmem:s10+$0x50] =	vst v7;
	v6 =	vld [tilespmem:s1+$0xFFFFFC60];
	v5 =	vadd.f32 v5, v2  }
0x281: {  	v7 =	vld [tilespmem:s2+$0x60];
	[tilespmem:s10+$0xFFFFFC50] =	vst v4;
	v2 =	vadd.f32 v3, v2  }
0x282: {  	[tilespmem:s7+$0x50] =	vst v5;
	v3 =	vld [tilespmem:s2+$0xFFFFFC60]  }
0x283: {  	v4 =	vld [tilespmem:s4+$0x60];
	[tilespmem:s7+$0xFFFFFC50] =	vst v2  }
0x284: {  	v2 =	vadd.f32 v10, v1;
	v5 =	vld [tilespmem:s4+$0xFFFFFC60]  }
0x285: {  	v6 =	vadd.f32 v6, v1  }
0x286: {  	[tilespmem:s31+$0x60] =	vst v2;
	v2 =	vadd.f32 v7, v1  }
0x287: {  	[tilespmem:s31+$0xFFFFFC60] =	vst v6;
	v7 =	vld [tilespmem:s1+$0x70];
	v3 =	vadd.f32 v3, v1  }
0x288: {  	v6 =	vld [tilespmem:s1+$0xFFFFFC70];
	[tilespmem:s10+$0x60] =	vst v2;
	v2 =	vadd.f32 v4, v1  }
0x289: {  	v4 =	vld [tilespmem:s2+$0x70];
	[tilespmem:s10+$0xFFFFFC60] =	vst v3;
	v1 =	vadd.f32 v5, v1  }
0x28a: {  	v3 =	vadd.f32 v8, v0;
	v5 =	vld [tilespmem:s2+$0xFFFFFC70];
	[tilespmem:s7+$0x60] =	vst v2  }
0x28b: {  	v2 =	vadd.f32 v9, v0;
	v8 =	vld [tilespmem:s4+$0x70];
	[tilespmem:s7+$0xFFFFFC60] =	vst v1  }
0x28c: {  	[tilespmem:s30+$0x70] =	vst v3;
	v1 =	vadd.f32 v7, v0;
	v3 =	vld [tilespmem:s4+$0xFFFFFC70]  }
0x28d: {  	[tilespmem:s30+$0xFFFFFC70] =	vst v2;
	v2 =	vadd.f32 v6, v0  }
0x28e: {  	[tilespmem:s31+$0x70] =	vst v1;
	v1 =	vadd.f32 v4, v0  }
0x28f: {  	[tilespmem:s31+$0xFFFFFC70] =	vst v2;
	v2 =	vadd.f32 v5, v0  }
0x290: {  	[tilespmem:s10+$0x70] =	vst v1;
	v1 =	vadd.f32 v8, v0  }
0x291: {  	[tilespmem:s10+$0xFFFFFC70] =	vst v2;
	v0 =	vadd.f32 v3, v0  }
0x292: {  	[tilespmem:s7+$0x70] =	vst v1  }
0x293: {  	[tilespmem:s7+$0xFFFFFC70] =	vst v0  }
0x294: {  	v7 =	vld [tilespmem:s26+$0x8280]  }
0x295: {  	s12 =	sadd.s32 $0x680, s28;
	v6 =	vld [tilespmem:s26+$0x8290]  }
0x296: {  	v0 =	vld [tilespmem:s12+$0x0]  }
0x297: {  	v5 =	vld [tilespmem:s26+$0x82A0]  }
0x298: {  	v4 =	vld [tilespmem:s26+$0x82B0]  }
0x299: {  	v3 =	vld [tilespmem:s26+$0x82C0]  }
0x29a: {  	v8 =	vld [tilespmem:s12+$0xFFFFFC00]  }
0x29b: {  	v2 =	vld [tilespmem:s26+$0x82D0];
	v9 =	vadd.f32 v0, v7  }
0x29c: {  	s30 =	sadd.s32 $0x8E80, s29;
	v1 =	vld [tilespmem:s26+$0x82E0]  }
0x29d: {  	v0 =	vld [tilespmem:s26+$0x82F0];
	[tilespmem:s30+$0x0] =	vst v9  }
0x29e: {  	v9 =	vld [tilespmem:s12+$0x10]  }
0x29f: {  	v8 =	vadd.f32 v8, v7;
	_ =	sdelay $0x1  }
0x2a0: {  	[tilespmem:s30+$0xFFFFFC00] =	vst v8  }
0x2a1: {  	v8 =	vld [tilespmem:s12+$0xFFFFFC10]  }
0x2a2: {  	v9 =	vadd.f32 v9, v6  }
0x2a3: {  	s1 =	sadd.s32 $0x800, s12  }
0x2a4: {  	[tilespmem:s30+$0x10] =	vst v9;
	v9 =	vld [tilespmem:s1+$0x0]  }
0x2a5: {  	v10 =	vld [tilespmem:s12+$0x20]  }
0x2a6: {  	v8 =	vadd.f32 v8, v6;
	_ =	sdelay $0x1  }
0x2a7: {  	[tilespmem:s30+$0xFFFFFC10] =	vst v8;
	v8 =	vld [tilespmem:s1+$0xFFFFFC00]  }
0x2a8: {  	v11 =	vld [tilespmem:s12+$0xFFFFFC20];
	v9 =	vadd.f32 v9, v7  }
0x2a9: {  	s31 =	sadd.s32 $0x800, s30;
	v10 =	vadd.f32 v10, v5  }
0x2aa: {  	[tilespmem:s31+$0x0] =	vst v9  }
0x2ab: {  	v9 =	vld [tilespmem:s1+$0x10];
	[tilespmem:s30+$0x20] =	vst v10  }
0x2ac: {  	v8 =	vadd.f32 v8, v7;
	v10 =	vld [tilespmem:s12+$0x30]  }
0x2ad: {  	v11 =	vadd.f32 v11, v5  }
0x2ae: {  	[tilespmem:s31+$0xFFFFFC00] =	vst v8  }
0x2af: {  	v8 =	vld [tilespmem:s1+$0xFFFFFC10];
	[tilespmem:s30+$0xFFFFFC20] =	vst v11  }
0x2b0: {  	v11 =	vld [tilespmem:s12+$0xFFFFFC30];
	v9 =	vadd.f32 v9, v6  }
0x2b1: {  	s2 =	sadd.s32 $0x800, s1;
	v10 =	vadd.f32 v10, v4  }
0x2b2: {  	[tilespmem:s31+$0x10] =	vst v9;
	v9 =	vld [tilespmem:s2+$0x0]  }
0x2b3: {  	[tilespmem:s30+$0x30] =	vst v10;
	v10 =	vld [tilespmem:s1+$0x20]  }
0x2b4: {  	v8 =	vadd.f32 v8, v6;
	v12 =	vld [tilespmem:s12+$0x40]  }
0x2b5: {  	v11 =	vadd.f32 v11, v4  }
0x2b6: {  	[tilespmem:s31+$0xFFFFFC10] =	vst v8;
	v8 =	vld [tilespmem:s2+$0xFFFFFC00]  }
0x2b7: {  	[tilespmem:s30+$0xFFFFFC30] =	vst v11;
	v11 =	vld [tilespmem:s1+$0xFFFFFC20];
	v9 =	vadd.f32 v9, v7  }
0x2b8: {  	s10 =	sadd.s32 $0x800, s31;
	v13 =	vld [tilespmem:s12+$0xFFFFFC40];
	v10 =	vadd.f32 v10, v5  }
0x2b9: {  	[tilespmem:s10+$0x0] =	vst v9;
	v9 =	vadd.f32 v12, v3  }
0x2ba: {  	v12 =	vld [tilespmem:s2+$0x10];
	[tilespmem:s31+$0x20] =	vst v10  }
0x2bb: {  	v8 =	vadd.f32 v8, v7;
	v10 =	vld [tilespmem:s1+$0x30];
	[tilespmem:s30+$0x40] =	vst v9  }
0x2bc: {  	v9 =	vadd.f32 v11, v5;
	v11 =	vld [tilespmem:s12+$0x50]  }
0x2bd: {  	[tilespmem:s10+$0xFFFFFC00] =	vst v8;
	v8 =	vadd.f32 v13, v3  }
0x2be: {  	v13 =	vld [tilespmem:s2+$0xFFFFFC10];
	[tilespmem:s31+$0xFFFFFC20] =	vst v9  }
0x2bf: {  	[tilespmem:s30+$0xFFFFFC40] =	vst v8;
	v9 =	vadd.f32 v12, v6;
	v12 =	vld [tilespmem:s1+$0xFFFFFC30]  }
0x2c0: {  	s4 =	sadd.s32 $0x800, s2;
	v8 =	vadd.f32 v10, v4;
	v10 =	vld [tilespmem:s12+$0xFFFFFC50]  }
0x2c1: {  	[tilespmem:s10+$0x10] =	vst v9;
	v9 =	vadd.f32 v11, v2;
	v11 =	vld [tilespmem:s4+$0x0]  }
0x2c2: {  	[tilespmem:s31+$0x30] =	vst v8;
	v8 =	vld [tilespmem:s2+$0x20]  }
0x2c3: {  	v13 =	vadd.f32 v13, v6;
	[tilespmem:s30+$0x50] =	vst v9;
	v9 =	vld [tilespmem:s1+$0x40]  }
0x2c4: {  	v12 =	vadd.f32 v12, v4;
	v14 =	vld [tilespmem:s12+$0x60]  }
0x2c5: {  	[tilespmem:s10+$0xFFFFFC10] =	vst v13;
	v13 =	vld [tilespmem:s4+$0xFFFFFC00];
	v10 =	vadd.f32 v10, v2  }
0x2c6: {  	[tilespmem:s31+$0xFFFFFC30] =	vst v12;
	v11 =	vadd.f32 v11, v7;
	v12 =	vld [tilespmem:s2+$0xFFFFFC20]  }
0x2c7: {  	s8 =	sadd.s32 $0x800, s10;
	[tilespmem:s30+$0xFFFFFC50] =	vst v10;
	v8 =	vadd.f32 v8, v5;
	v10 =	vld [tilespmem:s1+$0xFFFFFC40]  }
0x2c8: {  	[tilespmem:s8+$0x0] =	vst v11;
	v9 =	vadd.f32 v9, v3;
	v11 =	vld [tilespmem:s12+$0xFFFFFC60]  }
0x2c9: {  	v15 =	vld [tilespmem:s4+$0x10];
	[tilespmem:s10+$0x20] =	vst v8;
	v8 =	vadd.f32 v14, v1  }
0x2ca: {  	v13 =	vadd.f32 v13, v7;
	v14 =	vld [tilespmem:s2+$0x30];
	[tilespmem:s31+$0x40] =	vst v9  }
0x2cb: {  	v9 =	vadd.f32 v12, v5;
	v16 =	vld [tilespmem:s1+$0x50];
	[tilespmem:s30+$0x60] =	vst v8  }
0x2cc: {  	[tilespmem:s8+$0xFFFFFC00] =	vst v13;
	v10 =	vadd.f32 v10, v3;
	v8 =	vld [tilespmem:s12+$0x70]  }
0x2cd: {  	v13 =	vld [tilespmem:s4+$0xFFFFFC10];
	[tilespmem:s10+$0xFFFFFC20] =	vst v9;
	v9 =	vadd.f32 v11, v1  }
0x2ce: {  	v11 =	vadd.f32 v15, v6;
	v12 =	vld [tilespmem:s2+$0xFFFFFC30];
	[tilespmem:s31+$0xFFFFFC40] =	vst v10  }
0x2cf: {  	v10 =	vld [tilespmem:s1+$0xFFFFFC50];
	[tilespmem:s30+$0xFFFFFC60] =	vst v9;
	v14 =	vadd.f32 v14, v4  }
0x2d0: {  	s9 =	simm.s32 $0x300;
	s11 =	sadd.s32 $0x800, s4;
	s7 =	smov.u32 s8;
	[tilespmem:s8+$0x10] =	vst v11;
	v11 =	vadd.f32 v16, v2;
	v9 =	vld [tilespmem:s12+$0xFFFFFC70]  }
.LBB2_13:
0x2d1: {  	v15 =	vld [tilespmem:s11+$0x0];
	[tilespmem:s10+$0x30] =	vst v14;
	v8 =	vadd.f32 v8, v0;
	s12 =	smov.u32 s4;
	s4 =	smov.u32 s11  }
0x2d2: {  	v13 =	vadd.f32 v13, v6;
	v14 =	vld [tilespmem:s12+$0x20];
	[tilespmem:s31+$0x50] =	vst v11  }
0x2d3: {  	v11 =	vadd.f32 v12, v4;
	v12 =	vld [tilespmem:s2+$0x40];
	[tilespmem:s30+$0x70] =	vst v8  }
0x2d4: {  	s9 =	sadd.s32 $0x100, s9;
	[tilespmem:s8+$0xFFFFFC10] =	vst v13;
	v8 =	vadd.f32 v10, v2;
	v10 =	vld [tilespmem:s1+$0x60]  }
0x2d5: {  	p3 =	slt.u32 s9, $0x700;
	v13 =	vld [tilespmem:s11+$0xFFFFFC00];
	[tilespmem:s10+$0xFFFFFC30] =	vst v11;
	v9 =	vadd.f32 v9, v0  }
0x2d6: {  	v11 =	vadd.f32 v15, v7;
	v15 =	vld [tilespmem:s12+$0xFFFFFC20];
	[tilespmem:s31+$0xFFFFFC50] =	vst v8  }
0x2d7: {  	s8 =	sadd.s32 $0x800, s8;
	v8 =	vadd.f32 v14, v5;
	v14 =	vld [tilespmem:s2+$0xFFFFFC40];
	[tilespmem:s30+$0xFFFFFC70] =	vst v9;
	s30 =	smov.u32 s31;
	s31 =	smov.u32 s10  }
0x2d8: {  	s10 =	smov.u32 s7;
	s7 =	smov.u32 s8;
	[tilespmem:s8+$0x0] =	vst v11;
	v9 =	vadd.f32 v12, v3;
	v11 =	vld [tilespmem:s1+$0xFFFFFC60]  }
0x2d9: {  	v12 =	vld [tilespmem:s11+$0x10];
	[tilespmem:s10+$0x20] =	vst v8;
	v8 =	vadd.f32 v10, v1  }
0x2da: {  	v10 =	vadd.f32 v13, v7;
	v16 =	vld [tilespmem:s12+$0x30];
	[tilespmem:s31+$0x40] =	vst v9  }
0x2db: {  	v9 =	vadd.f32 v15, v5;
	v15 =	vld [tilespmem:s2+$0x50];
	[tilespmem:s30+$0x60] =	vst v8  }
.Ltmp5:
0x2dc: {  	[tilespmem:s8+$0xFFFFFC00] =	vst v10;
	v10 =	vadd.f32 v14, v3;
	v8 =	vld [tilespmem:s1+$0x70];
	(pc) =	sbr.rel @p3 .LBB2_13-.Ltmp5, $4  }
0x2dd: {  	v13 =	vld [tilespmem:s11+$0xFFFFFC10];
	[tilespmem:s10+$0xFFFFFC20] =	vst v9;
	v9 =	vadd.f32 v11, v1  }
0x2de: {  	v11 =	vadd.f32 v12, v6;
	v12 =	vld [tilespmem:s12+$0xFFFFFC30];
	[tilespmem:s31+$0xFFFFFC40] =	vst v10  }
0x2df: {  	v14 =	vadd.f32 v16, v4;
	v10 =	vld [tilespmem:s2+$0xFFFFFC50];
	[tilespmem:s30+$0xFFFFFC60] =	vst v9  }
0x2e0: {  	s11 =	sadd.s32 $0x800, s11;
	[tilespmem:s8+$0x10] =	vst v11;
	v11 =	vadd.f32 v15, v2;
	v9 =	vld [tilespmem:s1+$0xFFFFFC70];
	s1 =	smov.u32 s2;
	s2 =	smov.u32 s12  }
0x2e1: {  	_ = 	snop  }
0x2e2: {  	v6 =	vadd.f32 v13, v6;
	_ =	sdelay $0x1  }
0x2e3: {  	v7 =	vld [tilespmem:s4+$0x20];
	[tilespmem:s8+$0xFFFFFC10] =	vst v6  }
0x2e4: {  	v6 =	vld [tilespmem:s4+$0xFFFFFC20];
	_ =	sdelay $0x3  }
0x2e5: {  	v7 =	vadd.f32 v7, v5  }
0x2e6: {  	v5 =	vadd.f32 v6, v5  }
0x2e7: {  	[tilespmem:s7+$0x20] =	vst v7  }
0x2e8: {  	v6 =	vld [tilespmem:s4+$0x30];
	[tilespmem:s7+$0xFFFFFC20] =	vst v5  }
0x2e9: {  	v5 =	vld [tilespmem:s4+$0xFFFFFC30];
	_ =	sdelay $0x2  }
0x2ea: {  	v7 =	vadd.f32 v12, v4  }
0x2eb: {  	[tilespmem:s10+$0x30] =	vst v14;
	v6 =	vadd.f32 v6, v4  }
0x2ec: {  	v12 =	vld [tilespmem:s2+$0x40];
	[tilespmem:s10+$0xFFFFFC30] =	vst v7;
	v4 =	vadd.f32 v5, v4  }
0x2ed: {  	[tilespmem:s7+$0x30] =	vst v6;
	v5 =	vld [tilespmem:s2+$0xFFFFFC40]  }
0x2ee: {  	v6 =	vld [tilespmem:s4+$0x40];
	[tilespmem:s7+$0xFFFFFC30] =	vst v4  }
0x2ef: {  	v4 =	vld [tilespmem:s4+$0xFFFFFC40];
	_ =	sdelay $0x1  }
0x2f0: {  	v7 =	vadd.f32 v12, v3  }
0x2f1: {  	v5 =	vadd.f32 v5, v3  }
0x2f2: {  	[tilespmem:s10+$0x40] =	vst v7;
	v6 =	vadd.f32 v6, v3  }
0x2f3: {  	v7 =	vld [tilespmem:s2+$0x50];
	[tilespmem:s10+$0xFFFFFC40] =	vst v5;
	v3 =	vadd.f32 v4, v3  }
0x2f4: {  	[tilespmem:s7+$0x40] =	vst v6;
	v4 =	vld [tilespmem:s2+$0xFFFFFC50]  }
0x2f5: {  	v5 =	vld [tilespmem:s4+$0x50];
	[tilespmem:s7+$0xFFFFFC40] =	vst v3  }
0x2f6: {  	v3 =	vld [tilespmem:s4+$0xFFFFFC50]  }
0x2f7: {  	v6 =	vadd.f32 v10, v2  }
0x2f8: {  	[tilespmem:s31+$0x50] =	vst v11;
	v7 =	vadd.f32 v7, v2  }
0x2f9: {  	v10 =	vld [tilespmem:s1+$0x60];
	[tilespmem:s31+$0xFFFFFC50] =	vst v6;
	v4 =	vadd.f32 v4, v2  }
0x2fa: {  	[tilespmem:s10+$0x50] =	vst v7;
	v6 =	vld [tilespmem:s1+$0xFFFFFC60];
	v5 =	vadd.f32 v5, v2  }
0x2fb: {  	v7 =	vld [tilespmem:s2+$0x60];
	[tilespmem:s10+$0xFFFFFC50] =	vst v4;
	v2 =	vadd.f32 v3, v2  }
0x2fc: {  	[tilespmem:s7+$0x50] =	vst v5;
	v3 =	vld [tilespmem:s2+$0xFFFFFC60]  }
0x2fd: {  	v4 =	vld [tilespmem:s4+$0x60];
	[tilespmem:s7+$0xFFFFFC50] =	vst v2  }
0x2fe: {  	v2 =	vadd.f32 v10, v1;
	v5 =	vld [tilespmem:s4+$0xFFFFFC60]  }
0x2ff: {  	v6 =	vadd.f32 v6, v1  }
0x300: {  	[tilespmem:s31+$0x60] =	vst v2;
	v2 =	vadd.f32 v7, v1  }
0x301: {  	[tilespmem:s31+$0xFFFFFC60] =	vst v6;
	v7 =	vld [tilespmem:s1+$0x70];
	v3 =	vadd.f32 v3, v1  }
0x302: {  	v6 =	vld [tilespmem:s1+$0xFFFFFC70];
	[tilespmem:s10+$0x60] =	vst v2;
	v2 =	vadd.f32 v4, v1  }
0x303: {  	v4 =	vld [tilespmem:s2+$0x70];
	[tilespmem:s10+$0xFFFFFC60] =	vst v3;
	v1 =	vadd.f32 v5, v1  }
0x304: {  	v3 =	vadd.f32 v8, v0;
	v5 =	vld [tilespmem:s2+$0xFFFFFC70];
	[tilespmem:s7+$0x60] =	vst v2  }
0x305: {  	v2 =	vadd.f32 v9, v0;
	v8 =	vld [tilespmem:s4+$0x70];
	[tilespmem:s7+$0xFFFFFC60] =	vst v1  }
0x306: {  	[tilespmem:s30+$0x70] =	vst v3;
	v1 =	vadd.f32 v7, v0;
	v3 =	vld [tilespmem:s4+$0xFFFFFC70]  }
0x307: {  	[tilespmem:s30+$0xFFFFFC70] =	vst v2;
	v2 =	vadd.f32 v6, v0  }
0x308: {  	[tilespmem:s31+$0x70] =	vst v1;
	v1 =	vadd.f32 v4, v0  }
0x309: {  	[tilespmem:s31+$0xFFFFFC70] =	vst v2;
	v2 =	vadd.f32 v5, v0  }
0x30a: {  	[tilespmem:s10+$0x70] =	vst v1;
	v1 =	vadd.f32 v8, v0  }
0x30b: {  	[tilespmem:s10+$0xFFFFFC70] =	vst v2;
	v0 =	vadd.f32 v3, v0  }
0x30c: {  	[tilespmem:s7+$0x70] =	vst v1  }
0x30d: {  	[tilespmem:s7+$0xFFFFFC70] =	vst v0  }
0x30e: {  	v7 =	vld [tilespmem:s26+$0x8300]  }
0x30f: {  	s12 =	sadd.s32 $0x700, s28;
	v6 =	vld [tilespmem:s26+$0x8310]  }
0x310: {  	v0 =	vld [tilespmem:s12+$0x0]  }
0x311: {  	v5 =	vld [tilespmem:s26+$0x8320]  }
0x312: {  	v4 =	vld [tilespmem:s26+$0x8330]  }
0x313: {  	v3 =	vld [tilespmem:s26+$0x8340]  }
0x314: {  	v8 =	vld [tilespmem:s12+$0xFFFFFC00]  }
0x315: {  	v2 =	vld [tilespmem:s26+$0x8350];
	v9 =	vadd.f32 v0, v7  }
0x316: {  	s30 =	sadd.s32 $0x8F00, s29;
	v1 =	vld [tilespmem:s26+$0x8360]  }
0x317: {  	v0 =	vld [tilespmem:s26+$0x8370];
	[tilespmem:s30+$0x0] =	vst v9  }
0x318: {  	v9 =	vld [tilespmem:s12+$0x10]  }
0x319: {  	v8 =	vadd.f32 v8, v7;
	_ =	sdelay $0x1  }
0x31a: {  	[tilespmem:s30+$0xFFFFFC00] =	vst v8  }
0x31b: {  	v8 =	vld [tilespmem:s12+$0xFFFFFC10]  }
0x31c: {  	v9 =	vadd.f32 v9, v6  }
0x31d: {  	s1 =	sadd.s32 $0x800, s12  }
0x31e: {  	[tilespmem:s30+$0x10] =	vst v9;
	v9 =	vld [tilespmem:s1+$0x0]  }
0x31f: {  	v10 =	vld [tilespmem:s12+$0x20]  }
0x320: {  	v8 =	vadd.f32 v8, v6;
	_ =	sdelay $0x1  }
0x321: {  	[tilespmem:s30+$0xFFFFFC10] =	vst v8;
	v8 =	vld [tilespmem:s1+$0xFFFFFC00]  }
0x322: {  	v11 =	vld [tilespmem:s12+$0xFFFFFC20];
	v9 =	vadd.f32 v9, v7  }
0x323: {  	s31 =	sadd.s32 $0x800, s30;
	v10 =	vadd.f32 v10, v5  }
0x324: {  	[tilespmem:s31+$0x0] =	vst v9  }
0x325: {  	v9 =	vld [tilespmem:s1+$0x10];
	[tilespmem:s30+$0x20] =	vst v10  }
0x326: {  	v8 =	vadd.f32 v8, v7;
	v10 =	vld [tilespmem:s12+$0x30]  }
0x327: {  	v11 =	vadd.f32 v11, v5  }
0x328: {  	[tilespmem:s31+$0xFFFFFC00] =	vst v8  }
0x329: {  	v8 =	vld [tilespmem:s1+$0xFFFFFC10];
	[tilespmem:s30+$0xFFFFFC20] =	vst v11  }
0x32a: {  	v11 =	vld [tilespmem:s12+$0xFFFFFC30];
	v9 =	vadd.f32 v9, v6  }
0x32b: {  	s2 =	sadd.s32 $0x800, s1;
	v10 =	vadd.f32 v10, v4  }
0x32c: {  	[tilespmem:s31+$0x10] =	vst v9;
	v9 =	vld [tilespmem:s2+$0x0]  }
0x32d: {  	[tilespmem:s30+$0x30] =	vst v10;
	v10 =	vld [tilespmem:s1+$0x20]  }
0x32e: {  	v8 =	vadd.f32 v8, v6;
	v12 =	vld [tilespmem:s12+$0x40]  }
0x32f: {  	v11 =	vadd.f32 v11, v4  }
0x330: {  	[tilespmem:s31+$0xFFFFFC10] =	vst v8;
	v8 =	vld [tilespmem:s2+$0xFFFFFC00]  }
0x331: {  	[tilespmem:s30+$0xFFFFFC30] =	vst v11;
	v11 =	vld [tilespmem:s1+$0xFFFFFC20];
	v9 =	vadd.f32 v9, v7  }
0x332: {  	s10 =	sadd.s32 $0x800, s31;
	v13 =	vld [tilespmem:s12+$0xFFFFFC40];
	v10 =	vadd.f32 v10, v5  }
0x333: {  	[tilespmem:s10+$0x0] =	vst v9;
	v9 =	vadd.f32 v12, v3  }
0x334: {  	v12 =	vld [tilespmem:s2+$0x10];
	[tilespmem:s31+$0x20] =	vst v10  }
0x335: {  	v8 =	vadd.f32 v8, v7;
	v10 =	vld [tilespmem:s1+$0x30];
	[tilespmem:s30+$0x40] =	vst v9  }
0x336: {  	v9 =	vadd.f32 v11, v5;
	v11 =	vld [tilespmem:s12+$0x50]  }
0x337: {  	[tilespmem:s10+$0xFFFFFC00] =	vst v8;
	v8 =	vadd.f32 v13, v3  }
0x338: {  	v13 =	vld [tilespmem:s2+$0xFFFFFC10];
	[tilespmem:s31+$0xFFFFFC20] =	vst v9  }
0x339: {  	[tilespmem:s30+$0xFFFFFC40] =	vst v8;
	v9 =	vadd.f32 v12, v6;
	v12 =	vld [tilespmem:s1+$0xFFFFFC30]  }
0x33a: {  	s4 =	sadd.s32 $0x800, s2;
	v8 =	vadd.f32 v10, v4;
	v10 =	vld [tilespmem:s12+$0xFFFFFC50]  }
0x33b: {  	[tilespmem:s10+$0x10] =	vst v9;
	v9 =	vadd.f32 v11, v2;
	v11 =	vld [tilespmem:s4+$0x0]  }
0x33c: {  	[tilespmem:s31+$0x30] =	vst v8;
	v8 =	vld [tilespmem:s2+$0x20]  }
0x33d: {  	v13 =	vadd.f32 v13, v6;
	[tilespmem:s30+$0x50] =	vst v9;
	v9 =	vld [tilespmem:s1+$0x40]  }
0x33e: {  	v12 =	vadd.f32 v12, v4;
	v14 =	vld [tilespmem:s12+$0x60]  }
0x33f: {  	[tilespmem:s10+$0xFFFFFC10] =	vst v13;
	v13 =	vld [tilespmem:s4+$0xFFFFFC00];
	v10 =	vadd.f32 v10, v2  }
0x340: {  	[tilespmem:s31+$0xFFFFFC30] =	vst v12;
	v11 =	vadd.f32 v11, v7;
	v12 =	vld [tilespmem:s2+$0xFFFFFC20]  }
0x341: {  	s8 =	sadd.s32 $0x800, s10;
	[tilespmem:s30+$0xFFFFFC50] =	vst v10;
	v8 =	vadd.f32 v8, v5;
	v10 =	vld [tilespmem:s1+$0xFFFFFC40]  }
0x342: {  	[tilespmem:s8+$0x0] =	vst v11;
	v9 =	vadd.f32 v9, v3;
	v11 =	vld [tilespmem:s12+$0xFFFFFC60]  }
0x343: {  	v15 =	vld [tilespmem:s4+$0x10];
	[tilespmem:s10+$0x20] =	vst v8;
	v8 =	vadd.f32 v14, v1  }
0x344: {  	v13 =	vadd.f32 v13, v7;
	v14 =	vld [tilespmem:s2+$0x30];
	[tilespmem:s31+$0x40] =	vst v9  }
0x345: {  	v9 =	vadd.f32 v12, v5;
	v16 =	vld [tilespmem:s1+$0x50];
	[tilespmem:s30+$0x60] =	vst v8  }
0x346: {  	[tilespmem:s8+$0xFFFFFC00] =	vst v13;
	v10 =	vadd.f32 v10, v3;
	v8 =	vld [tilespmem:s12+$0x70]  }
0x347: {  	v13 =	vld [tilespmem:s4+$0xFFFFFC10];
	[tilespmem:s10+$0xFFFFFC20] =	vst v9;
	v9 =	vadd.f32 v11, v1  }
0x348: {  	v11 =	vadd.f32 v15, v6;
	v12 =	vld [tilespmem:s2+$0xFFFFFC30];
	[tilespmem:s31+$0xFFFFFC40] =	vst v10  }
0x349: {  	v10 =	vld [tilespmem:s1+$0xFFFFFC50];
	[tilespmem:s30+$0xFFFFFC60] =	vst v9;
	v14 =	vadd.f32 v14, v4  }
0x34a: {  	s9 =	simm.s32 $0x300;
	s11 =	sadd.s32 $0x800, s4;
	s7 =	smov.u32 s8;
	[tilespmem:s8+$0x10] =	vst v11;
	v11 =	vadd.f32 v16, v2;
	v9 =	vld [tilespmem:s12+$0xFFFFFC70]  }
.LBB2_15:
0x34b: {  	v15 =	vld [tilespmem:s11+$0x0];
	[tilespmem:s10+$0x30] =	vst v14;
	v8 =	vadd.f32 v8, v0;
	s12 =	smov.u32 s4;
	s4 =	smov.u32 s11  }
0x34c: {  	v13 =	vadd.f32 v13, v6;
	v14 =	vld [tilespmem:s12+$0x20];
	[tilespmem:s31+$0x50] =	vst v11  }
0x34d: {  	v11 =	vadd.f32 v12, v4;
	v12 =	vld [tilespmem:s2+$0x40];
	[tilespmem:s30+$0x70] =	vst v8  }
0x34e: {  	s9 =	sadd.s32 $0x100, s9;
	[tilespmem:s8+$0xFFFFFC10] =	vst v13;
	v8 =	vadd.f32 v10, v2;
	v10 =	vld [tilespmem:s1+$0x60]  }
0x34f: {  	p3 =	slt.u32 s9, $0x700;
	v13 =	vld [tilespmem:s11+$0xFFFFFC00];
	[tilespmem:s10+$0xFFFFFC30] =	vst v11;
	v9 =	vadd.f32 v9, v0  }
0x350: {  	v11 =	vadd.f32 v15, v7;
	v15 =	vld [tilespmem:s12+$0xFFFFFC20];
	[tilespmem:s31+$0xFFFFFC50] =	vst v8  }
0x351: {  	s8 =	sadd.s32 $0x800, s8;
	v8 =	vadd.f32 v14, v5;
	v14 =	vld [tilespmem:s2+$0xFFFFFC40];
	[tilespmem:s30+$0xFFFFFC70] =	vst v9;
	s30 =	smov.u32 s31;
	s31 =	smov.u32 s10  }
0x352: {  	s10 =	smov.u32 s7;
	s7 =	smov.u32 s8;
	[tilespmem:s8+$0x0] =	vst v11;
	v9 =	vadd.f32 v12, v3;
	v11 =	vld [tilespmem:s1+$0xFFFFFC60]  }
0x353: {  	v12 =	vld [tilespmem:s11+$0x10];
	[tilespmem:s10+$0x20] =	vst v8;
	v8 =	vadd.f32 v10, v1  }
0x354: {  	v10 =	vadd.f32 v13, v7;
	v16 =	vld [tilespmem:s12+$0x30];
	[tilespmem:s31+$0x40] =	vst v9  }
0x355: {  	v9 =	vadd.f32 v15, v5;
	v15 =	vld [tilespmem:s2+$0x50];
	[tilespmem:s30+$0x60] =	vst v8  }
.Ltmp6:
0x356: {  	[tilespmem:s8+$0xFFFFFC00] =	vst v10;
	v10 =	vadd.f32 v14, v3;
	v8 =	vld [tilespmem:s1+$0x70];
	(pc) =	sbr.rel @p3 .LBB2_15-.Ltmp6, $4  }
0x357: {  	v13 =	vld [tilespmem:s11+$0xFFFFFC10];
	[tilespmem:s10+$0xFFFFFC20] =	vst v9;
	v9 =	vadd.f32 v11, v1  }
0x358: {  	v11 =	vadd.f32 v12, v6;
	v12 =	vld [tilespmem:s12+$0xFFFFFC30];
	[tilespmem:s31+$0xFFFFFC40] =	vst v10  }
0x359: {  	v14 =	vadd.f32 v16, v4;
	v10 =	vld [tilespmem:s2+$0xFFFFFC50];
	[tilespmem:s30+$0xFFFFFC60] =	vst v9  }
0x35a: {  	s11 =	sadd.s32 $0x800, s11;
	[tilespmem:s8+$0x10] =	vst v11;
	v11 =	vadd.f32 v15, v2;
	v9 =	vld [tilespmem:s1+$0xFFFFFC70];
	s1 =	smov.u32 s2;
	s2 =	smov.u32 s12  }
0x35b: {  	_ = 	snop  }
0x35c: {  	v6 =	vadd.f32 v13, v6;
	_ =	sdelay $0x1  }
0x35d: {  	v7 =	vld [tilespmem:s4+$0x20];
	[tilespmem:s8+$0xFFFFFC10] =	vst v6  }
0x35e: {  	v6 =	vld [tilespmem:s4+$0xFFFFFC20];
	_ =	sdelay $0x3  }
0x35f: {  	v7 =	vadd.f32 v7, v5  }
0x360: {  	v5 =	vadd.f32 v6, v5  }
0x361: {  	[tilespmem:s7+$0x20] =	vst v7  }
0x362: {  	v6 =	vld [tilespmem:s4+$0x30];
	[tilespmem:s7+$0xFFFFFC20] =	vst v5  }
0x363: {  	v5 =	vld [tilespmem:s4+$0xFFFFFC30];
	_ =	sdelay $0x2  }
0x364: {  	v7 =	vadd.f32 v12, v4  }
0x365: {  	[tilespmem:s10+$0x30] =	vst v14;
	v6 =	vadd.f32 v6, v4  }
0x366: {  	v12 =	vld [tilespmem:s2+$0x40];
	[tilespmem:s10+$0xFFFFFC30] =	vst v7;
	v4 =	vadd.f32 v5, v4  }
0x367: {  	[tilespmem:s7+$0x30] =	vst v6;
	v5 =	vld [tilespmem:s2+$0xFFFFFC40]  }
0x368: {  	v6 =	vld [tilespmem:s4+$0x40];
	[tilespmem:s7+$0xFFFFFC30] =	vst v4  }
0x369: {  	v4 =	vld [tilespmem:s4+$0xFFFFFC40];
	_ =	sdelay $0x1  }
0x36a: {  	v7 =	vadd.f32 v12, v3  }
0x36b: {  	v5 =	vadd.f32 v5, v3  }
0x36c: {  	[tilespmem:s10+$0x40] =	vst v7;
	v6 =	vadd.f32 v6, v3  }
0x36d: {  	v7 =	vld [tilespmem:s2+$0x50];
	[tilespmem:s10+$0xFFFFFC40] =	vst v5;
	v3 =	vadd.f32 v4, v3  }
0x36e: {  	[tilespmem:s7+$0x40] =	vst v6;
	v4 =	vld [tilespmem:s2+$0xFFFFFC50]  }
0x36f: {  	v5 =	vld [tilespmem:s4+$0x50];
	[tilespmem:s7+$0xFFFFFC40] =	vst v3  }
0x370: {  	v3 =	vld [tilespmem:s4+$0xFFFFFC50]  }
0x371: {  	v6 =	vadd.f32 v10, v2  }
0x372: {  	[tilespmem:s31+$0x50] =	vst v11;
	v7 =	vadd.f32 v7, v2  }
0x373: {  	v10 =	vld [tilespmem:s1+$0x60];
	[tilespmem:s31+$0xFFFFFC50] =	vst v6;
	v4 =	vadd.f32 v4, v2  }
0x374: {  	[tilespmem:s10+$0x50] =	vst v7;
	v6 =	vld [tilespmem:s1+$0xFFFFFC60];
	v5 =	vadd.f32 v5, v2  }
0x375: {  	v7 =	vld [tilespmem:s2+$0x60];
	[tilespmem:s10+$0xFFFFFC50] =	vst v4;
	v2 =	vadd.f32 v3, v2  }
0x376: {  	[tilespmem:s7+$0x50] =	vst v5;
	v3 =	vld [tilespmem:s2+$0xFFFFFC60]  }
0x377: {  	v4 =	vld [tilespmem:s4+$0x60];
	[tilespmem:s7+$0xFFFFFC50] =	vst v2  }
0x378: {  	v2 =	vadd.f32 v10, v1;
	v5 =	vld [tilespmem:s4+$0xFFFFFC60]  }
0x379: {  	v6 =	vadd.f32 v6, v1  }
0x37a: {  	[tilespmem:s31+$0x60] =	vst v2;
	v2 =	vadd.f32 v7, v1  }
0x37b: {  	[tilespmem:s31+$0xFFFFFC60] =	vst v6;
	v7 =	vld [tilespmem:s1+$0x70];
	v3 =	vadd.f32 v3, v1  }
0x37c: {  	v6 =	vld [tilespmem:s1+$0xFFFFFC70];
	[tilespmem:s10+$0x60] =	vst v2;
	v2 =	vadd.f32 v4, v1  }
0x37d: {  	v4 =	vld [tilespmem:s2+$0x70];
	[tilespmem:s10+$0xFFFFFC60] =	vst v3;
	v1 =	vadd.f32 v5, v1  }
0x37e: {  	v3 =	vadd.f32 v8, v0;
	v5 =	vld [tilespmem:s2+$0xFFFFFC70];
	[tilespmem:s7+$0x60] =	vst v2  }
0x37f: {  	v2 =	vadd.f32 v9, v0;
	v8 =	vld [tilespmem:s4+$0x70];
	[tilespmem:s7+$0xFFFFFC60] =	vst v1  }
0x380: {  	[tilespmem:s30+$0x70] =	vst v3;
	v1 =	vadd.f32 v7, v0;
	v3 =	vld [tilespmem:s4+$0xFFFFFC70]  }
0x381: {  	[tilespmem:s30+$0xFFFFFC70] =	vst v2;
	v2 =	vadd.f32 v6, v0  }
0x382: {  	[tilespmem:s31+$0x70] =	vst v1;
	v1 =	vadd.f32 v4, v0  }
0x383: {  	[tilespmem:s31+$0xFFFFFC70] =	vst v2;
	v2 =	vadd.f32 v5, v0  }
0x384: {  	[tilespmem:s10+$0x70] =	vst v1;
	v1 =	vadd.f32 v8, v0  }
0x385: {  	[tilespmem:s10+$0xFFFFFC70] =	vst v2;
	v0 =	vadd.f32 v3, v0  }
0x386: {  	[tilespmem:s7+$0x70] =	vst v1  }
0x387: {  	[tilespmem:s7+$0xFFFFFC70] =	vst v0  }
0x388: {  	v7 =	vld [tilespmem:s26+$0x8380]  }
0x389: {  	v6 =	vld [tilespmem:s26+$0x8390]  }
0x38a: {  	s31 =	sadd.s32 $0x780, s28;
	v5 =	vld [tilespmem:s26+$0x83A0]  }
0x38b: {  	v0 =	vld [tilespmem:s31+$0x0]  }
0x38c: {  	v4 =	vld [tilespmem:s26+$0x83B0]  }
0x38d: {  	v3 =	vld [tilespmem:s26+$0x83C0]  }
0x38e: {  	v2 =	vld [tilespmem:s26+$0x83D0]  }
0x38f: {  	v8 =	vld [tilespmem:s31+$0xFFFFFC00]  }
0x390: {  	v1 =	vld [tilespmem:s26+$0x83E0];
	v9 =	vadd.f32 v0, v7  }
0x391: {  	v0 =	vld [tilespmem:s26+$0x83F0];
	s26 =	sadd.s32 $0x8F80, s29  }
0x392: {  	[tilespmem:s26+$0x0] =	vst v9  }
0x393: {  	v9 =	vld [tilespmem:s31+$0x10]  }
0x394: {  	v8 =	vadd.f32 v8, v7;
	_ =	sdelay $0x1  }
0x395: {  	[tilespmem:s26+$0xFFFFFC00] =	vst v8  }
0x396: {  	v8 =	vld [tilespmem:s31+$0xFFFFFC10]  }
0x397: {  	v9 =	vadd.f32 v9, v6  }
0x398: {  	s1 =	sadd.s32 $0x800, s31  }
0x399: {  	[tilespmem:s26+$0x10] =	vst v9;
	v9 =	vld [tilespmem:s1+$0x0]  }
0x39a: {  	v10 =	vld [tilespmem:s31+$0x20]  }
0x39b: {  	v8 =	vadd.f32 v8, v6;
	_ =	sdelay $0x1  }
0x39c: {  	[tilespmem:s26+$0xFFFFFC10] =	vst v8;
	v8 =	vld [tilespmem:s1+$0xFFFFFC00]  }
0x39d: {  	v11 =	vld [tilespmem:s31+$0xFFFFFC20];
	v9 =	vadd.f32 v9, v7  }
0x39e: {  	s28 =	sadd.s32 $0x800, s26;
	v10 =	vadd.f32 v10, v5  }
0x39f: {  	[tilespmem:s28+$0x0] =	vst v9  }
0x3a0: {  	v9 =	vld [tilespmem:s1+$0x10];
	[tilespmem:s26+$0x20] =	vst v10  }
0x3a1: {  	v8 =	vadd.f32 v8, v7;
	v10 =	vld [tilespmem:s31+$0x30]  }
0x3a2: {  	v11 =	vadd.f32 v11, v5  }
0x3a3: {  	[tilespmem:s28+$0xFFFFFC00] =	vst v8  }
0x3a4: {  	v8 =	vld [tilespmem:s1+$0xFFFFFC10];
	[tilespmem:s26+$0xFFFFFC20] =	vst v11  }
0x3a5: {  	v11 =	vld [tilespmem:s31+$0xFFFFFC30];
	v9 =	vadd.f32 v9, v6  }
0x3a6: {  	s2 =	sadd.s32 $0x800, s1;
	v10 =	vadd.f32 v10, v4  }
0x3a7: {  	[tilespmem:s28+$0x10] =	vst v9;
	v9 =	vld [tilespmem:s2+$0x0]  }
0x3a8: {  	[tilespmem:s26+$0x30] =	vst v10;
	v10 =	vld [tilespmem:s1+$0x20]  }
0x3a9: {  	v8 =	vadd.f32 v8, v6;
	v12 =	vld [tilespmem:s31+$0x40]  }
0x3aa: {  	v11 =	vadd.f32 v11, v4  }
0x3ab: {  	[tilespmem:s28+$0xFFFFFC10] =	vst v8;
	v8 =	vld [tilespmem:s2+$0xFFFFFC00]  }
0x3ac: {  	[tilespmem:s26+$0xFFFFFC30] =	vst v11;
	v11 =	vld [tilespmem:s1+$0xFFFFFC20];
	v9 =	vadd.f32 v9, v7  }
0x3ad: {  	s10 =	sadd.s32 $0x800, s28;
	v13 =	vld [tilespmem:s31+$0xFFFFFC40];
	v10 =	vadd.f32 v10, v5  }
0x3ae: {  	[tilespmem:s10+$0x0] =	vst v9;
	v9 =	vadd.f32 v12, v3  }
0x3af: {  	v12 =	vld [tilespmem:s2+$0x10];
	[tilespmem:s28+$0x20] =	vst v10  }
0x3b0: {  	v8 =	vadd.f32 v8, v7;
	v10 =	vld [tilespmem:s1+$0x30];
	[tilespmem:s26+$0x40] =	vst v9  }
0x3b1: {  	v9 =	vadd.f32 v11, v5;
	v11 =	vld [tilespmem:s31+$0x50]  }
0x3b2: {  	[tilespmem:s10+$0xFFFFFC00] =	vst v8;
	v8 =	vadd.f32 v13, v3  }
0x3b3: {  	v13 =	vld [tilespmem:s2+$0xFFFFFC10];
	[tilespmem:s28+$0xFFFFFC20] =	vst v9  }
0x3b4: {  	[tilespmem:s26+$0xFFFFFC40] =	vst v8;
	v9 =	vadd.f32 v12, v6;
	v12 =	vld [tilespmem:s1+$0xFFFFFC30]  }
0x3b5: {  	s4 =	sadd.s32 $0x800, s2;
	v8 =	vadd.f32 v10, v4;
	v10 =	vld [tilespmem:s31+$0xFFFFFC50]  }
0x3b6: {  	[tilespmem:s10+$0x10] =	vst v9;
	v9 =	vadd.f32 v11, v2;
	v11 =	vld [tilespmem:s4+$0x0]  }
0x3b7: {  	[tilespmem:s28+$0x30] =	vst v8;
	v8 =	vld [tilespmem:s2+$0x20]  }
0x3b8: {  	v13 =	vadd.f32 v13, v6;
	[tilespmem:s26+$0x50] =	vst v9;
	v9 =	vld [tilespmem:s1+$0x40]  }
0x3b9: {  	v12 =	vadd.f32 v12, v4;
	v14 =	vld [tilespmem:s31+$0x60]  }
0x3ba: {  	[tilespmem:s10+$0xFFFFFC10] =	vst v13;
	v13 =	vld [tilespmem:s4+$0xFFFFFC00];
	v10 =	vadd.f32 v10, v2  }
0x3bb: {  	[tilespmem:s28+$0xFFFFFC30] =	vst v12;
	v11 =	vadd.f32 v11, v7;
	v12 =	vld [tilespmem:s2+$0xFFFFFC20]  }
0x3bc: {  	s8 =	sadd.s32 $0x800, s10;
	[tilespmem:s26+$0xFFFFFC50] =	vst v10;
	v8 =	vadd.f32 v8, v5;
	v10 =	vld [tilespmem:s1+$0xFFFFFC40]  }
0x3bd: {  	[tilespmem:s8+$0x0] =	vst v11;
	v9 =	vadd.f32 v9, v3;
	v11 =	vld [tilespmem:s31+$0xFFFFFC60]  }
0x3be: {  	v15 =	vld [tilespmem:s4+$0x10];
	[tilespmem:s10+$0x20] =	vst v8;
	v8 =	vadd.f32 v14, v1  }
0x3bf: {  	v13 =	vadd.f32 v13, v7;
	v14 =	vld [tilespmem:s2+$0x30];
	[tilespmem:s28+$0x40] =	vst v9  }
0x3c0: {  	v9 =	vadd.f32 v12, v5;
	v16 =	vld [tilespmem:s1+$0x50];
	[tilespmem:s26+$0x60] =	vst v8  }
0x3c1: {  	[tilespmem:s8+$0xFFFFFC00] =	vst v13;
	v10 =	vadd.f32 v10, v3;
	v8 =	vld [tilespmem:s31+$0x70]  }
0x3c2: {  	v13 =	vld [tilespmem:s4+$0xFFFFFC10];
	[tilespmem:s10+$0xFFFFFC20] =	vst v9;
	v9 =	vadd.f32 v11, v1  }
0x3c3: {  	v11 =	vadd.f32 v15, v6;
	v12 =	vld [tilespmem:s2+$0xFFFFFC30];
	[tilespmem:s28+$0xFFFFFC40] =	vst v10  }
0x3c4: {  	v10 =	vld [tilespmem:s1+$0xFFFFFC50];
	[tilespmem:s26+$0xFFFFFC60] =	vst v9;
	v14 =	vadd.f32 v14, v4  }
0x3c5: {  	s9 =	simm.s32 $0x300;
	s11 =	sadd.s32 $0x800, s4;
	s29 =	smov.u32 s8;
	[tilespmem:s8+$0x10] =	vst v11;
	v11 =	vadd.f32 v16, v2;
	v9 =	vld [tilespmem:s31+$0xFFFFFC70]  }
.LBB2_17:
0x3c6: {  	v15 =	vld [tilespmem:s11+$0x0];
	[tilespmem:s10+$0x30] =	vst v14;
	v8 =	vadd.f32 v8, v0;
	s7 =	smov.u32 s4;
	s4 =	smov.u32 s11  }
0x3c7: {  	v13 =	vadd.f32 v13, v6;
	v14 =	vld [tilespmem:s7+$0x20];
	[tilespmem:s28+$0x50] =	vst v11  }
0x3c8: {  	v11 =	vadd.f32 v12, v4;
	v12 =	vld [tilespmem:s2+$0x40];
	[tilespmem:s26+$0x70] =	vst v8  }
0x3c9: {  	s9 =	sadd.s32 $0x100, s9;
	[tilespmem:s8+$0xFFFFFC10] =	vst v13;
	v8 =	vadd.f32 v10, v2;
	v10 =	vld [tilespmem:s1+$0x60]  }
0x3ca: {  	p3 =	slt.u32 s9, $0x700;
	v13 =	vld [tilespmem:s11+$0xFFFFFC00];
	[tilespmem:s10+$0xFFFFFC30] =	vst v11;
	v9 =	vadd.f32 v9, v0  }
0x3cb: {  	v11 =	vadd.f32 v15, v7;
	v15 =	vld [tilespmem:s7+$0xFFFFFC20];
	[tilespmem:s28+$0xFFFFFC50] =	vst v8  }
0x3cc: {  	s8 =	sadd.s32 $0x800, s8;
	v8 =	vadd.f32 v14, v5;
	v14 =	vld [tilespmem:s2+$0xFFFFFC40];
	[tilespmem:s26+$0xFFFFFC70] =	vst v9;
	s26 =	smov.u32 s28;
	s28 =	smov.u32 s10  }
0x3cd: {  	s10 =	smov.u32 s29;
	s29 =	smov.u32 s8;
	[tilespmem:s8+$0x0] =	vst v11;
	v9 =	vadd.f32 v12, v3;
	v11 =	vld [tilespmem:s1+$0xFFFFFC60]  }
0x3ce: {  	v12 =	vld [tilespmem:s11+$0x10];
	[tilespmem:s10+$0x20] =	vst v8;
	v8 =	vadd.f32 v10, v1  }
0x3cf: {  	v10 =	vadd.f32 v13, v7;
	v16 =	vld [tilespmem:s7+$0x30];
	[tilespmem:s28+$0x40] =	vst v9  }
0x3d0: {  	v9 =	vadd.f32 v15, v5;
	v15 =	vld [tilespmem:s2+$0x50];
	[tilespmem:s26+$0x60] =	vst v8  }
.Ltmp7:
0x3d1: {  	[tilespmem:s8+$0xFFFFFC00] =	vst v10;
	v10 =	vadd.f32 v14, v3;
	v8 =	vld [tilespmem:s1+$0x70];
	(pc) =	sbr.rel @p3 .LBB2_17-.Ltmp7, $4  }
0x3d2: {  	v13 =	vld [tilespmem:s11+$0xFFFFFC10];
	[tilespmem:s10+$0xFFFFFC20] =	vst v9;
	v9 =	vadd.f32 v11, v1  }
0x3d3: {  	v11 =	vadd.f32 v12, v6;
	v12 =	vld [tilespmem:s7+$0xFFFFFC30];
	[tilespmem:s28+$0xFFFFFC40] =	vst v10  }
0x3d4: {  	v14 =	vadd.f32 v16, v4;
	v10 =	vld [tilespmem:s2+$0xFFFFFC50];
	[tilespmem:s26+$0xFFFFFC60] =	vst v9  }
0x3d5: {  	s11 =	sadd.s32 $0x800, s11;
	[tilespmem:s8+$0x10] =	vst v11;
	v11 =	vadd.f32 v15, v2;
	v9 =	vld [tilespmem:s1+$0xFFFFFC70];
	s1 =	smov.u32 s2;
	s2 =	smov.u32 s7  }
0x3d6: {  	_ = 	snop  }
0x3d7: {  	v6 =	vadd.f32 v13, v6;
	_ =	sdelay $0x1  }
0x3d8: {  	v7 =	vld [tilespmem:s4+$0x20];
	[tilespmem:s8+$0xFFFFFC10] =	vst v6  }
0x3d9: {  	v6 =	vld [tilespmem:s4+$0xFFFFFC20];
	_ =	sdelay $0x3  }
0x3da: {  	v7 =	vadd.f32 v7, v5  }
0x3db: {  	v31 =	vadd.f32 v6, v5  }
0x3dc: {  	[tilespmem:s29+$0x20] =	vst v7  }
0x3dd: {  	v32 =	vld [tilespmem:s4+$0x30];
	[tilespmem:s29+$0xFFFFFC20] =	vst v31  }
0x3de: {  	v5 =	vld [tilespmem:s4+$0xFFFFFC30];
	_ =	sdelay $0x2  }
0x3df: {  	[tilespmem:s10+$0x30] =	vst v14;
	v33 =	vadd.f32 v12, v4  }
0x3e0: {  	v34 =	vld [tilespmem:s2+$0x40];
	v6 =	vadd.f32 v32, v4  }
0x3e1: {  	[tilespmem:s10+$0xFFFFFC30] =	vst v33;
	v35 =	vadd.f32 v5, v4  }
0x3e2: {  	v36 =	vld [tilespmem:s2+$0xFFFFFC40];
	[tilespmem:s29+$0x30] =	vst v6  }
0x3e3: {  	v6 =	vld [tilespmem:s4+$0x40];
	[tilespmem:s29+$0xFFFFFC30] =	vst v35  }
0x3e4: {  	v4 =	vld [tilespmem:s4+$0xFFFFFC40]  }
0x3e5: {  	v37 =	vadd.f32 v34, v3;
	_ =	sdelay $0x1  }
0x3e6: {  	[tilespmem:s10+$0x40] =	vst v37;
	v5 =	vadd.f32 v36, v3  }
0x3e7: {  	v7 =	vld [tilespmem:s2+$0x50];
	v6 =	vadd.f32 v6, v3  }
0x3e8: {  	[tilespmem:s10+$0xFFFFFC40] =	vst v5;
	v38 =	vadd.f32 v4, v3  }
0x3e9: {  	v39 =	vld [tilespmem:s2+$0xFFFFFC50];
	[tilespmem:s29+$0x40] =	vst v6  }
0x3ea: {  	v40 =	vld [tilespmem:s4+$0x50];
	[tilespmem:s29+$0xFFFFFC40] =	vst v38  }
0x3eb: {  	v3 =	vld [tilespmem:s4+$0xFFFFFC50]  }
0x3ec: {  	v7 =	vadd.f32 v7, v2  }
0x3ed: {  	[tilespmem:s28+$0x50] =	vst v11;
	v41 =	vadd.f32 v10, v2  }
0x3ee: {  	v42 =	vld [tilespmem:s1+$0x60];
	[tilespmem:s10+$0x50] =	vst v7;
	v4 =	vadd.f32 v39, v2  }
0x3ef: {  	[tilespmem:s28+$0xFFFFFC50] =	vst v41;
	v7 =	vld [tilespmem:s2+$0x60];
	v5 =	vadd.f32 v40, v2  }
0x3f0: {  	v6 =	vld [tilespmem:s1+$0xFFFFFC60];
	[tilespmem:s10+$0xFFFFFC50] =	vst v4;
	v43 =	vadd.f32 v3, v2  }
0x3f1: {  	v44 =	vld [tilespmem:s2+$0xFFFFFC60];
	[tilespmem:s29+$0x50] =	vst v5  }
0x3f2: {  	v45 =	vld [tilespmem:s4+$0x60];
	[tilespmem:s29+$0xFFFFFC50] =	vst v43  }
0x3f3: {  	v46 =	vadd.f32 v42, v1;
	v47 =	vld [tilespmem:s4+$0xFFFFFC60]  }
0x3f4: {  	v48 =	vadd.f32 v7, v1  }
0x3f5: {  	[tilespmem:s28+$0x60] =	vst v46;
	v6 =	vadd.f32 v6, v1  }
0x3f6: {  	v49 =	vld [tilespmem:s1+$0x70];
	[tilespmem:s10+$0x60] =	vst v48;
	v3 =	vadd.f32 v44, v1  }
0x3f7: {  	v51 =	vld [tilespmem:s2+$0x70];
	[tilespmem:s28+$0xFFFFFC60] =	vst v6;
	v50 =	vadd.f32 v45, v1  }
0x3f8: {  	v6 =	vld [tilespmem:s1+$0xFFFFFC70];
	[tilespmem:s10+$0xFFFFFC60] =	vst v3;
	v52 =	vadd.f32 v47, v1  }
0x3f9: {  	v53 =	vadd.f32 v8, v0;
	v54 =	vld [tilespmem:s2+$0xFFFFFC70];
	[tilespmem:s29+$0x60] =	vst v50  }
0x3fa: {  	v55 =	vadd.f32 v9, v0;
	v56 =	vld [tilespmem:s4+$0x70];
	[tilespmem:s29+$0xFFFFFC60] =	vst v52  }
0x3fb: {  	[tilespmem:s26+$0x70] =	vst v53;
	v57 =	vadd.f32 v49, v0;
	v58 =	vld [tilespmem:s4+$0xFFFFFC70]  }
0x3fc: {  	[tilespmem:s26+$0xFFFFFC70] =	vst v55;
	v60 =	vadd.f32 v51, v0  }
0x3fd: {  	[tilespmem:s28+$0x70] =	vst v57;
	v59 =	vadd.f32 v6, v0  }
0x3fe: {  	[tilespmem:s10+$0x70] =	vst v60;
	v61 =	vadd.f32 v54, v0  }
0x3ff: {  	p3 =	seq.s32 s19, $0x63;
	[tilespmem:s28+$0xFFFFFC70] =	vst v59;
	v62 =	vadd.f32 v56, v0  }
0x400: {  	p1 =	por p3, p1;
	[tilespmem:s10+$0xFFFFFC70] =	vst v61;
	v63 =	vadd.f32 v58, v0  }
0x401: {  	s1 =	sshll.u32 @p1 s25, $0xF;
	s2 =	sshll.u32 @p1 s22, $0xE;
	[tilespmem:s29+$0x70] =	vst v62  }
0x402: {  	s1 =	sadd.s32 @p1 s2, s1;
	[tilespmem:s29+$0xFFFFFC70] =	vst v63  }
0x403: {  	s2 =	sadd.s32 @p1 $0x5, s23;
	s1 =	sshrl.u32 @p1 s1, $0x3;
	_ =	strace $0x9000004D  }
0x404: {  	s1 =	sadd.s32 @p1 s3, s1;
	s4 =	simm.s32 @p1 $0x0;
	_ =	strace @p1 $0x8000004E  }
0x405: {  	[hbm4b:s1+s4] =	stream.linear.scatter @p1 [tilespmem:s24], [sflag:s2], $0x4000, $0x200038;
	[tilespmem:$0x10800] =	vst v63  }
0x406: {  	p0 =	por p3, p0;
	s1 =	sand.u32 @!p2 $0x1, s13;
	s2 =	simm.s32 $0x1  }
0x407: {  	s4 =	simm.s32 $0x1;
	_ =	strace @p1 $0x9000004E;
	s1 =	sadd.s32 @!p2 $0x5, s1  }
0x408: {  	s2 =	simm.s32 @!p1 $0x0;
	p1 =	sne.s32 s19, $0x0;
	s19 =	sadd.s32 $0x1, s19  }
0x409: {  	s4 =	simm.s32 @!p0 $0x0;
	_ =	strace @!p2 $0x8000004F;
	p0 =	sne.s32 s19, $0x64  }
.Ltmp8:
0x40a: {  	_ =	swait.ge @!p2 [sflag:s1], $0x4000;
	(pc) =	sbr.rel @p0 .LBB2_2-.Ltmp8, $4  }
0x40b: {  	s22 =	smov.u32 s20;
	[sflag:s1] =	ssyncset.done @!p2 $0x0  }
0x40c: {  	s24 =	smov.u32 s21;
	[sflag:s1] =	ssyncadd.s32 @!p2 $0xFFFFC000;
	s1 =	simm.s32 $0x1  }
0x40d: {  	s14 =	sadd.s32 s2, s14;
	s17 =	sadd.s32 s2, s17;
	s1 =	simm.s32 @!p1 $0x0  }
0x40e: {  	s15 =	sadd.s32 s4, s15;
	_ =	strace @!p2 $0x9000004F;
	s13 =	sadd.s32 s1, s13  }
0x40f: {  	_ =	strace $0x80000050;
	s1 =	simm.s32 $0x6  }
0x410: {  	_ =	swait.ge [sflag:s1], $0x4000  }
0x411: {  	s2 =	rddreg [dreg:$0x7]  }
0x412: {  	s31 =	rddreg [dreg:$0x6];
	s2 =	sadd.s32 $0x1, s2  }
0x413: {  	p0 =	sne.s32 s2, s31  }
.Ltmp9:
0x414: {  	_ = 	snop;
	(pc) =	sbr.rel @p0 .LBB2_1-.Ltmp9, $4  }
0x415: {  	_ = 	snop  }
0x416: {  	[sflag:s1] =	ssyncset.done $0x0  }
0x417: {  	[sflag:s1] =	ssyncadd.s32 $0xFFFFC000  }
0x418: {  	_ =	strace $0x90000050  }
0x419: {  	_ =	sfence.sel $0x180000  }
0x41a: {  	[bflag:$0x0] =	sbarrier.arrive $0xFFFF  }
0x41b: {  	_ =	strace $0x90000047  }
0x41c: {  	s0 =	stileid.u32;
	[bflag:$0x2] =	sbarrier.arrive $0xFFFF  }
0x41d: {  	p0 =	sne.s32 s0, $0x0;
	s0 =	rddreg [dreg:$0x3]  }
0x41e: {  	s0 =	sadd.s32 @!p0 $0x100000, s0  }
0x41f: {  	[sflag:s0] =	ssyncadd.tile.s32 @!p0 $0x1;
	_ =	shalt  }
.Lfunc_end2:
_tile_overlayer_lowered:
.L_overlay_start_2:
0x420: {  	(tag) =	ssettag $0x2  }
0x421: {  	s0 =	rddreg [dreg:$0x0];
	s2 =	stileid.u32  }
0x422: {  	s1 =	rddreg [dreg:$0x1];
	p0 =	sne.s32 s2, $0x0  }
0x423: {  	s3 =	rddreg [dreg:$0x2];
	[bflag:$0x3] =	sbarrier.arrive $0xFFFF;
	s2 =	simm.s32 @!p0 $0x1C01  }
0x424: {  	[timem:s3], [sflag:s2] =	dma.local @!p0 [hbm:s0], s1  }
0x425: {  	s0 =	simm.s32 @!p0 $0x1  }
0x426: {  	_ =	swait.ge @!p0 [sflag:s0], s1  }
0x427: {  	s1 =	ssub.s32 @!p0 $0x0, s1;
	[sflag:s0] =	ssyncset.done @!p0 $0x0  }
0x428: {  	[sflag:s0] =	ssyncadd.s32 @!p0 s1  }
0x429: {  	[bflag:$0x3] =	sbarrier.arrive $0xFFFF  }
0x42a: {  	_ =	shalt  }

</sc_bundles>
